<compile_context>
chip_gen: v7x
topology: tpu7x:2x2x1
jax: 0.10.2.dev20260603
libtpu: 0.0.44.dev20260713+nightly
codegen_flags: <defaults>
</compile_context>

<pallas_src>
import functools

import jax
import jax.numpy as jnp
from jax import lax
from jax.experimental import pallas as pl
from jax.experimental.pallas import tpu as pltpu
from jax.experimental.pallas import tpu_sc as plsc

N_POINTS = 1_000_000
EMB = 16
OUT_D = EMB + 3
CH = 800
NCHUNK = N_POINTS // CH
NW = 32
MAX_CH_W = -(-NCHUNK // NW)
NBLK = CH // 16

_mesh = plsc.VectorSubcoreMesh(core_axis_name="c", subcore_axis_name="s")

_BCAST_DNUMS = lax.GatherDimensionNumbers(
    offset_dims=(), collapsed_slice_dims=(0,), start_index_map=(0,))


def _lane_bcast(vec, idx_splat):
    return lax.gather(vec, idx_splat[:, None], _BCAST_DNUMS, (1,),
                      mode=lax.GatherScatterMode.PROMISE_IN_BOUNDS)


@functools.partial(
    pl.kernel,
    mesh=_mesh,
    compiler_params=pltpu.CompilerParams(
        needs_layout_passes=False, use_tc_tiling_on_sc=False),
    out_type=jax.ShapeDtypeStruct((N_POINTS, OUT_D), jnp.float32),
    scratch_types=(
        [pltpu.VMEM((CH,), jnp.int32)] * 2
        + [pltpu.VMEM((CH,), jnp.float32)] * 12
        + [pltpu.VMEM((CH,), jnp.int32)] * 6
        + [pltpu.VMEM((CH, EMB), jnp.float32)] * 6
        + [pltpu.VMEM((CH, OUT_D), jnp.float32)] * 1
        + [pltpu.SemaphoreType.DMA] * 5
    ),
)
def _encode(fidx_hbm, f0_hbm, f1_hbm, f2_hbm, b0_hbm, b1_hbm, b2_hbm,
            x0_hbm, x1_hbm, x2_hbm, emb_hbm, out_hbm,
            fx0, fx1,
            b00, b10, b20, x00, x10, x20,
            b01, b11, b21, x01, x11, x21,
            v00, v10, v20, v01, v11, v21,
            e00, e10, e20, e01, e11, e21,
            ov0, sem_f, sem_x, sem_b, sem_e, sem_o):
    fxs = (fx0, fx1)
    bxs = ((b00, b10, b20, x00, x10, x20),
           (b01, b11, b21, x01, x11, x21))
    vss = ((v00, v10, v20), (v01, v11, v21))
    es = ((e00, e10, e20), (e01, e11, e21))
    fhbms = (f0_hbm, f1_hbm, f2_hbm)
    bxhbms = (b0_hbm, b1_hbm, b2_hbm, x0_hbm, x1_hbm, x2_hbm)

    wid = lax.axis_index("s") * 2 + lax.axis_index("c")
    nj = jnp.where(wid < NCHUNK - (MAX_CH_W - 1) * NW, MAX_CH_W, MAX_CH_W - 1)

    def issue_f(j, s):
        sl = pl.ds((j * NW + wid) * CH, CH)
        return pltpu.async_copy(fidx_hbm.at[sl], fxs[s], sem_f)

    def drain_f(s):
        pltpu.make_async_copy(fidx_hbm.at[pl.ds(0, CH)], fxs[s], sem_f).wait()

    def issue_bx(j, s):
        sl = pl.ds((j * NW + wid) * CH, CH)
        return [pltpu.async_copy(h.at[sl], d, sem_x)
                for h, d in zip(bxhbms, bxs[s])]

    def drain_bx(s):
        for h, d in zip(bxhbms, bxs[s]):
            pltpu.make_async_copy(h.at[pl.ds(0, CH)], d, sem_x).wait()

    def issue_b(fs, vset):
        return [pltpu.async_copy(h.at[fxs[fs]], d, sem_b)
                for h, d in zip(fhbms, vss[vset])]

    def drain_b(vset):
        for h, d in zip(fhbms, vss[vset]):
            pltpu.make_async_copy(h.at[pl.ds(0, CH)], d, sem_b).wait()

    def issue_c(vset, eset):
        return [pltpu.async_copy(emb_hbm.at[v], e, sem_e)
                for v, e in zip(vss[vset], es[eset])]

    def drain_c(eset):
        for e in es[eset]:
            pltpu.make_async_copy(emb_hbm.at[pl.ds(0, CH)], e, sem_e).wait()

    def drain_o():
        pltpu.make_async_copy(ov0, out_hbm.at[pl.ds(0, CH)], sem_o).wait()

    def compute(j, p):
        e0_v, e1_v, e2_v = es[p]
        b0_v, b1_v, b2_v, x0_v, x1_v, x2_v = bxs[p]
        out_v = ov0

        def blk(k, carry2):
            ksl = pl.ds(k * 16, 16)
            w0 = b0_v[ksl]
            w1 = b1_v[ksl]
            w2 = b2_v[ksl]
            k16 = k * 16
            for pt in range(16):
                i = k16 + pt
                psplat = jnp.full((16,), pt, jnp.int32)
                s0 = _lane_bcast(w0, psplat)
                s1 = _lane_bcast(w1, psplat)
                s2 = _lane_bcast(w2, psplat)
                acc = s0 * e0_v[i] + s1 * e1_v[i] + s2 * e2_v[i]
                out_v[i, pl.ds(0, EMB)] = acc
            rows = lax.iota(jnp.int32, 16) + k16
            for dd, xv in ((EMB, x0_v), (EMB + 1, x1_v), (EMB + 2, x2_v)):
                plsc.store_scatter(
                    out_v, [rows, jnp.full((16,), dd, jnp.int32)], xv[ksl])
            return carry2

        lax.fori_loop(0, NBLK, blk, 0, unroll=2)
        pltpu.async_copy(
            out_v, out_hbm.at[pl.ds((j * NW + wid) * CH, CH)], sem_o)

    issue_f(0, 0).wait()
    for cp in issue_b(0, 0):
        cp.wait()
    issue_c(0, 0)
    issue_f(1, 1).wait()
    issue_b(1, 1)
    for cp in issue_bx(0, 0):
        cp.wait()
    issue_f(2, 0)

    def body(i, carry):
        for q in (0, 1):
            j = i * 2 + q
            p = q
            np_ = 1 - q

            @pl.when(j < nj)
            def _():
                drain_c(p)

                @pl.when(j + 1 < nj)
                def _():
                    drain_b(np_)
                    issue_c(np_, np_)

                @pl.when(j + 2 < nj)
                def _():
                    drain_f(p)
                    issue_b(p, p)

                @pl.when(j + 3 < nj)
                def _():
                    issue_f(j + 3, np_)

                @pl.when(j + 1 < nj)
                def _():
                    issue_bx(j + 1, np_)

                @pl.when(j > 0)
                def _():
                    drain_bx(p)
                    drain_o()

                compute(j, p)

        return carry

    lax.fori_loop(0, MAX_CH_W // 2, body, 0)
    drain_o()


def kernel(x, face_idxs, barycentrics, embeddings, faces):
    return _encode(
        face_idxs,
        faces[:, 0], faces[:, 1], faces[:, 2],
        barycentrics[:, 0], barycentrics[:, 1], barycentrics[:, 2],
        x[:, 0], x[:, 1], x[:, 2],
        embeddings)

# --- scband reference (transcript-rebuilt; emitter-appended) ---
"""Pipeline reference for scband-vertex-encoder-28630251995602 (READ-ONLY COPY).

The authoritative reference and input builder live on the scoring server;
editing this copy changes nothing except your own understanding.
"""

import jax, jax.numpy as jnp
import numpy as np

N_VERTICES = 1000000
N_FACES = 2000000
N_POINTS = 1000000
EMB_SIZE = 16

def setup_inputs(seed: int = 0) -> dict:
    key = jax.random.key(seed)
    k_x, k_fi, k_b, k_emb, k_faces = jax.random.split(key, 5)
    x = jax.random.normal(k_x, (N_POINTS, 3), dtype=jnp.float32)
    face_idxs = jax.random.randint(k_fi, (N_POINTS,), 0, N_FACES, dtype=jnp.int64 if jax.config.jax_enable_x64 else jnp.int32)
    barycentrics = jax.random.uniform(k_b, (N_POINTS, 3), dtype=jnp.float32)
    embeddings = jax.random.normal(k_emb, (N_VERTICES, EMB_SIZE), dtype=jnp.float32) * 0.1
    faces = jax.random.randint(k_faces, (N_FACES, 3), 0, N_VERTICES, dtype=jnp.int64 if jax.config.jax_enable_x64 else jnp.int32)
    return {"x": x, "face_idxs": face_idxs, "barycentrics": barycentrics, "embeddings": embeddings, "faces": faces}

def reference(x, face_idxs, barycentrics, embeddings, faces):
    # faces[face_idxs] gather: [N_POINTS, 3] vertex ids
    tri = jnp.take(faces, face_idxs, axis=0)
    v0_idxs = tri[:, 0]
    v1_idxs = tri[:, 1]
    v2_idxs = tri[:, 2]
    v0_emb = jnp.take(embeddings, v0_idxs, axis=0)
    v1_emb = jnp.take(embeddings, v1_idxs, axis=0)
    v2_emb = jnp.take(embeddings, v2_idxs, axis=0)
    emb = (barycentrics[:, 0, None] * v0_emb
           + barycentrics[:, 1, None] * v1_emb
           + barycentrics[:, 2, None] * v2_emb)
    out = jnp.concatenate([emb, x], axis=-1)
    return out

if __name__ == "__main__":
    import jax
    _d = setup_inputs()
    print(jax.jit(kernel)(*tuple(_d.values())))

</pallas_src>

<mosaic_0001>
#map = affine_map<(d0, d1) -> (0)>
#map1 = affine_map<(d0, d1) -> (0, 0)>
module attributes {stable_mosaic.version = 14 : i64} {
  func.func @_encode(%arg0: i32, %arg1: i32, %arg2: memref<1000000xi32, #tpu.memory_space<hbm>>, %arg3: memref<2000000xi32, #tpu.memory_space<hbm>>, %arg4: memref<2000000xi32, #tpu.memory_space<hbm>>, %arg5: memref<2000000xi32, #tpu.memory_space<hbm>>, %arg6: memref<1000000xf32, #tpu.memory_space<hbm>>, %arg7: memref<1000000xf32, #tpu.memory_space<hbm>>, %arg8: memref<1000000xf32, #tpu.memory_space<hbm>>, %arg9: memref<1000000xf32, #tpu.memory_space<hbm>>, %arg10: memref<1000000xf32, #tpu.memory_space<hbm>>, %arg11: memref<1000000xf32, #tpu.memory_space<hbm>>, %arg12: memref<1000000x16xf32, #tpu.memory_space<hbm>>, %arg13: memref<1000000x19xf32, #tpu.memory_space<hbm>>, %arg14: memref<800xi32, #tpu.memory_space<vmem>>, %arg15: memref<800xi32, #tpu.memory_space<vmem>>, %arg16: memref<800xf32, #tpu.memory_space<vmem>>, %arg17: memref<800xf32, #tpu.memory_space<vmem>>, %arg18: memref<800xf32, #tpu.memory_space<vmem>>, %arg19: memref<800xf32, #tpu.memory_space<vmem>>, %arg20: memref<800xf32, #tpu.memory_space<vmem>>, %arg21: memref<800xf32, #tpu.memory_space<vmem>>, %arg22: memref<800xf32, #tpu.memory_space<vmem>>, %arg23: memref<800xf32, #tpu.memory_space<vmem>>, %arg24: memref<800xf32, #tpu.memory_space<vmem>>, %arg25: memref<800xf32, #tpu.memory_space<vmem>>, %arg26: memref<800xf32, #tpu.memory_space<vmem>>, %arg27: memref<800xf32, #tpu.memory_space<vmem>>, %arg28: memref<800xi32, #tpu.memory_space<vmem>>, %arg29: memref<800xi32, #tpu.memory_space<vmem>>, %arg30: memref<800xi32, #tpu.memory_space<vmem>>, %arg31: memref<800xi32, #tpu.memory_space<vmem>>, %arg32: memref<800xi32, #tpu.memory_space<vmem>>, %arg33: memref<800xi32, #tpu.memory_space<vmem>>, %arg34: memref<800x16xf32, #tpu.memory_space<vmem>>, %arg35: memref<800x16xf32, #tpu.memory_space<vmem>>, %arg36: memref<800x16xf32, #tpu.memory_space<vmem>>, %arg37: memref<800x16xf32, #tpu.memory_space<vmem>>, %arg38: memref<800x16xf32, #tpu.memory_space<vmem>>, %arg39: memref<800x16xf32, #tpu.memory_space<vmem>>, %arg40: memref<800x19xf32, #tpu.memory_space<vmem>>, %arg41: memref<!tpu.dma_semaphore, #tpu.memory_space<semaphore_mem>>, %arg42: memref<!tpu.dma_semaphore, #tpu.memory_space<semaphore_mem>>, %arg43: memref<!tpu.dma_semaphore, #tpu.memory_space<semaphore_mem>>, %arg44: memref<!tpu.dma_semaphore, #tpu.memory_space<semaphore_mem>>, %arg45: memref<!tpu.dma_semaphore, #tpu.memory_space<semaphore_mem>>) attributes {dimension_semantics = [#tpu.dimension_semantics<core_parallel>, #tpu.dimension_semantics<subcore_parallel>], iteration_bounds = array<i64: 2, 16>, scalar_prefetch = 0 : i64, scratch_operands = 32 : i64, tpu.core_type = #tpu.core_type<sc_vector_subcore>, window_params = [{transform_indices = #map}, {transform_indices = #map}, {transform_indices = #map}, {transform_indices = #map}, {transform_indices = #map}, {transform_indices = #map}, {transform_indices = #map}, {transform_indices = #map}, {transform_indices = #map}, {transform_indices = #map}, {transform_indices = #map1}, {transform_indices = #map1}]} {
    %mul3A = arith.constant 2 : i32
    %mul3A_0 = arith.muli %arg1, %mul3A : i32
    %add3A = arith.addi %mul3A_0, %arg0 : i32
    %lt3A = arith.constant 2 : i32
    %lt3A_1 = arith.cmpi slt, %add3A, %lt3A : i32
    %jit3A = arith.constant 40 : i32
    %jit3A_2 = arith.constant 39 : i32
    %select_n3A = arith.select %lt3A_1, %jit3A, %jit3A_2 : i32
    %add3A_3 = arith.constant 0 : i32
    %add3A_4 = arith.addi %add3A_3, %add3A : i32
    %mul3A_5 = arith.constant 800 : i32
    %mul3A_6 = arith.muli %add3A_4, %mul3A_5 : i32
    %dma_start3A = tpu.memref_slice %arg2[%mul3A_6] : memref<1000000xi32, #tpu.memory_space<hbm>> -> memref<800xi32, #tpu.memory_space<hbm>>
    %dma_start3A_7 = tpu.memref_slice %arg2[%mul3A_6] : memref<1000000xi32, #tpu.memory_space<hbm>> -> memref<800xi32, #tpu.memory_space<hbm>>
    tpu.enqueue_dma source(%dma_start3A_7 : memref<800xi32, #tpu.memory_space<hbm>>) target(%arg14 : memref<800xi32, #tpu.memory_space<vmem>>) target_semaphore(%arg41 : memref<!tpu.dma_semaphore, #tpu.memory_space<semaphore_mem>>)
    %dma_wait3A = tpu.memref_slice %arg2[%mul3A_6] : memref<1000000xi32, #tpu.memory_space<hbm>> -> memref<800xi32, #tpu.memory_space<hbm>>
    %dma_wait3A_8 = tpu.memref_slice %arg2[%mul3A_6] : memref<1000000xi32, #tpu.memory_space<hbm>> -> memref<800xi32, #tpu.memory_space<hbm>>
    tpu.wait_dma2 semaphore(%arg41 : memref<!tpu.dma_semaphore, #tpu.memory_space<semaphore_mem>>) src(%dma_wait3A_8 : memref<800xi32, #tpu.memory_space<hbm>>) dst(%arg14 : memref<800xi32, #tpu.memory_space<vmem>>)
    %dma_start3A_9 = arith.constant 0 : i32
    %dma_start3A_10 = tpu.memref_slice %arg3[%dma_start3A_9] : memref<2000000xi32, #tpu.memory_space<hbm>> -> memref<2000000xi32, #tpu.memory_space<hbm>>
    tpu.enqueue_indirect_dma source(%dma_start3A_10 : memref<2000000xi32, #tpu.memory_space<hbm>>) target(%arg28 : memref<800xi32, #tpu.memory_space<vmem>>) offsets(%arg14 : memref<800xi32, #tpu.memory_space<vmem>>) semaphore(%arg43 : memref<!tpu.dma_semaphore, #tpu.memory_space<semaphore_mem>>)
    %dma_start3A_11 = arith.constant 0 : i32
    %dma_start3A_12 = tpu.memref_slice %arg4[%dma_start3A_11] : memref<2000000xi32, #tpu.memory_space<hbm>> -> memref<2000000xi32, #tpu.memory_space<hbm>>
    tpu.enqueue_indirect_dma source(%dma_start3A_12 : memref<2000000xi32, #tpu.memory_space<hbm>>) target(%arg29 : memref<800xi32, #tpu.memory_space<vmem>>) offsets(%arg14 : memref<800xi32, #tpu.memory_space<vmem>>) semaphore(%arg43 : memref<!tpu.dma_semaphore, #tpu.memory_space<semaphore_mem>>)
    %dma_start3A_13 = arith.constant 0 : i32
    %dma_start3A_14 = tpu.memref_slice %arg5[%dma_start3A_13] : memref<2000000xi32, #tpu.memory_space<hbm>> -> memref<2000000xi32, #tpu.memory_space<hbm>>
    tpu.enqueue_indirect_dma source(%dma_start3A_14 : memref<2000000xi32, #tpu.memory_space<hbm>>) target(%arg30 : memref<800xi32, #tpu.memory_space<vmem>>) offsets(%arg14 : memref<800xi32, #tpu.memory_space<vmem>>) semaphore(%arg43 : memref<!tpu.dma_semaphore, #tpu.memory_space<semaphore_mem>>)
    %dma_wait3A_15 = arith.constant 0 : i32
    %dma_wait3A_16 = tpu.memref_slice %arg3[%dma_wait3A_15] : memref<2000000xi32, #tpu.memory_space<hbm>> -> memref<2000000xi32, #tpu.memory_space<hbm>>
    tpu.wait_indirect_dma semaphore(%arg43 : memref<!tpu.dma_semaphore, #tpu.memory_space<semaphore_mem>>) src(%dma_wait3A_16 : memref<2000000xi32, #tpu.memory_space<hbm>>) dst(%arg28 : memref<800xi32, #tpu.memory_space<vmem>>)
    %dma_wait3A_17 = arith.constant 0 : i32
    %dma_wait3A_18 = tpu.memref_slice %arg4[%dma_wait3A_17] : memref<2000000xi32, #tpu.memory_space<hbm>> -> memref<2000000xi32, #tpu.memory_space<hbm>>
    tpu.wait_indirect_dma semaphore(%arg43 : memref<!tpu.dma_semaphore, #tpu.memory_space<semaphore_mem>>) src(%dma_wait3A_18 : memref<2000000xi32, #tpu.memory_space<hbm>>) dst(%arg29 : memref<800xi32, #tpu.memory_space<vmem>>)
    %dma_wait3A_19 = arith.constant 0 : i32
    %dma_wait3A_20 = tpu.memref_slice %arg5[%dma_wait3A_19] : memref<2000000xi32, #tpu.memory_space<hbm>> -> memref<2000000xi32, #tpu.memory_space<hbm>>
    tpu.wait_indirect_dma semaphore(%arg43 : memref<!tpu.dma_semaphore, #tpu.memory_space<semaphore_mem>>) src(%dma_wait3A_20 : memref<2000000xi32, #tpu.memory_space<hbm>>) dst(%arg30 : memref<800xi32, #tpu.memory_space<vmem>>)
    %dma_start3A_21 = arith.constant 0 : i32
    %dma_start3A_22 = arith.constant 0 : i32
    %dma_start3A_23 = tpu.memref_slice %arg12[%dma_start3A_21, %dma_start3A_22] : memref<1000000x16xf32, #tpu.memory_space<hbm>> -> memref<1000000x16xf32, #tpu.memory_space<hbm>>
    tpu.enqueue_indirect_dma source(%dma_start3A_23 : memref<1000000x16xf32, #tpu.memory_space<hbm>>) target(%arg34 : memref<800x16xf32, #tpu.memory_space<vmem>>) offsets(%arg28 : memref<800xi32, #tpu.memory_space<vmem>>) semaphore(%arg44 : memref<!tpu.dma_semaphore, #tpu.memory_space<semaphore_mem>>)
    %dma_start3A_24 = arith.constant 0 : i32
    %dma_start3A_25 = arith.constant 0 : i32
    %dma_start3A_26 = tpu.memref_slice %arg12[%dma_start3A_24, %dma_start3A_25] : memref<1000000x16xf32, #tpu.memory_space<hbm>> -> memref<1000000x16xf32, #tpu.memory_space<hbm>>
    tpu.enqueue_indirect_dma source(%dma_start3A_26 : memref<1000000x16xf32, #tpu.memory_space<hbm>>) target(%arg35 : memref<800x16xf32, #tpu.memory_space<vmem>>) offsets(%arg29 : memref<800xi32, #tpu.memory_space<vmem>>) semaphore(%arg44 : memref<!tpu.dma_semaphore, #tpu.memory_space<semaphore_mem>>)
    %dma_start3A_27 = arith.constant 0 : i32
    %dma_start3A_28 = arith.constant 0 : i32
    %dma_start3A_29 = tpu.memref_slice %arg12[%dma_start3A_27, %dma_start3A_28] : memref<1000000x16xf32, #tpu.memory_space<hbm>> -> memref<1000000x16xf32, #tpu.memory_space<hbm>>
    tpu.enqueue_indirect_dma source(%dma_start3A_29 : memref<1000000x16xf32, #tpu.memory_space<hbm>>) target(%arg36 : memref<800x16xf32, #tpu.memory_space<vmem>>) offsets(%arg30 : memref<800xi32, #tpu.memory_space<vmem>>) semaphore(%arg44 : memref<!tpu.dma_semaphore, #tpu.memory_space<semaphore_mem>>)
    %add3A_30 = arith.constant 32 : i32
    %add3A_31 = arith.addi %add3A_30, %add3A : i32
    %mul3A_32 = arith.constant 800 : i32
    %mul3A_33 = arith.muli %add3A_31, %mul3A_32 : i32
    %dma_start3A_34 = tpu.memref_slice %arg2[%mul3A_33] : memref<1000000xi32, #tpu.memory_space<hbm>> -> memref<800xi32, #tpu.memory_space<hbm>>
    %dma_start3A_35 = tpu.memref_slice %arg2[%mul3A_33] : memref<1000000xi32, #tpu.memory_space<hbm>> -> memref<800xi32, #tpu.memory_space<hbm>>
    tpu.enqueue_dma source(%dma_start3A_35 : memref<800xi32, #tpu.memory_space<hbm>>) target(%arg15 : memref<800xi32, #tpu.memory_space<vmem>>) target_semaphore(%arg41 : memref<!tpu.dma_semaphore, #tpu.memory_space<semaphore_mem>>)
    %dma_wait3A_36 = tpu.memref_slice %arg2[%mul3A_33] : memref<1000000xi32, #tpu.memory_space<hbm>> -> memref<800xi32, #tpu.memory_space<hbm>>
    %dma_wait3A_37 = tpu.memref_slice %arg2[%mul3A_33] : memref<1000000xi32, #tpu.memory_space<hbm>> -> memref<800xi32, #tpu.memory_space<hbm>>
    tpu.wait_dma2 semaphore(%arg41 : memref<!tpu.dma_semaphore, #tpu.memory_space<semaphore_mem>>) src(%dma_wait3A_37 : memref<800xi32, #tpu.memory_space<hbm>>) dst(%arg15 : memref<800xi32, #tpu.memory_space<vmem>>)
    %dma_start3A_38 = arith.constant 0 : i32
    %dma_start3A_39 = tpu.memref_slice %arg3[%dma_start3A_38] : memref<2000000xi32, #tpu.memory_space<hbm>> -> memref<2000000xi32, #tpu.memory_space<hbm>>
    tpu.enqueue_indirect_dma source(%dma_start3A_39 : memref<2000000xi32, #tpu.memory_space<hbm>>) target(%arg31 : memref<800xi32, #tpu.memory_space<vmem>>) offsets(%arg15 : memref<800xi32, #tpu.memory_space<vmem>>) semaphore(%arg43 : memref<!tpu.dma_semaphore, #tpu.memory_space<semaphore_mem>>)
    %dma_start3A_40 = arith.constant 0 : i32
    %dma_start3A_41 = tpu.memref_slice %arg4[%dma_start3A_40] : memref<2000000xi32, #tpu.memory_space<hbm>> -> memref<2000000xi32, #tpu.memory_space<hbm>>
    tpu.enqueue_indirect_dma source(%dma_start3A_41 : memref<2000000xi32, #tpu.memory_space<hbm>>) target(%arg32 : memref<800xi32, #tpu.memory_space<vmem>>) offsets(%arg15 : memref<800xi32, #tpu.memory_space<vmem>>) semaphore(%arg43 : memref<!tpu.dma_semaphore, #tpu.memory_space<semaphore_mem>>)
    %dma_start3A_42 = arith.constant 0 : i32
    %dma_start3A_43 = tpu.memref_slice %arg5[%dma_start3A_42] : memref<2000000xi32, #tpu.memory_space<hbm>> -> memref<2000000xi32, #tpu.memory_space<hbm>>
    tpu.enqueue_indirect_dma source(%dma_start3A_43 : memref<2000000xi32, #tpu.memory_space<hbm>>) target(%arg33 : memref<800xi32, #tpu.memory_space<vmem>>) offsets(%arg15 : memref<800xi32, #tpu.memory_space<vmem>>) semaphore(%arg43 : memref<!tpu.dma_semaphore, #tpu.memory_space<semaphore_mem>>)
    %add3A_44 = arith.constant 0 : i32
    %add3A_45 = arith.addi %add3A_44, %add3A : i32
    %mul3A_46 = arith.constant 800 : i32
    %mul3A_47 = arith.muli %add3A_45, %mul3A_46 : i32
    %dma_start3A_48 = tpu.memref_slice %arg6[%mul3A_47] : memref<1000000xf32, #tpu.memory_space<hbm>> -> memref<800xf32, #tpu.memory_space<hbm>>
    %dma_start3A_49 = tpu.memref_slice %arg6[%mul3A_47] : memref<1000000xf32, #tpu.memory_space<hbm>> -> memref<800xf32, #tpu.memory_space<hbm>>
    tpu.enqueue_dma source(%dma_start3A_49 : memref<800xf32, #tpu.memory_space<hbm>>) target(%arg16 : memref<800xf32, #tpu.memory_space<vmem>>) target_semaphore(%arg42 : memref<!tpu.dma_semaphore, #tpu.memory_space<semaphore_mem>>)
    %dma_start3A_50 = tpu.memref_slice %arg7[%mul3A_47] : memref<1000000xf32, #tpu.memory_space<hbm>> -> memref<800xf32, #tpu.memory_space<hbm>>
    %dma_start3A_51 = tpu.memref_slice %arg7[%mul3A_47] : memref<1000000xf32, #tpu.memory_space<hbm>> -> memref<800xf32, #tpu.memory_space<hbm>>
    tpu.enqueue_dma source(%dma_start3A_51 : memref<800xf32, #tpu.memory_space<hbm>>) target(%arg17 : memref<800xf32, #tpu.memory_space<vmem>>) target_semaphore(%arg42 : memref<!tpu.dma_semaphore, #tpu.memory_space<semaphore_mem>>)
    %dma_start3A_52 = tpu.memref_slice %arg8[%mul3A_47] : memref<1000000xf32, #tpu.memory_space<hbm>> -> memref<800xf32, #tpu.memory_space<hbm>>
    %dma_start3A_53 = tpu.memref_slice %arg8[%mul3A_47] : memref<1000000xf32, #tpu.memory_space<hbm>> -> memref<800xf32, #tpu.memory_space<hbm>>
    tpu.enqueue_dma source(%dma_start3A_53 : memref<800xf32, #tpu.memory_space<hbm>>) target(%arg18 : memref<800xf32, #tpu.memory_space<vmem>>) target_semaphore(%arg42 : memref<!tpu.dma_semaphore, #tpu.memory_space<semaphore_mem>>)
    %dma_start3A_54 = tpu.memref_slice %arg9[%mul3A_47] : memref<1000000xf32, #tpu.memory_space<hbm>> -> memref<800xf32, #tpu.memory_space<hbm>>
    %dma_start3A_55 = tpu.memref_slice %arg9[%mul3A_47] : memref<1000000xf32, #tpu.memory_space<hbm>> -> memref<800xf32, #tpu.memory_space<hbm>>
    tpu.enqueue_dma source(%dma_start3A_55 : memref<800xf32, #tpu.memory_space<hbm>>) target(%arg19 : memref<800xf32, #tpu.memory_space<vmem>>) target_semaphore(%arg42 : memref<!tpu.dma_semaphore, #tpu.memory_space<semaphore_mem>>)
    %dma_start3A_56 = tpu.memref_slice %arg10[%mul3A_47] : memref<1000000xf32, #tpu.memory_space<hbm>> -> memref<800xf32, #tpu.memory_space<hbm>>
    %dma_start3A_57 = tpu.memref_slice %arg10[%mul3A_47] : memref<1000000xf32, #tpu.memory_space<hbm>> -> memref<800xf32, #tpu.memory_space<hbm>>
    tpu.enqueue_dma source(%dma_start3A_57 : memref<800xf32, #tpu.memory_space<hbm>>) target(%arg20 : memref<800xf32, #tpu.memory_space<vmem>>) target_semaphore(%arg42 : memref<!tpu.dma_semaphore, #tpu.memory_space<semaphore_mem>>)
    %dma_start3A_58 = tpu.memref_slice %arg11[%mul3A_47] : memref<1000000xf32, #tpu.memory_space<hbm>> -> memref<800xf32, #tpu.memory_space<hbm>>
    %dma_start3A_59 = tpu.memref_slice %arg11[%mul3A_47] : memref<1000000xf32, #tpu.memory_space<hbm>> -> memref<800xf32, #tpu.memory_space<hbm>>
    tpu.enqueue_dma source(%dma_start3A_59 : memref<800xf32, #tpu.memory_space<hbm>>) target(%arg21 : memref<800xf32, #tpu.memory_space<vmem>>) target_semaphore(%arg42 : memref<!tpu.dma_semaphore, #tpu.memory_space<semaphore_mem>>)
    %dma_wait3A_60 = tpu.memref_slice %arg6[%mul3A_47] : memref<1000000xf32, #tpu.memory_space<hbm>> -> memref<800xf32, #tpu.memory_space<hbm>>
    %dma_wait3A_61 = tpu.memref_slice %arg6[%mul3A_47] : memref<1000000xf32, #tpu.memory_space<hbm>> -> memref<800xf32, #tpu.memory_space<hbm>>
    tpu.wait_dma2 semaphore(%arg42 : memref<!tpu.dma_semaphore, #tpu.memory_space<semaphore_mem>>) src(%dma_wait3A_61 : memref<800xf32, #tpu.memory_space<hbm>>) dst(%arg16 : memref<800xf32, #tpu.memory_space<vmem>>)
    %dma_wait3A_62 = tpu.memref_slice %arg7[%mul3A_47] : memref<1000000xf32, #tpu.memory_space<hbm>> -> memref<800xf32, #tpu.memory_space<hbm>>
    %dma_wait3A_63 = tpu.memref_slice %arg7[%mul3A_47] : memref<1000000xf32, #tpu.memory_space<hbm>> -> memref<800xf32, #tpu.memory_space<hbm>>
    tpu.wait_dma2 semaphore(%arg42 : memref<!tpu.dma_semaphore, #tpu.memory_space<semaphore_mem>>) src(%dma_wait3A_63 : memref<800xf32, #tpu.memory_space<hbm>>) dst(%arg17 : memref<800xf32, #tpu.memory_space<vmem>>)
    %dma_wait3A_64 = tpu.memref_slice %arg8[%mul3A_47] : memref<1000000xf32, #tpu.memory_space<hbm>> -> memref<800xf32, #tpu.memory_space<hbm>>
    %dma_wait3A_65 = tpu.memref_slice %arg8[%mul3A_47] : memref<1000000xf32, #tpu.memory_space<hbm>> -> memref<800xf32, #tpu.memory_space<hbm>>
    tpu.wait_dma2 semaphore(%arg42 : memref<!tpu.dma_semaphore, #tpu.memory_space<semaphore_mem>>) src(%dma_wait3A_65 : memref<800xf32, #tpu.memory_space<hbm>>) dst(%arg18 : memref<800xf32, #tpu.memory_space<vmem>>)
    %dma_wait3A_66 = tpu.memref_slice %arg9[%mul3A_47] : memref<1000000xf32, #tpu.memory_space<hbm>> -> memref<800xf32, #tpu.memory_space<hbm>>
    %dma_wait3A_67 = tpu.memref_slice %arg9[%mul3A_47] : memref<1000000xf32, #tpu.memory_space<hbm>> -> memref<800xf32, #tpu.memory_space<hbm>>
    tpu.wait_dma2 semaphore(%arg42 : memref<!tpu.dma_semaphore, #tpu.memory_space<semaphore_mem>>) src(%dma_wait3A_67 : memref<800xf32, #tpu.memory_space<hbm>>) dst(%arg19 : memref<800xf32, #tpu.memory_space<vmem>>)
    %dma_wait3A_68 = tpu.memref_slice %arg10[%mul3A_47] : memref<1000000xf32, #tpu.memory_space<hbm>> -> memref<800xf32, #tpu.memory_space<hbm>>
    %dma_wait3A_69 = tpu.memref_slice %arg10[%mul3A_47] : memref<1000000xf32, #tpu.memory_space<hbm>> -> memref<800xf32, #tpu.memory_space<hbm>>
    tpu.wait_dma2 semaphore(%arg42 : memref<!tpu.dma_semaphore, #tpu.memory_space<semaphore_mem>>) src(%dma_wait3A_69 : memref<800xf32, #tpu.memory_space<hbm>>) dst(%arg20 : memref<800xf32, #tpu.memory_space<vmem>>)
    %dma_wait3A_70 = tpu.memref_slice %arg11[%mul3A_47] : memref<1000000xf32, #tpu.memory_space<hbm>> -> memref<800xf32, #tpu.memory_space<hbm>>
    %dma_wait3A_71 = tpu.memref_slice %arg11[%mul3A_47] : memref<1000000xf32, #tpu.memory_space<hbm>> -> memref<800xf32, #tpu.memory_space<hbm>>
    tpu.wait_dma2 semaphore(%arg42 : memref<!tpu.dma_semaphore, #tpu.memory_space<semaphore_mem>>) src(%dma_wait3A_71 : memref<800xf32, #tpu.memory_space<hbm>>) dst(%arg21 : memref<800xf32, #tpu.memory_space<vmem>>)
    %add3A_72 = arith.constant 64 : i32
    %add3A_73 = arith.addi %add3A_72, %add3A : i32
    %mul3A_74 = arith.constant 800 : i32
    %mul3A_75 = arith.muli %add3A_73, %mul3A_74 : i32
    %dma_start3A_76 = tpu.memref_slice %arg2[%mul3A_75] : memref<1000000xi32, #tpu.memory_space<hbm>> -> memref<800xi32, #tpu.memory_space<hbm>>
    %dma_start3A_77 = tpu.memref_slice %arg2[%mul3A_75] : memref<1000000xi32, #tpu.memory_space<hbm>> -> memref<800xi32, #tpu.memory_space<hbm>>
    tpu.enqueue_dma source(%dma_start3A_77 : memref<800xi32, #tpu.memory_space<hbm>>) target(%arg14 : memref<800xi32, #tpu.memory_space<vmem>>) target_semaphore(%arg41 : memref<!tpu.dma_semaphore, #tpu.memory_space<semaphore_mem>>)
    %scan3A = arith.constant 0 : i32
    %scan3A_78 = arith.constant 0 : i32
    %scan3A_79 = arith.constant 20 : i32
    %scan3A_80 = arith.addi %scan3A_78, %scan3A_79 : i32
    %scan3A_81 = arith.constant 1 : i32
    scf.for %scan3A_89 = %scan3A_78 to %scan3A_80 step %scan3A_81  : i32 {
      %mul3A_90 = arith.constant 2 : i32
      %mul3A_91 = arith.muli %scan3A_89, %mul3A_90 : i32
      %add3A_92 = arith.constant 0 : i32
      %add3A_93 = arith.addi %mul3A_91, %add3A_92 : i32
      %lt3A_94 = arith.cmpi slt, %add3A_93, %select_n3A : i32
      %convert_element_type3A = arith.extui %lt3A_94 : i1 to i32
      %cond3A = arith.constant 0 : i32
      %cond3A_95 = arith.cmpi ne, %convert_element_type3A, %cond3A : i32
      scf.if %cond3A_95 {
        %dma_wait3A_104 = arith.constant 0 : i32
        %dma_wait3A_105 = arith.constant 0 : i32
        %dma_wait3A_106 = tpu.memref_slice %arg12[%dma_wait3A_104, %dma_wait3A_105] : memref<1000000x16xf32, #tpu.memory_space<hbm>> -> memref<800x16xf32, #tpu.memory_space<hbm>>
        %dma_wait3A_107 = arith.constant 0 : i32
        %dma_wait3A_108 = arith.constant 0 : i32
        %dma_wait3A_109 = tpu.memref_slice %arg12[%dma_wait3A_107, %dma_wait3A_108] : memref<1000000x16xf32, #tpu.memory_space<hbm>> -> memref<800x16xf32, #tpu.memory_space<hbm>>
        tpu.wait_dma2 semaphore(%arg44 : memref<!tpu.dma_semaphore, #tpu.memory_space<semaphore_mem>>) src(%dma_wait3A_109 : memref<800x16xf32, #tpu.memory_space<hbm>>) dst(%arg34 : memref<800x16xf32, #tpu.memory_space<vmem>>)
        %dma_wait3A_110 = arith.constant 0 : i32
        %dma_wait3A_111 = arith.constant 0 : i32
        %dma_wait3A_112 = tpu.memref_slice %arg12[%dma_wait3A_110, %dma_wait3A_111] : memref<1000000x16xf32, #tpu.memory_space<hbm>> -> memref<800x16xf32, #tpu.memory_space<hbm>>
        %dma_wait3A_113 = arith.constant 0 : i32
        %dma_wait3A_114 = arith.constant 0 : i32
        %dma_wait3A_115 = tpu.memref_slice %arg12[%dma_wait3A_113, %dma_wait3A_114] : memref<1000000x16xf32, #tpu.memory_space<hbm>> -> memref<800x16xf32, #tpu.memory_space<hbm>>
        tpu.wait_dma2 semaphore(%arg44 : memref<!tpu.dma_semaphore, #tpu.memory_space<semaphore_mem>>) src(%dma_wait3A_115 : memref<800x16xf32, #tpu.memory_space<hbm>>) dst(%arg35 : memref<800x16xf32, #tpu.memory_space<vmem>>)
        %dma_wait3A_116 = arith.constant 0 : i32
        %dma_wait3A_117 = arith.constant 0 : i32
        %dma_wait3A_118 = tpu.memref_slice %arg12[%dma_wait3A_116, %dma_wait3A_117] : memref<1000000x16xf32, #tpu.memory_space<hbm>> -> memref<800x16xf32, #tpu.memory_space<hbm>>
        %dma_wait3A_119 = arith.constant 0 : i32
        %dma_wait3A_120 = arith.constant 0 : i32
        %dma_wait3A_121 = tpu.memref_slice %arg12[%dma_wait3A_119, %dma_wait3A_120] : memref<1000000x16xf32, #tpu.memory_space<hbm>> -> memref<800x16xf32, #tpu.memory_space<hbm>>
        tpu.wait_dma2 semaphore(%arg44 : memref<!tpu.dma_semaphore, #tpu.memory_space<semaphore_mem>>) src(%dma_wait3A_121 : memref<800x16xf32, #tpu.memory_space<hbm>>) dst(%arg36 : memref<800x16xf32, #tpu.memory_space<vmem>>)
        %add3A_122 = arith.constant 1 : i32
        %add3A_123 = arith.addi %add3A_93, %add3A_122 : i32
        %lt3A_124 = arith.cmpi slt, %add3A_123, %select_n3A : i32
        %convert_element_type3A_125 = arith.extui %lt3A_124 : i1 to i32
        %cond3A_126 = arith.constant 0 : i32
        %cond3A_127 = arith.cmpi ne, %convert_element_type3A_125, %cond3A_126 : i32
        scf.if %cond3A_127 {
          %dma_wait3A_165 = arith.constant 0 : i32
          %dma_wait3A_166 = tpu.memref_slice %arg3[%dma_wait3A_165] : memref<2000000xi32, #tpu.memory_space<hbm>> -> memref<800xi32, #tpu.memory_space<hbm>>
          %dma_wait3A_167 = arith.constant 0 : i32
          %dma_wait3A_168 = tpu.memref_slice %arg3[%dma_wait3A_167] : memref<2000000xi32, #tpu.memory_space<hbm>> -> memref<800xi32, #tpu.memory_space<hbm>>
          tpu.wait_dma2 semaphore(%arg43 : memref<!tpu.dma_semaphore, #tpu.memory_space<semaphore_mem>>) src(%dma_wait3A_168 : memref<800xi32, #tpu.memory_space<hbm>>) dst(%arg31 : memref<800xi32, #tpu.memory_space<vmem>>)
          %dma_wait3A_169 = arith.constant 0 : i32
          %dma_wait3A_170 = tpu.memref_slice %arg4[%dma_wait3A_169] : memref<2000000xi32, #tpu.memory_space<hbm>> -> memref<800xi32, #tpu.memory_space<hbm>>
          %dma_wait3A_171 = arith.constant 0 : i32
          %dma_wait3A_172 = tpu.memref_slice %arg4[%dma_wait3A_171] : memref<2000000xi32, #tpu.memory_space<hbm>> -> memref<800xi32, #tpu.memory_space<hbm>>
          tpu.wait_dma2 semaphore(%arg43 : memref<!tpu.dma_semaphore, #tpu.memory_space<semaphore_mem>>) src(%dma_wait3A_172 : memref<800xi32, #tpu.memory_space<hbm>>) dst(%arg32 : memref<800xi32, #tpu.memory_space<vmem>>)
          %dma_wait3A_173 = arith.constant 0 : i32
          %dma_wait3A_174 = tpu.memref_slice %arg5[%dma_wait3A_173] : memref<2000000xi32, #tpu.memory_space<hbm>> -> memref<800xi32, #tpu.memory_space<hbm>>
          %dma_wait3A_175 = arith.constant 0 : i32
          %dma_wait3A_176 = tpu.memref_slice %arg5[%dma_wait3A_175] : memref<2000000xi32, #tpu.memory_space<hbm>> -> memref<800xi32, #tpu.memory_space<hbm>>
          tpu.wait_dma2 semaphore(%arg43 : memref<!tpu.dma_semaphore, #tpu.memory_space<semaphore_mem>>) src(%dma_wait3A_176 : memref<800xi32, #tpu.memory_space<hbm>>) dst(%arg33 : memref<800xi32, #tpu.memory_space<vmem>>)
          %dma_start3A_177 = arith.constant 0 : i32
          %dma_start3A_178 = arith.constant 0 : i32
          %dma_start3A_179 = tpu.memref_slice %arg12[%dma_start3A_177, %dma_start3A_178] : memref<1000000x16xf32, #tpu.memory_space<hbm>> -> memref<1000000x16xf32, #tpu.memory_space<hbm>>
          tpu.enqueue_indirect_dma source(%dma_start3A_179 : memref<1000000x16xf32, #tpu.memory_space<hbm>>) target(%arg37 : memref<800x16xf32, #tpu.memory_space<vmem>>) offsets(%arg31 : memref<800xi32, #tpu.memory_space<vmem>>) semaphore(%arg44 : memref<!tpu.dma_semaphore, #tpu.memory_space<semaphore_mem>>)
          %dma_start3A_180 = arith.constant 0 : i32
          %dma_start3A_181 = arith.constant 0 : i32
          %dma_start3A_182 = tpu.memref_slice %arg12[%dma_start3A_180, %dma_start3A_181] : memref<1000000x16xf32, #tpu.memory_space<hbm>> -> memref<1000000x16xf32, #tpu.memory_space<hbm>>
          tpu.enqueue_indirect_dma source(%dma_start3A_182 : memref<1000000x16xf32, #tpu.memory_space<hbm>>) target(%arg38 : memref<800x16xf32, #tpu.memory_space<vmem>>) offsets(%arg32 : memref<800xi32, #tpu.memory_space<vmem>>) semaphore(%arg44 : memref<!tpu.dma_semaphore, #tpu.memory_space<semaphore_mem>>)
          %dma_start3A_183 = arith.constant 0 : i32
          %dma_start3A_184 = arith.constant 0 : i32
          %dma_start3A_185 = tpu.memref_slice %arg12[%dma_start3A_183, %dma_start3A_184] : memref<1000000x16xf32, #tpu.memory_space<hbm>> -> memref<1000000x16xf32, #tpu.memory_space<hbm>>
          tpu.enqueue_indirect_dma source(%dma_start3A_185 : memref<1000000x16xf32, #tpu.memory_space<hbm>>) target(%arg39 : memref<800x16xf32, #tpu.memory_space<vmem>>) offsets(%arg33 : memref<800xi32, #tpu.memory_space<vmem>>) semaphore(%arg44 : memref<!tpu.dma_semaphore, #tpu.memory_space<semaphore_mem>>)
        } else {
        }
        %add3A_128 = arith.constant 2 : i32
        %add3A_129 = arith.addi %add3A_93, %add3A_128 : i32
        %lt3A_130 = arith.cmpi slt, %add3A_129, %select_n3A : i32
        %convert_element_type3A_131 = arith.extui %lt3A_130 : i1 to i32
        %cond3A_132 = arith.constant 0 : i32
        %cond3A_133 = arith.cmpi ne, %convert_element_type3A_131, %cond3A_132 : i32
        scf.if %cond3A_133 {
          %dma_wait3A_165 = arith.constant 0 : i32
          %dma_wait3A_166 = tpu.memref_slice %arg2[%dma_wait3A_165] : memref<1000000xi32, #tpu.memory_space<hbm>> -> memref<800xi32, #tpu.memory_space<hbm>>
          %dma_wait3A_167 = arith.constant 0 : i32
          %dma_wait3A_168 = tpu.memref_slice %arg2[%dma_wait3A_167] : memref<1000000xi32, #tpu.memory_space<hbm>> -> memref<800xi32, #tpu.memory_space<hbm>>
          tpu.wait_dma2 semaphore(%arg41 : memref<!tpu.dma_semaphore, #tpu.memory_space<semaphore_mem>>) src(%dma_wait3A_168 : memref<800xi32, #tpu.memory_space<hbm>>) dst(%arg14 : memref<800xi32, #tpu.memory_space<vmem>>)
          %dma_start3A_169 = arith.constant 0 : i32
          %dma_start3A_170 = tpu.memref_slice %arg3[%dma_start3A_169] : memref<2000000xi32, #tpu.memory_space<hbm>> -> memref<2000000xi32, #tpu.memory_space<hbm>>
          tpu.enqueue_indirect_dma source(%dma_start3A_170 : memref<2000000xi32, #tpu.memory_space<hbm>>) target(%arg28 : memref<800xi32, #tpu.memory_space<vmem>>) offsets(%arg14 : memref<800xi32, #tpu.memory_space<vmem>>) semaphore(%arg43 : memref<!tpu.dma_semaphore, #tpu.memory_space<semaphore_mem>>)
          %dma_start3A_171 = arith.constant 0 : i32
          %dma_start3A_172 = tpu.memref_slice %arg4[%dma_start3A_171] : memref<2000000xi32, #tpu.memory_space<hbm>> -> memref<2000000xi32, #tpu.memory_space<hbm>>
          tpu.enqueue_indirect_dma source(%dma_start3A_172 : memref<2000000xi32, #tpu.memory_space<hbm>>) target(%arg29 : memref<800xi32, #tpu.memory_space<vmem>>) offsets(%arg14 : memref<800xi32, #tpu.memory_space<vmem>>) semaphore(%arg43 : memref<!tpu.dma_semaphore, #tpu.memory_space<semaphore_mem>>)
          %dma_start3A_173 = arith.constant 0 : i32
          %dma_start3A_174 = tpu.memref_slice %arg5[%dma_start3A_173] : memref<2000000xi32, #tpu.memory_space<hbm>> -> memref<2000000xi32, #tpu.memory_space<hbm>>
          tpu.enqueue_indirect_dma source(%dma_start3A_174 : memref<2000000xi32, #tpu.memory_space<hbm>>) target(%arg30 : memref<800xi32, #tpu.memory_space<vmem>>) offsets(%arg14 : memref<800xi32, #tpu.memory_space<vmem>>) semaphore(%arg43 : memref<!tpu.dma_semaphore, #tpu.memory_space<semaphore_mem>>)
        } else {
        }
        %add3A_134 = arith.constant 3 : i32
        %add3A_135 = arith.addi %add3A_93, %add3A_134 : i32
        %lt3A_136 = arith.cmpi slt, %add3A_135, %select_n3A : i32
        %convert_element_type3A_137 = arith.extui %lt3A_136 : i1 to i32
        %cond3A_138 = arith.constant 0 : i32
        %cond3A_139 = arith.cmpi ne, %convert_element_type3A_137, %cond3A_138 : i32
        scf.if %cond3A_139 {
          %add3A_165 = arith.constant 3 : i32
          %add3A_166 = arith.addi %add3A_93, %add3A_165 : i32
          %mul3A_167 = arith.constant 32 : i32
          %mul3A_168 = arith.muli %add3A_166, %mul3A_167 : i32
          %add3A_169 = arith.addi %mul3A_168, %add3A : i32
          %mul3A_170 = arith.constant 800 : i32
          %mul3A_171 = arith.muli %add3A_169, %mul3A_170 : i32
          %dma_start3A_172 = tpu.memref_slice %arg2[%mul3A_171] : memref<1000000xi32, #tpu.memory_space<hbm>> -> memref<800xi32, #tpu.memory_space<hbm>>
          %dma_start3A_173 = tpu.memref_slice %arg2[%mul3A_171] : memref<1000000xi32, #tpu.memory_space<hbm>> -> memref<800xi32, #tpu.memory_space<hbm>>
          tpu.enqueue_dma source(%dma_start3A_173 : memref<800xi32, #tpu.memory_space<hbm>>) target(%arg15 : memref<800xi32, #tpu.memory_space<vmem>>) target_semaphore(%arg41 : memref<!tpu.dma_semaphore, #tpu.memory_space<semaphore_mem>>)
        } else {
        }
        %add3A_140 = arith.constant 1 : i32
        %add3A_141 = arith.addi %add3A_93, %add3A_140 : i32
        %lt3A_142 = arith.cmpi slt, %add3A_141, %select_n3A : i32
        %convert_element_type3A_143 = arith.extui %lt3A_142 : i1 to i32
        %cond3A_144 = arith.constant 0 : i32
        %cond3A_145 = arith.cmpi ne, %convert_element_type3A_143, %cond3A_144 : i32
        scf.if %cond3A_145 {
          %add3A_165 = arith.constant 1 : i32
          %add3A_166 = arith.addi %add3A_93, %add3A_165 : i32
          %mul3A_167 = arith.constant 32 : i32
          %mul3A_168 = arith.muli %add3A_166, %mul3A_167 : i32
          %add3A_169 = arith.addi %mul3A_168, %add3A : i32
          %mul3A_170 = arith.constant 800 : i32
          %mul3A_171 = arith.muli %add3A_169, %mul3A_170 : i32
          %dma_start3A_172 = tpu.memref_slice %arg6[%mul3A_171] : memref<1000000xf32, #tpu.memory_space<hbm>> -> memref<800xf32, #tpu.memory_space<hbm>>
          %dma_start3A_173 = tpu.memref_slice %arg6[%mul3A_171] : memref<1000000xf32, #tpu.memory_space<hbm>> -> memref<800xf32, #tpu.memory_space<hbm>>
          tpu.enqueue_dma source(%dma_start3A_173 : memref<800xf32, #tpu.memory_space<hbm>>) target(%arg22 : memref<800xf32, #tpu.memory_space<vmem>>) target_semaphore(%arg42 : memref<!tpu.dma_semaphore, #tpu.memory_space<semaphore_mem>>)
          %dma_start3A_174 = tpu.memref_slice %arg7[%mul3A_171] : memref<1000000xf32, #tpu.memory_space<hbm>> -> memref<800xf32, #tpu.memory_space<hbm>>
          %dma_start3A_175 = tpu.memref_slice %arg7[%mul3A_171] : memref<1000000xf32, #tpu.memory_space<hbm>> -> memref<800xf32, #tpu.memory_space<hbm>>
          tpu.enqueue_dma source(%dma_start3A_175 : memref<800xf32, #tpu.memory_space<hbm>>) target(%arg23 : memref<800xf32, #tpu.memory_space<vmem>>) target_semaphore(%arg42 : memref<!tpu.dma_semaphore, #tpu.memory_space<semaphore_mem>>)
          %dma_start3A_176 = tpu.memref_slice %arg8[%mul3A_171] : memref<1000000xf32, #tpu.memory_space<hbm>> -> memref<800xf32, #tpu.memory_space<hbm>>
          %dma_start3A_177 = tpu.memref_slice %arg8[%mul3A_171] : memref<1000000xf32, #tpu.memory_space<hbm>> -> memref<800xf32, #tpu.memory_space<hbm>>
          tpu.enqueue_dma source(%dma_start3A_177 : memref<800xf32, #tpu.memory_space<hbm>>) target(%arg24 : memref<800xf32, #tpu.memory_space<vmem>>) target_semaphore(%arg42 : memref<!tpu.dma_semaphore, #tpu.memory_space<semaphore_mem>>)
          %dma_start3A_178 = tpu.memref_slice %arg9[%mul3A_171] : memref<1000000xf32, #tpu.memory_space<hbm>> -> memref<800xf32, #tpu.memory_space<hbm>>
          %dma_start3A_179 = tpu.memref_slice %arg9[%mul3A_171] : memref<1000000xf32, #tpu.memory_space<hbm>> -> memref<800xf32, #tpu.memory_space<hbm>>
          tpu.enqueue_dma source(%dma_start3A_179 : memref<800xf32, #tpu.memory_space<hbm>>) target(%arg25 : memref<800xf32, #tpu.memory_space<vmem>>) target_semaphore(%arg42 : memref<!tpu.dma_semaphore, #tpu.memory_space<semaphore_mem>>)
          %dma_start3A_180 = tpu.memref_slice %arg10[%mul3A_171] : memref<1000000xf32, #tpu.memory_space<hbm>> -> memref<800xf32, #tpu.memory_space<hbm>>
          %dma_start3A_181 = tpu.memref_slice %arg10[%mul3A_171] : memref<1000000xf32, #tpu.memory_space<hbm>> -> memref<800xf32, #tpu.memory_space<hbm>>
          tpu.enqueue_dma source(%dma_start3A_181 : memref<800xf32, #tpu.memory_space<hbm>>) target(%arg26 : memref<800xf32, #tpu.memory_space<vmem>>) target_semaphore(%arg42 : memref<!tpu.dma_semaphore, #tpu.memory_space<semaphore_mem>>)
          %dma_start3A_182 = tpu.memref_slice %arg11[%mul3A_171] : memref<1000000xf32, #tpu.memory_space<hbm>> -> memref<800xf32, #tpu.memory_space<hbm>>
          %dma_start3A_183 = tpu.memref_slice %arg11[%mul3A_171] : memref<1000000xf32, #tpu.memory_space<hbm>> -> memref<800xf32, #tpu.memory_space<hbm>>
          tpu.enqueue_dma source(%dma_start3A_183 : memref<800xf32, #tpu.memory_space<hbm>>) target(%arg27 : memref<800xf32, #tpu.memory_space<vmem>>) target_semaphore(%arg42 : memref<!tpu.dma_semaphore, #tpu.memory_space<semaphore_mem>>)
        } else {
        }
        %gt3A = arith.constant 0 : i32
        %gt3A_146 = arith.cmpi sgt, %add3A_93, %gt3A : i32
        %convert_element_type3A_147 = arith.extui %gt3A_146 : i1 to i32
        %cond3A_148 = arith.constant 0 : i32
        %cond3A_149 = arith.cmpi ne, %convert_element_type3A_147, %cond3A_148 : i32
        scf.if %cond3A_149 {
          %dma_wait3A_165 = arith.constant 0 : i32
          %dma_wait3A_166 = tpu.memref_slice %arg6[%dma_wait3A_165] : memref<1000000xf32, #tpu.memory_space<hbm>> -> memref<800xf32, #tpu.memory_space<hbm>>
          %dma_wait3A_167 = arith.constant 0 : i32
          %dma_wait3A_168 = tpu.memref_slice %arg6[%dma_wait3A_167] : memref<1000000xf32, #tpu.memory_space<hbm>> -> memref<800xf32, #tpu.memory_space<hbm>>
          tpu.wait_dma2 semaphore(%arg42 : memref<!tpu.dma_semaphore, #tpu.memory_space<semaphore_mem>>) src(%dma_wait3A_168 : memref<800xf32, #tpu.memory_space<hbm>>) dst(%arg16 : memref<800xf32, #tpu.memory_space<vmem>>)
          %dma_wait3A_169 = arith.constant 0 : i32
          %dma_wait3A_170 = tpu.memref_slice %arg7[%dma_wait3A_169] : memref<1000000xf32, #tpu.memory_space<hbm>> -> memref<800xf32, #tpu.memory_space<hbm>>
          %dma_wait3A_171 = arith.constant 0 : i32
          %dma_wait3A_172 = tpu.memref_slice %arg7[%dma_wait3A_171] : memref<1000000xf32, #tpu.memory_space<hbm>> -> memref<800xf32, #tpu.memory_space<hbm>>
          tpu.wait_dma2 semaphore(%arg42 : memref<!tpu.dma_semaphore, #tpu.memory_space<semaphore_mem>>) src(%dma_wait3A_172 : memref<800xf32, #tpu.memory_space<hbm>>) dst(%arg17 : memref<800xf32, #tpu.memory_space<vmem>>)
          %dma_wait3A_173 = arith.constant 0 : i32
          %dma_wait3A_174 = tpu.memref_slice %arg8[%dma_wait3A_173] : memref<1000000xf32, #tpu.memory_space<hbm>> -> memref<800xf32, #tpu.memory_space<hbm>>
          %dma_wait3A_175 = arith.constant 0 : i32
          %dma_wait3A_176 = tpu.memref_slice %arg8[%dma_wait3A_175] : memref<1000000xf32, #tpu.memory_space<hbm>> -> memref<800xf32, #tpu.memory_space<hbm>>
          tpu.wait_dma2 semaphore(%arg42 : memref<!tpu.dma_semaphore, #tpu.memory_space<semaphore_mem>>) src(%dma_wait3A_176 : memref<800xf32, #tpu.memory_space<hbm>>) dst(%arg18 : memref<800xf32, #tpu.memory_space<vmem>>)
          %dma_wait3A_177 = arith.constant 0 : i32
          %dma_wait3A_178 = tpu.memref_slice %arg9[%dma_wait3A_177] : memref<1000000xf32, #tpu.memory_space<hbm>> -> memref<800xf32, #tpu.memory_space<hbm>>
          %dma_wait3A_179 = arith.constant 0 : i32
          %dma_wait3A_180 = tpu.memref_slice %arg9[%dma_wait3A_179] : memref<1000000xf32, #tpu.memory_space<hbm>> -> memref<800xf32, #tpu.memory_space<hbm>>
          tpu.wait_dma2 semaphore(%arg42 : memref<!tpu.dma_semaphore, #tpu.memory_space<semaphore_mem>>) src(%dma_wait3A_180 : memref<800xf32, #tpu.memory_space<hbm>>) dst(%arg19 : memref<800xf32, #tpu.memory_space<vmem>>)
          %dma_wait3A_181 = arith.constant 0 : i32
          %dma_wait3A_182 = tpu.memref_slice %arg10[%dma_wait3A_181] : memref<1000000xf32, #tpu.memory_space<hbm>> -> memref<800xf32, #tpu.memory_space<hbm>>
          %dma_wait3A_183 = arith.constant 0 : i32
          %dma_wait3A_184 = tpu.memref_slice %arg10[%dma_wait3A_183] : memref<1000000xf32, #tpu.memory_space<hbm>> -> memref<800xf32, #tpu.memory_space<hbm>>
          tpu.wait_dma2 semaphore(%arg42 : memref<!tpu.dma_semaphore, #tpu.memory_space<semaphore_mem>>) src(%dma_wait3A_184 : memref<800xf32, #tpu.memory_space<hbm>>) dst(%arg20 : memref<800xf32, #tpu.memory_space<vmem>>)
          %dma_wait3A_185 = arith.constant 0 : i32
          %dma_wait3A_186 = tpu.memref_slice %arg11[%dma_wait3A_185] : memref<1000000xf32, #tpu.memory_space<hbm>> -> memref<800xf32, #tpu.memory_space<hbm>>
          %dma_wait3A_187 = arith.constant 0 : i32
          %dma_wait3A_188 = tpu.memref_slice %arg11[%dma_wait3A_187] : memref<1000000xf32, #tpu.memory_space<hbm>> -> memref<800xf32, #tpu.memory_space<hbm>>
          tpu.wait_dma2 semaphore(%arg42 : memref<!tpu.dma_semaphore, #tpu.memory_space<semaphore_mem>>) src(%dma_wait3A_188 : memref<800xf32, #tpu.memory_space<hbm>>) dst(%arg21 : memref<800xf32, #tpu.memory_space<vmem>>)
          %dma_wait3A_189 = arith.constant 0 : i32
          %dma_wait3A_190 = arith.constant 0 : i32
          %dma_wait3A_191 = tpu.memref_slice %arg13[%dma_wait3A_189, %dma_wait3A_190] : memref<1000000x19xf32, #tpu.memory_space<hbm>> -> memref<800x19xf32, #tpu.memory_space<hbm>>
          %dma_wait3A_192 = arith.constant 0 : i32
          %dma_wait3A_193 = arith.constant 0 : i32
          %dma_wait3A_194 = tpu.memref_slice %arg13[%dma_wait3A_192, %dma_wait3A_193] : memref<1000000x19xf32, #tpu.memory_space<hbm>> -> memref<800x19xf32, #tpu.memory_space<hbm>>
          tpu.wait_dma2 semaphore(%arg45 : memref<!tpu.dma_semaphore, #tpu.memory_space<semaphore_mem>>) src(%arg40 : memref<800x19xf32, #tpu.memory_space<vmem>>) dst(%dma_wait3A_194 : memref<800x19xf32, #tpu.memory_space<hbm>>)
        } else {
        }
        %scan3A_150 = arith.constant 0 : i32
        %scan3A_151 = arith.constant 0 : i32
        %scan3A_152 = arith.constant 50 : i32
        %scan3A_153 = arith.addi %scan3A_151, %scan3A_152 : i32
        %scan3A_154 = arith.constant 2 : i32
        scf.for %scan3A_165 = %scan3A_151 to %scan3A_153 step %scan3A_154  : i32 {
          %mul3A_166 = arith.constant 16 : i32
          %mul3A_167 = arith.muli %scan3A_165, %mul3A_166 : i32
          %get3A = arith.index_cast %mul3A_167 : i32 to index
          %get3A_168 = tpu.vector_load %arg16[%get3A] {strides = array<i32>} : memref<800xf32, #tpu.memory_space<vmem>>, vector<16xf32>,
          %get3A_169 = arith.index_cast %mul3A_167 : i32 to index
          %get3A_170 = tpu.vector_load %arg17[%get3A_169] {strides = array<i32>} : memref<800xf32, #tpu.memory_space<vmem>>, vector<16xf32>,
          %get3A_171 = arith.index_cast %mul3A_167 : i32 to index
          %get3A_172 = tpu.vector_load %arg18[%get3A_171] {strides = array<i32>} : memref<800xf32, #tpu.memory_space<vmem>>, vector<16xf32>,
          %mul3A_173 = arith.constant 16 : i32
          %mul3A_174 = arith.muli %scan3A_165, %mul3A_173 : i32
          %add3A_175 = arith.constant 0 : i32
          %add3A_176 = arith.addi %mul3A_174, %add3A_175 : i32
          %broadcast_in_dim3A = arith.constant 0 : i32
          %broadcast_in_dim3A_177 = vector.broadcast %broadcast_in_dim3A : i32 to vector<16xi32>
          %broadcast_in_dim3A_178 = vector.shape_cast %broadcast_in_dim3A_177 : vector<16xi32> to vector<16x1xi32>
          %gather3A = vector.shape_cast %broadcast_in_dim3A_178 : vector<16x1xi32> to vector<16xi32>
          %gather3A_179 = tpu.dynamic_gather %get3A_168[%gather3A] in [0] : vector<16xf32>, vector<16xi32> -> vector<16xf32>
          %broadcast_in_dim3A_180 = vector.shape_cast %broadcast_in_dim3A_177 : vector<16xi32> to vector<16x1xi32>
          %gather3A_181 = vector.shape_cast %broadcast_in_dim3A_180 : vector<16x1xi32> to vector<16xi32>
          %gather3A_182 = tpu.dynamic_gather %get3A_170[%gather3A_181] in [0] : vector<16xf32>, vector<16xi32> -> vector<16xf32>
          %broadcast_in_dim3A_183 = vector.shape_cast %broadcast_in_dim3A_177 : vector<16xi32> to vector<16x1xi32>
          %gather3A_184 = vector.shape_cast %broadcast_in_dim3A_183 : vector<16x1xi32> to vector<16xi32>
          %gather3A_185 = tpu.dynamic_gather %get3A_172[%gather3A_184] in [0] : vector<16xf32>, vector<16xi32> -> vector<16xf32>
          %get3A_186 = arith.index_cast %add3A_176 : i32 to index
          %get3A_187 = arith.constant 0 : index
          %get3A_188 = tpu.vector_load %arg34[%get3A_186, %get3A_187] {strides = array<i32>} : memref<800x16xf32, #tpu.memory_space<vmem>>, vector<16xf32>,
          %mul3A_189 = arith.mulf %gather3A_179, %get3A_188 : vector<16xf32>
          %get3A_190 = arith.index_cast %add3A_176 : i32 to index
          %get3A_191 = arith.constant 0 : index
          %get3A_192 = tpu.vector_load %arg35[%get3A_190, %get3A_191] {strides = array<i32>} : memref<800x16xf32, #tpu.memory_space<vmem>>, vector<16xf32>,
          %mul3A_193 = arith.mulf %gather3A_182, %get3A_192 : vector<16xf32>
          %add3A_194 = arith.addf %mul3A_189, %mul3A_193 : vector<16xf32>
          %get3A_195 = arith.index_cast %add3A_176 : i32 to index
          %get3A_196 = arith.constant 0 : index
          %get3A_197 = tpu.vector_load %arg36[%get3A_195, %get3A_196] {strides = array<i32>} : memref<800x16xf32, #tpu.memory_space<vmem>>, vector<16xf32>,
          %mul3A_198 = arith.mulf %gather3A_185, %get3A_197 : vector<16xf32>
          %add3A_199 = arith.addf %add3A_194, %mul3A_198 : vector<16xf32>
          %swap3A = arith.index_cast %add3A_176 : i32 to index
          %swap3A_200 = arith.constant 0 : index
          %swap3A_201 = tpu.vector_load %arg40[%swap3A, %swap3A_200] {strides = array<i32>} : memref<800x19xf32, #tpu.memory_space<vmem>>, vector<16xf32>,
          tpu.vector_store %arg40[%swap3A, %swap3A_200], %add3A_199 {strides = array<i32>} : memref<800x19xf32, #tpu.memory_space<vmem>>, vector<16xf32>,
          %add3A_202 = arith.constant 1 : i32
          %add3A_203 = arith.addi %mul3A_174, %add3A_202 : i32
          %broadcast_in_dim3A_204 = arith.constant 1 : i32
          %broadcast_in_dim3A_205 = vector.broadcast %broadcast_in_dim3A_204 : i32 to vector<16xi32>
          %broadcast_in_dim3A_206 = vector.shape_cast %broadcast_in_dim3A_205 : vector<16xi32> to vector<16x1xi32>
          %gather3A_207 = vector.shape_cast %broadcast_in_dim3A_206 : vector<16x1xi32> to vector<16xi32>
          %gather3A_208 = tpu.dynamic_gather %get3A_168[%gather3A_207] in [0] : vector<16xf32>, vector<16xi32> -> vector<16xf32>
          %broadcast_in_dim3A_209 = vector.shape_cast %broadcast_in_dim3A_205 : vector<16xi32> to vector<16x1xi32>
          %gather3A_210 = vector.shape_cast %broadcast_in_dim3A_209 : vector<16x1xi32> to vector<16xi32>
          %gather3A_211 = tpu.dynamic_gather %get3A_170[%gather3A_210] in [0] : vector<16xf32>, vector<16xi32> -> vector<16xf32>
          %broadcast_in_dim3A_212 = vector.shape_cast %broadcast_in_dim3A_205 : vector<16xi32> to vector<16x1xi32>
          %gather3A_213 = vector.shape_cast %broadcast_in_dim3A_212 : vector<16x1xi32> to vector<16xi32>
          %gather3A_214 = tpu.dynamic_gather %get3A_172[%gather3A_213] in [0] : vector<16xf32>, vector<16xi32> -> vector<16xf32>
          %get3A_215 = arith.index_cast %add3A_203 : i32 to index
          %get3A_216 = arith.constant 0 : index
          %get3A_217 = tpu.vector_load %arg34[%get3A_215, %get3A_216] {strides = array<i32>} : memref<800x16xf32, #tpu.memory_space<vmem>>, vector<16xf32>,
          %mul3A_218 = arith.mulf %gather3A_208, %get3A_217 : vector<16xf32>
          %get3A_219 = arith.index_cast %add3A_203 : i32 to index
          %get3A_220 = arith.constant 0 : index
          %get3A_221 = tpu.vector_load %arg35[%get3A_219, %get3A_220] {strides = array<i32>} : memref<800x16xf32, #tpu.memory_space<vmem>>, vector<16xf32>,
          %mul3A_222 = arith.mulf %gather3A_211, %get3A_221 : vector<16xf32>
          %add3A_223 = arith.addf %mul3A_218, %mul3A_222 : vector<16xf32>
          %get3A_224 = arith.index_cast %add3A_203 : i32 to index
          %get3A_225 = arith.constant 0 : index
          %get3A_226 = tpu.vector_load %arg36[%get3A_224, %get3A_225] {strides = array<i32>} : memref<800x16xf32, #tpu.memory_space<vmem>>, vector<16xf32>,
          %mul3A_227 = arith.mulf %gather3A_214, %get3A_226 : vector<16xf32>
          %add3A_228 = arith.addf %add3A_223, %mul3A_227 : vector<16xf32>
          %swap3A_229 = arith.index_cast %add3A_203 : i32 to index
          %swap3A_230 = arith.constant 0 : index
          %swap3A_231 = tpu.vector_load %arg40[%swap3A_229, %swap3A_230] {strides = array<i32>} : memref<800x19xf32, #tpu.memory_space<vmem>>, vector<16xf32>,
          tpu.vector_store %arg40[%swap3A_229, %swap3A_230], %add3A_228 {strides = array<i32>} : memref<800x19xf32, #tpu.memory_space<vmem>>, vector<16xf32>,
          %add3A_232 = arith.constant 2 : i32
          %add3A_233 = arith.addi %mul3A_174, %add3A_232 : i32
          %broadcast_in_dim3A_234 = arith.constant 2 : i32
          %broadcast_in_dim3A_235 = vector.broadcast %broadcast_in_dim3A_234 : i32 to vector<16xi32>
          %broadcast_in_dim3A_236 = vector.shape_cast %broadcast_in_dim3A_235 : vector<16xi32> to vector<16x1xi32>
          %gather3A_237 = vector.shape_cast %broadcast_in_dim3A_236 : vector<16x1xi32> to vector<16xi32>
          %gather3A_238 = tpu.dynamic_gather %get3A_168[%gather3A_237] in [0] : vector<16xf32>, vector<16xi32> -> vector<16xf32>
          %broadcast_in_dim3A_239 = vector.shape_cast %broadcast_in_dim3A_235 : vector<16xi32> to vector<16x1xi32>
          %gather3A_240 = vector.shape_cast %broadcast_in_dim3A_239 : vector<16x1xi32> to vector<16xi32>
          %gather3A_241 = tpu.dynamic_gather %get3A_170[%gather3A_240] in [0] : vector<16xf32>, vector<16xi32> -> vector<16xf32>
          %broadcast_in_dim3A_242 = vector.shape_cast %broadcast_in_dim3A_235 : vector<16xi32> to vector<16x1xi32>
          %gather3A_243 = vector.shape_cast %broadcast_in_dim3A_242 : vector<16x1xi32> to vector<16xi32>
          %gather3A_244 = tpu.dynamic_gather %get3A_172[%gather3A_243] in [0] : vector<16xf32>, vector<16xi32> -> vector<16xf32>
          %get3A_245 = arith.index_cast %add3A_233 : i32 to index
          %get3A_246 = arith.constant 0 : index
          %get3A_247 = tpu.vector_load %arg34[%get3A_245, %get3A_246] {strides = array<i32>} : memref<800x16xf32, #tpu.memory_space<vmem>>, vector<16xf32>,
          %mul3A_248 = arith.mulf %gather3A_238, %get3A_247 : vector<16xf32>
          %get3A_249 = arith.index_cast %add3A_233 : i32 to index
          %get3A_250 = arith.constant 0 : index
          %get3A_251 = tpu.vector_load %arg35[%get3A_249, %get3A_250] {strides = array<i32>} : memref<800x16xf32, #tpu.memory_space<vmem>>, vector<16xf32>,
          %mul3A_252 = arith.mulf %gather3A_241, %get3A_251 : vector<16xf32>
          %add3A_253 = arith.addf %mul3A_248, %mul3A_252 : vector<16xf32>
          %get3A_254 = arith.index_cast %add3A_233 : i32 to index
          %get3A_255 = arith.constant 0 : index
          %get3A_256 = tpu.vector_load %arg36[%get3A_254, %get3A_255] {strides = array<i32>} : memref<800x16xf32, #tpu.memory_space<vmem>>, vector<16xf32>,
          %mul3A_257 = arith.mulf %gather3A_244, %get3A_256 : vector<16xf32>
          %add3A_258 = arith.addf %add3A_253, %mul3A_257 : vector<16xf32>
          %swap3A_259 = arith.index_cast %add3A_233 : i32 to index
          %swap3A_260 = arith.constant 0 : index
          %swap3A_261 = tpu.vector_load %arg40[%swap3A_259, %swap3A_260] {strides = array<i32>} : memref<800x19xf32, #tpu.memory_space<vmem>>, vector<16xf32>,
          tpu.vector_store %arg40[%swap3A_259, %swap3A_260], %add3A_258 {strides = array<i32>} : memref<800x19xf32, #tpu.memory_space<vmem>>, vector<16xf32>,
          %add3A_262 = arith.constant 3 : i32
          %add3A_263 = arith.addi %mul3A_174, %add3A_262 : i32
          %broadcast_in_dim3A_264 = arith.constant 3 : i32
          %broadcast_in_dim3A_265 = vector.broadcast %broadcast_in_dim3A_264 : i32 to vector<16xi32>
          %broadcast_in_dim3A_266 = vector.shape_cast %broadcast_in_dim3A_265 : vector<16xi32> to vector<16x1xi32>
          %gather3A_267 = vector.shape_cast %broadcast_in_dim3A_266 : vector<16x1xi32> to vector<16xi32>
          %gather3A_268 = tpu.dynamic_gather %get3A_168[%gather3A_267] in [0] : vector<16xf32>, vector<16xi32> -> vector<16xf32>
          %broadcast_in_dim3A_269 = vector.shape_cast %broadcast_in_dim3A_265 : vector<16xi32> to vector<16x1xi32>
          %gather3A_270 = vector.shape_cast %broadcast_in_dim3A_269 : vector<16x1xi32> to vector<16xi32>
          %gather3A_271 = tpu.dynamic_gather %get3A_170[%gather3A_270] in [0] : vector<16xf32>, vector<16xi32> -> vector<16xf32>
          %broadcast_in_dim3A_272 = vector.shape_cast %broadcast_in_dim3A_265 : vector<16xi32> to vector<16x1xi32>
          %gather3A_273 = vector.shape_cast %broadcast_in_dim3A_272 : vector<16x1xi32> to vector<16xi32>
          %gather3A_274 = tpu.dynamic_gather %get3A_172[%gather3A_273] in [0] : vector<16xf32>, vector<16xi32> -> vector<16xf32>
          %get3A_275 = arith.index_cast %add3A_263 : i32 to index
          %get3A_276 = arith.constant 0 : index
          %get3A_277 = tpu.vector_load %arg34[%get3A_275, %get3A_276] {strides = array<i32>} : memref<800x16xf32, #tpu.memory_space<vmem>>, vector<16xf32>,
          %mul3A_278 = arith.mulf %gather3A_268, %get3A_277 : vector<16xf32>
          %get3A_279 = arith.index_cast %add3A_263 : i32 to index
          %get3A_280 = arith.constant 0 : index
          %get3A_281 = tpu.vector_load %arg35[%get3A_279, %get3A_280] {strides = array<i32>} : memref<800x16xf32, #tpu.memory_space<vmem>>, vector<16xf32>,
          %mul3A_282 = arith.mulf %gather3A_271, %get3A_281 : vector<16xf32>
          %add3A_283 = arith.addf %mul3A_278, %mul3A_282 : vector<16xf32>
          %get3A_284 = arith.index_cast %add3A_263 : i32 to index
          %get3A_285 = arith.constant 0 : index
          %get3A_286 = tpu.vector_load %arg36[%get3A_284, %get3A_285] {strides = array<i32>} : memref<800x16xf32, #tpu.memory_space<vmem>>, vector<16xf32>,
          %mul3A_287 = arith.mulf %gather3A_274, %get3A_286 : vector<16xf32>
          %add3A_288 = arith.addf %add3A_283, %mul3A_287 : vector<16xf32>
          %swap3A_289 = arith.index_cast %add3A_263 : i32 to index
          %swap3A_290 = arith.constant 0 : index
          %swap3A_291 = tpu.vector_load %arg40[%swap3A_289, %swap3A_290] {strides = array<i32>} : memref<800x19xf32, #tpu.memory_space<vmem>>, vector<16xf32>,
          tpu.vector_store %arg40[%swap3A_289, %swap3A_290], %add3A_288 {strides = array<i32>} : memref<800x19xf32, #tpu.memory_space<vmem>>, vector<16xf32>,
          %add3A_292 = arith.constant 4 : i32
          %add3A_293 = arith.addi %mul3A_174, %add3A_292 : i32
          %broadcast_in_dim3A_294 = arith.constant 4 : i32
          %broadcast_in_dim3A_295 = vector.broadcast %broadcast_in_dim3A_294 : i32 to vector<16xi32>
          %broadcast_in_dim3A_296 = vector.shape_cast %broadcast_in_dim3A_295 : vector<16xi32> to vector<16x1xi32>
          %gather3A_297 = vector.shape_cast %broadcast_in_dim3A_296 : vector<16x1xi32> to vector<16xi32>
          %gather3A_298 = tpu.dynamic_gather %get3A_168[%gather3A_297] in [0] : vector<16xf32>, vector<16xi32> -> vector<16xf32>
          %broadcast_in_dim3A_299 = vector.shape_cast %broadcast_in_dim3A_295 : vector<16xi32> to vector<16x1xi32>
          %gather3A_300 = vector.shape_cast %broadcast_in_dim3A_299 : vector<16x1xi32> to vector<16xi32>
          %gather3A_301 = tpu.dynamic_gather %get3A_170[%gather3A_300] in [0] : vector<16xf32>, vector<16xi32> -> vector<16xf32>
          %broadcast_in_dim3A_302 = vector.shape_cast %broadcast_in_dim3A_295 : vector<16xi32> to vector<16x1xi32>
          %gather3A_303 = vector.shape_cast %broadcast_in_dim3A_302 : vector<16x1xi32> to vector<16xi32>
          %gather3A_304 = tpu.dynamic_gather %get3A_172[%gather3A_303] in [0] : vector<16xf32>, vector<16xi32> -> vector<16xf32>
          %get3A_305 = arith.index_cast %add3A_293 : i32 to index
          %get3A_306 = arith.constant 0 : index
          %get3A_307 = tpu.vector_load %arg34[%get3A_305, %get3A_306] {strides = array<i32>} : memref<800x16xf32, #tpu.memory_space<vmem>>, vector<16xf32>,
          %mul3A_308 = arith.mulf %gather3A_298, %get3A_307 : vector<16xf32>
          %get3A_309 = arith.index_cast %add3A_293 : i32 to index
          %get3A_310 = arith.constant 0 : index
          %get3A_311 = tpu.vector_load %arg35[%get3A_309, %get3A_310] {strides = array<i32>} : memref<800x16xf32, #tpu.memory_space<vmem>>, vector<16xf32>,
          %mul3A_312 = arith.mulf %gather3A_301, %get3A_311 : vector<16xf32>
          %add3A_313 = arith.addf %mul3A_308, %mul3A_312 : vector<16xf32>
          %get3A_314 = arith.index_cast %add3A_293 : i32 to index
          %get3A_315 = arith.constant 0 : index
          %get3A_316 = tpu.vector_load %arg36[%get3A_314, %get3A_315] {strides = array<i32>} : memref<800x16xf32, #tpu.memory_space<vmem>>, vector<16xf32>,
          %mul3A_317 = arith.mulf %gather3A_304, %get3A_316 : vector<16xf32>
          %add3A_318 = arith.addf %add3A_313, %mul3A_317 : vector<16xf32>
          %swap3A_319 = arith.index_cast %add3A_293 : i32 to index
          %swap3A_320 = arith.constant 0 : index
          %swap3A_321 = tpu.vector_load %arg40[%swap3A_319, %swap3A_320] {strides = array<i32>} : memref<800x19xf32, #tpu.memory_space<vmem>>, vector<16xf32>,
          tpu.vector_store %arg40[%swap3A_319, %swap3A_320], %add3A_318 {strides = array<i32>} : memref<800x19xf32, #tpu.memory_space<vmem>>, vector<16xf32>,
          %add3A_322 = arith.constant 5 : i32
          %add3A_323 = arith.addi %mul3A_174, %add3A_322 : i32
          %broadcast_in_dim3A_324 = arith.constant 5 : i32
          %broadcast_in_dim3A_325 = vector.broadcast %broadcast_in_dim3A_324 : i32 to vector<16xi32>
          %broadcast_in_dim3A_326 = vector.shape_cast %broadcast_in_dim3A_325 : vector<16xi32> to vector<16x1xi32>
          %gather3A_327 = vector.shape_cast %broadcast_in_dim3A_326 : vector<16x1xi32> to vector<16xi32>
          %gather3A_328 = tpu.dynamic_gather %get3A_168[%gather3A_327] in [0] : vector<16xf32>, vector<16xi32> -> vector<16xf32>
          %broadcast_in_dim3A_329 = vector.shape_cast %broadcast_in_dim3A_325 : vector<16xi32> to vector<16x1xi32>
          %gather3A_330 = vector.shape_cast %broadcast_in_dim3A_329 : vector<16x1xi32> to vector<16xi32>
          %gather3A_331 = tpu.dynamic_gather %get3A_170[%gather3A_330] in [0] : vector<16xf32>, vector<16xi32> -> vector<16xf32>
          %broadcast_in_dim3A_332 = vector.shape_cast %broadcast_in_dim3A_325 : vector<16xi32> to vector<16x1xi32>
          %gather3A_333 = vector.shape_cast %broadcast_in_dim3A_332 : vector<16x1xi32> to vector<16xi32>
          %gather3A_334 = tpu.dynamic_gather %get3A_172[%gather3A_333] in [0] : vector<16xf32>, vector<16xi32> -> vector<16xf32>
          %get3A_335 = arith.index_cast %add3A_323 : i32 to index
          %get3A_336 = arith.constant 0 : index
          %get3A_337 = tpu.vector_load %arg34[%get3A_335, %get3A_336] {strides = array<i32>} : memref<800x16xf32, #tpu.memory_space<vmem>>, vector<16xf32>,
          %mul3A_338 = arith.mulf %gather3A_328, %get3A_337 : vector<16xf32>
          %get3A_339 = arith.index_cast %add3A_323 : i32 to index
          %get3A_340 = arith.constant 0 : index
          %get3A_341 = tpu.vector_load %arg35[%get3A_339, %get3A_340] {strides = array<i32>} : memref<800x16xf32, #tpu.memory_space<vmem>>, vector<16xf32>,
          %mul3A_342 = arith.mulf %gather3A_331, %get3A_341 : vector<16xf32>
          %add3A_343 = arith.addf %mul3A_338, %mul3A_342 : vector<16xf32>
          %get3A_344 = arith.index_cast %add3A_323 : i32 to index
          %get3A_345 = arith.constant 0 : index
          %get3A_346 = tpu.vector_load %arg36[%get3A_344, %get3A_345] {strides = array<i32>} : memref<800x16xf32, #tpu.memory_space<vmem>>, vector<16xf32>,
          %mul3A_347 = arith.mulf %gather3A_334, %get3A_346 : vector<16xf32>
          %add3A_348 = arith.addf %add3A_343, %mul3A_347 : vector<16xf32>
          %swap3A_349 = arith.index_cast %add3A_323 : i32 to index
          %swap3A_350 = arith.constant 0 : index
          %swap3A_351 = tpu.vector_load %arg40[%swap3A_349, %swap3A_350] {strides = array<i32>} : memref<800x19xf32, #tpu.memory_space<vmem>>, vector<16xf32>,
          tpu.vector_store %arg40[%swap3A_349, %swap3A_350], %add3A_348 {strides = array<i32>} : memref<800x19xf32, #tpu.memory_space<vmem>>, vector<16xf32>,
          %add3A_352 = arith.constant 6 : i32
          %add3A_353 = arith.addi %mul3A_174, %add3A_352 : i32
          %broadcast_in_dim3A_354 = arith.constant 6 : i32
          %broadcast_in_dim3A_355 = vector.broadcast %broadcast_in_dim3A_354 : i32 to vector<16xi32>
          %broadcast_in_dim3A_356 = vector.shape_cast %broadcast_in_dim3A_355 : vector<16xi32> to vector<16x1xi32>
          %gather3A_357 = vector.shape_cast %broadcast_in_dim3A_356 : vector<16x1xi32> to vector<16xi32>
          %gather3A_358 = tpu.dynamic_gather %get3A_168[%gather3A_357] in [0] : vector<16xf32>, vector<16xi32> -> vector<16xf32>
          %broadcast_in_dim3A_359 = vector.shape_cast %broadcast_in_dim3A_355 : vector<16xi32> to vector<16x1xi32>
          %gather3A_360 = vector.shape_cast %broadcast_in_dim3A_359 : vector<16x1xi32> to vector<16xi32>
          %gather3A_361 = tpu.dynamic_gather %get3A_170[%gather3A_360] in [0] : vector<16xf32>, vector<16xi32> -> vector<16xf32>
          %broadcast_in_dim3A_362 = vector.shape_cast %broadcast_in_dim3A_355 : vector<16xi32> to vector<16x1xi32>
          %gather3A_363 = vector.shape_cast %broadcast_in_dim3A_362 : vector<16x1xi32> to vector<16xi32>
          %gather3A_364 = tpu.dynamic_gather %get3A_172[%gather3A_363] in [0] : vector<16xf32>, vector<16xi32> -> vector<16xf32>
          %get3A_365 = arith.index_cast %add3A_353 : i32 to index
          %get3A_366 = arith.constant 0 : index
          %get3A_367 = tpu.vector_load %arg34[%get3A_365, %get3A_366] {strides = array<i32>} : memref<800x16xf32, #tpu.memory_space<vmem>>, vector<16xf32>,
          %mul3A_368 = arith.mulf %gather3A_358, %get3A_367 : vector<16xf32>
          %get3A_369 = arith.index_cast %add3A_353 : i32 to index
          %get3A_370 = arith.constant 0 : index
          %get3A_371 = tpu.vector_load %arg35[%get3A_369, %get3A_370] {strides = array<i32>} : memref<800x16xf32, #tpu.memory_space<vmem>>, vector<16xf32>,
          %mul3A_372 = arith.mulf %gather3A_361, %get3A_371 : vector<16xf32>
          %add3A_373 = arith.addf %mul3A_368, %mul3A_372 : vector<16xf32>
          %get3A_374 = arith.index_cast %add3A_353 : i32 to index
          %get3A_375 = arith.constant 0 : index
          %get3A_376 = tpu.vector_load %arg36[%get3A_374, %get3A_375] {strides = array<i32>} : memref<800x16xf32, #tpu.memory_space<vmem>>, vector<16xf32>,
          %mul3A_377 = arith.mulf %gather3A_364, %get3A_376 : vector<16xf32>
          %add3A_378 = arith.addf %add3A_373, %mul3A_377 : vector<16xf32>
          %swap3A_379 = arith.index_cast %add3A_353 : i32 to index
          %swap3A_380 = arith.constant 0 : index
          %swap3A_381 = tpu.vector_load %arg40[%swap3A_379, %swap3A_380] {strides = array<i32>} : memref<800x19xf32, #tpu.memory_space<vmem>>, vector<16xf32>,
          tpu.vector_store %arg40[%swap3A_379, %swap3A_380], %add3A_378 {strides = array<i32>} : memref<800x19xf32, #tpu.memory_space<vmem>>, vector<16xf32>,
          %add3A_382 = arith.constant 7 : i32
          %add3A_383 = arith.addi %mul3A_174, %add3A_382 : i32
          %broadcast_in_dim3A_384 = arith.constant 7 : i32
          %broadcast_in_dim3A_385 = vector.broadcast %broadcast_in_dim3A_384 : i32 to vector<16xi32>
          %broadcast_in_dim3A_386 = vector.shape_cast %broadcast_in_dim3A_385 : vector<16xi32> to vector<16x1xi32>
          %gather3A_387 = vector.shape_cast %broadcast_in_dim3A_386 : vector<16x1xi32> to vector<16xi32>
          %gather3A_388 = tpu.dynamic_gather %get3A_168[%gather3A_387] in [0] : vector<16xf32>, vector<16xi32> -> vector<16xf32>
          %broadcast_in_dim3A_389 = vector.shape_cast %broadcast_in_dim3A_385 : vector<16xi32> to vector<16x1xi32>
          %gather3A_390 = vector.shape_cast %broadcast_in_dim3A_389 : vector<16x1xi32> to vector<16xi32>
          %gather3A_391 = tpu.dynamic_gather %get3A_170[%gather3A_390] in [0] : vector<16xf32>, vector<16xi32> -> vector<16xf32>
          %broadcast_in_dim3A_392 = vector.shape_cast %broadcast_in_dim3A_385 : vector<16xi32> to vector<16x1xi32>
          %gather3A_393 = vector.shape_cast %broadcast_in_dim3A_392 : vector<16x1xi32> to vector<16xi32>
          %gather3A_394 = tpu.dynamic_gather %get3A_172[%gather3A_393] in [0] : vector<16xf32>, vector<16xi32> -> vector<16xf32>
          %get3A_395 = arith.index_cast %add3A_383 : i32 to index
          %get3A_396 = arith.constant 0 : index
          %get3A_397 = tpu.vector_load %arg34[%get3A_395, %get3A_396] {strides = array<i32>} : memref<800x16xf32, #tpu.memory_space<vmem>>, vector<16xf32>,
          %mul3A_398 = arith.mulf %gather3A_388, %get3A_397 : vector<16xf32>
          %get3A_399 = arith.index_cast %add3A_383 : i32 to index
          %get3A_400 = arith.constant 0 : index
          %get3A_401 = tpu.vector_load %arg35[%get3A_399, %get3A_400] {strides = array<i32>} : memref<800x16xf32, #tpu.memory_space<vmem>>, vector<16xf32>,
          %mul3A_402 = arith.mulf %gather3A_391, %get3A_401 : vector<16xf32>
          %add3A_403 = arith.addf %mul3A_398, %mul3A_402 : vector<16xf32>
          %get3A_404 = arith.index_cast %add3A_383 : i32 to index
          %get3A_405 = arith.constant 0 : index
          %get3A_406 = tpu.vector_load %arg36[%get3A_404, %get3A_405] {strides = array<i32>} : memref<800x16xf32, #tpu.memory_space<vmem>>, vector<16xf32>,
          %mul3A_407 = arith.mulf %gather3A_394, %get3A_406 : vector<16xf32>
          %add3A_408 = arith.addf %add3A_403, %mul3A_407 : vector<16xf32>
          %swap3A_409 = arith.index_cast %add3A_383 : i32 to index
          %swap3A_410 = arith.constant 0 : index
          %swap3A_411 = tpu.vector_load %arg40[%swap3A_409, %swap3A_410] {strides = array<i32>} : memref<800x19xf32, #tpu.memory_space<vmem>>, vector<16xf32>,
          tpu.vector_store %arg40[%swap3A_409, %swap3A_410], %add3A_408 {strides = array<i32>} : memref<800x19xf32, #tpu.memory_space<vmem>>, vector<16xf32>,
          %add3A_412 = arith.constant 8 : i32
          %add3A_413 = arith.addi %mul3A_174, %add3A_412 : i32
          %broadcast_in_dim3A_414 = arith.constant 8 : i32
          %broadcast_in_dim3A_415 = vector.broadcast %broadcast_in_dim3A_414 : i32 to vector<16xi32>
          %broadcast_in_dim3A_416 = vector.shape_cast %broadcast_in_dim3A_415 : vector<16xi32> to vector<16x1xi32>
          %gather3A_417 = vector.shape_cast %broadcast_in_dim3A_416 : vector<16x1xi32> to vector<16xi32>
          %gather3A_418 = tpu.dynamic_gather %get3A_168[%gather3A_417] in [0] : vector<16xf32>, vector<16xi32> -> vector<16xf32>
          %broadcast_in_dim3A_419 = vector.shape_cast %broadcast_in_dim3A_415 : vector<16xi32> to vector<16x1xi32>
          %gather3A_420 = vector.shape_cast %broadcast_in_dim3A_419 : vector<16x1xi32> to vector<16xi32>
          %gather3A_421 = tpu.dynamic_gather %get3A_170[%gather3A_420] in [0] : vector<16xf32>, vector<16xi32> -> vector<16xf32>
          %broadcast_in_dim3A_422 = vector.shape_cast %broadcast_in_dim3A_415 : vector<16xi32> to vector<16x1xi32>
          %gather3A_423 = vector.shape_cast %broadcast_in_dim3A_422 : vector<16x1xi32> to vector<16xi32>
          %gather3A_424 = tpu.dynamic_gather %get3A_172[%gather3A_423] in [0] : vector<16xf32>, vector<16xi32> -> vector<16xf32>
          %get3A_425 = arith.index_cast %add3A_413 : i32 to index
          %get3A_426 = arith.constant 0 : index
          %get3A_427 = tpu.vector_load %arg34[%get3A_425, %get3A_426] {strides = array<i32>} : memref<800x16xf32, #tpu.memory_space<vmem>>, vector<16xf32>,
          %mul3A_428 = arith.mulf %gather3A_418, %get3A_427 : vector<16xf32>
          %get3A_429 = arith.index_cast %add3A_413 : i32 to index
          %get3A_430 = arith.constant 0 : index
          %get3A_431 = tpu.vector_load %arg35[%get3A_429, %get3A_430] {strides = array<i32>} : memref<800x16xf32, #tpu.memory_space<vmem>>, vector<16xf32>,
          %mul3A_432 = arith.mulf %gather3A_421, %get3A_431 : vector<16xf32>
          %add3A_433 = arith.addf %mul3A_428, %mul3A_432 : vector<16xf32>
          %get3A_434 = arith.index_cast %add3A_413 : i32 to index
          %get3A_435 = arith.constant 0 : index
          %get3A_436 = tpu.vector_load %arg36[%get3A_434, %get3A_435] {strides = array<i32>} : memref<800x16xf32, #tpu.memory_space<vmem>>, vector<16xf32>,
          %mul3A_437 = arith.mulf %gather3A_424, %get3A_436 : vector<16xf32>
          %add3A_438 = arith.addf %add3A_433, %mul3A_437 : vector<16xf32>
          %swap3A_439 = arith.index_cast %add3A_413 : i32 to index
          %swap3A_440 = arith.constant 0 : index
          %swap3A_441 = tpu.vector_load %arg40[%swap3A_439, %swap3A_440] {strides = array<i32>} : memref<800x19xf32, #tpu.memory_space<vmem>>, vector<16xf32>,
          tpu.vector_store %arg40[%swap3A_439, %swap3A_440], %add3A_438 {strides = array<i32>} : memref<800x19xf32, #tpu.memory_space<vmem>>, vector<16xf32>,
          %add3A_442 = arith.constant 9 : i32
          %add3A_443 = arith.addi %mul3A_174, %add3A_442 : i32
          %broadcast_in_dim3A_444 = arith.constant 9 : i32
          %broadcast_in_dim3A_445 = vector.broadcast %broadcast_in_dim3A_444 : i32 to vector<16xi32>
          %broadcast_in_dim3A_446 = vector.shape_cast %broadcast_in_dim3A_445 : vector<16xi32> to vector<16x1xi32>
          %gather3A_447 = vector.shape_cast %broadcast_in_dim3A_446 : vector<16x1xi32> to vector<16xi32>
          %gather3A_448 = tpu.dynamic_gather %get3A_168[%gather3A_447] in [0] : vector<16xf32>, vector<16xi32> -> vector<16xf32>
          %broadcast_in_dim3A_449 = vector.shape_cast %broadcast_in_dim3A_445 : vector<16xi32> to vector<16x1xi32>
          %gather3A_450 = vector.shape_cast %broadcast_in_dim3A_449 : vector<16x1xi32> to vector<16xi32>
          %gather3A_451 = tpu.dynamic_gather %get3A_170[%gather3A_450] in [0] : vector<16xf32>, vector<16xi32> -> vector<16xf32>
          %broadcast_in_dim3A_452 = vector.shape_cast %broadcast_in_dim3A_445 : vector<16xi32> to vector<16x1xi32>
          %gather3A_453 = vector.shape_cast %broadcast_in_dim3A_452 : vector<16x1xi32> to vector<16xi32>
          %gather3A_454 = tpu.dynamic_gather %get3A_172[%gather3A_453] in [0] : vector<16xf32>, vector<16xi32> -> vector<16xf32>
          %get3A_455 = arith.index_cast %add3A_443 : i32 to index
          %get3A_456 = arith.constant 0 : index
          %get3A_457 = tpu.vector_load %arg34[%get3A_455, %get3A_456] {strides = array<i32>} : memref<800x16xf32, #tpu.memory_space<vmem>>, vector<16xf32>,
          %mul3A_458 = arith.mulf %gather3A_448, %get3A_457 : vector<16xf32>
          %get3A_459 = arith.index_cast %add3A_443 : i32 to index
          %get3A_460 = arith.constant 0 : index
          %get3A_461 = tpu.vector_load %arg35[%get3A_459, %get3A_460] {strides = array<i32>} : memref<800x16xf32, #tpu.memory_space<vmem>>, vector<16xf32>,
          %mul3A_462 = arith.mulf %gather3A_451, %get3A_461 : vector<16xf32>
          %add3A_463 = arith.addf %mul3A_458, %mul3A_462 : vector<16xf32>
          %get3A_464 = arith.index_cast %add3A_443 : i32 to index
          %get3A_465 = arith.constant 0 : index
          %get3A_466 = tpu.vector_load %arg36[%get3A_464, %get3A_465] {strides = array<i32>} : memref<800x16xf32, #tpu.memory_space<vmem>>, vector<16xf32>,
          %mul3A_467 = arith.mulf %gather3A_454, %get3A_466 : vector<16xf32>
          %add3A_468 = arith.addf %add3A_463, %mul3A_467 : vector<16xf32>
          %swap3A_469 = arith.index_cast %add3A_443 : i32 to index
          %swap3A_470 = arith.constant 0 : index
          %swap3A_471 = tpu.vector_load %arg40[%swap3A_469, %swap3A_470] {strides = array<i32>} : memref<800x19xf32, #tpu.memory_space<vmem>>, vector<16xf32>,
          tpu.vector_store %arg40[%swap3A_469, %swap3A_470], %add3A_468 {strides = array<i32>} : memref<800x19xf32, #tpu.memory_space<vmem>>, vector<16xf32>,
          %add3A_472 = arith.constant 10 : i32
          %add3A_473 = arith.addi %mul3A_174, %add3A_472 : i32
          %broadcast_in_dim3A_474 = arith.constant 10 : i32
          %broadcast_in_dim3A_475 = vector.broadcast %broadcast_in_dim3A_474 : i32 to vector<16xi32>
          %broadcast_in_dim3A_476 = vector.shape_cast %broadcast_in_dim3A_475 : vector<16xi32> to vector<16x1xi32>
          %gather3A_477 = vector.shape_cast %broadcast_in_dim3A_476 : vector<16x1xi32> to vector<16xi32>
          %gather3A_478 = tpu.dynamic_gather %get3A_168[%gather3A_477] in [0] : vector<16xf32>, vector<16xi32> -> vector<16xf32>
          %broadcast_in_dim3A_479 = vector.shape_cast %broadcast_in_dim3A_475 : vector<16xi32> to vector<16x1xi32>
          %gather3A_480 = vector.shape_cast %broadcast_in_dim3A_479 : vector<16x1xi32> to vector<16xi32>
          %gather3A_481 = tpu.dynamic_gather %get3A_170[%gather3A_480] in [0] : vector<16xf32>, vector<16xi32> -> vector<16xf32>
          %broadcast_in_dim3A_482 = vector.shape_cast %broadcast_in_dim3A_475 : vector<16xi32> to vector<16x1xi32>
          %gather3A_483 = vector.shape_cast %broadcast_in_dim3A_482 : vector<16x1xi32> to vector<16xi32>
          %gather3A_484 = tpu.dynamic_gather %get3A_172[%gather3A_483] in [0] : vector<16xf32>, vector<16xi32> -> vector<16xf32>
          %get3A_485 = arith.index_cast %add3A_473 : i32 to index
          %get3A_486 = arith.constant 0 : index
          %get3A_487 = tpu.vector_load %arg34[%get3A_485, %get3A_486] {strides = array<i32>} : memref<800x16xf32, #tpu.memory_space<vmem>>, vector<16xf32>,
          %mul3A_488 = arith.mulf %gather3A_478, %get3A_487 : vector<16xf32>
          %get3A_489 = arith.index_cast %add3A_473 : i32 to index
          %get3A_490 = arith.constant 0 : index
          %get3A_491 = tpu.vector_load %arg35[%get3A_489, %get3A_490] {strides = array<i32>} : memref<800x16xf32, #tpu.memory_space<vmem>>, vector<16xf32>,
          %mul3A_492 = arith.mulf %gather3A_481, %get3A_491 : vector<16xf32>
          %add3A_493 = arith.addf %mul3A_488, %mul3A_492 : vector<16xf32>
          %get3A_494 = arith.index_cast %add3A_473 : i32 to index
          %get3A_495 = arith.constant 0 : index
          %get3A_496 = tpu.vector_load %arg36[%get3A_494, %get3A_495] {strides = array<i32>} : memref<800x16xf32, #tpu.memory_space<vmem>>, vector<16xf32>,
          %mul3A_497 = arith.mulf %gather3A_484, %get3A_496 : vector<16xf32>
          %add3A_498 = arith.addf %add3A_493, %mul3A_497 : vector<16xf32>
          %swap3A_499 = arith.index_cast %add3A_473 : i32 to index
          %swap3A_500 = arith.constant 0 : index
          %swap3A_501 = tpu.vector_load %arg40[%swap3A_499, %swap3A_500] {strides = array<i32>} : memref<800x19xf32, #tpu.memory_space<vmem>>, vector<16xf32>,
          tpu.vector_store %arg40[%swap3A_499, %swap3A_500], %add3A_498 {strides = array<i32>} : memref<800x19xf32, #tpu.memory_space<vmem>>, vector<16xf32>,
          %add3A_502 = arith.constant 11 : i32
          %add3A_503 = arith.addi %mul3A_174, %add3A_502 : i32
          %broadcast_in_dim3A_504 = arith.constant 11 : i32
          %broadcast_in_dim3A_505 = vector.broadcast %broadcast_in_dim3A_504 : i32 to vector<16xi32>
          %broadcast_in_dim3A_506 = vector.shape_cast %broadcast_in_dim3A_505 : vector<16xi32> to vector<16x1xi32>
          %gather3A_507 = vector.shape_cast %broadcast_in_dim3A_506 : vector<16x1xi32> to vector<16xi32>
          %gather3A_508 = tpu.dynamic_gather %get3A_168[%gather3A_507] in [0] : vector<16xf32>, vector<16xi32> -> vector<16xf32>
          %broadcast_in_dim3A_509 = vector.shape_cast %broadcast_in_dim3A_505 : vector<16xi32> to vector<16x1xi32>
          %gather3A_510 = vector.shape_cast %broadcast_in_dim3A_509 : vector<16x1xi32> to vector<16xi32>
          %gather3A_511 = tpu.dynamic_gather %get3A_170[%gather3A_510] in [0] : vector<16xf32>, vector<16xi32> -> vector<16xf32>
          %broadcast_in_dim3A_512 = vector.shape_cast %broadcast_in_dim3A_505 : vector<16xi32> to vector<16x1xi32>
          %gather3A_513 = vector.shape_cast %broadcast_in_dim3A_512 : vector<16x1xi32> to vector<16xi32>
          %gather3A_514 = tpu.dynamic_gather %get3A_172[%gather3A_513] in [0] : vector<16xf32>, vector<16xi32> -> vector<16xf32>
          %get3A_515 = arith.index_cast %add3A_503 : i32 to index
          %get3A_516 = arith.constant 0 : index
          %get3A_517 = tpu.vector_load %arg34[%get3A_515, %get3A_516] {strides = array<i32>} : memref<800x16xf32, #tpu.memory_space<vmem>>, vector<16xf32>,
          %mul3A_518 = arith.mulf %gather3A_508, %get3A_517 : vector<16xf32>
          %get3A_519 = arith.index_cast %add3A_503 : i32 to index
          %get3A_520 = arith.constant 0 : index
          %get3A_521 = tpu.vector_load %arg35[%get3A_519, %get3A_520] {strides = array<i32>} : memref<800x16xf32, #tpu.memory_space<vmem>>, vector<16xf32>,
          %mul3A_522 = arith.mulf %gather3A_511, %get3A_521 : vector<16xf32>
          %add3A_523 = arith.addf %mul3A_518, %mul3A_522 : vector<16xf32>
          %get3A_524 = arith.index_cast %add3A_503 : i32 to index
          %get3A_525 = arith.constant 0 : index
          %get3A_526 = tpu.vector_load %arg36[%get3A_524, %get3A_525] {strides = array<i32>} : memref<800x16xf32, #tpu.memory_space<vmem>>, vector<16xf32>,
          %mul3A_527 = arith.mulf %gather3A_514, %get3A_526 : vector<16xf32>
          %add3A_528 = arith.addf %add3A_523, %mul3A_527 : vector<16xf32>
          %swap3A_529 = arith.index_cast %add3A_503 : i32 to index
          %swap3A_530 = arith.constant 0 : index
          %swap3A_531 = tpu.vector_load %arg40[%swap3A_529, %swap3A_530] {strides = array<i32>} : memref<800x19xf32, #tpu.memory_space<vmem>>, vector<16xf32>,
          tpu.vector_store %arg40[%swap3A_529, %swap3A_530], %add3A_528 {strides = array<i32>} : memref<800x19xf32, #tpu.memory_space<vmem>>, vector<16xf32>,
          %add3A_532 = arith.constant 12 : i32
          %add3A_533 = arith.addi %mul3A_174, %add3A_532 : i32
          %broadcast_in_dim3A_534 = arith.constant 12 : i32
          %broadcast_in_dim3A_535 = vector.broadcast %broadcast_in_dim3A_534 : i32 to vector<16xi32>
          %broadcast_in_dim3A_536 = vector.shape_cast %broadcast_in_dim3A_535 : vector<16xi32> to vector<16x1xi32>
          %gather3A_537 = vector.shape_cast %broadcast_in_dim3A_536 : vector<16x1xi32> to vector<16xi32>
          %gather3A_538 = tpu.dynamic_gather %get3A_168[%gather3A_537] in [0] : vector<16xf32>, vector<16xi32> -> vector<16xf32>
          %broadcast_in_dim3A_539 = vector.shape_cast %broadcast_in_dim3A_535 : vector<16xi32> to vector<16x1xi32>
          %gather3A_540 = vector.shape_cast %broadcast_in_dim3A_539 : vector<16x1xi32> to vector<16xi32>
          %gather3A_541 = tpu.dynamic_gather %get3A_170[%gather3A_540] in [0] : vector<16xf32>, vector<16xi32> -> vector<16xf32>
          %broadcast_in_dim3A_542 = vector.shape_cast %broadcast_in_dim3A_535 : vector<16xi32> to vector<16x1xi32>
          %gather3A_543 = vector.shape_cast %broadcast_in_dim3A_542 : vector<16x1xi32> to vector<16xi32>
          %gather3A_544 = tpu.dynamic_gather %get3A_172[%gather3A_543] in [0] : vector<16xf32>, vector<16xi32> -> vector<16xf32>
          %get3A_545 = arith.index_cast %add3A_533 : i32 to index
          %get3A_546 = arith.constant 0 : index
          %get3A_547 = tpu.vector_load %arg34[%get3A_545, %get3A_546] {strides = array<i32>} : memref<800x16xf32, #tpu.memory_space<vmem>>, vector<16xf32>,
          %mul3A_548 = arith.mulf %gather3A_538, %get3A_547 : vector<16xf32>
          %get3A_549 = arith.index_cast %add3A_533 : i32 to index
          %get3A_550 = arith.constant 0 : index
          %get3A_551 = tpu.vector_load %arg35[%get3A_549, %get3A_550] {strides = array<i32>} : memref<800x16xf32, #tpu.memory_space<vmem>>, vector<16xf32>,
          %mul3A_552 = arith.mulf %gather3A_541, %get3A_551 : vector<16xf32>
          %add3A_553 = arith.addf %mul3A_548, %mul3A_552 : vector<16xf32>
          %get3A_554 = arith.index_cast %add3A_533 : i32 to index
          %get3A_555 = arith.constant 0 : index
          %get3A_556 = tpu.vector_load %arg36[%get3A_554, %get3A_555] {strides = array<i32>} : memref<800x16xf32, #tpu.memory_space<vmem>>, vector<16xf32>,
          %mul3A_557 = arith.mulf %gather3A_544, %get3A_556 : vector<16xf32>
          %add3A_558 = arith.addf %add3A_553, %mul3A_557 : vector<16xf32>
          %swap3A_559 = arith.index_cast %add3A_533 : i32 to index
          %swap3A_560 = arith.constant 0 : index
          %swap3A_561 = tpu.vector_load %arg40[%swap3A_559, %swap3A_560] {strides = array<i32>} : memref<800x19xf32, #tpu.memory_space<vmem>>, vector<16xf32>,
          tpu.vector_store %arg40[%swap3A_559, %swap3A_560], %add3A_558 {strides = array<i32>} : memref<800x19xf32, #tpu.memory_space<vmem>>, vector<16xf32>,
          %add3A_562 = arith.constant 13 : i32
          %add3A_563 = arith.addi %mul3A_174, %add3A_562 : i32
          %broadcast_in_dim3A_564 = arith.constant 13 : i32
          %broadcast_in_dim3A_565 = vector.broadcast %broadcast_in_dim3A_564 : i32 to vector<16xi32>
          %broadcast_in_dim3A_566 = vector.shape_cast %broadcast_in_dim3A_565 : vector<16xi32> to vector<16x1xi32>
          %gather3A_567 = vector.shape_cast %broadcast_in_dim3A_566 : vector<16x1xi32> to vector<16xi32>
          %gather3A_568 = tpu.dynamic_gather %get3A_168[%gather3A_567] in [0] : vector<16xf32>, vector<16xi32> -> vector<16xf32>
          %broadcast_in_dim3A_569 = vector.shape_cast %broadcast_in_dim3A_565 : vector<16xi32> to vector<16x1xi32>
          %gather3A_570 = vector.shape_cast %broadcast_in_dim3A_569 : vector<16x1xi32> to vector<16xi32>
          %gather3A_571 = tpu.dynamic_gather %get3A_170[%gather3A_570] in [0] : vector<16xf32>, vector<16xi32> -> vector<16xf32>
          %broadcast_in_dim3A_572 = vector.shape_cast %broadcast_in_dim3A_565 : vector<16xi32> to vector<16x1xi32>
          %gather3A_573 = vector.shape_cast %broadcast_in_dim3A_572 : vector<16x1xi32> to vector<16xi32>
          %gather3A_574 = tpu.dynamic_gather %get3A_172[%gather3A_573] in [0] : vector<16xf32>, vector<16xi32> -> vector<16xf32>
          %get3A_575 = arith.index_cast %add3A_563 : i32 to index
          %get3A_576 = arith.constant 0 : index
          %get3A_577 = tpu.vector_load %arg34[%get3A_575, %get3A_576] {strides = array<i32>} : memref<800x16xf32, #tpu.memory_space<vmem>>, vector<16xf32>,
          %mul3A_578 = arith.mulf %gather3A_568, %get3A_577 : vector<16xf32>
          %get3A_579 = arith.index_cast %add3A_563 : i32 to index
          %get3A_580 = arith.constant 0 : index
          %get3A_581 = tpu.vector_load %arg35[%get3A_579, %get3A_580] {strides = array<i32>} : memref<800x16xf32, #tpu.memory_space<vmem>>, vector<16xf32>,
          %mul3A_582 = arith.mulf %gather3A_571, %get3A_581 : vector<16xf32>
          %add3A_583 = arith.addf %mul3A_578, %mul3A_582 : vector<16xf32>
          %get3A_584 = arith.index_cast %add3A_563 : i32 to index
          %get3A_585 = arith.constant 0 : index
          %get3A_586 = tpu.vector_load %arg36[%get3A_584, %get3A_585] {strides = array<i32>} : memref<800x16xf32, #tpu.memory_space<vmem>>, vector<16xf32>,
          %mul3A_587 = arith.mulf %gather3A_574, %get3A_586 : vector<16xf32>
          %add3A_588 = arith.addf %add3A_583, %mul3A_587 : vector<16xf32>
          %swap3A_589 = arith.index_cast %add3A_563 : i32 to index
          %swap3A_590 = arith.constant 0 : index
          %swap3A_591 = tpu.vector_load %arg40[%swap3A_589, %swap3A_590] {strides = array<i32>} : memref<800x19xf32, #tpu.memory_space<vmem>>, vector<16xf32>,
          tpu.vector_store %arg40[%swap3A_589, %swap3A_590], %add3A_588 {strides = array<i32>} : memref<800x19xf32, #tpu.memory_space<vmem>>, vector<16xf32>,
          %add3A_592 = arith.constant 14 : i32
          %add3A_593 = arith.addi %mul3A_174, %add3A_592 : i32
          %broadcast_in_dim3A_594 = arith.constant 14 : i32
          %broadcast_in_dim3A_595 = vector.broadcast %broadcast_in_dim3A_594 : i32 to vector<16xi32>
          %broadcast_in_dim3A_596 = vector.shape_cast %broadcast_in_dim3A_595 : vector<16xi32> to vector<16x1xi32>
          %gather3A_597 = vector.shape_cast %broadcast_in_dim3A_596 : vector<16x1xi32> to vector<16xi32>
          %gather3A_598 = tpu.dynamic_gather %get3A_168[%gather3A_597] in [0] : vector<16xf32>, vector<16xi32> -> vector<16xf32>
          %broadcast_in_dim3A_599 = vector.shape_cast %broadcast_in_dim3A_595 : vector<16xi32> to vector<16x1xi32>
          %gather3A_600 = vector.shape_cast %broadcast_in_dim3A_599 : vector<16x1xi32> to vector<16xi32>
          %gather3A_601 = tpu.dynamic_gather %get3A_170[%gather3A_600] in [0] : vector<16xf32>, vector<16xi32> -> vector<16xf32>
          %broadcast_in_dim3A_602 = vector.shape_cast %broadcast_in_dim3A_595 : vector<16xi32> to vector<16x1xi32>
          %gather3A_603 = vector.shape_cast %broadcast_in_dim3A_602 : vector<16x1xi32> to vector<16xi32>
          %gather3A_604 = tpu.dynamic_gather %get3A_172[%gather3A_603] in [0] : vector<16xf32>, vector<16xi32> -> vector<16xf32>
          %get3A_605 = arith.index_cast %add3A_593 : i32 to index
          %get3A_606 = arith.constant 0 : index
          %get3A_607 = tpu.vector_load %arg34[%get3A_605, %get3A_606] {strides = array<i32>} : memref<800x16xf32, #tpu.memory_space<vmem>>, vector<16xf32>,
          %mul3A_608 = arith.mulf %gather3A_598, %get3A_607 : vector<16xf32>
          %get3A_609 = arith.index_cast %add3A_593 : i32 to index
          %get3A_610 = arith.constant 0 : index
          %get3A_611 = tpu.vector_load %arg35[%get3A_609, %get3A_610] {strides = array<i32>} : memref<800x16xf32, #tpu.memory_space<vmem>>, vector<16xf32>,
          %mul3A_612 = arith.mulf %gather3A_601, %get3A_611 : vector<16xf32>
          %add3A_613 = arith.addf %mul3A_608, %mul3A_612 : vector<16xf32>
          %get3A_614 = arith.index_cast %add3A_593 : i32 to index
          %get3A_615 = arith.constant 0 : index
          %get3A_616 = tpu.vector_load %arg36[%get3A_614, %get3A_615] {strides = array<i32>} : memref<800x16xf32, #tpu.memory_space<vmem>>, vector<16xf32>,
          %mul3A_617 = arith.mulf %gather3A_604, %get3A_616 : vector<16xf32>
          %add3A_618 = arith.addf %add3A_613, %mul3A_617 : vector<16xf32>
          %swap3A_619 = arith.index_cast %add3A_593 : i32 to index
          %swap3A_620 = arith.constant 0 : index
          %swap3A_621 = tpu.vector_load %arg40[%swap3A_619, %swap3A_620] {strides = array<i32>} : memref<800x19xf32, #tpu.memory_space<vmem>>, vector<16xf32>,
          tpu.vector_store %arg40[%swap3A_619, %swap3A_620], %add3A_618 {strides = array<i32>} : memref<800x19xf32, #tpu.memory_space<vmem>>, vector<16xf32>,
          %add3A_622 = arith.constant 15 : i32
          %add3A_623 = arith.addi %mul3A_174, %add3A_622 : i32
          %broadcast_in_dim3A_624 = arith.constant 15 : i32
          %broadcast_in_dim3A_625 = vector.broadcast %broadcast_in_dim3A_624 : i32 to vector<16xi32>
          %broadcast_in_dim3A_626 = vector.shape_cast %broadcast_in_dim3A_625 : vector<16xi32> to vector<16x1xi32>
          %gather3A_627 = vector.shape_cast %broadcast_in_dim3A_626 : vector<16x1xi32> to vector<16xi32>
          %gather3A_628 = tpu.dynamic_gather %get3A_168[%gather3A_627] in [0] : vector<16xf32>, vector<16xi32> -> vector<16xf32>
          %broadcast_in_dim3A_629 = vector.shape_cast %broadcast_in_dim3A_625 : vector<16xi32> to vector<16x1xi32>
          %gather3A_630 = vector.shape_cast %broadcast_in_dim3A_629 : vector<16x1xi32> to vector<16xi32>
          %gather3A_631 = tpu.dynamic_gather %get3A_170[%gather3A_630] in [0] : vector<16xf32>, vector<16xi32> -> vector<16xf32>
          %broadcast_in_dim3A_632 = vector.shape_cast %broadcast_in_dim3A_625 : vector<16xi32> to vector<16x1xi32>
          %gather3A_633 = vector.shape_cast %broadcast_in_dim3A_632 : vector<16x1xi32> to vector<16xi32>
          %gather3A_634 = tpu.dynamic_gather %get3A_172[%gather3A_633] in [0] : vector<16xf32>, vector<16xi32> -> vector<16xf32>
          %get3A_635 = arith.index_cast %add3A_623 : i32 to index
          %get3A_636 = arith.constant 0 : index
          %get3A_637 = tpu.vector_load %arg34[%get3A_635, %get3A_636] {strides = array<i32>} : memref<800x16xf32, #tpu.memory_space<vmem>>, vector<16xf32>,
          %mul3A_638 = arith.mulf %gather3A_628, %get3A_637 : vector<16xf32>
          %get3A_639 = arith.index_cast %add3A_623 : i32 to index
          %get3A_640 = arith.constant 0 : index
          %get3A_641 = tpu.vector_load %arg35[%get3A_639, %get3A_640] {strides = array<i32>} : memref<800x16xf32, #tpu.memory_space<vmem>>, vector<16xf32>,
          %mul3A_642 = arith.mulf %gather3A_631, %get3A_641 : vector<16xf32>
          %add3A_643 = arith.addf %mul3A_638, %mul3A_642 : vector<16xf32>
          %get3A_644 = arith.index_cast %add3A_623 : i32 to index
          %get3A_645 = arith.constant 0 : index
          %get3A_646 = tpu.vector_load %arg36[%get3A_644, %get3A_645] {strides = array<i32>} : memref<800x16xf32, #tpu.memory_space<vmem>>, vector<16xf32>,
          %mul3A_647 = arith.mulf %gather3A_634, %get3A_646 : vector<16xf32>
          %add3A_648 = arith.addf %add3A_643, %mul3A_647 : vector<16xf32>
          %swap3A_649 = arith.index_cast %add3A_623 : i32 to index
          %swap3A_650 = arith.constant 0 : index
          %swap3A_651 = tpu.vector_load %arg40[%swap3A_649, %swap3A_650] {strides = array<i32>} : memref<800x19xf32, #tpu.memory_space<vmem>>, vector<16xf32>,
          tpu.vector_store %arg40[%swap3A_649, %swap3A_650], %add3A_648 {strides = array<i32>} : memref<800x19xf32, #tpu.memory_space<vmem>>, vector<16xf32>,
          %iota3A = tpu.iota {dimensions = array<i32: 0>} : vector<16xi32>
          %add3A_652 = vector.broadcast %mul3A_174 : i32 to vector<16xi32>
          %add3A_653 = arith.addi %iota3A, %add3A_652 : vector<16xi32>
          %broadcast_in_dim3A_654 = arith.constant 16 : i32
          %broadcast_in_dim3A_655 = vector.broadcast %broadcast_in_dim3A_654 : i32 to vector<16xi32>
          %get3A_656 = arith.index_cast %mul3A_167 : i32 to index
          %get3A_657 = tpu.vector_load %arg19[%get3A_656] {strides = array<i32>} : memref<800xf32, #tpu.memory_space<vmem>>, vector<16xf32>,
          tpu.vector_store_idx %arg40[%add3A_653, %broadcast_in_dim3A_655], %get3A_657 : memref<800x19xf32, #tpu.memory_space<vmem>>[vector<16xi32>, vector<16xi32>], vector<16xf32>,
          %broadcast_in_dim3A_658 = arith.constant 17 : i32
          %broadcast_in_dim3A_659 = vector.broadcast %broadcast_in_dim3A_658 : i32 to vector<16xi32>
          %get3A_660 = arith.index_cast %mul3A_167 : i32 to index
          %get3A_661 = tpu.vector_load %arg20[%get3A_660] {strides = array<i32>} : memref<800xf32, #tpu.memory_space<vmem>>, vector<16xf32>,
          tpu.vector_store_idx %arg40[%add3A_653, %broadcast_in_dim3A_659], %get3A_661 : memref<800x19xf32, #tpu.memory_space<vmem>>[vector<16xi32>, vector<16xi32>], vector<16xf32>,
          %broadcast_in_dim3A_662 = arith.constant 18 : i32
          %broadcast_in_dim3A_663 = vector.broadcast %broadcast_in_dim3A_662 : i32 to vector<16xi32>
          %get3A_664 = arith.index_cast %mul3A_167 : i32 to index
          %get3A_665 = tpu.vector_load %arg21[%get3A_664] {strides = array<i32>} : memref<800xf32, #tpu.memory_space<vmem>>, vector<16xf32>,
          tpu.vector_store_idx %arg40[%add3A_653, %broadcast_in_dim3A_663], %get3A_665 : memref<800x19xf32, #tpu.memory_space<vmem>>[vector<16xi32>, vector<16xi32>], vector<16xf32>,
          %scan3A_666 = arith.constant 1 : i32
          %scan3A_667 = arith.addi %scan3A_165, %scan3A_666 : i32
          %mul3A_668 = arith.constant 16 : i32
          %mul3A_669 = arith.muli %scan3A_667, %mul3A_668 : i32
          %get3A_670 = arith.index_cast %mul3A_669 : i32 to index
          %get3A_671 = tpu.vector_load %arg16[%get3A_670] {strides = array<i32>} : memref<800xf32, #tpu.memory_space<vmem>>, vector<16xf32>,
          %get3A_672 = arith.index_cast %mul3A_669 : i32 to index
          %get3A_673 = tpu.vector_load %arg17[%get3A_672] {strides = array<i32>} : memref<800xf32, #tpu.memory_space<vmem>>, vector<16xf32>,
          %get3A_674 = arith.index_cast %mul3A_669 : i32 to index
          %get3A_675 = tpu.vector_load %arg18[%get3A_674] {strides = array<i32>} : memref<800xf32, #tpu.memory_space<vmem>>, vector<16xf32>,
          %mul3A_676 = arith.constant 16 : i32
          %mul3A_677 = arith.muli %scan3A_667, %mul3A_676 : i32
          %add3A_678 = arith.constant 0 : i32
          %add3A_679 = arith.addi %mul3A_677, %add3A_678 : i32
          %broadcast_in_dim3A_680 = arith.constant 0 : i32
          %broadcast_in_dim3A_681 = vector.broadcast %broadcast_in_dim3A_680 : i32 to vector<16xi32>
          %broadcast_in_dim3A_682 = vector.shape_cast %broadcast_in_dim3A_681 : vector<16xi32> to vector<16x1xi32>
          %gather3A_683 = vector.shape_cast %broadcast_in_dim3A_682 : vector<16x1xi32> to vector<16xi32>
          %gather3A_684 = tpu.dynamic_gather %get3A_671[%gather3A_683] in [0] : vector<16xf32>, vector<16xi32> -> vector<16xf32>
          %broadcast_in_dim3A_685 = vector.shape_cast %broadcast_in_dim3A_681 : vector<16xi32> to vector<16x1xi32>
          %gather3A_686 = vector.shape_cast %broadcast_in_dim3A_685 : vector<16x1xi32> to vector<16xi32>
          %gather3A_687 = tpu.dynamic_gather %get3A_673[%gather3A_686] in [0] : vector<16xf32>, vector<16xi32> -> vector<16xf32>
          %broadcast_in_dim3A_688 = vector.shape_cast %broadcast_in_dim3A_681 : vector<16xi32> to vector<16x1xi32>
          %gather3A_689 = vector.shape_cast %broadcast_in_dim3A_688 : vector<16x1xi32> to vector<16xi32>
          %gather3A_690 = tpu.dynamic_gather %get3A_675[%gather3A_689] in [0] : vector<16xf32>, vector<16xi32> -> vector<16xf32>
          %get3A_691 = arith.index_cast %add3A_679 : i32 to index
          %get3A_692 = arith.constant 0 : index
          %get3A_693 = tpu.vector_load %arg34[%get3A_691, %get3A_692] {strides = array<i32>} : memref<800x16xf32, #tpu.memory_space<vmem>>, vector<16xf32>,
          %mul3A_694 = arith.mulf %gather3A_684, %get3A_693 : vector<16xf32>
          %get3A_695 = arith.index_cast %add3A_679 : i32 to index
          %get3A_696 = arith.constant 0 : index
          %get3A_697 = tpu.vector_load %arg35[%get3A_695, %get3A_696] {strides = array<i32>} : memref<800x16xf32, #tpu.memory_space<vmem>>, vector<16xf32>,
          %mul3A_698 = arith.mulf %gather3A_687, %get3A_697 : vector<16xf32>
          %add3A_699 = arith.addf %mul3A_694, %mul3A_698 : vector<16xf32>
          %get3A_700 = arith.index_cast %add3A_679 : i32 to index
          %get3A_701 = arith.constant 0 : index
          %get3A_702 = tpu.vector_load %arg36[%get3A_700, %get3A_701] {strides = array<i32>} : memref<800x16xf32, #tpu.memory_space<vmem>>, vector<16xf32>,
          %mul3A_703 = arith.mulf %gather3A_690, %get3A_702 : vector<16xf32>
          %add3A_704 = arith.addf %add3A_699, %mul3A_703 : vector<16xf32>
          %swap3A_705 = arith.index_cast %add3A_679 : i32 to index
          %swap3A_706 = arith.constant 0 : index
          %swap3A_707 = tpu.vector_load %arg40[%swap3A_705, %swap3A_706] {strides = array<i32>} : memref<800x19xf32, #tpu.memory_space<vmem>>, vector<16xf32>,
          tpu.vector_store %arg40[%swap3A_705, %swap3A_706], %add3A_704 {strides = array<i32>} : memref<800x19xf32, #tpu.memory_space<vmem>>, vector<16xf32>,
          %add3A_708 = arith.constant 1 : i32
          %add3A_709 = arith.addi %mul3A_677, %add3A_708 : i32
          %broadcast_in_dim3A_710 = arith.constant 1 : i32
          %broadcast_in_dim3A_711 = vector.broadcast %broadcast_in_dim3A_710 : i32 to vector<16xi32>
          %broadcast_in_dim3A_712 = vector.shape_cast %broadcast_in_dim3A_711 : vector<16xi32> to vector<16x1xi32>
          %gather3A_713 = vector.shape_cast %broadcast_in_dim3A_712 : vector<16x1xi32> to vector<16xi32>
          %gather3A_714 = tpu.dynamic_gather %get3A_671[%gather3A_713] in [0] : vector<16xf32>, vector<16xi32> -> vector<16xf32>
          %broadcast_in_dim3A_715 = vector.shape_cast %broadcast_in_dim3A_711 : vector<16xi32> to vector<16x1xi32>
          %gather3A_716 = vector.shape_cast %broadcast_in_dim3A_715 : vector<16x1xi32> to vector<16xi32>
          %gather3A_717 = tpu.dynamic_gather %get3A_673[%gather3A_716] in [0] : vector<16xf32>, vector<16xi32> -> vector<16xf32>
          %broadcast_in_dim3A_718 = vector.shape_cast %broadcast_in_dim3A_711 : vector<16xi32> to vector<16x1xi32>
          %gather3A_719 = vector.shape_cast %broadcast_in_dim3A_718 : vector<16x1xi32> to vector<16xi32>
          %gather3A_720 = tpu.dynamic_gather %get3A_675[%gather3A_719] in [0] : vector<16xf32>, vector<16xi32> -> vector<16xf32>
          %get3A_721 = arith.index_cast %add3A_709 : i32 to index
          %get3A_722 = arith.constant 0 : index
          %get3A_723 = tpu.vector_load %arg34[%get3A_721, %get3A_722] {strides = array<i32>} : memref<800x16xf32, #tpu.memory_space<vmem>>, vector<16xf32>,
          %mul3A_724 = arith.mulf %gather3A_714, %get3A_723 : vector<16xf32>
          %get3A_725 = arith.index_cast %add3A_709 : i32 to index
          %get3A_726 = arith.constant 0 : index
          %get3A_727 = tpu.vector_load %arg35[%get3A_725, %get3A_726] {strides = array<i32>} : memref<800x16xf32, #tpu.memory_space<vmem>>, vector<16xf32>,
          %mul3A_728 = arith.mulf %gather3A_717, %get3A_727 : vector<16xf32>
          %add3A_729 = arith.addf %mul3A_724, %mul3A_728 : vector<16xf32>
          %get3A_730 = arith.index_cast %add3A_709 : i32 to index
          %get3A_731 = arith.constant 0 : index
          %get3A_732 = tpu.vector_load %arg36[%get3A_730, %get3A_731] {strides = array<i32>} : memref<800x16xf32, #tpu.memory_space<vmem>>, vector<16xf32>,
          %mul3A_733 = arith.mulf %gather3A_720, %get3A_732 : vector<16xf32>
          %add3A_734 = arith.addf %add3A_729, %mul3A_733 : vector<16xf32>
          %swap3A_735 = arith.index_cast %add3A_709 : i32 to index
          %swap3A_736 = arith.constant 0 : index
          %swap3A_737 = tpu.vector_load %arg40[%swap3A_735, %swap3A_736] {strides = array<i32>} : memref<800x19xf32, #tpu.memory_space<vmem>>, vector<16xf32>,
          tpu.vector_store %arg40[%swap3A_735, %swap3A_736], %add3A_734 {strides = array<i32>} : memref<800x19xf32, #tpu.memory_space<vmem>>, vector<16xf32>,
          %add3A_738 = arith.constant 2 : i32
          %add3A_739 = arith.addi %mul3A_677, %add3A_738 : i32
          %broadcast_in_dim3A_740 = arith.constant 2 : i32
          %broadcast_in_dim3A_741 = vector.broadcast %broadcast_in_dim3A_740 : i32 to vector<16xi32>
          %broadcast_in_dim3A_742 = vector.shape_cast %broadcast_in_dim3A_741 : vector<16xi32> to vector<16x1xi32>
          %gather3A_743 = vector.shape_cast %broadcast_in_dim3A_742 : vector<16x1xi32> to vector<16xi32>
          %gather3A_744 = tpu.dynamic_gather %get3A_671[%gather3A_743] in [0] : vector<16xf32>, vector<16xi32> -> vector<16xf32>
          %broadcast_in_dim3A_745 = vector.shape_cast %broadcast_in_dim3A_741 : vector<16xi32> to vector<16x1xi32>
          %gather3A_746 = vector.shape_cast %broadcast_in_dim3A_745 : vector<16x1xi32> to vector<16xi32>
          %gather3A_747 = tpu.dynamic_gather %get3A_673[%gather3A_746] in [0] : vector<16xf32>, vector<16xi32> -> vector<16xf32>
          %broadcast_in_dim3A_748 = vector.shape_cast %broadcast_in_dim3A_741 : vector<16xi32> to vector<16x1xi32>
          %gather3A_749 = vector.shape_cast %broadcast_in_dim3A_748 : vector<16x1xi32> to vector<16xi32>
          %gather3A_750 = tpu.dynamic_gather %get3A_675[%gather3A_749] in [0] : vector<16xf32>, vector<16xi32> -> vector<16xf32>
          %get3A_751 = arith.index_cast %add3A_739 : i32 to index
          %get3A_752 = arith.constant 0 : index
          %get3A_753 = tpu.vector_load %arg34[%get3A_751, %get3A_752] {strides = array<i32>} : memref<800x16xf32, #tpu.memory_space<vmem>>, vector<16xf32>,
          %mul3A_754 = arith.mulf %gather3A_744, %get3A_753 : vector<16xf32>
          %get3A_755 = arith.index_cast %add3A_739 : i32 to index
          %get3A_756 = arith.constant 0 : index
          %get3A_757 = tpu.vector_load %arg35[%get3A_755, %get3A_756] {strides = array<i32>} : memref<800x16xf32, #tpu.memory_space<vmem>>, vector<16xf32>,
          %mul3A_758 = arith.mulf %gather3A_747, %get3A_757 : vector<16xf32>
          %add3A_759 = arith.addf %mul3A_754, %mul3A_758 : vector<16xf32>
          %get3A_760 = arith.index_cast %add3A_739 : i32 to index
          %get3A_761 = arith.constant 0 : index
          %get3A_762 = tpu.vector_load %arg36[%get3A_760, %get3A_761] {strides = array<i32>} : memref<800x16xf32, #tpu.memory_space<vmem>>, vector<16xf32>,
          %mul3A_763 = arith.mulf %gather3A_750, %get3A_762 : vector<16xf32>
          %add3A_764 = arith.addf %add3A_759, %mul3A_763 : vector<16xf32>
          %swap3A_765 = arith.index_cast %add3A_739 : i32 to index
          %swap3A_766 = arith.constant 0 : index
          %swap3A_767 = tpu.vector_load %arg40[%swap3A_765, %swap3A_766] {strides = array<i32>} : memref<800x19xf32, #tpu.memory_space<vmem>>, vector<16xf32>,
          tpu.vector_store %arg40[%swap3A_765, %swap3A_766], %add3A_764 {strides = array<i32>} : memref<800x19xf32, #tpu.memory_space<vmem>>, vector<16xf32>,
          %add3A_768 = arith.constant 3 : i32
          %add3A_769 = arith.addi %mul3A_677, %add3A_768 : i32
          %broadcast_in_dim3A_770 = arith.constant 3 : i32
          %broadcast_in_dim3A_771 = vector.broadcast %broadcast_in_dim3A_770 : i32 to vector<16xi32>
          %broadcast_in_dim3A_772 = vector.shape_cast %broadcast_in_dim3A_771 : vector<16xi32> to vector<16x1xi32>
          %gather3A_773 = vector.shape_cast %broadcast_in_dim3A_772 : vector<16x1xi32> to vector<16xi32>
          %gather3A_774 = tpu.dynamic_gather %get3A_671[%gather3A_773] in [0] : vector<16xf32>, vector<16xi32> -> vector<16xf32>
          %broadcast_in_dim3A_775 = vector.shape_cast %broadcast_in_dim3A_771 : vector<16xi32> to vector<16x1xi32>
          %gather3A_776 = vector.shape_cast %broadcast_in_dim3A_775 : vector<16x1xi32> to vector<16xi32>
          %gather3A_777 = tpu.dynamic_gather %get3A_673[%gather3A_776] in [0] : vector<16xf32>, vector<16xi32> -> vector<16xf32>
          %broadcast_in_dim3A_778 = vector.shape_cast %broadcast_in_dim3A_771 : vector<16xi32> to vector<16x1xi32>
          %gather3A_779 = vector.shape_cast %broadcast_in_dim3A_778 : vector<16x1xi32> to vector<16xi32>
          %gather3A_780 = tpu.dynamic_gather %get3A_675[%gather3A_779] in [0] : vector<16xf32>, vector<16xi32> -> vector<16xf32>
          %get3A_781 = arith.index_cast %add3A_769 : i32 to index
          %get3A_782 = arith.constant 0 : index
          %get3A_783 = tpu.vector_load %arg34[%get3A_781, %get3A_782] {strides = array<i32>} : memref<800x16xf32, #tpu.memory_space<vmem>>, vector<16xf32>,
          %mul3A_784 = arith.mulf %gather3A_774, %get3A_783 : vector<16xf32>
          %get3A_785 = arith.index_cast %add3A_769 : i32 to index
          %get3A_786 = arith.constant 0 : index
          %get3A_787 = tpu.vector_load %arg35[%get3A_785, %get3A_786] {strides = array<i32>} : memref<800x16xf32, #tpu.memory_space<vmem>>, vector<16xf32>,
          %mul3A_788 = arith.mulf %gather3A_777, %get3A_787 : vector<16xf32>
          %add3A_789 = arith.addf %mul3A_784, %mul3A_788 : vector<16xf32>
          %get3A_790 = arith.index_cast %add3A_769 : i32 to index
          %get3A_791 = arith.constant 0 : index
          %get3A_792 = tpu.vector_load %arg36[%get3A_790, %get3A_791] {strides = array<i32>} : memref<800x16xf32, #tpu.memory_space<vmem>>, vector<16xf32>,
          %mul3A_793 = arith.mulf %gather3A_780, %get3A_792 : vector<16xf32>
          %add3A_794 = arith.addf %add3A_789, %mul3A_793 : vector<16xf32>
          %swap3A_795 = arith.index_cast %add3A_769 : i32 to index
          %swap3A_796 = arith.constant 0 : index
          %swap3A_797 = tpu.vector_load %arg40[%swap3A_795, %swap3A_796] {strides = array<i32>} : memref<800x19xf32, #tpu.memory_space<vmem>>, vector<16xf32>,
          tpu.vector_store %arg40[%swap3A_795, %swap3A_796], %add3A_794 {strides = array<i32>} : memref<800x19xf32, #tpu.memory_space<vmem>>, vector<16xf32>,
          %add3A_798 = arith.constant 4 : i32
          %add3A_799 = arith.addi %mul3A_677, %add3A_798 : i32
          %broadcast_in_dim3A_800 = arith.constant 4 : i32
          %broadcast_in_dim3A_801 = vector.broadcast %broadcast_in_dim3A_800 : i32 to vector<16xi32>
          %broadcast_in_dim3A_802 = vector.shape_cast %broadcast_in_dim3A_801 : vector<16xi32> to vector<16x1xi32>
          %gather3A_803 = vector.shape_cast %broadcast_in_dim3A_802 : vector<16x1xi32> to vector<16xi32>
          %gather3A_804 = tpu.dynamic_gather %get3A_671[%gather3A_803] in [0] : vector<16xf32>, vector<16xi32> -> vector<16xf32>
          %broadcast_in_dim3A_805 = vector.shape_cast %broadcast_in_dim3A_801 : vector<16xi32> to vector<16x1xi32>
          %gather3A_806 = vector.shape_cast %broadcast_in_dim3A_805 : vector<16x1xi32> to vector<16xi32>
          %gather3A_807 = tpu.dynamic_gather %get3A_673[%gather3A_806] in [0] : vector<16xf32>, vector<16xi32> -> vector<16xf32>
          %broadcast_in_dim3A_808 = vector.shape_cast %broadcast_in_dim3A_801 : vector<16xi32> to vector<16x1xi32>
          %gather3A_809 = vector.shape_cast %broadcast_in_dim3A_808 : vector<16x1xi32> to vector<16xi32>
          %gather3A_810 = tpu.dynamic_gather %get3A_675[%gather3A_809] in [0] : vector<16xf32>, vector<16xi32> -> vector<16xf32>
          %get3A_811 = arith.index_cast %add3A_799 : i32 to index
          %get3A_812 = arith.constant 0 : index
          %get3A_813 = tpu.vector_load %arg34[%get3A_811, %get3A_812] {strides = array<i32>} : memref<800x16xf32, #tpu.memory_space<vmem>>, vector<16xf32>,
          %mul3A_814 = arith.mulf %gather3A_804, %get3A_813 : vector<16xf32>
          %get3A_815 = arith.index_cast %add3A_799 : i32 to index
          %get3A_816 = arith.constant 0 : index
          %get3A_817 = tpu.vector_load %arg35[%get3A_815, %get3A_816] {strides = array<i32>} : memref<800x16xf32, #tpu.memory_space<vmem>>, vector<16xf32>,
          %mul3A_818 = arith.mulf %gather3A_807, %get3A_817 : vector<16xf32>
          %add3A_819 = arith.addf %mul3A_814, %mul3A_818 : vector<16xf32>
          %get3A_820 = arith.index_cast %add3A_799 : i32 to index
          %get3A_821 = arith.constant 0 : index
          %get3A_822 = tpu.vector_load %arg36[%get3A_820, %get3A_821] {strides = array<i32>} : memref<800x16xf32, #tpu.memory_space<vmem>>, vector<16xf32>,
          %mul3A_823 = arith.mulf %gather3A_810, %get3A_822 : vector<16xf32>
          %add3A_824 = arith.addf %add3A_819, %mul3A_823 : vector<16xf32>
          %swap3A_825 = arith.index_cast %add3A_799 : i32 to index
          %swap3A_826 = arith.constant 0 : index
          %swap3A_827 = tpu.vector_load %arg40[%swap3A_825, %swap3A_826] {strides = array<i32>} : memref<800x19xf32, #tpu.memory_space<vmem>>, vector<16xf32>,
          tpu.vector_store %arg40[%swap3A_825, %swap3A_826], %add3A_824 {strides = array<i32>} : memref<800x19xf32, #tpu.memory_space<vmem>>, vector<16xf32>,
          %add3A_828 = arith.constant 5 : i32
          %add3A_829 = arith.addi %mul3A_677, %add3A_828 : i32
          %broadcast_in_dim3A_830 = arith.constant 5 : i32
          %broadcast_in_dim3A_831 = vector.broadcast %broadcast_in_dim3A_830 : i32 to vector<16xi32>
          %broadcast_in_dim3A_832 = vector.shape_cast %broadcast_in_dim3A_831 : vector<16xi32> to vector<16x1xi32>
          %gather3A_833 = vector.shape_cast %broadcast_in_dim3A_832 : vector<16x1xi32> to vector<16xi32>
          %gather3A_834 = tpu.dynamic_gather %get3A_671[%gather3A_833] in [0] : vector<16xf32>, vector<16xi32> -> vector<16xf32>
          %broadcast_in_dim3A_835 = vector.shape_cast %broadcast_in_dim3A_831 : vector<16xi32> to vector<16x1xi32>
          %gather3A_836 = vector.shape_cast %broadcast_in_dim3A_835 : vector<16x1xi32> to vector<16xi32>
          %gather3A_837 = tpu.dynamic_gather %get3A_673[%gather3A_836] in [0] : vector<16xf32>, vector<16xi32> -> vector<16xf32>
          %broadcast_in_dim3A_838 = vector.shape_cast %broadcast_in_dim3A_831 : vector<16xi32> to vector<16x1xi32>
          %gather3A_839 = vector.shape_cast %broadcast_in_dim3A_838 : vector<16x1xi32> to vector<16xi32>
          %gather3A_840 = tpu.dynamic_gather %get3A_675[%gather3A_839] in [0] : vector<16xf32>, vector<16xi32> -> vector<16xf32>
          %get3A_841 = arith.index_cast %add3A_829 : i32 to index
          %get3A_842 = arith.constant 0 : index
          %get3A_843 = tpu.vector_load %arg34[%get3A_841, %get3A_842] {strides = array<i32>} : memref<800x16xf32, #tpu.memory_space<vmem>>, vector<16xf32>,
          %mul3A_844 = arith.mulf %gather3A_834, %get3A_843 : vector<16xf32>
          %get3A_845 = arith.index_cast %add3A_829 : i32 to index
          %get3A_846 = arith.constant 0 : index
          %get3A_847 = tpu.vector_load %arg35[%get3A_845, %get3A_846] {strides = array<i32>} : memref<800x16xf32, #tpu.memory_space<vmem>>, vector<16xf32>,
          %mul3A_848 = arith.mulf %gather3A_837, %get3A_847 : vector<16xf32>
          %add3A_849 = arith.addf %mul3A_844, %mul3A_848 : vector<16xf32>
          %get3A_850 = arith.index_cast %add3A_829 : i32 to index
          %get3A_851 = arith.constant 0 : index
          %get3A_852 = tpu.vector_load %arg36[%get3A_850, %get3A_851] {strides = array<i32>} : memref<800x16xf32, #tpu.memory_space<vmem>>, vector<16xf32>,
          %mul3A_853 = arith.mulf %gather3A_840, %get3A_852 : vector<16xf32>
          %add3A_854 = arith.addf %add3A_849, %mul3A_853 : vector<16xf32>
          %swap3A_855 = arith.index_cast %add3A_829 : i32 to index
          %swap3A_856 = arith.constant 0 : index
          %swap3A_857 = tpu.vector_load %arg40[%swap3A_855, %swap3A_856] {strides = array<i32>} : memref<800x19xf32, #tpu.memory_space<vmem>>, vector<16xf32>,
          tpu.vector_store %arg40[%swap3A_855, %swap3A_856], %add3A_854 {strides = array<i32>} : memref<800x19xf32, #tpu.memory_space<vmem>>, vector<16xf32>,
          %add3A_858 = arith.constant 6 : i32
          %add3A_859 = arith.addi %mul3A_677, %add3A_858 : i32
          %broadcast_in_dim3A_860 = arith.constant 6 : i32
          %broadcast_in_dim3A_861 = vector.broadcast %broadcast_in_dim3A_860 : i32 to vector<16xi32>
          %broadcast_in_dim3A_862 = vector.shape_cast %broadcast_in_dim3A_861 : vector<16xi32> to vector<16x1xi32>
          %gather3A_863 = vector.shape_cast %broadcast_in_dim3A_862 : vector<16x1xi32> to vector<16xi32>
          %gather3A_864 = tpu.dynamic_gather %get3A_671[%gather3A_863] in [0] : vector<16xf32>, vector<16xi32> -> vector<16xf32>
          %broadcast_in_dim3A_865 = vector.shape_cast %broadcast_in_dim3A_861 : vector<16xi32> to vector<16x1xi32>
          %gather3A_866 = vector.shape_cast %broadcast_in_dim3A_865 : vector<16x1xi32> to vector<16xi32>
          %gather3A_867 = tpu.dynamic_gather %get3A_673[%gather3A_866] in [0] : vector<16xf32>, vector<16xi32> -> vector<16xf32>
          %broadcast_in_dim3A_868 = vector.shape_cast %broadcast_in_dim3A_861 : vector<16xi32> to vector<16x1xi32>
          %gather3A_869 = vector.shape_cast %broadcast_in_dim3A_868 : vector<16x1xi32> to vector<16xi32>
          %gather3A_870 = tpu.dynamic_gather %get3A_675[%gather3A_869] in [0] : vector<16xf32>, vector<16xi32> -> vector<16xf32>
          %get3A_871 = arith.index_cast %add3A_859 : i32 to index
          %get3A_872 = arith.constant 0 : index
          %get3A_873 = tpu.vector_load %arg34[%get3A_871, %get3A_872] {strides = array<i32>} : memref<800x16xf32, #tpu.memory_space<vmem>>, vector<16xf32>,
          %mul3A_874 = arith.mulf %gather3A_864, %get3A_873 : vector<16xf32>
          %get3A_875 = arith.index_cast %add3A_859 : i32 to index
          %get3A_876 = arith.constant 0 : index
          %get3A_877 = tpu.vector_load %arg35[%get3A_875, %get3A_876] {strides = array<i32>} : memref<800x16xf32, #tpu.memory_space<vmem>>, vector<16xf32>,
          %mul3A_878 = arith.mulf %gather3A_867, %get3A_877 : vector<16xf32>
          %add3A_879 = arith.addf %mul3A_874, %mul3A_878 : vector<16xf32>
          %get3A_880 = arith.index_cast %add3A_859 : i32 to index
          %get3A_881 = arith.constant 0 : index
          %get3A_882 = tpu.vector_load %arg36[%get3A_880, %get3A_881] {strides = array<i32>} : memref<800x16xf32, #tpu.memory_space<vmem>>, vector<16xf32>,
          %mul3A_883 = arith.mulf %gather3A_870, %get3A_882 : vector<16xf32>
          %add3A_884 = arith.addf %add3A_879, %mul3A_883 : vector<16xf32>
          %swap3A_885 = arith.index_cast %add3A_859 : i32 to index
          %swap3A_886 = arith.constant 0 : index
          %swap3A_887 = tpu.vector_load %arg40[%swap3A_885, %swap3A_886] {strides = array<i32>} : memref<800x19xf32, #tpu.memory_space<vmem>>, vector<16xf32>,
          tpu.vector_store %arg40[%swap3A_885, %swap3A_886], %add3A_884 {strides = array<i32>} : memref<800x19xf32, #tpu.memory_space<vmem>>, vector<16xf32>,
          %add3A_888 = arith.constant 7 : i32
          %add3A_889 = arith.addi %mul3A_677, %add3A_888 : i32
          %broadcast_in_dim3A_890 = arith.constant 7 : i32
          %broadcast_in_dim3A_891 = vector.broadcast %broadcast_in_dim3A_890 : i32 to vector<16xi32>
          %broadcast_in_dim3A_892 = vector.shape_cast %broadcast_in_dim3A_891 : vector<16xi32> to vector<16x1xi32>
          %gather3A_893 = vector.shape_cast %broadcast_in_dim3A_892 : vector<16x1xi32> to vector<16xi32>
          %gather3A_894 = tpu.dynamic_gather %get3A_671[%gather3A_893] in [0] : vector<16xf32>, vector<16xi32> -> vector<16xf32>
          %broadcast_in_dim3A_895 = vector.shape_cast %broadcast_in_dim3A_891 : vector<16xi32> to vector<16x1xi32>
          %gather3A_896 = vector.shape_cast %broadcast_in_dim3A_895 : vector<16x1xi32> to vector<16xi32>
          %gather3A_897 = tpu.dynamic_gather %get3A_673[%gather3A_896] in [0] : vector<16xf32>, vector<16xi32> -> vector<16xf32>
          %broadcast_in_dim3A_898 = vector.shape_cast %broadcast_in_dim3A_891 : vector<16xi32> to vector<16x1xi32>
          %gather3A_899 = vector.shape_cast %broadcast_in_dim3A_898 : vector<16x1xi32> to vector<16xi32>
          %gather3A_900 = tpu.dynamic_gather %get3A_675[%gather3A_899] in [0] : vector<16xf32>, vector<16xi32> -> vector<16xf32>
          %get3A_901 = arith.index_cast %add3A_889 : i32 to index
          %get3A_902 = arith.constant 0 : index
          %get3A_903 = tpu.vector_load %arg34[%get3A_901, %get3A_902] {strides = array<i32>} : memref<800x16xf32, #tpu.memory_space<vmem>>, vector<16xf32>,
          %mul3A_904 = arith.mulf %gather3A_894, %get3A_903 : vector<16xf32>
          %get3A_905 = arith.index_cast %add3A_889 : i32 to index
          %get3A_906 = arith.constant 0 : index
          %get3A_907 = tpu.vector_load %arg35[%get3A_905, %get3A_906] {strides = array<i32>} : memref<800x16xf32, #tpu.memory_space<vmem>>, vector<16xf32>,
          %mul3A_908 = arith.mulf %gather3A_897, %get3A_907 : vector<16xf32>
          %add3A_909 = arith.addf %mul3A_904, %mul3A_908 : vector<16xf32>
          %get3A_910 = arith.index_cast %add3A_889 : i32 to index
          %get3A_911 = arith.constant 0 : index
          %get3A_912 = tpu.vector_load %arg36[%get3A_910, %get3A_911] {strides = array<i32>} : memref<800x16xf32, #tpu.memory_space<vmem>>, vector<16xf32>,
          %mul3A_913 = arith.mulf %gather3A_900, %get3A_912 : vector<16xf32>
          %add3A_914 = arith.addf %add3A_909, %mul3A_913 : vector<16xf32>
          %swap3A_915 = arith.index_cast %add3A_889 : i32 to index
          %swap3A_916 = arith.constant 0 : index
          %swap3A_917 = tpu.vector_load %arg40[%swap3A_915, %swap3A_916] {strides = array<i32>} : memref<800x19xf32, #tpu.memory_space<vmem>>, vector<16xf32>,
          tpu.vector_store %arg40[%swap3A_915, %swap3A_916], %add3A_914 {strides = array<i32>} : memref<800x19xf32, #tpu.memory_space<vmem>>, vector<16xf32>,
          %add3A_918 = arith.constant 8 : i32
          %add3A_919 = arith.addi %mul3A_677, %add3A_918 : i32
          %broadcast_in_dim3A_920 = arith.constant 8 : i32
          %broadcast_in_dim3A_921 = vector.broadcast %broadcast_in_dim3A_920 : i32 to vector<16xi32>
          %broadcast_in_dim3A_922 = vector.shape_cast %broadcast_in_dim3A_921 : vector<16xi32> to vector<16x1xi32>
          %gather3A_923 = vector.shape_cast %broadcast_in_dim3A_922 : vector<16x1xi32> to vector<16xi32>
          %gather3A_924 = tpu.dynamic_gather %get3A_671[%gather3A_923] in [0] : vector<16xf32>, vector<16xi32> -> vector<16xf32>
          %broadcast_in_dim3A_925 = vector.shape_cast %broadcast_in_dim3A_921 : vector<16xi32> to vector<16x1xi32>
          %gather3A_926 = vector.shape_cast %broadcast_in_dim3A_925 : vector<16x1xi32> to vector<16xi32>
          %gather3A_927 = tpu.dynamic_gather %get3A_673[%gather3A_926] in [0] : vector<16xf32>, vector<16xi32> -> vector<16xf32>
          %broadcast_in_dim3A_928 = vector.shape_cast %broadcast_in_dim3A_921 : vector<16xi32> to vector<16x1xi32>
          %gather3A_929 = vector.shape_cast %broadcast_in_dim3A_928 : vector<16x1xi32> to vector<16xi32>
          %gather3A_930 = tpu.dynamic_gather %get3A_675[%gather3A_929] in [0] : vector<16xf32>, vector<16xi32> -> vector<16xf32>
          %get3A_931 = arith.index_cast %add3A_919 : i32 to index
          %get3A_932 = arith.constant 0 : index
          %get3A_933 = tpu.vector_load %arg34[%get3A_931, %get3A_932] {strides = array<i32>} : memref<800x16xf32, #tpu.memory_space<vmem>>, vector<16xf32>,
          %mul3A_934 = arith.mulf %gather3A_924, %get3A_933 : vector<16xf32>
          %get3A_935 = arith.index_cast %add3A_919 : i32 to index
          %get3A_936 = arith.constant 0 : index
          %get3A_937 = tpu.vector_load %arg35[%get3A_935, %get3A_936] {strides = array<i32>} : memref<800x16xf32, #tpu.memory_space<vmem>>, vector<16xf32>,
          %mul3A_938 = arith.mulf %gather3A_927, %get3A_937 : vector<16xf32>
          %add3A_939 = arith.addf %mul3A_934, %mul3A_938 : vector<16xf32>
          %get3A_940 = arith.index_cast %add3A_919 : i32 to index
          %get3A_941 = arith.constant 0 : index
          %get3A_942 = tpu.vector_load %arg36[%get3A_940, %get3A_941] {strides = array<i32>} : memref<800x16xf32, #tpu.memory_space<vmem>>, vector<16xf32>,
          %mul3A_943 = arith.mulf %gather3A_930, %get3A_942 : vector<16xf32>
          %add3A_944 = arith.addf %add3A_939, %mul3A_943 : vector<16xf32>
          %swap3A_945 = arith.index_cast %add3A_919 : i32 to index
          %swap3A_946 = arith.constant 0 : index
          %swap3A_947 = tpu.vector_load %arg40[%swap3A_945, %swap3A_946] {strides = array<i32>} : memref<800x19xf32, #tpu.memory_space<vmem>>, vector<16xf32>,
          tpu.vector_store %arg40[%swap3A_945, %swap3A_946], %add3A_944 {strides = array<i32>} : memref<800x19xf32, #tpu.memory_space<vmem>>, vector<16xf32>,
          %add3A_948 = arith.constant 9 : i32
          %add3A_949 = arith.addi %mul3A_677, %add3A_948 : i32
          %broadcast_in_dim3A_950 = arith.constant 9 : i32
          %broadcast_in_dim3A_951 = vector.broadcast %broadcast_in_dim3A_950 : i32 to vector<16xi32>
          %broadcast_in_dim3A_952 = vector.shape_cast %broadcast_in_dim3A_951 : vector<16xi32> to vector<16x1xi32>
          %gather3A_953 = vector.shape_cast %broadcast_in_dim3A_952 : vector<16x1xi32> to vector<16xi32>
          %gather3A_954 = tpu.dynamic_gather %get3A_671[%gather3A_953] in [0] : vector<16xf32>, vector<16xi32> -> vector<16xf32>
          %broadcast_in_dim3A_955 = vector.shape_cast %broadcast_in_dim3A_951 : vector<16xi32> to vector<16x1xi32>
          %gather3A_956 = vector.shape_cast %broadcast_in_dim3A_955 : vector<16x1xi32> to vector<16xi32>
          %gather3A_957 = tpu.dynamic_gather %get3A_673[%gather3A_956] in [0] : vector<16xf32>, vector<16xi32> -> vector<16xf32>
          %broadcast_in_dim3A_958 = vector.shape_cast %broadcast_in_dim3A_951 : vector<16xi32> to vector<16x1xi32>
          %gather3A_959 = vector.shape_cast %broadcast_in_dim3A_958 : vector<16x1xi32> to vector<16xi32>
          %gather3A_960 = tpu.dynamic_gather %get3A_675[%gather3A_959] in [0] : vector<16xf32>, vector<16xi32> -> vector<16xf32>
          %get3A_961 = arith.index_cast %add3A_949 : i32 to index
          %get3A_962 = arith.constant 0 : index
          %get3A_963 = tpu.vector_load %arg34[%get3A_961, %get3A_962] {strides = array<i32>} : memref<800x16xf32, #tpu.memory_space<vmem>>, vector<16xf32>,
          %mul3A_964 = arith.mulf %gather3A_954, %get3A_963 : vector<16xf32>
          %get3A_965 = arith.index_cast %add3A_949 : i32 to index
          %get3A_966 = arith.constant 0 : index
          %get3A_967 = tpu.vector_load %arg35[%get3A_965, %get3A_966] {strides = array<i32>} : memref<800x16xf32, #tpu.memory_space<vmem>>, vector<16xf32>,
          %mul3A_968 = arith.mulf %gather3A_957, %get3A_967 : vector<16xf32>
          %add3A_969 = arith.addf %mul3A_964, %mul3A_968 : vector<16xf32>
          %get3A_970 = arith.index_cast %add3A_949 : i32 to index
          %get3A_971 = arith.constant 0 : index
          %get3A_972 = tpu.vector_load %arg36[%get3A_970, %get3A_971] {strides = array<i32>} : memref<800x16xf32, #tpu.memory_space<vmem>>, vector<16xf32>,
          %mul3A_973 = arith.mulf %gather3A_960, %get3A_972 : vector<16xf32>
          %add3A_974 = arith.addf %add3A_969, %mul3A_973 : vector<16xf32>
          %swap3A_975 = arith.index_cast %add3A_949 : i32 to index
          %swap3A_976 = arith.constant 0 : index
          %swap3A_977 = tpu.vector_load %arg40[%swap3A_975, %swap3A_976] {strides = array<i32>} : memref<800x19xf32, #tpu.memory_space<vmem>>, vector<16xf32>,
          tpu.vector_store %arg40[%swap3A_975, %swap3A_976], %add3A_974 {strides = array<i32>} : memref<800x19xf32, #tpu.memory_space<vmem>>, vector<16xf32>,
          %add3A_978 = arith.constant 10 : i32
          %add3A_979 = arith.addi %mul3A_677, %add3A_978 : i32
          %broadcast_in_dim3A_980 = arith.constant 10 : i32
          %broadcast_in_dim3A_981 = vector.broadcast %broadcast_in_dim3A_980 : i32 to vector<16xi32>
          %broadcast_in_dim3A_982 = vector.shape_cast %broadcast_in_dim3A_981 : vector<16xi32> to vector<16x1xi32>
          %gather3A_983 = vector.shape_cast %broadcast_in_dim3A_982 : vector<16x1xi32> to vector<16xi32>
          %gather3A_984 = tpu.dynamic_gather %get3A_671[%gather3A_983] in [0] : vector<16xf32>, vector<16xi32> -> vector<16xf32>
          %broadcast_in_dim3A_985 = vector.shape_cast %broadcast_in_dim3A_981 : vector<16xi32> to vector<16x1xi32>
          %gather3A_986 = vector.shape_cast %broadcast_in_dim3A_985 : vector<16x1xi32> to vector<16xi32>
          %gather3A_987 = tpu.dynamic_gather %get3A_673[%gather3A_986] in [0] : vector<16xf32>, vector<16xi32> -> vector<16xf32>
          %broadcast_in_dim3A_988 = vector.shape_cast %broadcast_in_dim3A_981 : vector<16xi32> to vector<16x1xi32>
          %gather3A_989 = vector.shape_cast %broadcast_in_dim3A_988 : vector<16x1xi32> to vector<16xi32>
          %gather3A_990 = tpu.dynamic_gather %get3A_675[%gather3A_989] in [0] : vector<16xf32>, vector<16xi32> -> vector<16xf32>
          %get3A_991 = arith.index_cast %add3A_979 : i32 to index
          %get3A_992 = arith.constant 0 : index
          %get3A_993 = tpu.vector_load %arg34[%get3A_991, %get3A_992] {strides = array<i32>} : memref<800x16xf32, #tpu.memory_space<vmem>>, vector<16xf32>,
          %mul3A_994 = arith.mulf %gather3A_984, %get3A_993 : vector<16xf32>
          %get3A_995 = arith.index_cast %add3A_979 : i32 to index
          %get3A_996 = arith.constant 0 : index
          %get3A_997 = tpu.vector_load %arg35[%get3A_995, %get3A_996] {strides = array<i32>} : memref<800x16xf32, #tpu.memory_space<vmem>>, vector<16xf32>,
          %mul3A_998 = arith.mulf %gather3A_987, %get3A_997 : vector<16xf32>
          %add3A_999 = arith.addf %mul3A_994, %mul3A_998 : vector<16xf32>
          %get3A_1000 = arith.index_cast %add3A_979 : i32 to index
          %get3A_1001 = arith.constant 0 : index
          %get3A_1002 = tpu.vector_load %arg36[%get3A_1000, %get3A_1001] {strides = array<i32>} : memref<800x16xf32, #tpu.memory_space<vmem>>, vector<16xf32>,
          %mul3A_1003 = arith.mulf %gather3A_990, %get3A_1002 : vector<16xf32>
          %add3A_1004 = arith.addf %add3A_999, %mul3A_1003 : vector<16xf32>
          %swap3A_1005 = arith.index_cast %add3A_979 : i32 to index
          %swap3A_1006 = arith.constant 0 : index
          %swap3A_1007 = tpu.vector_load %arg40[%swap3A_1005, %swap3A_1006] {strides = array<i32>} : memref<800x19xf32, #tpu.memory_space<vmem>>, vector<16xf32>,
          tpu.vector_store %arg40[%swap3A_1005, %swap3A_1006], %add3A_1004 {strides = array<i32>} : memref<800x19xf32, #tpu.memory_space<vmem>>, vector<16xf32>,
          %add3A_1008 = arith.constant 11 : i32
          %add3A_1009 = arith.addi %mul3A_677, %add3A_1008 : i32
          %broadcast_in_dim3A_1010 = arith.constant 11 : i32
          %broadcast_in_dim3A_1011 = vector.broadcast %broadcast_in_dim3A_1010 : i32 to vector<16xi32>
          %broadcast_in_dim3A_1012 = vector.shape_cast %broadcast_in_dim3A_1011 : vector<16xi32> to vector<16x1xi32>
          %gather3A_1013 = vector.shape_cast %broadcast_in_dim3A_1012 : vector<16x1xi32> to vector<16xi32>
          %gather3A_1014 = tpu.dynamic_gather %get3A_671[%gather3A_1013] in [0] : vector<16xf32>, vector<16xi32> -> vector<16xf32>
          %broadcast_in_dim3A_1015 = vector.shape_cast %broadcast_in_dim3A_1011 : vector<16xi32> to vector<16x1xi32>
          %gather3A_1016 = vector.shape_cast %broadcast_in_dim3A_1015 : vector<16x1xi32> to vector<16xi32>
          %gather3A_1017 = tpu.dynamic_gather %get3A_673[%gather3A_1016] in [0] : vector<16xf32>, vector<16xi32> -> vector<16xf32>
          %broadcast_in_dim3A_1018 = vector.shape_cast %broadcast_in_dim3A_1011 : vector<16xi32> to vector<16x1xi32>
          %gather3A_1019 = vector.shape_cast %broadcast_in_dim3A_1018 : vector<16x1xi32> to vector<16xi32>
          %gather3A_1020 = tpu.dynamic_gather %get3A_675[%gather3A_1019] in [0] : vector<16xf32>, vector<16xi32> -> vector<16xf32>
          %get3A_1021 = arith.index_cast %add3A_1009 : i32 to index
          %get3A_1022 = arith.constant 0 : index
          %get3A_1023 = tpu.vector_load %arg34[%get3A_1021, %get3A_1022] {strides = array<i32>} : memref<800x16xf32, #tpu.memory_space<vmem>>, vector<16xf32>,
          %mul3A_1024 = arith.mulf %gather3A_1014, %get3A_1023 : vector<16xf32>
          %get3A_1025 = arith.index_cast %add3A_1009 : i32 to index
          %get3A_1026 = arith.constant 0 : index
          %get3A_1027 = tpu.vector_load %arg35[%get3A_1025, %get3A_1026] {strides = array<i32>} : memref<800x16xf32, #tpu.memory_space<vmem>>, vector<16xf32>,
          %mul3A_1028 = arith.mulf %gather3A_1017, %get3A_1027 : vector<16xf32>
          %add3A_1029 = arith.addf %mul3A_1024, %mul3A_1028 : vector<16xf32>
          %get3A_1030 = arith.index_cast %add3A_1009 : i32 to index
          %get3A_1031 = arith.constant 0 : index
          %get3A_1032 = tpu.vector_load %arg36[%get3A_1030, %get3A_1031] {strides = array<i32>} : memref<800x16xf32, #tpu.memory_space<vmem>>, vector<16xf32>,
          %mul3A_1033 = arith.mulf %gather3A_1020, %get3A_1032 : vector<16xf32>
          %add3A_1034 = arith.addf %add3A_1029, %mul3A_1033 : vector<16xf32>
          %swap3A_1035 = arith.index_cast %add3A_1009 : i32 to index
          %swap3A_1036 = arith.constant 0 : index
          %swap3A_1037 = tpu.vector_load %arg40[%swap3A_1035, %swap3A_1036] {strides = array<i32>} : memref<800x19xf32, #tpu.memory_space<vmem>>, vector<16xf32>,
          tpu.vector_store %arg40[%swap3A_1035, %swap3A_1036], %add3A_1034 {strides = array<i32>} : memref<800x19xf32, #tpu.memory_space<vmem>>, vector<16xf32>,
          %add3A_1038 = arith.constant 12 : i32
          %add3A_1039 = arith.addi %mul3A_677, %add3A_1038 : i32
          %broadcast_in_dim3A_1040 = arith.constant 12 : i32
          %broadcast_in_dim3A_1041 = vector.broadcast %broadcast_in_dim3A_1040 : i32 to vector<16xi32>
          %broadcast_in_dim3A_1042 = vector.shape_cast %broadcast_in_dim3A_1041 : vector<16xi32> to vector<16x1xi32>
          %gather3A_1043 = vector.shape_cast %broadcast_in_dim3A_1042 : vector<16x1xi32> to vector<16xi32>
          %gather3A_1044 = tpu.dynamic_gather %get3A_671[%gather3A_1043] in [0] : vector<16xf32>, vector<16xi32> -> vector<16xf32>
          %broadcast_in_dim3A_1045 = vector.shape_cast %broadcast_in_dim3A_1041 : vector<16xi32> to vector<16x1xi32>
          %gather3A_1046 = vector.shape_cast %broadcast_in_dim3A_1045 : vector<16x1xi32> to vector<16xi32>
          %gather3A_1047 = tpu.dynamic_gather %get3A_673[%gather3A_1046] in [0] : vector<16xf32>, vector<16xi32> -> vector<16xf32>
          %broadcast_in_dim3A_1048 = vector.shape_cast %broadcast_in_dim3A_1041 : vector<16xi32> to vector<16x1xi32>
          %gather3A_1049 = vector.shape_cast %broadcast_in_dim3A_1048 : vector<16x1xi32> to vector<16xi32>
          %gather3A_1050 = tpu.dynamic_gather %get3A_675[%gather3A_1049] in [0] : vector<16xf32>, vector<16xi32> -> vector<16xf32>
          %get3A_1051 = arith.index_cast %add3A_1039 : i32 to index
          %get3A_1052 = arith.constant 0 : index
          %get3A_1053 = tpu.vector_load %arg34[%get3A_1051, %get3A_1052] {strides = array<i32>} : memref<800x16xf32, #tpu.memory_space<vmem>>, vector<16xf32>,
          %mul3A_1054 = arith.mulf %gather3A_1044, %get3A_1053 : vector<16xf32>
          %get3A_1055 = arith.index_cast %add3A_1039 : i32 to index
          %get3A_1056 = arith.constant 0 : index
          %get3A_1057 = tpu.vector_load %arg35[%get3A_1055, %get3A_1056] {strides = array<i32>} : memref<800x16xf32, #tpu.memory_space<vmem>>, vector<16xf32>,
          %mul3A_1058 = arith.mulf %gather3A_1047, %get3A_1057 : vector<16xf32>
          %add3A_1059 = arith.addf %mul3A_1054, %mul3A_1058 : vector<16xf32>
          %get3A_1060 = arith.index_cast %add3A_1039 : i32 to index
          %get3A_1061 = arith.constant 0 : index
          %get3A_1062 = tpu.vector_load %arg36[%get3A_1060, %get3A_1061] {strides = array<i32>} : memref<800x16xf32, #tpu.memory_space<vmem>>, vector<16xf32>,
          %mul3A_1063 = arith.mulf %gather3A_1050, %get3A_1062 : vector<16xf32>
          %add3A_1064 = arith.addf %add3A_1059, %mul3A_1063 : vector<16xf32>
          %swap3A_1065 = arith.index_cast %add3A_1039 : i32 to index
          %swap3A_1066 = arith.constant 0 : index
          %swap3A_1067 = tpu.vector_load %arg40[%swap3A_1065, %swap3A_1066] {strides = array<i32>} : memref<800x19xf32, #tpu.memory_space<vmem>>, vector<16xf32>,
          tpu.vector_store %arg40[%swap3A_1065, %swap3A_1066], %add3A_1064 {strides = array<i32>} : memref<800x19xf32, #tpu.memory_space<vmem>>, vector<16xf32>,
          %add3A_1068 = arith.constant 13 : i32
          %add3A_1069 = arith.addi %mul3A_677, %add3A_1068 : i32
          %broadcast_in_dim3A_1070 = arith.constant 13 : i32
          %broadcast_in_dim3A_1071 = vector.broadcast %broadcast_in_dim3A_1070 : i32 to vector<16xi32>
          %broadcast_in_dim3A_1072 = vector.shape_cast %broadcast_in_dim3A_1071 : vector<16xi32> to vector<16x1xi32>
          %gather3A_1073 = vector.shape_cast %broadcast_in_dim3A_1072 : vector<16x1xi32> to vector<16xi32>
          %gather3A_1074 = tpu.dynamic_gather %get3A_671[%gather3A_1073] in [0] : vector<16xf32>, vector<16xi32> -> vector<16xf32>
          %broadcast_in_dim3A_1075 = vector.shape_cast %broadcast_in_dim3A_1071 : vector<16xi32> to vector<16x1xi32>
          %gather3A_1076 = vector.shape_cast %broadcast_in_dim3A_1075 : vector<16x1xi32> to vector<16xi32>
          %gather3A_1077 = tpu.dynamic_gather %get3A_673[%gather3A_1076] in [0] : vector<16xf32>, vector<16xi32> -> vector<16xf32>
          %broadcast_in_dim3A_1078 = vector.shape_cast %broadcast_in_dim3A_1071 : vector<16xi32> to vector<16x1xi32>
          %gather3A_1079 = vector.shape_cast %broadcast_in_dim3A_1078 : vector<16x1xi32> to vector<16xi32>
          %gather3A_1080 = tpu.dynamic_gather %get3A_675[%gather3A_1079] in [0] : vector<16xf32>, vector<16xi32> -> vector<16xf32>
          %get3A_1081 = arith.index_cast %add3A_1069 : i32 to index
          %get3A_1082 = arith.constant 0 : index
          %get3A_1083 = tpu.vector_load %arg34[%get3A_1081, %get3A_1082] {strides = array<i32>} : memref<800x16xf32, #tpu.memory_space<vmem>>, vector<16xf32>,
          %mul3A_1084 = arith.mulf %gather3A_1074, %get3A_1083 : vector<16xf32>
          %get3A_1085 = arith.index_cast %add3A_1069 : i32 to index
          %get3A_1086 = arith.constant 0 : index
          %get3A_1087 = tpu.vector_load %arg35[%get3A_1085, %get3A_1086] {strides = array<i32>} : memref<800x16xf32, #tpu.memory_space<vmem>>, vector<16xf32>,
          %mul3A_1088 = arith.mulf %gather3A_1077, %get3A_1087 : vector<16xf32>
          %add3A_1089 = arith.addf %mul3A_1084, %mul3A_1088 : vector<16xf32>
          %get3A_1090 = arith.index_cast %add3A_1069 : i32 to index
          %get3A_1091 = arith.constant 0 : index
          %get3A_1092 = tpu.vector_load %arg36[%get3A_1090, %get3A_1091] {strides = array<i32>} : memref<800x16xf32, #tpu.memory_space<vmem>>, vector<16xf32>,
          %mul3A_1093 = arith.mulf %gather3A_1080, %get3A_1092 : vector<16xf32>
          %add3A_1094 = arith.addf %add3A_1089, %mul3A_1093 : vector<16xf32>
          %swap3A_1095 = arith.index_cast %add3A_1069 : i32 to index
          %swap3A_1096 = arith.constant 0 : index
          %swap3A_1097 = tpu.vector_load %arg40[%swap3A_1095, %swap3A_1096] {strides = array<i32>} : memref<800x19xf32, #tpu.memory_space<vmem>>, vector<16xf32>,
          tpu.vector_store %arg40[%swap3A_1095, %swap3A_1096], %add3A_1094 {strides = array<i32>} : memref<800x19xf32, #tpu.memory_space<vmem>>, vector<16xf32>,
          %add3A_1098 = arith.constant 14 : i32
          %add3A_1099 = arith.addi %mul3A_677, %add3A_1098 : i32
          %broadcast_in_dim3A_1100 = arith.constant 14 : i32
          %broadcast_in_dim3A_1101 = vector.broadcast %broadcast_in_dim3A_1100 : i32 to vector<16xi32>
          %broadcast_in_dim3A_1102 = vector.shape_cast %broadcast_in_dim3A_1101 : vector<16xi32> to vector<16x1xi32>
          %gather3A_1103 = vector.shape_cast %broadcast_in_dim3A_1102 : vector<16x1xi32> to vector<16xi32>
          %gather3A_1104 = tpu.dynamic_gather %get3A_671[%gather3A_1103] in [0] : vector<16xf32>, vector<16xi32> -> vector<16xf32>
          %broadcast_in_dim3A_1105 = vector.shape_cast %broadcast_in_dim3A_1101 : vector<16xi32> to vector<16x1xi32>
          %gather3A_1106 = vector.shape_cast %broadcast_in_dim3A_1105 : vector<16x1xi32> to vector<16xi32>
          %gather3A_1107 = tpu.dynamic_gather %get3A_673[%gather3A_1106] in [0] : vector<16xf32>, vector<16xi32> -> vector<16xf32>
          %broadcast_in_dim3A_1108 = vector.shape_cast %broadcast_in_dim3A_1101 : vector<16xi32> to vector<16x1xi32>
          %gather3A_1109 = vector.shape_cast %broadcast_in_dim3A_1108 : vector<16x1xi32> to vector<16xi32>
          %gather3A_1110 = tpu.dynamic_gather %get3A_675[%gather3A_1109] in [0] : vector<16xf32>, vector<16xi32> -> vector<16xf32>
          %get3A_1111 = arith.index_cast %add3A_1099 : i32 to index
          %get3A_1112 = arith.constant 0 : index
          %get3A_1113 = tpu.vector_load %arg34[%get3A_1111, %get3A_1112] {strides = array<i32>} : memref<800x16xf32, #tpu.memory_space<vmem>>, vector<16xf32>,
          %mul3A_1114 = arith.mulf %gather3A_1104, %get3A_1113 : vector<16xf32>
          %get3A_1115 = arith.index_cast %add3A_1099 : i32 to index
          %get3A_1116 = arith.constant 0 : index
          %get3A_1117 = tpu.vector_load %arg35[%get3A_1115, %get3A_1116] {strides = array<i32>} : memref<800x16xf32, #tpu.memory_space<vmem>>, vector<16xf32>,
          %mul3A_1118 = arith.mulf %gather3A_1107, %get3A_1117 : vector<16xf32>
          %add3A_1119 = arith.addf %mul3A_1114, %mul3A_1118 : vector<16xf32>
          %get3A_1120 = arith.index_cast %add3A_1099 : i32 to index
          %get3A_1121 = arith.constant 0 : index
          %get3A_1122 = tpu.vector_load %arg36[%get3A_1120, %get3A_1121] {strides = array<i32>} : memref<800x16xf32, #tpu.memory_space<vmem>>, vector<16xf32>,
          %mul3A_1123 = arith.mulf %gather3A_1110, %get3A_1122 : vector<16xf32>
          %add3A_1124 = arith.addf %add3A_1119, %mul3A_1123 : vector<16xf32>
          %swap3A_1125 = arith.index_cast %add3A_1099 : i32 to index
          %swap3A_1126 = arith.constant 0 : index
          %swap3A_1127 = tpu.vector_load %arg40[%swap3A_1125, %swap3A_1126] {strides = array<i32>} : memref<800x19xf32, #tpu.memory_space<vmem>>, vector<16xf32>,
          tpu.vector_store %arg40[%swap3A_1125, %swap3A_1126], %add3A_1124 {strides = array<i32>} : memref<800x19xf32, #tpu.memory_space<vmem>>, vector<16xf32>,
          %add3A_1128 = arith.constant 15 : i32
          %add3A_1129 = arith.addi %mul3A_677, %add3A_1128 : i32
          %broadcast_in_dim3A_1130 = arith.constant 15 : i32
          %broadcast_in_dim3A_1131 = vector.broadcast %broadcast_in_dim3A_1130 : i32 to vector<16xi32>
          %broadcast_in_dim3A_1132 = vector.shape_cast %broadcast_in_dim3A_1131 : vector<16xi32> to vector<16x1xi32>
          %gather3A_1133 = vector.shape_cast %broadcast_in_dim3A_1132 : vector<16x1xi32> to vector<16xi32>
          %gather3A_1134 = tpu.dynamic_gather %get3A_671[%gather3A_1133] in [0] : vector<16xf32>, vector<16xi32> -> vector<16xf32>
          %broadcast_in_dim3A_1135 = vector.shape_cast %broadcast_in_dim3A_1131 : vector<16xi32> to vector<16x1xi32>
          %gather3A_1136 = vector.shape_cast %broadcast_in_dim3A_1135 : vector<16x1xi32> to vector<16xi32>
          %gather3A_1137 = tpu.dynamic_gather %get3A_673[%gather3A_1136] in [0] : vector<16xf32>, vector<16xi32> -> vector<16xf32>
          %broadcast_in_dim3A_1138 = vector.shape_cast %broadcast_in_dim3A_1131 : vector<16xi32> to vector<16x1xi32>
          %gather3A_1139 = vector.shape_cast %broadcast_in_dim3A_1138 : vector<16x1xi32> to vector<16xi32>
          %gather3A_1140 = tpu.dynamic_gather %get3A_675[%gather3A_1139] in [0] : vector<16xf32>, vector<16xi32> -> vector<16xf32>
          %get3A_1141 = arith.index_cast %add3A_1129 : i32 to index
          %get3A_1142 = arith.constant 0 : index
          %get3A_1143 = tpu.vector_load %arg34[%get3A_1141, %get3A_1142] {strides = array<i32>} : memref<800x16xf32, #tpu.memory_space<vmem>>, vector<16xf32>,
          %mul3A_1144 = arith.mulf %gather3A_1134, %get3A_1143 : vector<16xf32>
          %get3A_1145 = arith.index_cast %add3A_1129 : i32 to index
          %get3A_1146 = arith.constant 0 : index
          %get3A_1147 = tpu.vector_load %arg35[%get3A_1145, %get3A_1146] {strides = array<i32>} : memref<800x16xf32, #tpu.memory_space<vmem>>, vector<16xf32>,
          %mul3A_1148 = arith.mulf %gather3A_1137, %get3A_1147 : vector<16xf32>
          %add3A_1149 = arith.addf %mul3A_1144, %mul3A_1148 : vector<16xf32>
          %get3A_1150 = arith.index_cast %add3A_1129 : i32 to index
          %get3A_1151 = arith.constant 0 : index
          %get3A_1152 = tpu.vector_load %arg36[%get3A_1150, %get3A_1151] {strides = array<i32>} : memref<800x16xf32, #tpu.memory_space<vmem>>, vector<16xf32>,
          %mul3A_1153 = arith.mulf %gather3A_1140, %get3A_1152 : vector<16xf32>
          %add3A_1154 = arith.addf %add3A_1149, %mul3A_1153 : vector<16xf32>
          %swap3A_1155 = arith.index_cast %add3A_1129 : i32 to index
          %swap3A_1156 = arith.constant 0 : index
          %swap3A_1157 = tpu.vector_load %arg40[%swap3A_1155, %swap3A_1156] {strides = array<i32>} : memref<800x19xf32, #tpu.memory_space<vmem>>, vector<16xf32>,
          tpu.vector_store %arg40[%swap3A_1155, %swap3A_1156], %add3A_1154 {strides = array<i32>} : memref<800x19xf32, #tpu.memory_space<vmem>>, vector<16xf32>,
          %iota3A_1158 = tpu.iota {dimensions = array<i32: 0>} : vector<16xi32>
          %add3A_1159 = vector.broadcast %mul3A_677 : i32 to vector<16xi32>
          %add3A_1160 = arith.addi %iota3A_1158, %add3A_1159 : vector<16xi32>
          %broadcast_in_dim3A_1161 = arith.constant 16 : i32
          %broadcast_in_dim3A_1162 = vector.broadcast %broadcast_in_dim3A_1161 : i32 to vector<16xi32>
          %get3A_1163 = arith.index_cast %mul3A_669 : i32 to index
          %get3A_1164 = tpu.vector_load %arg19[%get3A_1163] {strides = array<i32>} : memref<800xf32, #tpu.memory_space<vmem>>, vector<16xf32>,
          tpu.vector_store_idx %arg40[%add3A_1160, %broadcast_in_dim3A_1162], %get3A_1164 : memref<800x19xf32, #tpu.memory_space<vmem>>[vector<16xi32>, vector<16xi32>], vector<16xf32>,
          %broadcast_in_dim3A_1165 = arith.constant 17 : i32
          %broadcast_in_dim3A_1166 = vector.broadcast %broadcast_in_dim3A_1165 : i32 to vector<16xi32>
          %get3A_1167 = arith.index_cast %mul3A_669 : i32 to index
          %get3A_1168 = tpu.vector_load %arg20[%get3A_1167] {strides = array<i32>} : memref<800xf32, #tpu.memory_space<vmem>>, vector<16xf32>,
          tpu.vector_store_idx %arg40[%add3A_1160, %broadcast_in_dim3A_1166], %get3A_1168 : memref<800x19xf32, #tpu.memory_space<vmem>>[vector<16xi32>, vector<16xi32>], vector<16xf32>,
          %broadcast_in_dim3A_1169 = arith.constant 18 : i32
          %broadcast_in_dim3A_1170 = vector.broadcast %broadcast_in_dim3A_1169 : i32 to vector<16xi32>
          %get3A_1171 = arith.index_cast %mul3A_669 : i32 to index
          %get3A_1172 = tpu.vector_load %arg21[%get3A_1171] {strides = array<i32>} : memref<800xf32, #tpu.memory_space<vmem>>, vector<16xf32>,
          tpu.vector_store_idx %arg40[%add3A_1160, %broadcast_in_dim3A_1170], %get3A_1172 : memref<800x19xf32, #tpu.memory_space<vmem>>[vector<16xi32>, vector<16xi32>], vector<16xf32>,
        }
        %scan3A_155 = arith.constant 50 : i32
        %mul3A_156 = arith.constant 32 : i32
        %mul3A_157 = arith.muli %add3A_93, %mul3A_156 : i32
        %add3A_158 = arith.addi %mul3A_157, %add3A : i32
        %mul3A_159 = arith.constant 800 : i32
        %mul3A_160 = arith.muli %add3A_158, %mul3A_159 : i32
        %dma_start3A_161 = arith.constant 0 : i32
        %dma_start3A_162 = tpu.memref_slice %arg13[%mul3A_160, %dma_start3A_161] : memref<1000000x19xf32, #tpu.memory_space<hbm>> -> memref<800x19xf32, #tpu.memory_space<hbm>>
        %dma_start3A_163 = arith.constant 0 : i32
        %dma_start3A_164 = tpu.memref_slice %arg13[%mul3A_160, %dma_start3A_163] : memref<1000000x19xf32, #tpu.memory_space<hbm>> -> memref<800x19xf32, #tpu.memory_space<hbm>>
        tpu.enqueue_dma source(%arg40 : memref<800x19xf32, #tpu.memory_space<vmem>>) target(%dma_start3A_164 : memref<800x19xf32, #tpu.memory_space<hbm>>) target_semaphore(%arg45 : memref<!tpu.dma_semaphore, #tpu.memory_space<semaphore_mem>>)
      } else {
      }
      %mul3A_96 = arith.constant 2 : i32
      %mul3A_97 = arith.muli %scan3A_89, %mul3A_96 : i32
      %add3A_98 = arith.constant 1 : i32
      %add3A_99 = arith.addi %mul3A_97, %add3A_98 : i32
      %lt3A_100 = arith.cmpi slt, %add3A_99, %select_n3A : i32
      %convert_element_type3A_101 = arith.extui %lt3A_100 : i1 to i32
      %cond3A_102 = arith.constant 0 : i32
      %cond3A_103 = arith.cmpi ne, %convert_element_type3A_101, %cond3A_102 : i32
      scf.if %cond3A_103 {
        %dma_wait3A_104 = arith.constant 0 : i32
        %dma_wait3A_105 = arith.constant 0 : i32
        %dma_wait3A_106 = tpu.memref_slice %arg12[%dma_wait3A_104, %dma_wait3A_105] : memref<1000000x16xf32, #tpu.memory_space<hbm>> -> memref<800x16xf32, #tpu.memory_space<hbm>>
        %dma_wait3A_107 = arith.constant 0 : i32
        %dma_wait3A_108 = arith.constant 0 : i32
        %dma_wait3A_109 = tpu.memref_slice %arg12[%dma_wait3A_107, %dma_wait3A_108] : memref<1000000x16xf32, #tpu.memory_space<hbm>> -> memref<800x16xf32, #tpu.memory_space<hbm>>
        tpu.wait_dma2 semaphore(%arg44 : memref<!tpu.dma_semaphore, #tpu.memory_space<semaphore_mem>>) src(%dma_wait3A_109 : memref<800x16xf32, #tpu.memory_space<hbm>>) dst(%arg37 : memref<800x16xf32, #tpu.memory_space<vmem>>)
        %dma_wait3A_110 = arith.constant 0 : i32
        %dma_wait3A_111 = arith.constant 0 : i32
        %dma_wait3A_112 = tpu.memref_slice %arg12[%dma_wait3A_110, %dma_wait3A_111] : memref<1000000x16xf32, #tpu.memory_space<hbm>> -> memref<800x16xf32, #tpu.memory_space<hbm>>
        %dma_wait3A_113 = arith.constant 0 : i32
        %dma_wait3A_114 = arith.constant 0 : i32
        %dma_wait3A_115 = tpu.memref_slice %arg12[%dma_wait3A_113, %dma_wait3A_114] : memref<1000000x16xf32, #tpu.memory_space<hbm>> -> memref<800x16xf32, #tpu.memory_space<hbm>>
        tpu.wait_dma2 semaphore(%arg44 : memref<!tpu.dma_semaphore, #tpu.memory_space<semaphore_mem>>) src(%dma_wait3A_115 : memref<800x16xf32, #tpu.memory_space<hbm>>) dst(%arg38 : memref<800x16xf32, #tpu.memory_space<vmem>>)
        %dma_wait3A_116 = arith.constant 0 : i32
        %dma_wait3A_117 = arith.constant 0 : i32
        %dma_wait3A_118 = tpu.memref_slice %arg12[%dma_wait3A_116, %dma_wait3A_117] : memref<1000000x16xf32, #tpu.memory_space<hbm>> -> memref<800x16xf32, #tpu.memory_space<hbm>>
        %dma_wait3A_119 = arith.constant 0 : i32
        %dma_wait3A_120 = arith.constant 0 : i32
        %dma_wait3A_121 = tpu.memref_slice %arg12[%dma_wait3A_119, %dma_wait3A_120] : memref<1000000x16xf32, #tpu.memory_space<hbm>> -> memref<800x16xf32, #tpu.memory_space<hbm>>
        tpu.wait_dma2 semaphore(%arg44 : memref<!tpu.dma_semaphore, #tpu.memory_space<semaphore_mem>>) src(%dma_wait3A_121 : memref<800x16xf32, #tpu.memory_space<hbm>>) dst(%arg39 : memref<800x16xf32, #tpu.memory_space<vmem>>)
        %add3A_122 = arith.constant 1 : i32
        %add3A_123 = arith.addi %add3A_99, %add3A_122 : i32
        %lt3A_124 = arith.cmpi slt, %add3A_123, %select_n3A : i32
        %convert_element_type3A_125 = arith.extui %lt3A_124 : i1 to i32
        %cond3A_126 = arith.constant 0 : i32
        %cond3A_127 = arith.cmpi ne, %convert_element_type3A_125, %cond3A_126 : i32
        scf.if %cond3A_127 {
          %dma_wait3A_165 = arith.constant 0 : i32
          %dma_wait3A_166 = tpu.memref_slice %arg3[%dma_wait3A_165] : memref<2000000xi32, #tpu.memory_space<hbm>> -> memref<800xi32, #tpu.memory_space<hbm>>
          %dma_wait3A_167 = arith.constant 0 : i32
          %dma_wait3A_168 = tpu.memref_slice %arg3[%dma_wait3A_167] : memref<2000000xi32, #tpu.memory_space<hbm>> -> memref<800xi32, #tpu.memory_space<hbm>>
          tpu.wait_dma2 semaphore(%arg43 : memref<!tpu.dma_semaphore, #tpu.memory_space<semaphore_mem>>) src(%dma_wait3A_168 : memref<800xi32, #tpu.memory_space<hbm>>) dst(%arg28 : memref<800xi32, #tpu.memory_space<vmem>>)
          %dma_wait3A_169 = arith.constant 0 : i32
          %dma_wait3A_170 = tpu.memref_slice %arg4[%dma_wait3A_169] : memref<2000000xi32, #tpu.memory_space<hbm>> -> memref<800xi32, #tpu.memory_space<hbm>>
          %dma_wait3A_171 = arith.constant 0 : i32
          %dma_wait3A_172 = tpu.memref_slice %arg4[%dma_wait3A_171] : memref<2000000xi32, #tpu.memory_space<hbm>> -> memref<800xi32, #tpu.memory_space<hbm>>
          tpu.wait_dma2 semaphore(%arg43 : memref<!tpu.dma_semaphore, #tpu.memory_space<semaphore_mem>>) src(%dma_wait3A_172 : memref<800xi32, #tpu.memory_space<hbm>>) dst(%arg29 : memref<800xi32, #tpu.memory_space<vmem>>)
          %dma_wait3A_173 = arith.constant 0 : i32
          %dma_wait3A_174 = tpu.memref_slice %arg5[%dma_wait3A_173] : memref<2000000xi32, #tpu.memory_space<hbm>> -> memref<800xi32, #tpu.memory_space<hbm>>
          %dma_wait3A_175 = arith.constant 0 : i32
          %dma_wait3A_176 = tpu.memref_slice %arg5[%dma_wait3A_175] : memref<2000000xi32, #tpu.memory_space<hbm>> -> memref<800xi32, #tpu.memory_space<hbm>>
          tpu.wait_dma2 semaphore(%arg43 : memref<!tpu.dma_semaphore, #tpu.memory_space<semaphore_mem>>) src(%dma_wait3A_176 : memref<800xi32, #tpu.memory_space<hbm>>) dst(%arg30 : memref<800xi32, #tpu.memory_space<vmem>>)
          %dma_start3A_177 = arith.constant 0 : i32
          %dma_start3A_178 = arith.constant 0 : i32
          %dma_start3A_179 = tpu.memref_slice %arg12[%dma_start3A_177, %dma_start3A_178] : memref<1000000x16xf32, #tpu.memory_space<hbm>> -> memref<1000000x16xf32, #tpu.memory_space<hbm>>
          tpu.enqueue_indirect_dma source(%dma_start3A_179 : memref<1000000x16xf32, #tpu.memory_space<hbm>>) target(%arg34 : memref<800x16xf32, #tpu.memory_space<vmem>>) offsets(%arg28 : memref<800xi32, #tpu.memory_space<vmem>>) semaphore(%arg44 : memref<!tpu.dma_semaphore, #tpu.memory_space<semaphore_mem>>)
          %dma_start3A_180 = arith.constant 0 : i32
          %dma_start3A_181 = arith.constant 0 : i32
          %dma_start3A_182 = tpu.memref_slice %arg12[%dma_start3A_180, %dma_start3A_181] : memref<1000000x16xf32, #tpu.memory_space<hbm>> -> memref<1000000x16xf32, #tpu.memory_space<hbm>>
          tpu.enqueue_indirect_dma source(%dma_start3A_182 : memref<1000000x16xf32, #tpu.memory_space<hbm>>) target(%arg35 : memref<800x16xf32, #tpu.memory_space<vmem>>) offsets(%arg29 : memref<800xi32, #tpu.memory_space<vmem>>) semaphore(%arg44 : memref<!tpu.dma_semaphore, #tpu.memory_space<semaphore_mem>>)
          %dma_start3A_183 = arith.constant 0 : i32
          %dma_start3A_184 = arith.constant 0 : i32
          %dma_start3A_185 = tpu.memref_slice %arg12[%dma_start3A_183, %dma_start3A_184] : memref<1000000x16xf32, #tpu.memory_space<hbm>> -> memref<1000000x16xf32, #tpu.memory_space<hbm>>
          tpu.enqueue_indirect_dma source(%dma_start3A_185 : memref<1000000x16xf32, #tpu.memory_space<hbm>>) target(%arg36 : memref<800x16xf32, #tpu.memory_space<vmem>>) offsets(%arg30 : memref<800xi32, #tpu.memory_space<vmem>>) semaphore(%arg44 : memref<!tpu.dma_semaphore, #tpu.memory_space<semaphore_mem>>)
        } else {
        }
        %add3A_128 = arith.constant 2 : i32
        %add3A_129 = arith.addi %add3A_99, %add3A_128 : i32
        %lt3A_130 = arith.cmpi slt, %add3A_129, %select_n3A : i32
        %convert_element_type3A_131 = arith.extui %lt3A_130 : i1 to i32
        %cond3A_132 = arith.constant 0 : i32
        %cond3A_133 = arith.cmpi ne, %convert_element_type3A_131, %cond3A_132 : i32
        scf.if %cond3A_133 {
          %dma_wait3A_165 = arith.constant 0 : i32
          %dma_wait3A_166 = tpu.memref_slice %arg2[%dma_wait3A_165] : memref<1000000xi32, #tpu.memory_space<hbm>> -> memref<800xi32, #tpu.memory_space<hbm>>
          %dma_wait3A_167 = arith.constant 0 : i32
          %dma_wait3A_168 = tpu.memref_slice %arg2[%dma_wait3A_167] : memref<1000000xi32, #tpu.memory_space<hbm>> -> memref<800xi32, #tpu.memory_space<hbm>>
          tpu.wait_dma2 semaphore(%arg41 : memref<!tpu.dma_semaphore, #tpu.memory_space<semaphore_mem>>) src(%dma_wait3A_168 : memref<800xi32, #tpu.memory_space<hbm>>) dst(%arg15 : memref<800xi32, #tpu.memory_space<vmem>>)
          %dma_start3A_169 = arith.constant 0 : i32
          %dma_start3A_170 = tpu.memref_slice %arg3[%dma_start3A_169] : memref<2000000xi32, #tpu.memory_space<hbm>> -> memref<2000000xi32, #tpu.memory_space<hbm>>
          tpu.enqueue_indirect_dma source(%dma_start3A_170 : memref<2000000xi32, #tpu.memory_space<hbm>>) target(%arg31 : memref<800xi32, #tpu.memory_space<vmem>>) offsets(%arg15 : memref<800xi32, #tpu.memory_space<vmem>>) semaphore(%arg43 : memref<!tpu.dma_semaphore, #tpu.memory_space<semaphore_mem>>)
          %dma_start3A_171 = arith.constant 0 : i32
          %dma_start3A_172 = tpu.memref_slice %arg4[%dma_start3A_171] : memref<2000000xi32, #tpu.memory_space<hbm>> -> memref<2000000xi32, #tpu.memory_space<hbm>>
          tpu.enqueue_indirect_dma source(%dma_start3A_172 : memref<2000000xi32, #tpu.memory_space<hbm>>) target(%arg32 : memref<800xi32, #tpu.memory_space<vmem>>) offsets(%arg15 : memref<800xi32, #tpu.memory_space<vmem>>) semaphore(%arg43 : memref<!tpu.dma_semaphore, #tpu.memory_space<semaphore_mem>>)
          %dma_start3A_173 = arith.constant 0 : i32
          %dma_start3A_174 = tpu.memref_slice %arg5[%dma_start3A_173] : memref<2000000xi32, #tpu.memory_space<hbm>> -> memref<2000000xi32, #tpu.memory_space<hbm>>
          tpu.enqueue_indirect_dma source(%dma_start3A_174 : memref<2000000xi32, #tpu.memory_space<hbm>>) target(%arg33 : memref<800xi32, #tpu.memory_space<vmem>>) offsets(%arg15 : memref<800xi32, #tpu.memory_space<vmem>>) semaphore(%arg43 : memref<!tpu.dma_semaphore, #tpu.memory_space<semaphore_mem>>)
        } else {
        }
        %add3A_134 = arith.constant 3 : i32
        %add3A_135 = arith.addi %add3A_99, %add3A_134 : i32
        %lt3A_136 = arith.cmpi slt, %add3A_135, %select_n3A : i32
        %convert_element_type3A_137 = arith.extui %lt3A_136 : i1 to i32
        %cond3A_138 = arith.constant 0 : i32
        %cond3A_139 = arith.cmpi ne, %convert_element_type3A_137, %cond3A_138 : i32
        scf.if %cond3A_139 {
          %add3A_165 = arith.constant 3 : i32
          %add3A_166 = arith.addi %add3A_99, %add3A_165 : i32
          %mul3A_167 = arith.constant 32 : i32
          %mul3A_168 = arith.muli %add3A_166, %mul3A_167 : i32
          %add3A_169 = arith.addi %mul3A_168, %add3A : i32
          %mul3A_170 = arith.constant 800 : i32
          %mul3A_171 = arith.muli %add3A_169, %mul3A_170 : i32
          %dma_start3A_172 = tpu.memref_slice %arg2[%mul3A_171] : memref<1000000xi32, #tpu.memory_space<hbm>> -> memref<800xi32, #tpu.memory_space<hbm>>
          %dma_start3A_173 = tpu.memref_slice %arg2[%mul3A_171] : memref<1000000xi32, #tpu.memory_space<hbm>> -> memref<800xi32, #tpu.memory_space<hbm>>
          tpu.enqueue_dma source(%dma_start3A_173 : memref<800xi32, #tpu.memory_space<hbm>>) target(%arg14 : memref<800xi32, #tpu.memory_space<vmem>>) target_semaphore(%arg41 : memref<!tpu.dma_semaphore, #tpu.memory_space<semaphore_mem>>)
        } else {
        }
        %add3A_140 = arith.constant 1 : i32
        %add3A_141 = arith.addi %add3A_99, %add3A_140 : i32
        %lt3A_142 = arith.cmpi slt, %add3A_141, %select_n3A : i32
        %convert_element_type3A_143 = arith.extui %lt3A_142 : i1 to i32
        %cond3A_144 = arith.constant 0 : i32
        %cond3A_145 = arith.cmpi ne, %convert_element_type3A_143, %cond3A_144 : i32
        scf.if %cond3A_145 {
          %add3A_165 = arith.constant 1 : i32
          %add3A_166 = arith.addi %add3A_99, %add3A_165 : i32
          %mul3A_167 = arith.constant 32 : i32
          %mul3A_168 = arith.muli %add3A_166, %mul3A_167 : i32
          %add3A_169 = arith.addi %mul3A_168, %add3A : i32
          %mul3A_170 = arith.constant 800 : i32
          %mul3A_171 = arith.muli %add3A_169, %mul3A_170 : i32
          %dma_start3A_172 = tpu.memref_slice %arg6[%mul3A_171] : memref<1000000xf32, #tpu.memory_space<hbm>> -> memref<800xf32, #tpu.memory_space<hbm>>
          %dma_start3A_173 = tpu.memref_slice %arg6[%mul3A_171] : memref<1000000xf32, #tpu.memory_space<hbm>> -> memref<800xf32, #tpu.memory_space<hbm>>
          tpu.enqueue_dma source(%dma_start3A_173 : memref<800xf32, #tpu.memory_space<hbm>>) target(%arg16 : memref<800xf32, #tpu.memory_space<vmem>>) target_semaphore(%arg42 : memref<!tpu.dma_semaphore, #tpu.memory_space<semaphore_mem>>)
          %dma_start3A_174 = tpu.memref_slice %arg7[%mul3A_171] : memref<1000000xf32, #tpu.memory_space<hbm>> -> memref<800xf32, #tpu.memory_space<hbm>>
          %dma_start3A_175 = tpu.memref_slice %arg7[%mul3A_171] : memref<1000000xf32, #tpu.memory_space<hbm>> -> memref<800xf32, #tpu.memory_space<hbm>>
          tpu.enqueue_dma source(%dma_start3A_175 : memref<800xf32, #tpu.memory_space<hbm>>) target(%arg17 : memref<800xf32, #tpu.memory_space<vmem>>) target_semaphore(%arg42 : memref<!tpu.dma_semaphore, #tpu.memory_space<semaphore_mem>>)
          %dma_start3A_176 = tpu.memref_slice %arg8[%mul3A_171] : memref<1000000xf32, #tpu.memory_space<hbm>> -> memref<800xf32, #tpu.memory_space<hbm>>
          %dma_start3A_177 = tpu.memref_slice %arg8[%mul3A_171] : memref<1000000xf32, #tpu.memory_space<hbm>> -> memref<800xf32, #tpu.memory_space<hbm>>
          tpu.enqueue_dma source(%dma_start3A_177 : memref<800xf32, #tpu.memory_space<hbm>>) target(%arg18 : memref<800xf32, #tpu.memory_space<vmem>>) target_semaphore(%arg42 : memref<!tpu.dma_semaphore, #tpu.memory_space<semaphore_mem>>)
          %dma_start3A_178 = tpu.memref_slice %arg9[%mul3A_171] : memref<1000000xf32, #tpu.memory_space<hbm>> -> memref<800xf32, #tpu.memory_space<hbm>>
          %dma_start3A_179 = tpu.memref_slice %arg9[%mul3A_171] : memref<1000000xf32, #tpu.memory_space<hbm>> -> memref<800xf32, #tpu.memory_space<hbm>>
          tpu.enqueue_dma source(%dma_start3A_179 : memref<800xf32, #tpu.memory_space<hbm>>) target(%arg19 : memref<800xf32, #tpu.memory_space<vmem>>) target_semaphore(%arg42 : memref<!tpu.dma_semaphore, #tpu.memory_space<semaphore_mem>>)
          %dma_start3A_180 = tpu.memref_slice %arg10[%mul3A_171] : memref<1000000xf32, #tpu.memory_space<hbm>> -> memref<800xf32, #tpu.memory_space<hbm>>
          %dma_start3A_181 = tpu.memref_slice %arg10[%mul3A_171] : memref<1000000xf32, #tpu.memory_space<hbm>> -> memref<800xf32, #tpu.memory_space<hbm>>
          tpu.enqueue_dma source(%dma_start3A_181 : memref<800xf32, #tpu.memory_space<hbm>>) target(%arg20 : memref<800xf32, #tpu.memory_space<vmem>>) target_semaphore(%arg42 : memref<!tpu.dma_semaphore, #tpu.memory_space<semaphore_mem>>)
          %dma_start3A_182 = tpu.memref_slice %arg11[%mul3A_171] : memref<1000000xf32, #tpu.memory_space<hbm>> -> memref<800xf32, #tpu.memory_space<hbm>>
          %dma_start3A_183 = tpu.memref_slice %arg11[%mul3A_171] : memref<1000000xf32, #tpu.memory_space<hbm>> -> memref<800xf32, #tpu.memory_space<hbm>>
          tpu.enqueue_dma source(%dma_start3A_183 : memref<800xf32, #tpu.memory_space<hbm>>) target(%arg21 : memref<800xf32, #tpu.memory_space<vmem>>) target_semaphore(%arg42 : memref<!tpu.dma_semaphore, #tpu.memory_space<semaphore_mem>>)
        } else {
        }
        %gt3A = arith.constant 0 : i32
        %gt3A_146 = arith.cmpi sgt, %add3A_99, %gt3A : i32
        %convert_element_type3A_147 = arith.extui %gt3A_146 : i1 to i32
        %cond3A_148 = arith.constant 0 : i32
        %cond3A_149 = arith.cmpi ne, %convert_element_type3A_147, %cond3A_148 : i32
        scf.if %cond3A_149 {
          %dma_wait3A_165 = arith.constant 0 : i32
          %dma_wait3A_166 = tpu.memref_slice %arg6[%dma_wait3A_165] : memref<1000000xf32, #tpu.memory_space<hbm>> -> memref<800xf32, #tpu.memory_space<hbm>>
          %dma_wait3A_167 = arith.constant 0 : i32
          %dma_wait3A_168 = tpu.memref_slice %arg6[%dma_wait3A_167] : memref<1000000xf32, #tpu.memory_space<hbm>> -> memref<800xf32, #tpu.memory_space<hbm>>
          tpu.wait_dma2 semaphore(%arg42 : memref<!tpu.dma_semaphore, #tpu.memory_space<semaphore_mem>>) src(%dma_wait3A_168 : memref<800xf32, #tpu.memory_space<hbm>>) dst(%arg22 : memref<800xf32, #tpu.memory_space<vmem>>)
          %dma_wait3A_169 = arith.constant 0 : i32
          %dma_wait3A_170 = tpu.memref_slice %arg7[%dma_wait3A_169] : memref<1000000xf32, #tpu.memory_space<hbm>> -> memref<800xf32, #tpu.memory_space<hbm>>
          %dma_wait3A_171 = arith.constant 0 : i32
          %dma_wait3A_172 = tpu.memref_slice %arg7[%dma_wait3A_171] : memref<1000000xf32, #tpu.memory_space<hbm>> -> memref<800xf32, #tpu.memory_space<hbm>>
          tpu.wait_dma2 semaphore(%arg42 : memref<!tpu.dma_semaphore, #tpu.memory_space<semaphore_mem>>) src(%dma_wait3A_172 : memref<800xf32, #tpu.memory_space<hbm>>) dst(%arg23 : memref<800xf32, #tpu.memory_space<vmem>>)
          %dma_wait3A_173 = arith.constant 0 : i32
          %dma_wait3A_174 = tpu.memref_slice %arg8[%dma_wait3A_173] : memref<1000000xf32, #tpu.memory_space<hbm>> -> memref<800xf32, #tpu.memory_space<hbm>>
          %dma_wait3A_175 = arith.constant 0 : i32
          %dma_wait3A_176 = tpu.memref_slice %arg8[%dma_wait3A_175] : memref<1000000xf32, #tpu.memory_space<hbm>> -> memref<800xf32, #tpu.memory_space<hbm>>
          tpu.wait_dma2 semaphore(%arg42 : memref<!tpu.dma_semaphore, #tpu.memory_space<semaphore_mem>>) src(%dma_wait3A_176 : memref<800xf32, #tpu.memory_space<hbm>>) dst(%arg24 : memref<800xf32, #tpu.memory_space<vmem>>)
          %dma_wait3A_177 = arith.constant 0 : i32
          %dma_wait3A_178 = tpu.memref_slice %arg9[%dma_wait3A_177] : memref<1000000xf32, #tpu.memory_space<hbm>> -> memref<800xf32, #tpu.memory_space<hbm>>
          %dma_wait3A_179 = arith.constant 0 : i32
          %dma_wait3A_180 = tpu.memref_slice %arg9[%dma_wait3A_179] : memref<1000000xf32, #tpu.memory_space<hbm>> -> memref<800xf32, #tpu.memory_space<hbm>>
          tpu.wait_dma2 semaphore(%arg42 : memref<!tpu.dma_semaphore, #tpu.memory_space<semaphore_mem>>) src(%dma_wait3A_180 : memref<800xf32, #tpu.memory_space<hbm>>) dst(%arg25 : memref<800xf32, #tpu.memory_space<vmem>>)
          %dma_wait3A_181 = arith.constant 0 : i32
          %dma_wait3A_182 = tpu.memref_slice %arg10[%dma_wait3A_181] : memref<1000000xf32, #tpu.memory_space<hbm>> -> memref<800xf32, #tpu.memory_space<hbm>>
          %dma_wait3A_183 = arith.constant 0 : i32
          %dma_wait3A_184 = tpu.memref_slice %arg10[%dma_wait3A_183] : memref<1000000xf32, #tpu.memory_space<hbm>> -> memref<800xf32, #tpu.memory_space<hbm>>
          tpu.wait_dma2 semaphore(%arg42 : memref<!tpu.dma_semaphore, #tpu.memory_space<semaphore_mem>>) src(%dma_wait3A_184 : memref<800xf32, #tpu.memory_space<hbm>>) dst(%arg26 : memref<800xf32, #tpu.memory_space<vmem>>)
          %dma_wait3A_185 = arith.constant 0 : i32
          %dma_wait3A_186 = tpu.memref_slice %arg11[%dma_wait3A_185] : memref<1000000xf32, #tpu.memory_space<hbm>> -> memref<800xf32, #tpu.memory_space<hbm>>
          %dma_wait3A_187 = arith.constant 0 : i32
          %dma_wait3A_188 = tpu.memref_slice %arg11[%dma_wait3A_187] : memref<1000000xf32, #tpu.memory_space<hbm>> -> memref<800xf32, #tpu.memory_space<hbm>>
          tpu.wait_dma2 semaphore(%arg42 : memref<!tpu.dma_semaphore, #tpu.memory_space<semaphore_mem>>) src(%dma_wait3A_188 : memref<800xf32, #tpu.memory_space<hbm>>) dst(%arg27 : memref<800xf32, #tpu.memory_space<vmem>>)
          %dma_wait3A_189 = arith.constant 0 : i32
          %dma_wait3A_190 = arith.constant 0 : i32
          %dma_wait3A_191 = tpu.memref_slice %arg13[%dma_wait3A_189, %dma_wait3A_190] : memref<1000000x19xf32, #tpu.memory_space<hbm>> -> memref<800x19xf32, #tpu.memory_space<hbm>>
          %dma_wait3A_192 = arith.constant 0 : i32
          %dma_wait3A_193 = arith.constant 0 : i32
          %dma_wait3A_194 = tpu.memref_slice %arg13[%dma_wait3A_192, %dma_wait3A_193] : memref<1000000x19xf32, #tpu.memory_space<hbm>> -> memref<800x19xf32, #tpu.memory_space<hbm>>
          tpu.wait_dma2 semaphore(%arg45 : memref<!tpu.dma_semaphore, #tpu.memory_space<semaphore_mem>>) src(%arg40 : memref<800x19xf32, #tpu.memory_space<vmem>>) dst(%dma_wait3A_194 : memref<800x19xf32, #tpu.memory_space<hbm>>)
        } else {
        }
        %scan3A_150 = arith.constant 0 : i32
        %scan3A_151 = arith.constant 0 : i32
        %scan3A_152 = arith.constant 50 : i32
        %scan3A_153 = arith.addi %scan3A_151, %scan3A_152 : i32
        %scan3A_154 = arith.constant 2 : i32
        scf.for %scan3A_165 = %scan3A_151 to %scan3A_153 step %scan3A_154  : i32 {
          %mul3A_166 = arith.constant 16 : i32
          %mul3A_167 = arith.muli %scan3A_165, %mul3A_166 : i32
          %get3A = arith.index_cast %mul3A_167 : i32 to index
          %get3A_168 = tpu.vector_load %arg22[%get3A] {strides = array<i32>} : memref<800xf32, #tpu.memory_space<vmem>>, vector<16xf32>,
          %get3A_169 = arith.index_cast %mul3A_167 : i32 to index
          %get3A_170 = tpu.vector_load %arg23[%get3A_169] {strides = array<i32>} : memref<800xf32, #tpu.memory_space<vmem>>, vector<16xf32>,
          %get3A_171 = arith.index_cast %mul3A_167 : i32 to index
          %get3A_172 = tpu.vector_load %arg24[%get3A_171] {strides = array<i32>} : memref<800xf32, #tpu.memory_space<vmem>>, vector<16xf32>,
          %mul3A_173 = arith.constant 16 : i32
          %mul3A_174 = arith.muli %scan3A_165, %mul3A_173 : i32
          %add3A_175 = arith.constant 0 : i32
          %add3A_176 = arith.addi %mul3A_174, %add3A_175 : i32
          %broadcast_in_dim3A = arith.constant 0 : i32
          %broadcast_in_dim3A_177 = vector.broadcast %broadcast_in_dim3A : i32 to vector<16xi32>
          %broadcast_in_dim3A_178 = vector.shape_cast %broadcast_in_dim3A_177 : vector<16xi32> to vector<16x1xi32>
          %gather3A = vector.shape_cast %broadcast_in_dim3A_178 : vector<16x1xi32> to vector<16xi32>
          %gather3A_179 = tpu.dynamic_gather %get3A_168[%gather3A] in [0] : vector<16xf32>, vector<16xi32> -> vector<16xf32>
          %broadcast_in_dim3A_180 = vector.shape_cast %broadcast_in_dim3A_177 : vector<16xi32> to vector<16x1xi32>
          %gather3A_181 = vector.shape_cast %broadcast_in_dim3A_180 : vector<16x1xi32> to vector<16xi32>
          %gather3A_182 = tpu.dynamic_gather %get3A_170[%gather3A_181] in [0] : vector<16xf32>, vector<16xi32> -> vector<16xf32>
          %broadcast_in_dim3A_183 = vector.shape_cast %broadcast_in_dim3A_177 : vector<16xi32> to vector<16x1xi32>
          %gather3A_184 = vector.shape_cast %broadcast_in_dim3A_183 : vector<16x1xi32> to vector<16xi32>
          %gather3A_185 = tpu.dynamic_gather %get3A_172[%gather3A_184] in [0] : vector<16xf32>, vector<16xi32> -> vector<16xf32>
          %get3A_186 = arith.index_cast %add3A_176 : i32 to index
          %get3A_187 = arith.constant 0 : index
          %get3A_188 = tpu.vector_load %arg37[%get3A_186, %get3A_187] {strides = array<i32>} : memref<800x16xf32, #tpu.memory_space<vmem>>, vector<16xf32>,
          %mul3A_189 = arith.mulf %gather3A_179, %get3A_188 : vector<16xf32>
          %get3A_190 = arith.index_cast %add3A_176 : i32 to index
          %get3A_191 = arith.constant 0 : index
          %get3A_192 = tpu.vector_load %arg38[%get3A_190, %get3A_191] {strides = array<i32>} : memref<800x16xf32, #tpu.memory_space<vmem>>, vector<16xf32>,
          %mul3A_193 = arith.mulf %gather3A_182, %get3A_192 : vector<16xf32>
          %add3A_194 = arith.addf %mul3A_189, %mul3A_193 : vector<16xf32>
          %get3A_195 = arith.index_cast %add3A_176 : i32 to index
          %get3A_196 = arith.constant 0 : index
          %get3A_197 = tpu.vector_load %arg39[%get3A_195, %get3A_196] {strides = array<i32>} : memref<800x16xf32, #tpu.memory_space<vmem>>, vector<16xf32>,
          %mul3A_198 = arith.mulf %gather3A_185, %get3A_197 : vector<16xf32>
          %add3A_199 = arith.addf %add3A_194, %mul3A_198 : vector<16xf32>
          %swap3A = arith.index_cast %add3A_176 : i32 to index
          %swap3A_200 = arith.constant 0 : index
          %swap3A_201 = tpu.vector_load %arg40[%swap3A, %swap3A_200] {strides = array<i32>} : memref<800x19xf32, #tpu.memory_space<vmem>>, vector<16xf32>,
          tpu.vector_store %arg40[%swap3A, %swap3A_200], %add3A_199 {strides = array<i32>} : memref<800x19xf32, #tpu.memory_space<vmem>>, vector<16xf32>,
          %add3A_202 = arith.constant 1 : i32
          %add3A_203 = arith.addi %mul3A_174, %add3A_202 : i32
          %broadcast_in_dim3A_204 = arith.constant 1 : i32
          %broadcast_in_dim3A_205 = vector.broadcast %broadcast_in_dim3A_204 : i32 to vector<16xi32>
          %broadcast_in_dim3A_206 = vector.shape_cast %broadcast_in_dim3A_205 : vector<16xi32> to vector<16x1xi32>
          %gather3A_207 = vector.shape_cast %broadcast_in_dim3A_206 : vector<16x1xi32> to vector<16xi32>
          %gather3A_208 = tpu.dynamic_gather %get3A_168[%gather3A_207] in [0] : vector<16xf32>, vector<16xi32> -> vector<16xf32>
          %broadcast_in_dim3A_209 = vector.shape_cast %broadcast_in_dim3A_205 : vector<16xi32> to vector<16x1xi32>
          %gather3A_210 = vector.shape_cast %broadcast_in_dim3A_209 : vector<16x1xi32> to vector<16xi32>
          %gather3A_211 = tpu.dynamic_gather %get3A_170[%gather3A_210] in [0] : vector<16xf32>, vector<16xi32> -> vector<16xf32>
          %broadcast_in_dim3A_212 = vector.shape_cast %broadcast_in_dim3A_205 : vector<16xi32> to vector<16x1xi32>
          %gather3A_213 = vector.shape_cast %broadcast_in_dim3A_212 : vector<16x1xi32> to vector<16xi32>
          %gather3A_214 = tpu.dynamic_gather %get3A_172[%gather3A_213] in [0] : vector<16xf32>, vector<16xi32> -> vector<16xf32>
          %get3A_215 = arith.index_cast %add3A_203 : i32 to index
          %get3A_216 = arith.constant 0 : index
          %get3A_217 = tpu.vector_load %arg37[%get3A_215, %get3A_216] {strides = array<i32>} : memref<800x16xf32, #tpu.memory_space<vmem>>, vector<16xf32>,
          %mul3A_218 = arith.mulf %gather3A_208, %get3A_217 : vector<16xf32>
          %get3A_219 = arith.index_cast %add3A_203 : i32 to index
          %get3A_220 = arith.constant 0 : index
          %get3A_221 = tpu.vector_load %arg38[%get3A_219, %get3A_220] {strides = array<i32>} : memref<800x16xf32, #tpu.memory_space<vmem>>, vector<16xf32>,
          %mul3A_222 = arith.mulf %gather3A_211, %get3A_221 : vector<16xf32>
          %add3A_223 = arith.addf %mul3A_218, %mul3A_222 : vector<16xf32>
          %get3A_224 = arith.index_cast %add3A_203 : i32 to index
          %get3A_225 = arith.constant 0 : index
          %get3A_226 = tpu.vector_load %arg39[%get3A_224, %get3A_225] {strides = array<i32>} : memref<800x16xf32, #tpu.memory_space<vmem>>, vector<16xf32>,
          %mul3A_227 = arith.mulf %gather3A_214, %get3A_226 : vector<16xf32>
          %add3A_228 = arith.addf %add3A_223, %mul3A_227 : vector<16xf32>
          %swap3A_229 = arith.index_cast %add3A_203 : i32 to index
          %swap3A_230 = arith.constant 0 : index
          %swap3A_231 = tpu.vector_load %arg40[%swap3A_229, %swap3A_230] {strides = array<i32>} : memref<800x19xf32, #tpu.memory_space<vmem>>, vector<16xf32>,
          tpu.vector_store %arg40[%swap3A_229, %swap3A_230], %add3A_228 {strides = array<i32>} : memref<800x19xf32, #tpu.memory_space<vmem>>, vector<16xf32>,
          %add3A_232 = arith.constant 2 : i32
          %add3A_233 = arith.addi %mul3A_174, %add3A_232 : i32
          %broadcast_in_dim3A_234 = arith.constant 2 : i32
          %broadcast_in_dim3A_235 = vector.broadcast %broadcast_in_dim3A_234 : i32 to vector<16xi32>
          %broadcast_in_dim3A_236 = vector.shape_cast %broadcast_in_dim3A_235 : vector<16xi32> to vector<16x1xi32>
          %gather3A_237 = vector.shape_cast %broadcast_in_dim3A_236 : vector<16x1xi32> to vector<16xi32>
          %gather3A_238 = tpu.dynamic_gather %get3A_168[%gather3A_237] in [0] : vector<16xf32>, vector<16xi32> -> vector<16xf32>
          %broadcast_in_dim3A_239 = vector.shape_cast %broadcast_in_dim3A_235 : vector<16xi32> to vector<16x1xi32>
          %gather3A_240 = vector.shape_cast %broadcast_in_dim3A_239 : vector<16x1xi32> to vector<16xi32>
          %gather3A_241 = tpu.dynamic_gather %get3A_170[%gather3A_240] in [0] : vector<16xf32>, vector<16xi32> -> vector<16xf32>
          %broadcast_in_dim3A_242 = vector.shape_cast %broadcast_in_dim3A_235 : vector<16xi32> to vector<16x1xi32>
          %gather3A_243 = vector.shape_cast %broadcast_in_dim3A_242 : vector<16x1xi32> to vector<16xi32>
          %gather3A_244 = tpu.dynamic_gather %get3A_172[%gather3A_243] in [0] : vector<16xf32>, vector<16xi32> -> vector<16xf32>
          %get3A_245 = arith.index_cast %add3A_233 : i32 to index
          %get3A_246 = arith.constant 0 : index
          %get3A_247 = tpu.vector_load %arg37[%get3A_245, %get3A_246] {strides = array<i32>} : memref<800x16xf32, #tpu.memory_space<vmem>>, vector<16xf32>,
          %mul3A_248 = arith.mulf %gather3A_238, %get3A_247 : vector<16xf32>
          %get3A_249 = arith.index_cast %add3A_233 : i32 to index
          %get3A_250 = arith.constant 0 : index
          %get3A_251 = tpu.vector_load %arg38[%get3A_249, %get3A_250] {strides = array<i32>} : memref<800x16xf32, #tpu.memory_space<vmem>>, vector<16xf32>,
          %mul3A_252 = arith.mulf %gather3A_241, %get3A_251 : vector<16xf32>
          %add3A_253 = arith.addf %mul3A_248, %mul3A_252 : vector<16xf32>
          %get3A_254 = arith.index_cast %add3A_233 : i32 to index
          %get3A_255 = arith.constant 0 : index
          %get3A_256 = tpu.vector_load %arg39[%get3A_254, %get3A_255] {strides = array<i32>} : memref<800x16xf32, #tpu.memory_space<vmem>>, vector<16xf32>,
          %mul3A_257 = arith.mulf %gather3A_244, %get3A_256 : vector<16xf32>
          %add3A_258 = arith.addf %add3A_253, %mul3A_257 : vector<16xf32>
          %swap3A_259 = arith.index_cast %add3A_233 : i32 to index
          %swap3A_260 = arith.constant 0 : index
          %swap3A_261 = tpu.vector_load %arg40[%swap3A_259, %swap3A_260] {strides = array<i32>} : memref<800x19xf32, #tpu.memory_space<vmem>>, vector<16xf32>,
          tpu.vector_store %arg40[%swap3A_259, %swap3A_260], %add3A_258 {strides = array<i32>} : memref<800x19xf32, #tpu.memory_space<vmem>>, vector<16xf32>,
          %add3A_262 = arith.constant 3 : i32
          %add3A_263 = arith.addi %mul3A_174, %add3A_262 : i32
          %broadcast_in_dim3A_264 = arith.constant 3 : i32
          %broadcast_in_dim3A_265 = vector.broadcast %broadcast_in_dim3A_264 : i32 to vector<16xi32>
          %broadcast_in_dim3A_266 = vector.shape_cast %broadcast_in_dim3A_265 : vector<16xi32> to vector<16x1xi32>
          %gather3A_267 = vector.shape_cast %broadcast_in_dim3A_266 : vector<16x1xi32> to vector<16xi32>
          %gather3A_268 = tpu.dynamic_gather %get3A_168[%gather3A_267] in [0] : vector<16xf32>, vector<16xi32> -> vector<16xf32>
          %broadcast_in_dim3A_269 = vector.shape_cast %broadcast_in_dim3A_265 : vector<16xi32> to vector<16x1xi32>
          %gather3A_270 = vector.shape_cast %broadcast_in_dim3A_269 : vector<16x1xi32> to vector<16xi32>
          %gather3A_271 = tpu.dynamic_gather %get3A_170[%gather3A_270] in [0] : vector<16xf32>, vector<16xi32> -> vector<16xf32>
          %broadcast_in_dim3A_272 = vector.shape_cast %broadcast_in_dim3A_265 : vector<16xi32> to vector<16x1xi32>
          %gather3A_273 = vector.shape_cast %broadcast_in_dim3A_272 : vector<16x1xi32> to vector<16xi32>
          %gather3A_274 = tpu.dynamic_gather %get3A_172[%gather3A_273] in [0] : vector<16xf32>, vector<16xi32> -> vector<16xf32>
          %get3A_275 = arith.index_cast %add3A_263 : i32 to index
          %get3A_276 = arith.constant 0 : index
          %get3A_277 = tpu.vector_load %arg37[%get3A_275, %get3A_276] {strides = array<i32>} : memref<800x16xf32, #tpu.memory_space<vmem>>, vector<16xf32>,
          %mul3A_278 = arith.mulf %gather3A_268, %get3A_277 : vector<16xf32>
          %get3A_279 = arith.index_cast %add3A_263 : i32 to index
          %get3A_280 = arith.constant 0 : index
          %get3A_281 = tpu.vector_load %arg38[%get3A_279, %get3A_280] {strides = array<i32>} : memref<800x16xf32, #tpu.memory_space<vmem>>, vector<16xf32>,
          %mul3A_282 = arith.mulf %gather3A_271, %get3A_281 : vector<16xf32>
          %add3A_283 = arith.addf %mul3A_278, %mul3A_282 : vector<16xf32>
          %get3A_284 = arith.index_cast %add3A_263 : i32 to index
          %get3A_285 = arith.constant 0 : index
          %get3A_286 = tpu.vector_load %arg39[%get3A_284, %get3A_285] {strides = array<i32>} : memref<800x16xf32, #tpu.memory_space<vmem>>, vector<16xf32>,
          %mul3A_287 = arith.mulf %gather3A_274, %get3A_286 : vector<16xf32>
          %add3A_288 = arith.addf %add3A_283, %mul3A_287 : vector<16xf32>
          %swap3A_289 = arith.index_cast %add3A_263 : i32 to index
          %swap3A_290 = arith.constant 0 : index
          %swap3A_291 = tpu.vector_load %arg40[%swap3A_289, %swap3A_290] {strides = array<i32>} : memref<800x19xf32, #tpu.memory_space<vmem>>, vector<16xf32>,
          tpu.vector_store %arg40[%swap3A_289, %swap3A_290], %add3A_288 {strides = array<i32>} : memref<800x19xf32, #tpu.memory_space<vmem>>, vector<16xf32>,
          %add3A_292 = arith.constant 4 : i32
          %add3A_293 = arith.addi %mul3A_174, %add3A_292 : i32
          %broadcast_in_dim3A_294 = arith.constant 4 : i32
          %broadcast_in_dim3A_295 = vector.broadcast %broadcast_in_dim3A_294 : i32 to vector<16xi32>
          %broadcast_in_dim3A_296 = vector.shape_cast %broadcast_in_dim3A_295 : vector<16xi32> to vector<16x1xi32>
          %gather3A_297 = vector.shape_cast %broadcast_in_dim3A_296 : vector<16x1xi32> to vector<16xi32>
          %gather3A_298 = tpu.dynamic_gather %get3A_168[%gather3A_297] in [0] : vector<16xf32>, vector<16xi32> -> vector<16xf32>
          %broadcast_in_dim3A_299 = vector.shape_cast %broadcast_in_dim3A_295 : vector<16xi32> to vector<16x1xi32>
          %gather3A_300 = vector.shape_cast %broadcast_in_dim3A_299 : vector<16x1xi32> to vector<16xi32>
          %gather3A_301 = tpu.dynamic_gather %get3A_170[%gather3A_300] in [0] : vector<16xf32>, vector<16xi32> -> vector<16xf32>
          %broadcast_in_dim3A_302 = vector.shape_cast %broadcast_in_dim3A_295 : vector<16xi32> to vector<16x1xi32>
          %gather3A_303 = vector.shape_cast %broadcast_in_dim3A_302 : vector<16x1xi32> to vector<16xi32>
          %gather3A_304 = tpu.dynamic_gather %get3A_172[%gather3A_303] in [0] : vector<16xf32>, vector<16xi32> -> vector<16xf32>
          %get3A_305 = arith.index_cast %add3A_293 : i32 to index
          %get3A_306 = arith.constant 0 : index
          %get3A_307 = tpu.vector_load %arg37[%get3A_305, %get3A_306] {strides = array<i32>} : memref<800x16xf32, #tpu.memory_space<vmem>>, vector<16xf32>,
          %mul3A_308 = arith.mulf %gather3A_298, %get3A_307 : vector<16xf32>
          %get3A_309 = arith.index_cast %add3A_293 : i32 to index
          %get3A_310 = arith.constant 0 : index
          %get3A_311 = tpu.vector_load %arg38[%get3A_309, %get3A_310] {strides = array<i32>} : memref<800x16xf32, #tpu.memory_space<vmem>>, vector<16xf32>,
          %mul3A_312 = arith.mulf %gather3A_301, %get3A_311 : vector<16xf32>
          %add3A_313 = arith.addf %mul3A_308, %mul3A_312 : vector<16xf32>
          %get3A_314 = arith.index_cast %add3A_293 : i32 to index
          %get3A_315 = arith.constant 0 : index
          %get3A_316 = tpu.vector_load %arg39[%get3A_314, %get3A_315] {strides = array<i32>} : memref<800x16xf32, #tpu.memory_space<vmem>>, vector<16xf32>,
          %mul3A_317 = arith.mulf %gather3A_304, %get3A_316 : vector<16xf32>
          %add3A_318 = arith.addf %add3A_313, %mul3A_317 : vector<16xf32>
          %swap3A_319 = arith.index_cast %add3A_293 : i32 to index
          %swap3A_320 = arith.constant 0 : index
          %swap3A_321 = tpu.vector_load %arg40[%swap3A_319, %swap3A_320] {strides = array<i32>} : memref<800x19xf32, #tpu.memory_space<vmem>>, vector<16xf32>,
          tpu.vector_store %arg40[%swap3A_319, %swap3A_320], %add3A_318 {strides = array<i32>} : memref<800x19xf32, #tpu.memory_space<vmem>>, vector<16xf32>,
          %add3A_322 = arith.constant 5 : i32
          %add3A_323 = arith.addi %mul3A_174, %add3A_322 : i32
          %broadcast_in_dim3A_324 = arith.constant 5 : i32
          %broadcast_in_dim3A_325 = vector.broadcast %broadcast_in_dim3A_324 : i32 to vector<16xi32>
          %broadcast_in_dim3A_326 = vector.shape_cast %broadcast_in_dim3A_325 : vector<16xi32> to vector<16x1xi32>
          %gather3A_327 = vector.shape_cast %broadcast_in_dim3A_326 : vector<16x1xi32> to vector<16xi32>
          %gather3A_328 = tpu.dynamic_gather %get3A_168[%gather3A_327] in [0] : vector<16xf32>, vector<16xi32> -> vector<16xf32>
          %broadcast_in_dim3A_329 = vector.shape_cast %broadcast_in_dim3A_325 : vector<16xi32> to vector<16x1xi32>
          %gather3A_330 = vector.shape_cast %broadcast_in_dim3A_329 : vector<16x1xi32> to vector<16xi32>
          %gather3A_331 = tpu.dynamic_gather %get3A_170[%gather3A_330] in [0] : vector<16xf32>, vector<16xi32> -> vector<16xf32>
          %broadcast_in_dim3A_332 = vector.shape_cast %broadcast_in_dim3A_325 : vector<16xi32> to vector<16x1xi32>
          %gather3A_333 = vector.shape_cast %broadcast_in_dim3A_332 : vector<16x1xi32> to vector<16xi32>
          %gather3A_334 = tpu.dynamic_gather %get3A_172[%gather3A_333] in [0] : vector<16xf32>, vector<16xi32> -> vector<16xf32>
          %get3A_335 = arith.index_cast %add3A_323 : i32 to index
          %get3A_336 = arith.constant 0 : index
          %get3A_337 = tpu.vector_load %arg37[%get3A_335, %get3A_336] {strides = array<i32>} : memref<800x16xf32, #tpu.memory_space<vmem>>, vector<16xf32>,
          %mul3A_338 = arith.mulf %gather3A_328, %get3A_337 : vector<16xf32>
          %get3A_339 = arith.index_cast %add3A_323 : i32 to index
          %get3A_340 = arith.constant 0 : index
          %get3A_341 = tpu.vector_load %arg38[%get3A_339, %get3A_340] {strides = array<i32>} : memref<800x16xf32, #tpu.memory_space<vmem>>, vector<16xf32>,
          %mul3A_342 = arith.mulf %gather3A_331, %get3A_341 : vector<16xf32>
          %add3A_343 = arith.addf %mul3A_338, %mul3A_342 : vector<16xf32>
          %get3A_344 = arith.index_cast %add3A_323 : i32 to index
          %get3A_345 = arith.constant 0 : index
          %get3A_346 = tpu.vector_load %arg39[%get3A_344, %get3A_345] {strides = array<i32>} : memref<800x16xf32, #tpu.memory_space<vmem>>, vector<16xf32>,
          %mul3A_347 = arith.mulf %gather3A_334, %get3A_346 : vector<16xf32>
          %add3A_348 = arith.addf %add3A_343, %mul3A_347 : vector<16xf32>
          %swap3A_349 = arith.index_cast %add3A_323 : i32 to index
          %swap3A_350 = arith.constant 0 : index
          %swap3A_351 = tpu.vector_load %arg40[%swap3A_349, %swap3A_350] {strides = array<i32>} : memref<800x19xf32, #tpu.memory_space<vmem>>, vector<16xf32>,
          tpu.vector_store %arg40[%swap3A_349, %swap3A_350], %add3A_348 {strides = array<i32>} : memref<800x19xf32, #tpu.memory_space<vmem>>, vector<16xf32>,
          %add3A_352 = arith.constant 6 : i32
          %add3A_353 = arith.addi %mul3A_174, %add3A_352 : i32
          %broadcast_in_dim3A_354 = arith.constant 6 : i32
          %broadcast_in_dim3A_355 = vector.broadcast %broadcast_in_dim3A_354 : i32 to vector<16xi32>
          %broadcast_in_dim3A_356 = vector.shape_cast %broadcast_in_dim3A_355 : vector<16xi32> to vector<16x1xi32>
          %gather3A_357 = vector.shape_cast %broadcast_in_dim3A_356 : vector<16x1xi32> to vector<16xi32>
          %gather3A_358 = tpu.dynamic_gather %get3A_168[%gather3A_357] in [0] : vector<16xf32>, vector<16xi32> -> vector<16xf32>
          %broadcast_in_dim3A_359 = vector.shape_cast %broadcast_in_dim3A_355 : vector<16xi32> to vector<16x1xi32>
          %gather3A_360 = vector.shape_cast %broadcast_in_dim3A_359 : vector<16x1xi32> to vector<16xi32>
          %gather3A_361 = tpu.dynamic_gather %get3A_170[%gather3A_360] in [0] : vector<16xf32>, vector<16xi32> -> vector<16xf32>
          %broadcast_in_dim3A_362 = vector.shape_cast %broadcast_in_dim3A_355 : vector<16xi32> to vector<16x1xi32>
          %gather3A_363 = vector.shape_cast %broadcast_in_dim3A_362 : vector<16x1xi32> to vector<16xi32>
          %gather3A_364 = tpu.dynamic_gather %get3A_172[%gather3A_363] in [0] : vector<16xf32>, vector<16xi32> -> vector<16xf32>
          %get3A_365 = arith.index_cast %add3A_353 : i32 to index
          %get3A_366 = arith.constant 0 : index
          %get3A_367 = tpu.vector_load %arg37[%get3A_365, %get3A_366] {strides = array<i32>} : memref<800x16xf32, #tpu.memory_space<vmem>>, vector<16xf32>,
          %mul3A_368 = arith.mulf %gather3A_358, %get3A_367 : vector<16xf32>
          %get3A_369 = arith.index_cast %add3A_353 : i32 to index
          %get3A_370 = arith.constant 0 : index
          %get3A_371 = tpu.vector_load %arg38[%get3A_369, %get3A_370] {strides = array<i32>} : memref<800x16xf32, #tpu.memory_space<vmem>>, vector<16xf32>,
          %mul3A_372 = arith.mulf %gather3A_361, %get3A_371 : vector<16xf32>
          %add3A_373 = arith.addf %mul3A_368, %mul3A_372 : vector<16xf32>
          %get3A_374 = arith.index_cast %add3A_353 : i32 to index
          %get3A_375 = arith.constant 0 : index
          %get3A_376 = tpu.vector_load %arg39[%get3A_374, %get3A_375] {strides = array<i32>} : memref<800x16xf32, #tpu.memory_space<vmem>>, vector<16xf32>,
          %mul3A_377 = arith.mulf %gather3A_364, %get3A_376 : vector<16xf32>
          %add3A_378 = arith.addf %add3A_373, %mul3A_377 : vector<16xf32>
          %swap3A_379 = arith.index_cast %add3A_353 : i32 to index
          %swap3A_380 = arith.constant 0 : index
          %swap3A_381 = tpu.vector_load %arg40[%swap3A_379, %swap3A_380] {strides = array<i32>} : memref<800x19xf32, #tpu.memory_space<vmem>>, vector<16xf32>,
          tpu.vector_store %arg40[%swap3A_379, %swap3A_380], %add3A_378 {strides = array<i32>} : memref<800x19xf32, #tpu.memory_space<vmem>>, vector<16xf32>,
          %add3A_382 = arith.constant 7 : i32
          %add3A_383 = arith.addi %mul3A_174, %add3A_382 : i32
          %broadcast_in_dim3A_384 = arith.constant 7 : i32
          %broadcast_in_dim3A_385 = vector.broadcast %broadcast_in_dim3A_384 : i32 to vector<16xi32>
          %broadcast_in_dim3A_386 = vector.shape_cast %broadcast_in_dim3A_385 : vector<16xi32> to vector<16x1xi32>
          %gather3A_387 = vector.shape_cast %broadcast_in_dim3A_386 : vector<16x1xi32> to vector<16xi32>
          %gather3A_388 = tpu.dynamic_gather %get3A_168[%gather3A_387] in [0] : vector<16xf32>, vector<16xi32> -> vector<16xf32>
          %broadcast_in_dim3A_389 = vector.shape_cast %broadcast_in_dim3A_385 : vector<16xi32> to vector<16x1xi32>
          %gather3A_390 = vector.shape_cast %broadcast_in_dim3A_389 : vector<16x1xi32> to vector<16xi32>
          %gather3A_391 = tpu.dynamic_gather %get3A_170[%gather3A_390] in [0] : vector<16xf32>, vector<16xi32> -> vector<16xf32>
          %broadcast_in_dim3A_392 = vector.shape_cast %broadcast_in_dim3A_385 : vector<16xi32> to vector<16x1xi32>
          %gather3A_393 = vector.shape_cast %broadcast_in_dim3A_392 : vector<16x1xi32> to vector<16xi32>
          %gather3A_394 = tpu.dynamic_gather %get3A_172[%gather3A_393] in [0] : vector<16xf32>, vector<16xi32> -> vector<16xf32>
          %get3A_395 = arith.index_cast %add3A_383 : i32 to index
          %get3A_396 = arith.constant 0 : index
          %get3A_397 = tpu.vector_load %arg37[%get3A_395, %get3A_396] {strides = array<i32>} : memref<800x16xf32, #tpu.memory_space<vmem>>, vector<16xf32>,
          %mul3A_398 = arith.mulf %gather3A_388, %get3A_397 : vector<16xf32>
          %get3A_399 = arith.index_cast %add3A_383 : i32 to index
          %get3A_400 = arith.constant 0 : index
          %get3A_401 = tpu.vector_load %arg38[%get3A_399, %get3A_400] {strides = array<i32>} : memref<800x16xf32, #tpu.memory_space<vmem>>, vector<16xf32>,
          %mul3A_402 = arith.mulf %gather3A_391, %get3A_401 : vector<16xf32>
          %add3A_403 = arith.addf %mul3A_398, %mul3A_402 : vector<16xf32>
          %get3A_404 = arith.index_cast %add3A_383 : i32 to index
          %get3A_405 = arith.constant 0 : index
          %get3A_406 = tpu.vector_load %arg39[%get3A_404, %get3A_405] {strides = array<i32>} : memref<800x16xf32, #tpu.memory_space<vmem>>, vector<16xf32>,
          %mul3A_407 = arith.mulf %gather3A_394, %get3A_406 : vector<16xf32>
          %add3A_408 = arith.addf %add3A_403, %mul3A_407 : vector<16xf32>
          %swap3A_409 = arith.index_cast %add3A_383 : i32 to index
          %swap3A_410 = arith.constant 0 : index
          %swap3A_411 = tpu.vector_load %arg40[%swap3A_409, %swap3A_410] {strides = array<i32>} : memref<800x19xf32, #tpu.memory_space<vmem>>, vector<16xf32>,
          tpu.vector_store %arg40[%swap3A_409, %swap3A_410], %add3A_408 {strides = array<i32>} : memref<800x19xf32, #tpu.memory_space<vmem>>, vector<16xf32>,
          %add3A_412 = arith.constant 8 : i32
          %add3A_413 = arith.addi %mul3A_174, %add3A_412 : i32
          %broadcast_in_dim3A_414 = arith.constant 8 : i32
          %broadcast_in_dim3A_415 = vector.broadcast %broadcast_in_dim3A_414 : i32 to vector<16xi32>
          %broadcast_in_dim3A_416 = vector.shape_cast %broadcast_in_dim3A_415 : vector<16xi32> to vector<16x1xi32>
          %gather3A_417 = vector.shape_cast %broadcast_in_dim3A_416 : vector<16x1xi32> to vector<16xi32>
          %gather3A_418 = tpu.dynamic_gather %get3A_168[%gather3A_417] in [0] : vector<16xf32>, vector<16xi32> -> vector<16xf32>
          %broadcast_in_dim3A_419 = vector.shape_cast %broadcast_in_dim3A_415 : vector<16xi32> to vector<16x1xi32>
          %gather3A_420 = vector.shape_cast %broadcast_in_dim3A_419 : vector<16x1xi32> to vector<16xi32>
          %gather3A_421 = tpu.dynamic_gather %get3A_170[%gather3A_420] in [0] : vector<16xf32>, vector<16xi32> -> vector<16xf32>
          %broadcast_in_dim3A_422 = vector.shape_cast %broadcast_in_dim3A_415 : vector<16xi32> to vector<16x1xi32>
          %gather3A_423 = vector.shape_cast %broadcast_in_dim3A_422 : vector<16x1xi32> to vector<16xi32>
          %gather3A_424 = tpu.dynamic_gather %get3A_172[%gather3A_423] in [0] : vector<16xf32>, vector<16xi32> -> vector<16xf32>
          %get3A_425 = arith.index_cast %add3A_413 : i32 to index
          %get3A_426 = arith.constant 0 : index
          %get3A_427 = tpu.vector_load %arg37[%get3A_425, %get3A_426] {strides = array<i32>} : memref<800x16xf32, #tpu.memory_space<vmem>>, vector<16xf32>,
          %mul3A_428 = arith.mulf %gather3A_418, %get3A_427 : vector<16xf32>
          %get3A_429 = arith.index_cast %add3A_413 : i32 to index
          %get3A_430 = arith.constant 0 : index
          %get3A_431 = tpu.vector_load %arg38[%get3A_429, %get3A_430] {strides = array<i32>} : memref<800x16xf32, #tpu.memory_space<vmem>>, vector<16xf32>,
          %mul3A_432 = arith.mulf %gather3A_421, %get3A_431 : vector<16xf32>
          %add3A_433 = arith.addf %mul3A_428, %mul3A_432 : vector<16xf32>
          %get3A_434 = arith.index_cast %add3A_413 : i32 to index
          %get3A_435 = arith.constant 0 : index
          %get3A_436 = tpu.vector_load %arg39[%get3A_434, %get3A_435] {strides = array<i32>} : memref<800x16xf32, #tpu.memory_space<vmem>>, vector<16xf32>,
          %mul3A_437 = arith.mulf %gather3A_424, %get3A_436 : vector<16xf32>
          %add3A_438 = arith.addf %add3A_433, %mul3A_437 : vector<16xf32>
          %swap3A_439 = arith.index_cast %add3A_413 : i32 to index
          %swap3A_440 = arith.constant 0 : index
          %swap3A_441 = tpu.vector_load %arg40[%swap3A_439, %swap3A_440] {strides = array<i32>} : memref<800x19xf32, #tpu.memory_space<vmem>>, vector<16xf32>,
          tpu.vector_store %arg40[%swap3A_439, %swap3A_440], %add3A_438 {strides = array<i32>} : memref<800x19xf32, #tpu.memory_space<vmem>>, vector<16xf32>,
          %add3A_442 = arith.constant 9 : i32
          %add3A_443 = arith.addi %mul3A_174, %add3A_442 : i32
          %broadcast_in_dim3A_444 = arith.constant 9 : i32
          %broadcast_in_dim3A_445 = vector.broadcast %broadcast_in_dim3A_444 : i32 to vector<16xi32>
          %broadcast_in_dim3A_446 = vector.shape_cast %broadcast_in_dim3A_445 : vector<16xi32> to vector<16x1xi32>
          %gather3A_447 = vector.shape_cast %broadcast_in_dim3A_446 : vector<16x1xi32> to vector<16xi32>
          %gather3A_448 = tpu.dynamic_gather %get3A_168[%gather3A_447] in [0] : vector<16xf32>, vector<16xi32> -> vector<16xf32>
          %broadcast_in_dim3A_449 = vector.shape_cast %broadcast_in_dim3A_445 : vector<16xi32> to vector<16x1xi32>
          %gather3A_450 = vector.shape_cast %broadcast_in_dim3A_449 : vector<16x1xi32> to vector<16xi32>
          %gather3A_451 = tpu.dynamic_gather %get3A_170[%gather3A_450] in [0] : vector<16xf32>, vector<16xi32> -> vector<16xf32>
          %broadcast_in_dim3A_452 = vector.shape_cast %broadcast_in_dim3A_445 : vector<16xi32> to vector<16x1xi32>
          %gather3A_453 = vector.shape_cast %broadcast_in_dim3A_452 : vector<16x1xi32> to vector<16xi32>
          %gather3A_454 = tpu.dynamic_gather %get3A_172[%gather3A_453] in [0] : vector<16xf32>, vector<16xi32> -> vector<16xf32>
          %get3A_455 = arith.index_cast %add3A_443 : i32 to index
          %get3A_456 = arith.constant 0 : index
          %get3A_457 = tpu.vector_load %arg37[%get3A_455, %get3A_456] {strides = array<i32>} : memref<800x16xf32, #tpu.memory_space<vmem>>, vector<16xf32>,
          %mul3A_458 = arith.mulf %gather3A_448, %get3A_457 : vector<16xf32>
          %get3A_459 = arith.index_cast %add3A_443 : i32 to index
          %get3A_460 = arith.constant 0 : index
          %get3A_461 = tpu.vector_load %arg38[%get3A_459, %get3A_460] {strides = array<i32>} : memref<800x16xf32, #tpu.memory_space<vmem>>, vector<16xf32>,
          %mul3A_462 = arith.mulf %gather3A_451, %get3A_461 : vector<16xf32>
          %add3A_463 = arith.addf %mul3A_458, %mul3A_462 : vector<16xf32>
          %get3A_464 = arith.index_cast %add3A_443 : i32 to index
          %get3A_465 = arith.constant 0 : index
          %get3A_466 = tpu.vector_load %arg39[%get3A_464, %get3A_465] {strides = array<i32>} : memref<800x16xf32, #tpu.memory_space<vmem>>, vector<16xf32>,
          %mul3A_467 = arith.mulf %gather3A_454, %get3A_466 : vector<16xf32>
          %add3A_468 = arith.addf %add3A_463, %mul3A_467 : vector<16xf32>
          %swap3A_469 = arith.index_cast %add3A_443 : i32 to index
          %swap3A_470 = arith.constant 0 : index
          %swap3A_471 = tpu.vector_load %arg40[%swap3A_469, %swap3A_470] {strides = array<i32>} : memref<800x19xf32, #tpu.memory_space<vmem>>, vector<16xf32>,
          tpu.vector_store %arg40[%swap3A_469, %swap3A_470], %add3A_468 {strides = array<i32>} : memref<800x19xf32, #tpu.memory_space<vmem>>, vector<16xf32>,
          %add3A_472 = arith.constant 10 : i32
          %add3A_473 = arith.addi %mul3A_174, %add3A_472 : i32
          %broadcast_in_dim3A_474 = arith.constant 10 : i32
          %broadcast_in_dim3A_475 = vector.broadcast %broadcast_in_dim3A_474 : i32 to vector<16xi32>
          %broadcast_in_dim3A_476 = vector.shape_cast %broadcast_in_dim3A_475 : vector<16xi32> to vector<16x1xi32>
          %gather3A_477 = vector.shape_cast %broadcast_in_dim3A_476 : vector<16x1xi32> to vector<16xi32>
          %gather3A_478 = tpu.dynamic_gather %get3A_168[%gather3A_477] in [0] : vector<16xf32>, vector<16xi32> -> vector<16xf32>
          %broadcast_in_dim3A_479 = vector.shape_cast %broadcast_in_dim3A_475 : vector<16xi32> to vector<16x1xi32>
          %gather3A_480 = vector.shape_cast %broadcast_in_dim3A_479 : vector<16x1xi32> to vector<16xi32>
          %gather3A_481 = tpu.dynamic_gather %get3A_170[%gather3A_480] in [0] : vector<16xf32>, vector<16xi32> -> vector<16xf32>
          %broadcast_in_dim3A_482 = vector.shape_cast %broadcast_in_dim3A_475 : vector<16xi32> to vector<16x1xi32>
          %gather3A_483 = vector.shape_cast %broadcast_in_dim3A_482 : vector<16x1xi32> to vector<16xi32>
          %gather3A_484 = tpu.dynamic_gather %get3A_172[%gather3A_483] in [0] : vector<16xf32>, vector<16xi32> -> vector<16xf32>
          %get3A_485 = arith.index_cast %add3A_473 : i32 to index
          %get3A_486 = arith.constant 0 : index
          %get3A_487 = tpu.vector_load %arg37[%get3A_485, %get3A_486] {strides = array<i32>} : memref<800x16xf32, #tpu.memory_space<vmem>>, vector<16xf32>,
          %mul3A_488 = arith.mulf %gather3A_478, %get3A_487 : vector<16xf32>
          %get3A_489 = arith.index_cast %add3A_473 : i32 to index
          %get3A_490 = arith.constant 0 : index
          %get3A_491 = tpu.vector_load %arg38[%get3A_489, %get3A_490] {strides = array<i32>} : memref<800x16xf32, #tpu.memory_space<vmem>>, vector<16xf32>,
          %mul3A_492 = arith.mulf %gather3A_481, %get3A_491 : vector<16xf32>
          %add3A_493 = arith.addf %mul3A_488, %mul3A_492 : vector<16xf32>
          %get3A_494 = arith.index_cast %add3A_473 : i32 to index
          %get3A_495 = arith.constant 0 : index
          %get3A_496 = tpu.vector_load %arg39[%get3A_494, %get3A_495] {strides = array<i32>} : memref<800x16xf32, #tpu.memory_space<vmem>>, vector<16xf32>,
          %mul3A_497 = arith.mulf %gather3A_484, %get3A_496 : vector<16xf32>
          %add3A_498 = arith.addf %add3A_493, %mul3A_497 : vector<16xf32>
          %swap3A_499 = arith.index_cast %add3A_473 : i32 to index
          %swap3A_500 = arith.constant 0 : index
          %swap3A_501 = tpu.vector_load %arg40[%swap3A_499, %swap3A_500] {strides = array<i32>} : memref<800x19xf32, #tpu.memory_space<vmem>>, vector<16xf32>,
          tpu.vector_store %arg40[%swap3A_499, %swap3A_500], %add3A_498 {strides = array<i32>} : memref<800x19xf32, #tpu.memory_space<vmem>>, vector<16xf32>,
          %add3A_502 = arith.constant 11 : i32
          %add3A_503 = arith.addi %mul3A_174, %add3A_502 : i32
          %broadcast_in_dim3A_504 = arith.constant 11 : i32
          %broadcast_in_dim3A_505 = vector.broadcast %broadcast_in_dim3A_504 : i32 to vector<16xi32>
          %broadcast_in_dim3A_506 = vector.shape_cast %broadcast_in_dim3A_505 : vector<16xi32> to vector<16x1xi32>
          %gather3A_507 = vector.shape_cast %broadcast_in_dim3A_506 : vector<16x1xi32> to vector<16xi32>
          %gather3A_508 = tpu.dynamic_gather %get3A_168[%gather3A_507] in [0] : vector<16xf32>, vector<16xi32> -> vector<16xf32>
          %broadcast_in_dim3A_509 = vector.shape_cast %broadcast_in_dim3A_505 : vector<16xi32> to vector<16x1xi32>
          %gather3A_510 = vector.shape_cast %broadcast_in_dim3A_509 : vector<16x1xi32> to vector<16xi32>
          %gather3A_511 = tpu.dynamic_gather %get3A_170[%gather3A_510] in [0] : vector<16xf32>, vector<16xi32> -> vector<16xf32>
          %broadcast_in_dim3A_512 = vector.shape_cast %broadcast_in_dim3A_505 : vector<16xi32> to vector<16x1xi32>
          %gather3A_513 = vector.shape_cast %broadcast_in_dim3A_512 : vector<16x1xi32> to vector<16xi32>
          %gather3A_514 = tpu.dynamic_gather %get3A_172[%gather3A_513] in [0] : vector<16xf32>, vector<16xi32> -> vector<16xf32>
          %get3A_515 = arith.index_cast %add3A_503 : i32 to index
          %get3A_516 = arith.constant 0 : index
          %get3A_517 = tpu.vector_load %arg37[%get3A_515, %get3A_516] {strides = array<i32>} : memref<800x16xf32, #tpu.memory_space<vmem>>, vector<16xf32>,
          %mul3A_518 = arith.mulf %gather3A_508, %get3A_517 : vector<16xf32>
          %get3A_519 = arith.index_cast %add3A_503 : i32 to index
          %get3A_520 = arith.constant 0 : index
          %get3A_521 = tpu.vector_load %arg38[%get3A_519, %get3A_520] {strides = array<i32>} : memref<800x16xf32, #tpu.memory_space<vmem>>, vector<16xf32>,
          %mul3A_522 = arith.mulf %gather3A_511, %get3A_521 : vector<16xf32>
          %add3A_523 = arith.addf %mul3A_518, %mul3A_522 : vector<16xf32>
          %get3A_524 = arith.index_cast %add3A_503 : i32 to index
          %get3A_525 = arith.constant 0 : index
          %get3A_526 = tpu.vector_load %arg39[%get3A_524, %get3A_525] {strides = array<i32>} : memref<800x16xf32, #tpu.memory_space<vmem>>, vector<16xf32>,
          %mul3A_527 = arith.mulf %gather3A_514, %get3A_526 : vector<16xf32>
          %add3A_528 = arith.addf %add3A_523, %mul3A_527 : vector<16xf32>
          %swap3A_529 = arith.index_cast %add3A_503 : i32 to index
          %swap3A_530 = arith.constant 0 : index
          %swap3A_531 = tpu.vector_load %arg40[%swap3A_529, %swap3A_530] {strides = array<i32>} : memref<800x19xf32, #tpu.memory_space<vmem>>, vector<16xf32>,
          tpu.vector_store %arg40[%swap3A_529, %swap3A_530], %add3A_528 {strides = array<i32>} : memref<800x19xf32, #tpu.memory_space<vmem>>, vector<16xf32>,
          %add3A_532 = arith.constant 12 : i32
          %add3A_533 = arith.addi %mul3A_174, %add3A_532 : i32
          %broadcast_in_dim3A_534 = arith.constant 12 : i32
          %broadcast_in_dim3A_535 = vector.broadcast %broadcast_in_dim3A_534 : i32 to vector<16xi32>
          %broadcast_in_dim3A_536 = vector.shape_cast %broadcast_in_dim3A_535 : vector<16xi32> to vector<16x1xi32>
          %gather3A_537 = vector.shape_cast %broadcast_in_dim3A_536 : vector<16x1xi32> to vector<16xi32>
          %gather3A_538 = tpu.dynamic_gather %get3A_168[%gather3A_537] in [0] : vector<16xf32>, vector<16xi32> -> vector<16xf32>
          %broadcast_in_dim3A_539 = vector.shape_cast %broadcast_in_dim3A_535 : vector<16xi32> to vector<16x1xi32>
          %gather3A_540 = vector.shape_cast %broadcast_in_dim3A_539 : vector<16x1xi32> to vector<16xi32>
          %gather3A_541 = tpu.dynamic_gather %get3A_170[%gather3A_540] in [0] : vector<16xf32>, vector<16xi32> -> vector<16xf32>
          %broadcast_in_dim3A_542 = vector.shape_cast %broadcast_in_dim3A_535 : vector<16xi32> to vector<16x1xi32>
          %gather3A_543 = vector.shape_cast %broadcast_in_dim3A_542 : vector<16x1xi32> to vector<16xi32>
          %gather3A_544 = tpu.dynamic_gather %get3A_172[%gather3A_543] in [0] : vector<16xf32>, vector<16xi32> -> vector<16xf32>
          %get3A_545 = arith.index_cast %add3A_533 : i32 to index
          %get3A_546 = arith.constant 0 : index
          %get3A_547 = tpu.vector_load %arg37[%get3A_545, %get3A_546] {strides = array<i32>} : memref<800x16xf32, #tpu.memory_space<vmem>>, vector<16xf32>,
          %mul3A_548 = arith.mulf %gather3A_538, %get3A_547 : vector<16xf32>
          %get3A_549 = arith.index_cast %add3A_533 : i32 to index
          %get3A_550 = arith.constant 0 : index
          %get3A_551 = tpu.vector_load %arg38[%get3A_549, %get3A_550] {strides = array<i32>} : memref<800x16xf32, #tpu.memory_space<vmem>>, vector<16xf32>,
          %mul3A_552 = arith.mulf %gather3A_541, %get3A_551 : vector<16xf32>
          %add3A_553 = arith.addf %mul3A_548, %mul3A_552 : vector<16xf32>
          %get3A_554 = arith.index_cast %add3A_533 : i32 to index
          %get3A_555 = arith.constant 0 : index
          %get3A_556 = tpu.vector_load %arg39[%get3A_554, %get3A_555] {strides = array<i32>} : memref<800x16xf32, #tpu.memory_space<vmem>>, vector<16xf32>,
          %mul3A_557 = arith.mulf %gather3A_544, %get3A_556 : vector<16xf32>
          %add3A_558 = arith.addf %add3A_553, %mul3A_557 : vector<16xf32>
          %swap3A_559 = arith.index_cast %add3A_533 : i32 to index
          %swap3A_560 = arith.constant 0 : index
          %swap3A_561 = tpu.vector_load %arg40[%swap3A_559, %swap3A_560] {strides = array<i32>} : memref<800x19xf32, #tpu.memory_space<vmem>>, vector<16xf32>,
          tpu.vector_store %arg40[%swap3A_559, %swap3A_560], %add3A_558 {strides = array<i32>} : memref<800x19xf32, #tpu.memory_space<vmem>>, vector<16xf32>,
          %add3A_562 = arith.constant 13 : i32
          %add3A_563 = arith.addi %mul3A_174, %add3A_562 : i32
          %broadcast_in_dim3A_564 = arith.constant 13 : i32
          %broadcast_in_dim3A_565 = vector.broadcast %broadcast_in_dim3A_564 : i32 to vector<16xi32>
          %broadcast_in_dim3A_566 = vector.shape_cast %broadcast_in_dim3A_565 : vector<16xi32> to vector<16x1xi32>
          %gather3A_567 = vector.shape_cast %broadcast_in_dim3A_566 : vector<16x1xi32> to vector<16xi32>
          %gather3A_568 = tpu.dynamic_gather %get3A_168[%gather3A_567] in [0] : vector<16xf32>, vector<16xi32> -> vector<16xf32>
          %broadcast_in_dim3A_569 = vector.shape_cast %broadcast_in_dim3A_565 : vector<16xi32> to vector<16x1xi32>
          %gather3A_570 = vector.shape_cast %broadcast_in_dim3A_569 : vector<16x1xi32> to vector<16xi32>
          %gather3A_571 = tpu.dynamic_gather %get3A_170[%gather3A_570] in [0] : vector<16xf32>, vector<16xi32> -> vector<16xf32>
          %broadcast_in_dim3A_572 = vector.shape_cast %broadcast_in_dim3A_565 : vector<16xi32> to vector<16x1xi32>
          %gather3A_573 = vector.shape_cast %broadcast_in_dim3A_572 : vector<16x1xi32> to vector<16xi32>
          %gather3A_574 = tpu.dynamic_gather %get3A_172[%gather3A_573] in [0] : vector<16xf32>, vector<16xi32> -> vector<16xf32>
          %get3A_575 = arith.index_cast %add3A_563 : i32 to index
          %get3A_576 = arith.constant 0 : index
          %get3A_577 = tpu.vector_load %arg37[%get3A_575, %get3A_576] {strides = array<i32>} : memref<800x16xf32, #tpu.memory_space<vmem>>, vector<16xf32>,
          %mul3A_578 = arith.mulf %gather3A_568, %get3A_577 : vector<16xf32>
          %get3A_579 = arith.index_cast %add3A_563 : i32 to index
          %get3A_580 = arith.constant 0 : index
          %get3A_581 = tpu.vector_load %arg38[%get3A_579, %get3A_580] {strides = array<i32>} : memref<800x16xf32, #tpu.memory_space<vmem>>, vector<16xf32>,
          %mul3A_582 = arith.mulf %gather3A_571, %get3A_581 : vector<16xf32>
          %add3A_583 = arith.addf %mul3A_578, %mul3A_582 : vector<16xf32>
          %get3A_584 = arith.index_cast %add3A_563 : i32 to index
          %get3A_585 = arith.constant 0 : index
          %get3A_586 = tpu.vector_load %arg39[%get3A_584, %get3A_585] {strides = array<i32>} : memref<800x16xf32, #tpu.memory_space<vmem>>, vector<16xf32>,
          %mul3A_587 = arith.mulf %gather3A_574, %get3A_586 : vector<16xf32>
          %add3A_588 = arith.addf %add3A_583, %mul3A_587 : vector<16xf32>
          %swap3A_589 = arith.index_cast %add3A_563 : i32 to index
          %swap3A_590 = arith.constant 0 : index
          %swap3A_591 = tpu.vector_load %arg40[%swap3A_589, %swap3A_590] {strides = array<i32>} : memref<800x19xf32, #tpu.memory_space<vmem>>, vector<16xf32>,
          tpu.vector_store %arg40[%swap3A_589, %swap3A_590], %add3A_588 {strides = array<i32>} : memref<800x19xf32, #tpu.memory_space<vmem>>, vector<16xf32>,
          %add3A_592 = arith.constant 14 : i32
          %add3A_593 = arith.addi %mul3A_174, %add3A_592 : i32
          %broadcast_in_dim3A_594 = arith.constant 14 : i32
          %broadcast_in_dim3A_595 = vector.broadcast %broadcast_in_dim3A_594 : i32 to vector<16xi32>
          %broadcast_in_dim3A_596 = vector.shape_cast %broadcast_in_dim3A_595 : vector<16xi32> to vector<16x1xi32>
          %gather3A_597 = vector.shape_cast %broadcast_in_dim3A_596 : vector<16x1xi32> to vector<16xi32>
          %gather3A_598 = tpu.dynamic_gather %get3A_168[%gather3A_597] in [0] : vector<16xf32>, vector<16xi32> -> vector<16xf32>
          %broadcast_in_dim3A_599 = vector.shape_cast %broadcast_in_dim3A_595 : vector<16xi32> to vector<16x1xi32>
          %gather3A_600 = vector.shape_cast %broadcast_in_dim3A_599 : vector<16x1xi32> to vector<16xi32>
          %gather3A_601 = tpu.dynamic_gather %get3A_170[%gather3A_600] in [0] : vector<16xf32>, vector<16xi32> -> vector<16xf32>
          %broadcast_in_dim3A_602 = vector.shape_cast %broadcast_in_dim3A_595 : vector<16xi32> to vector<16x1xi32>
          %gather3A_603 = vector.shape_cast %broadcast_in_dim3A_602 : vector<16x1xi32> to vector<16xi32>
          %gather3A_604 = tpu.dynamic_gather %get3A_172[%gather3A_603] in [0] : vector<16xf32>, vector<16xi32> -> vector<16xf32>
          %get3A_605 = arith.index_cast %add3A_593 : i32 to index
          %get3A_606 = arith.constant 0 : index
          %get3A_607 = tpu.vector_load %arg37[%get3A_605, %get3A_606] {strides = array<i32>} : memref<800x16xf32, #tpu.memory_space<vmem>>, vector<16xf32>,
          %mul3A_608 = arith.mulf %gather3A_598, %get3A_607 : vector<16xf32>
          %get3A_609 = arith.index_cast %add3A_593 : i32 to index
          %get3A_610 = arith.constant 0 : index
          %get3A_611 = tpu.vector_load %arg38[%get3A_609, %get3A_610] {strides = array<i32>} : memref<800x16xf32, #tpu.memory_space<vmem>>, vector<16xf32>,
          %mul3A_612 = arith.mulf %gather3A_601, %get3A_611 : vector<16xf32>
          %add3A_613 = arith.addf %mul3A_608, %mul3A_612 : vector<16xf32>
          %get3A_614 = arith.index_cast %add3A_593 : i32 to index
          %get3A_615 = arith.constant 0 : index
          %get3A_616 = tpu.vector_load %arg39[%get3A_614, %get3A_615] {strides = array<i32>} : memref<800x16xf32, #tpu.memory_space<vmem>>, vector<16xf32>,
          %mul3A_617 = arith.mulf %gather3A_604, %get3A_616 : vector<16xf32>
          %add3A_618 = arith.addf %add3A_613, %mul3A_617 : vector<16xf32>
          %swap3A_619 = arith.index_cast %add3A_593 : i32 to index
          %swap3A_620 = arith.constant 0 : index
          %swap3A_621 = tpu.vector_load %arg40[%swap3A_619, %swap3A_620] {strides = array<i32>} : memref<800x19xf32, #tpu.memory_space<vmem>>, vector<16xf32>,
          tpu.vector_store %arg40[%swap3A_619, %swap3A_620], %add3A_618 {strides = array<i32>} : memref<800x19xf32, #tpu.memory_space<vmem>>, vector<16xf32>,
          %add3A_622 = arith.constant 15 : i32
          %add3A_623 = arith.addi %mul3A_174, %add3A_622 : i32
          %broadcast_in_dim3A_624 = arith.constant 15 : i32
          %broadcast_in_dim3A_625 = vector.broadcast %broadcast_in_dim3A_624 : i32 to vector<16xi32>
          %broadcast_in_dim3A_626 = vector.shape_cast %broadcast_in_dim3A_625 : vector<16xi32> to vector<16x1xi32>
          %gather3A_627 = vector.shape_cast %broadcast_in_dim3A_626 : vector<16x1xi32> to vector<16xi32>
          %gather3A_628 = tpu.dynamic_gather %get3A_168[%gather3A_627] in [0] : vector<16xf32>, vector<16xi32> -> vector<16xf32>
          %broadcast_in_dim3A_629 = vector.shape_cast %broadcast_in_dim3A_625 : vector<16xi32> to vector<16x1xi32>
          %gather3A_630 = vector.shape_cast %broadcast_in_dim3A_629 : vector<16x1xi32> to vector<16xi32>
          %gather3A_631 = tpu.dynamic_gather %get3A_170[%gather3A_630] in [0] : vector<16xf32>, vector<16xi32> -> vector<16xf32>
          %broadcast_in_dim3A_632 = vector.shape_cast %broadcast_in_dim3A_625 : vector<16xi32> to vector<16x1xi32>
          %gather3A_633 = vector.shape_cast %broadcast_in_dim3A_632 : vector<16x1xi32> to vector<16xi32>
          %gather3A_634 = tpu.dynamic_gather %get3A_172[%gather3A_633] in [0] : vector<16xf32>, vector<16xi32> -> vector<16xf32>
          %get3A_635 = arith.index_cast %add3A_623 : i32 to index
          %get3A_636 = arith.constant 0 : index
          %get3A_637 = tpu.vector_load %arg37[%get3A_635, %get3A_636] {strides = array<i32>} : memref<800x16xf32, #tpu.memory_space<vmem>>, vector<16xf32>,
          %mul3A_638 = arith.mulf %gather3A_628, %get3A_637 : vector<16xf32>
          %get3A_639 = arith.index_cast %add3A_623 : i32 to index
          %get3A_640 = arith.constant 0 : index
          %get3A_641 = tpu.vector_load %arg38[%get3A_639, %get3A_640] {strides = array<i32>} : memref<800x16xf32, #tpu.memory_space<vmem>>, vector<16xf32>,
          %mul3A_642 = arith.mulf %gather3A_631, %get3A_641 : vector<16xf32>
          %add3A_643 = arith.addf %mul3A_638, %mul3A_642 : vector<16xf32>
          %get3A_644 = arith.index_cast %add3A_623 : i32 to index
          %get3A_645 = arith.constant 0 : index
          %get3A_646 = tpu.vector_load %arg39[%get3A_644, %get3A_645] {strides = array<i32>} : memref<800x16xf32, #tpu.memory_space<vmem>>, vector<16xf32>,
          %mul3A_647 = arith.mulf %gather3A_634, %get3A_646 : vector<16xf32>
          %add3A_648 = arith.addf %add3A_643, %mul3A_647 : vector<16xf32>
          %swap3A_649 = arith.index_cast %add3A_623 : i32 to index
          %swap3A_650 = arith.constant 0 : index
          %swap3A_651 = tpu.vector_load %arg40[%swap3A_649, %swap3A_650] {strides = array<i32>} : memref<800x19xf32, #tpu.memory_space<vmem>>, vector<16xf32>,
          tpu.vector_store %arg40[%swap3A_649, %swap3A_650], %add3A_648 {strides = array<i32>} : memref<800x19xf32, #tpu.memory_space<vmem>>, vector<16xf32>,
          %iota3A = tpu.iota {dimensions = array<i32: 0>} : vector<16xi32>
          %add3A_652 = vector.broadcast %mul3A_174 : i32 to vector<16xi32>
          %add3A_653 = arith.addi %iota3A, %add3A_652 : vector<16xi32>
          %broadcast_in_dim3A_654 = arith.constant 16 : i32
          %broadcast_in_dim3A_655 = vector.broadcast %broadcast_in_dim3A_654 : i32 to vector<16xi32>
          %get3A_656 = arith.index_cast %mul3A_167 : i32 to index
          %get3A_657 = tpu.vector_load %arg25[%get3A_656] {strides = array<i32>} : memref<800xf32, #tpu.memory_space<vmem>>, vector<16xf32>,
          tpu.vector_store_idx %arg40[%add3A_653, %broadcast_in_dim3A_655], %get3A_657 : memref<800x19xf32, #tpu.memory_space<vmem>>[vector<16xi32>, vector<16xi32>], vector<16xf32>,
          %broadcast_in_dim3A_658 = arith.constant 17 : i32
          %broadcast_in_dim3A_659 = vector.broadcast %broadcast_in_dim3A_658 : i32 to vector<16xi32>
          %get3A_660 = arith.index_cast %mul3A_167 : i32 to index
          %get3A_661 = tpu.vector_load %arg26[%get3A_660] {strides = array<i32>} : memref<800xf32, #tpu.memory_space<vmem>>, vector<16xf32>,
          tpu.vector_store_idx %arg40[%add3A_653, %broadcast_in_dim3A_659], %get3A_661 : memref<800x19xf32, #tpu.memory_space<vmem>>[vector<16xi32>, vector<16xi32>], vector<16xf32>,
          %broadcast_in_dim3A_662 = arith.constant 18 : i32
          %broadcast_in_dim3A_663 = vector.broadcast %broadcast_in_dim3A_662 : i32 to vector<16xi32>
          %get3A_664 = arith.index_cast %mul3A_167 : i32 to index
          %get3A_665 = tpu.vector_load %arg27[%get3A_664] {strides = array<i32>} : memref<800xf32, #tpu.memory_space<vmem>>, vector<16xf32>,
          tpu.vector_store_idx %arg40[%add3A_653, %broadcast_in_dim3A_663], %get3A_665 : memref<800x19xf32, #tpu.memory_space<vmem>>[vector<16xi32>, vector<16xi32>], vector<16xf32>,
          %scan3A_666 = arith.constant 1 : i32
          %scan3A_667 = arith.addi %scan3A_165, %scan3A_666 : i32
          %mul3A_668 = arith.constant 16 : i32
          %mul3A_669 = arith.muli %scan3A_667, %mul3A_668 : i32
          %get3A_670 = arith.index_cast %mul3A_669 : i32 to index
          %get3A_671 = tpu.vector_load %arg22[%get3A_670] {strides = array<i32>} : memref<800xf32, #tpu.memory_space<vmem>>, vector<16xf32>,
          %get3A_672 = arith.index_cast %mul3A_669 : i32 to index
          %get3A_673 = tpu.vector_load %arg23[%get3A_672] {strides = array<i32>} : memref<800xf32, #tpu.memory_space<vmem>>, vector<16xf32>,
          %get3A_674 = arith.index_cast %mul3A_669 : i32 to index
          %get3A_675 = tpu.vector_load %arg24[%get3A_674] {strides = array<i32>} : memref<800xf32, #tpu.memory_space<vmem>>, vector<16xf32>,
          %mul3A_676 = arith.constant 16 : i32
          %mul3A_677 = arith.muli %scan3A_667, %mul3A_676 : i32
          %add3A_678 = arith.constant 0 : i32
          %add3A_679 = arith.addi %mul3A_677, %add3A_678 : i32
          %broadcast_in_dim3A_680 = arith.constant 0 : i32
          %broadcast_in_dim3A_681 = vector.broadcast %broadcast_in_dim3A_680 : i32 to vector<16xi32>
          %broadcast_in_dim3A_682 = vector.shape_cast %broadcast_in_dim3A_681 : vector<16xi32> to vector<16x1xi32>
          %gather3A_683 = vector.shape_cast %broadcast_in_dim3A_682 : vector<16x1xi32> to vector<16xi32>
          %gather3A_684 = tpu.dynamic_gather %get3A_671[%gather3A_683] in [0] : vector<16xf32>, vector<16xi32> -> vector<16xf32>
          %broadcast_in_dim3A_685 = vector.shape_cast %broadcast_in_dim3A_681 : vector<16xi32> to vector<16x1xi32>
          %gather3A_686 = vector.shape_cast %broadcast_in_dim3A_685 : vector<16x1xi32> to vector<16xi32>
          %gather3A_687 = tpu.dynamic_gather %get3A_673[%gather3A_686] in [0] : vector<16xf32>, vector<16xi32> -> vector<16xf32>
          %broadcast_in_dim3A_688 = vector.shape_cast %broadcast_in_dim3A_681 : vector<16xi32> to vector<16x1xi32>
          %gather3A_689 = vector.shape_cast %broadcast_in_dim3A_688 : vector<16x1xi32> to vector<16xi32>
          %gather3A_690 = tpu.dynamic_gather %get3A_675[%gather3A_689] in [0] : vector<16xf32>, vector<16xi32> -> vector<16xf32>
          %get3A_691 = arith.index_cast %add3A_679 : i32 to index
          %get3A_692 = arith.constant 0 : index
          %get3A_693 = tpu.vector_load %arg37[%get3A_691, %get3A_692] {strides = array<i32>} : memref<800x16xf32, #tpu.memory_space<vmem>>, vector<16xf32>,
          %mul3A_694 = arith.mulf %gather3A_684, %get3A_693 : vector<16xf32>
          %get3A_695 = arith.index_cast %add3A_679 : i32 to index
          %get3A_696 = arith.constant 0 : index
          %get3A_697 = tpu.vector_load %arg38[%get3A_695, %get3A_696] {strides = array<i32>} : memref<800x16xf32, #tpu.memory_space<vmem>>, vector<16xf32>,
          %mul3A_698 = arith.mulf %gather3A_687, %get3A_697 : vector<16xf32>
          %add3A_699 = arith.addf %mul3A_694, %mul3A_698 : vector<16xf32>
          %get3A_700 = arith.index_cast %add3A_679 : i32 to index
          %get3A_701 = arith.constant 0 : index
          %get3A_702 = tpu.vector_load %arg39[%get3A_700, %get3A_701] {strides = array<i32>} : memref<800x16xf32, #tpu.memory_space<vmem>>, vector<16xf32>,
          %mul3A_703 = arith.mulf %gather3A_690, %get3A_702 : vector<16xf32>
          %add3A_704 = arith.addf %add3A_699, %mul3A_703 : vector<16xf32>
          %swap3A_705 = arith.index_cast %add3A_679 : i32 to index
          %swap3A_706 = arith.constant 0 : index
          %swap3A_707 = tpu.vector_load %arg40[%swap3A_705, %swap3A_706] {strides = array<i32>} : memref<800x19xf32, #tpu.memory_space<vmem>>, vector<16xf32>,
          tpu.vector_store %arg40[%swap3A_705, %swap3A_706], %add3A_704 {strides = array<i32>} : memref<800x19xf32, #tpu.memory_space<vmem>>, vector<16xf32>,
          %add3A_708 = arith.constant 1 : i32
          %add3A_709 = arith.addi %mul3A_677, %add3A_708 : i32
          %broadcast_in_dim3A_710 = arith.constant 1 : i32
          %broadcast_in_dim3A_711 = vector.broadcast %broadcast_in_dim3A_710 : i32 to vector<16xi32>
          %broadcast_in_dim3A_712 = vector.shape_cast %broadcast_in_dim3A_711 : vector<16xi32> to vector<16x1xi32>
          %gather3A_713 = vector.shape_cast %broadcast_in_dim3A_712 : vector<16x1xi32> to vector<16xi32>
          %gather3A_714 = tpu.dynamic_gather %get3A_671[%gather3A_713] in [0] : vector<16xf32>, vector<16xi32> -> vector<16xf32>
          %broadcast_in_dim3A_715 = vector.shape_cast %broadcast_in_dim3A_711 : vector<16xi32> to vector<16x1xi32>
          %gather3A_716 = vector.shape_cast %broadcast_in_dim3A_715 : vector<16x1xi32> to vector<16xi32>
          %gather3A_717 = tpu.dynamic_gather %get3A_673[%gather3A_716] in [0] : vector<16xf32>, vector<16xi32> -> vector<16xf32>
          %broadcast_in_dim3A_718 = vector.shape_cast %broadcast_in_dim3A_711 : vector<16xi32> to vector<16x1xi32>
          %gather3A_719 = vector.shape_cast %broadcast_in_dim3A_718 : vector<16x1xi32> to vector<16xi32>
          %gather3A_720 = tpu.dynamic_gather %get3A_675[%gather3A_719] in [0] : vector<16xf32>, vector<16xi32> -> vector<16xf32>
          %get3A_721 = arith.index_cast %add3A_709 : i32 to index
          %get3A_722 = arith.constant 0 : index
          %get3A_723 = tpu.vector_load %arg37[%get3A_721, %get3A_722] {strides = array<i32>} : memref<800x16xf32, #tpu.memory_space<vmem>>, vector<16xf32>,
          %mul3A_724 = arith.mulf %gather3A_714, %get3A_723 : vector<16xf32>
          %get3A_725 = arith.index_cast %add3A_709 : i32 to index
          %get3A_726 = arith.constant 0 : index
          %get3A_727 = tpu.vector_load %arg38[%get3A_725, %get3A_726] {strides = array<i32>} : memref<800x16xf32, #tpu.memory_space<vmem>>, vector<16xf32>,
          %mul3A_728 = arith.mulf %gather3A_717, %get3A_727 : vector<16xf32>
          %add3A_729 = arith.addf %mul3A_724, %mul3A_728 : vector<16xf32>
          %get3A_730 = arith.index_cast %add3A_709 : i32 to index
          %get3A_731 = arith.constant 0 : index
          %get3A_732 = tpu.vector_load %arg39[%get3A_730, %get3A_731] {strides = array<i32>} : memref<800x16xf32, #tpu.memory_space<vmem>>, vector<16xf32>,
          %mul3A_733 = arith.mulf %gather3A_720, %get3A_732 : vector<16xf32>
          %add3A_734 = arith.addf %add3A_729, %mul3A_733 : vector<16xf32>
          %swap3A_735 = arith.index_cast %add3A_709 : i32 to index
          %swap3A_736 = arith.constant 0 : index
          %swap3A_737 = tpu.vector_load %arg40[%swap3A_735, %swap3A_736] {strides = array<i32>} : memref<800x19xf32, #tpu.memory_space<vmem>>, vector<16xf32>,
          tpu.vector_store %arg40[%swap3A_735, %swap3A_736], %add3A_734 {strides = array<i32>} : memref<800x19xf32, #tpu.memory_space<vmem>>, vector<16xf32>,
          %add3A_738 = arith.constant 2 : i32
          %add3A_739 = arith.addi %mul3A_677, %add3A_738 : i32
          %broadcast_in_dim3A_740 = arith.constant 2 : i32
          %broadcast_in_dim3A_741 = vector.broadcast %broadcast_in_dim3A_740 : i32 to vector<16xi32>
          %broadcast_in_dim3A_742 = vector.shape_cast %broadcast_in_dim3A_741 : vector<16xi32> to vector<16x1xi32>
          %gather3A_743 = vector.shape_cast %broadcast_in_dim3A_742 : vector<16x1xi32> to vector<16xi32>
          %gather3A_744 = tpu.dynamic_gather %get3A_671[%gather3A_743] in [0] : vector<16xf32>, vector<16xi32> -> vector<16xf32>
          %broadcast_in_dim3A_745 = vector.shape_cast %broadcast_in_dim3A_741 : vector<16xi32> to vector<16x1xi32>
          %gather3A_746 = vector.shape_cast %broadcast_in_dim3A_745 : vector<16x1xi32> to vector<16xi32>
          %gather3A_747 = tpu.dynamic_gather %get3A_673[%gather3A_746] in [0] : vector<16xf32>, vector<16xi32> -> vector<16xf32>
          %broadcast_in_dim3A_748 = vector.shape_cast %broadcast_in_dim3A_741 : vector<16xi32> to vector<16x1xi32>
          %gather3A_749 = vector.shape_cast %broadcast_in_dim3A_748 : vector<16x1xi32> to vector<16xi32>
          %gather3A_750 = tpu.dynamic_gather %get3A_675[%gather3A_749] in [0] : vector<16xf32>, vector<16xi32> -> vector<16xf32>
          %get3A_751 = arith.index_cast %add3A_739 : i32 to index
          %get3A_752 = arith.constant 0 : index
          %get3A_753 = tpu.vector_load %arg37[%get3A_751, %get3A_752] {strides = array<i32>} : memref<800x16xf32, #tpu.memory_space<vmem>>, vector<16xf32>,
          %mul3A_754 = arith.mulf %gather3A_744, %get3A_753 : vector<16xf32>
          %get3A_755 = arith.index_cast %add3A_739 : i32 to index
          %get3A_756 = arith.constant 0 : index
          %get3A_757 = tpu.vector_load %arg38[%get3A_755, %get3A_756] {strides = array<i32>} : memref<800x16xf32, #tpu.memory_space<vmem>>, vector<16xf32>,
          %mul3A_758 = arith.mulf %gather3A_747, %get3A_757 : vector<16xf32>
          %add3A_759 = arith.addf %mul3A_754, %mul3A_758 : vector<16xf32>
          %get3A_760 = arith.index_cast %add3A_739 : i32 to index
          %get3A_761 = arith.constant 0 : index
          %get3A_762 = tpu.vector_load %arg39[%get3A_760, %get3A_761] {strides = array<i32>} : memref<800x16xf32, #tpu.memory_space<vmem>>, vector<16xf32>,
          %mul3A_763 = arith.mulf %gather3A_750, %get3A_762 : vector<16xf32>
          %add3A_764 = arith.addf %add3A_759, %mul3A_763 : vector<16xf32>
          %swap3A_765 = arith.index_cast %add3A_739 : i32 to index
          %swap3A_766 = arith.constant 0 : index
          %swap3A_767 = tpu.vector_load %arg40[%swap3A_765, %swap3A_766] {strides = array<i32>} : memref<800x19xf32, #tpu.memory_space<vmem>>, vector<16xf32>,
          tpu.vector_store %arg40[%swap3A_765, %swap3A_766], %add3A_764 {strides = array<i32>} : memref<800x19xf32, #tpu.memory_space<vmem>>, vector<16xf32>,
          %add3A_768 = arith.constant 3 : i32
          %add3A_769 = arith.addi %mul3A_677, %add3A_768 : i32
          %broadcast_in_dim3A_770 = arith.constant 3 : i32
          %broadcast_in_dim3A_771 = vector.broadcast %broadcast_in_dim3A_770 : i32 to vector<16xi32>
          %broadcast_in_dim3A_772 = vector.shape_cast %broadcast_in_dim3A_771 : vector<16xi32> to vector<16x1xi32>
          %gather3A_773 = vector.shape_cast %broadcast_in_dim3A_772 : vector<16x1xi32> to vector<16xi32>
          %gather3A_774 = tpu.dynamic_gather %get3A_671[%gather3A_773] in [0] : vector<16xf32>, vector<16xi32> -> vector<16xf32>
          %broadcast_in_dim3A_775 = vector.shape_cast %broadcast_in_dim3A_771 : vector<16xi32> to vector<16x1xi32>
          %gather3A_776 = vector.shape_cast %broadcast_in_dim3A_775 : vector<16x1xi32> to vector<16xi32>
          %gather3A_777 = tpu.dynamic_gather %get3A_673[%gather3A_776] in [0] : vector<16xf32>, vector<16xi32> -> vector<16xf32>
          %broadcast_in_dim3A_778 = vector.shape_cast %broadcast_in_dim3A_771 : vector<16xi32> to vector<16x1xi32>
          %gather3A_779 = vector.shape_cast %broadcast_in_dim3A_778 : vector<16x1xi32> to vector<16xi32>
          %gather3A_780 = tpu.dynamic_gather %get3A_675[%gather3A_779] in [0] : vector<16xf32>, vector<16xi32> -> vector<16xf32>
          %get3A_781 = arith.index_cast %add3A_769 : i32 to index
          %get3A_782 = arith.constant 0 : index
          %get3A_783 = tpu.vector_load %arg37[%get3A_781, %get3A_782] {strides = array<i32>} : memref<800x16xf32, #tpu.memory_space<vmem>>, vector<16xf32>,
          %mul3A_784 = arith.mulf %gather3A_774, %get3A_783 : vector<16xf32>
          %get3A_785 = arith.index_cast %add3A_769 : i32 to index
          %get3A_786 = arith.constant 0 : index
          %get3A_787 = tpu.vector_load %arg38[%get3A_785, %get3A_786] {strides = array<i32>} : memref<800x16xf32, #tpu.memory_space<vmem>>, vector<16xf32>,
          %mul3A_788 = arith.mulf %gather3A_777, %get3A_787 : vector<16xf32>
          %add3A_789 = arith.addf %mul3A_784, %mul3A_788 : vector<16xf32>
          %get3A_790 = arith.index_cast %add3A_769 : i32 to index
          %get3A_791 = arith.constant 0 : index
          %get3A_792 = tpu.vector_load %arg39[%get3A_790, %get3A_791] {strides = array<i32>} : memref<800x16xf32, #tpu.memory_space<vmem>>, vector<16xf32>,
          %mul3A_793 = arith.mulf %gather3A_780, %get3A_792 : vector<16xf32>
          %add3A_794 = arith.addf %add3A_789, %mul3A_793 : vector<16xf32>
          %swap3A_795 = arith.index_cast %add3A_769 : i32 to index
          %swap3A_796 = arith.constant 0 : index
          %swap3A_797 = tpu.vector_load %arg40[%swap3A_795, %swap3A_796] {strides = array<i32>} : memref<800x19xf32, #tpu.memory_space<vmem>>, vector<16xf32>,
          tpu.vector_store %arg40[%swap3A_795, %swap3A_796], %add3A_794 {strides = array<i32>} : memref<800x19xf32, #tpu.memory_space<vmem>>, vector<16xf32>,
          %add3A_798 = arith.constant 4 : i32
          %add3A_799 = arith.addi %mul3A_677, %add3A_798 : i32
          %broadcast_in_dim3A_800 = arith.constant 4 : i32
          %broadcast_in_dim3A_801 = vector.broadcast %broadcast_in_dim3A_800 : i32 to vector<16xi32>
          %broadcast_in_dim3A_802 = vector.shape_cast %broadcast_in_dim3A_801 : vector<16xi32> to vector<16x1xi32>
          %gather3A_803 = vector.shape_cast %broadcast_in_dim3A_802 : vector<16x1xi32> to vector<16xi32>
          %gather3A_804 = tpu.dynamic_gather %get3A_671[%gather3A_803] in [0] : vector<16xf32>, vector<16xi32> -> vector<16xf32>
          %broadcast_in_dim3A_805 = vector.shape_cast %broadcast_in_dim3A_801 : vector<16xi32> to vector<16x1xi32>
          %gather3A_806 = vector.shape_cast %broadcast_in_dim3A_805 : vector<16x1xi32> to vector<16xi32>
          %gather3A_807 = tpu.dynamic_gather %get3A_673[%gather3A_806] in [0] : vector<16xf32>, vector<16xi32> -> vector<16xf32>
          %broadcast_in_dim3A_808 = vector.shape_cast %broadcast_in_dim3A_801 : vector<16xi32> to vector<16x1xi32>
          %gather3A_809 = vector.shape_cast %broadcast_in_dim3A_808 : vector<16x1xi32> to vector<16xi32>
          %gather3A_810 = tpu.dynamic_gather %get3A_675[%gather3A_809] in [0] : vector<16xf32>, vector<16xi32> -> vector<16xf32>
          %get3A_811 = arith.index_cast %add3A_799 : i32 to index
          %get3A_812 = arith.constant 0 : index
          %get3A_813 = tpu.vector_load %arg37[%get3A_811, %get3A_812] {strides = array<i32>} : memref<800x16xf32, #tpu.memory_space<vmem>>, vector<16xf32>,
          %mul3A_814 = arith.mulf %gather3A_804, %get3A_813 : vector<16xf32>
          %get3A_815 = arith.index_cast %add3A_799 : i32 to index
          %get3A_816 = arith.constant 0 : index
          %get3A_817 = tpu.vector_load %arg38[%get3A_815, %get3A_816] {strides = array<i32>} : memref<800x16xf32, #tpu.memory_space<vmem>>, vector<16xf32>,
          %mul3A_818 = arith.mulf %gather3A_807, %get3A_817 : vector<16xf32>
          %add3A_819 = arith.addf %mul3A_814, %mul3A_818 : vector<16xf32>
          %get3A_820 = arith.index_cast %add3A_799 : i32 to index
          %get3A_821 = arith.constant 0 : index
          %get3A_822 = tpu.vector_load %arg39[%get3A_820, %get3A_821] {strides = array<i32>} : memref<800x16xf32, #tpu.memory_space<vmem>>, vector<16xf32>,
          %mul3A_823 = arith.mulf %gather3A_810, %get3A_822 : vector<16xf32>
          %add3A_824 = arith.addf %add3A_819, %mul3A_823 : vector<16xf32>
          %swap3A_825 = arith.index_cast %add3A_799 : i32 to index
          %swap3A_826 = arith.constant 0 : index
          %swap3A_827 = tpu.vector_load %arg40[%swap3A_825, %swap3A_826] {strides = array<i32>} : memref<800x19xf32, #tpu.memory_space<vmem>>, vector<16xf32>,
          tpu.vector_store %arg40[%swap3A_825, %swap3A_826], %add3A_824 {strides = array<i32>} : memref<800x19xf32, #tpu.memory_space<vmem>>, vector<16xf32>,
          %add3A_828 = arith.constant 5 : i32
          %add3A_829 = arith.addi %mul3A_677, %add3A_828 : i32
          %broadcast_in_dim3A_830 = arith.constant 5 : i32
          %broadcast_in_dim3A_831 = vector.broadcast %broadcast_in_dim3A_830 : i32 to vector<16xi32>
          %broadcast_in_dim3A_832 = vector.shape_cast %broadcast_in_dim3A_831 : vector<16xi32> to vector<16x1xi32>
          %gather3A_833 = vector.shape_cast %broadcast_in_dim3A_832 : vector<16x1xi32> to vector<16xi32>
          %gather3A_834 = tpu.dynamic_gather %get3A_671[%gather3A_833] in [0] : vector<16xf32>, vector<16xi32> -> vector<16xf32>
          %broadcast_in_dim3A_835 = vector.shape_cast %broadcast_in_dim3A_831 : vector<16xi32> to vector<16x1xi32>
          %gather3A_836 = vector.shape_cast %broadcast_in_dim3A_835 : vector<16x1xi32> to vector<16xi32>
          %gather3A_837 = tpu.dynamic_gather %get3A_673[%gather3A_836] in [0] : vector<16xf32>, vector<16xi32> -> vector<16xf32>
          %broadcast_in_dim3A_838 = vector.shape_cast %broadcast_in_dim3A_831 : vector<16xi32> to vector<16x1xi32>
          %gather3A_839 = vector.shape_cast %broadcast_in_dim3A_838 : vector<16x1xi32> to vector<16xi32>
          %gather3A_840 = tpu.dynamic_gather %get3A_675[%gather3A_839] in [0] : vector<16xf32>, vector<16xi32> -> vector<16xf32>
          %get3A_841 = arith.index_cast %add3A_829 : i32 to index
          %get3A_842 = arith.constant 0 : index
          %get3A_843 = tpu.vector_load %arg37[%get3A_841, %get3A_842] {strides = array<i32>} : memref<800x16xf32, #tpu.memory_space<vmem>>, vector<16xf32>,
          %mul3A_844 = arith.mulf %gather3A_834, %get3A_843 : vector<16xf32>
          %get3A_845 = arith.index_cast %add3A_829 : i32 to index
          %get3A_846 = arith.constant 0 : index
          %get3A_847 = tpu.vector_load %arg38[%get3A_845, %get3A_846] {strides = array<i32>} : memref<800x16xf32, #tpu.memory_space<vmem>>, vector<16xf32>,
          %mul3A_848 = arith.mulf %gather3A_837, %get3A_847 : vector<16xf32>
          %add3A_849 = arith.addf %mul3A_844, %mul3A_848 : vector<16xf32>
          %get3A_850 = arith.index_cast %add3A_829 : i32 to index
          %get3A_851 = arith.constant 0 : index
          %get3A_852 = tpu.vector_load %arg39[%get3A_850, %get3A_851] {strides = array<i32>} : memref<800x16xf32, #tpu.memory_space<vmem>>, vector<16xf32>,
          %mul3A_853 = arith.mulf %gather3A_840, %get3A_852 : vector<16xf32>
          %add3A_854 = arith.addf %add3A_849, %mul3A_853 : vector<16xf32>
          %swap3A_855 = arith.index_cast %add3A_829 : i32 to index
          %swap3A_856 = arith.constant 0 : index
          %swap3A_857 = tpu.vector_load %arg40[%swap3A_855, %swap3A_856] {strides = array<i32>} : memref<800x19xf32, #tpu.memory_space<vmem>>, vector<16xf32>,
          tpu.vector_store %arg40[%swap3A_855, %swap3A_856], %add3A_854 {strides = array<i32>} : memref<800x19xf32, #tpu.memory_space<vmem>>, vector<16xf32>,
          %add3A_858 = arith.constant 6 : i32
          %add3A_859 = arith.addi %mul3A_677, %add3A_858 : i32
          %broadcast_in_dim3A_860 = arith.constant 6 : i32
          %broadcast_in_dim3A_861 = vector.broadcast %broadcast_in_dim3A_860 : i32 to vector<16xi32>
          %broadcast_in_dim3A_862 = vector.shape_cast %broadcast_in_dim3A_861 : vector<16xi32> to vector<16x1xi32>
          %gather3A_863 = vector.shape_cast %broadcast_in_dim3A_862 : vector<16x1xi32> to vector<16xi32>
          %gather3A_864 = tpu.dynamic_gather %get3A_671[%gather3A_863] in [0] : vector<16xf32>, vector<16xi32> -> vector<16xf32>
          %broadcast_in_dim3A_865 = vector.shape_cast %broadcast_in_dim3A_861 : vector<16xi32> to vector<16x1xi32>
          %gather3A_866 = vector.shape_cast %broadcast_in_dim3A_865 : vector<16x1xi32> to vector<16xi32>
          %gather3A_867 = tpu.dynamic_gather %get3A_673[%gather3A_866] in [0] : vector<16xf32>, vector<16xi32> -> vector<16xf32>
          %broadcast_in_dim3A_868 = vector.shape_cast %broadcast_in_dim3A_861 : vector<16xi32> to vector<16x1xi32>
          %gather3A_869 = vector.shape_cast %broadcast_in_dim3A_868 : vector<16x1xi32> to vector<16xi32>
          %gather3A_870 = tpu.dynamic_gather %get3A_675[%gather3A_869] in [0] : vector<16xf32>, vector<16xi32> -> vector<16xf32>
          %get3A_871 = arith.index_cast %add3A_859 : i32 to index
          %get3A_872 = arith.constant 0 : index
          %get3A_873 = tpu.vector_load %arg37[%get3A_871, %get3A_872] {strides = array<i32>} : memref<800x16xf32, #tpu.memory_space<vmem>>, vector<16xf32>,
          %mul3A_874 = arith.mulf %gather3A_864, %get3A_873 : vector<16xf32>
          %get3A_875 = arith.index_cast %add3A_859 : i32 to index
          %get3A_876 = arith.constant 0 : index
          %get3A_877 = tpu.vector_load %arg38[%get3A_875, %get3A_876] {strides = array<i32>} : memref<800x16xf32, #tpu.memory_space<vmem>>, vector<16xf32>,
          %mul3A_878 = arith.mulf %gather3A_867, %get3A_877 : vector<16xf32>
          %add3A_879 = arith.addf %mul3A_874, %mul3A_878 : vector<16xf32>
          %get3A_880 = arith.index_cast %add3A_859 : i32 to index
          %get3A_881 = arith.constant 0 : index
          %get3A_882 = tpu.vector_load %arg39[%get3A_880, %get3A_881] {strides = array<i32>} : memref<800x16xf32, #tpu.memory_space<vmem>>, vector<16xf32>,
          %mul3A_883 = arith.mulf %gather3A_870, %get3A_882 : vector<16xf32>
          %add3A_884 = arith.addf %add3A_879, %mul3A_883 : vector<16xf32>
          %swap3A_885 = arith.index_cast %add3A_859 : i32 to index
          %swap3A_886 = arith.constant 0 : index
          %swap3A_887 = tpu.vector_load %arg40[%swap3A_885, %swap3A_886] {strides = array<i32>} : memref<800x19xf32, #tpu.memory_space<vmem>>, vector<16xf32>,
          tpu.vector_store %arg40[%swap3A_885, %swap3A_886], %add3A_884 {strides = array<i32>} : memref<800x19xf32, #tpu.memory_space<vmem>>, vector<16xf32>,
          %add3A_888 = arith.constant 7 : i32
          %add3A_889 = arith.addi %mul3A_677, %add3A_888 : i32
          %broadcast_in_dim3A_890 = arith.constant 7 : i32
          %broadcast_in_dim3A_891 = vector.broadcast %broadcast_in_dim3A_890 : i32 to vector<16xi32>
          %broadcast_in_dim3A_892 = vector.shape_cast %broadcast_in_dim3A_891 : vector<16xi32> to vector<16x1xi32>
          %gather3A_893 = vector.shape_cast %broadcast_in_dim3A_892 : vector<16x1xi32> to vector<16xi32>
          %gather3A_894 = tpu.dynamic_gather %get3A_671[%gather3A_893] in [0] : vector<16xf32>, vector<16xi32> -> vector<16xf32>
          %broadcast_in_dim3A_895 = vector.shape_cast %broadcast_in_dim3A_891 : vector<16xi32> to vector<16x1xi32>
          %gather3A_896 = vector.shape_cast %broadcast_in_dim3A_895 : vector<16x1xi32> to vector<16xi32>
          %gather3A_897 = tpu.dynamic_gather %get3A_673[%gather3A_896] in [0] : vector<16xf32>, vector<16xi32> -> vector<16xf32>
          %broadcast_in_dim3A_898 = vector.shape_cast %broadcast_in_dim3A_891 : vector<16xi32> to vector<16x1xi32>
          %gather3A_899 = vector.shape_cast %broadcast_in_dim3A_898 : vector<16x1xi32> to vector<16xi32>
          %gather3A_900 = tpu.dynamic_gather %get3A_675[%gather3A_899] in [0] : vector<16xf32>, vector<16xi32> -> vector<16xf32>
          %get3A_901 = arith.index_cast %add3A_889 : i32 to index
          %get3A_902 = arith.constant 0 : index
          %get3A_903 = tpu.vector_load %arg37[%get3A_901, %get3A_902] {strides = array<i32>} : memref<800x16xf32, #tpu.memory_space<vmem>>, vector<16xf32>,
          %mul3A_904 = arith.mulf %gather3A_894, %get3A_903 : vector<16xf32>
          %get3A_905 = arith.index_cast %add3A_889 : i32 to index
          %get3A_906 = arith.constant 0 : index
          %get3A_907 = tpu.vector_load %arg38[%get3A_905, %get3A_906] {strides = array<i32>} : memref<800x16xf32, #tpu.memory_space<vmem>>, vector<16xf32>,
          %mul3A_908 = arith.mulf %gather3A_897, %get3A_907 : vector<16xf32>
          %add3A_909 = arith.addf %mul3A_904, %mul3A_908 : vector<16xf32>
          %get3A_910 = arith.index_cast %add3A_889 : i32 to index
          %get3A_911 = arith.constant 0 : index
          %get3A_912 = tpu.vector_load %arg39[%get3A_910, %get3A_911] {strides = array<i32>} : memref<800x16xf32, #tpu.memory_space<vmem>>, vector<16xf32>,
          %mul3A_913 = arith.mulf %gather3A_900, %get3A_912 : vector<16xf32>
          %add3A_914 = arith.addf %add3A_909, %mul3A_913 : vector<16xf32>
          %swap3A_915 = arith.index_cast %add3A_889 : i32 to index
          %swap3A_916 = arith.constant 0 : index
          %swap3A_917 = tpu.vector_load %arg40[%swap3A_915, %swap3A_916] {strides = array<i32>} : memref<800x19xf32, #tpu.memory_space<vmem>>, vector<16xf32>,
          tpu.vector_store %arg40[%swap3A_915, %swap3A_916], %add3A_914 {strides = array<i32>} : memref<800x19xf32, #tpu.memory_space<vmem>>, vector<16xf32>,
          %add3A_918 = arith.constant 8 : i32
          %add3A_919 = arith.addi %mul3A_677, %add3A_918 : i32
          %broadcast_in_dim3A_920 = arith.constant 8 : i32
          %broadcast_in_dim3A_921 = vector.broadcast %broadcast_in_dim3A_920 : i32 to vector<16xi32>
          %broadcast_in_dim3A_922 = vector.shape_cast %broadcast_in_dim3A_921 : vector<16xi32> to vector<16x1xi32>
          %gather3A_923 = vector.shape_cast %broadcast_in_dim3A_922 : vector<16x1xi32> to vector<16xi32>
          %gather3A_924 = tpu.dynamic_gather %get3A_671[%gather3A_923] in [0] : vector<16xf32>, vector<16xi32> -> vector<16xf32>
          %broadcast_in_dim3A_925 = vector.shape_cast %broadcast_in_dim3A_921 : vector<16xi32> to vector<16x1xi32>
          %gather3A_926 = vector.shape_cast %broadcast_in_dim3A_925 : vector<16x1xi32> to vector<16xi32>
          %gather3A_927 = tpu.dynamic_gather %get3A_673[%gather3A_926] in [0] : vector<16xf32>, vector<16xi32> -> vector<16xf32>
          %broadcast_in_dim3A_928 = vector.shape_cast %broadcast_in_dim3A_921 : vector<16xi32> to vector<16x1xi32>
          %gather3A_929 = vector.shape_cast %broadcast_in_dim3A_928 : vector<16x1xi32> to vector<16xi32>
          %gather3A_930 = tpu.dynamic_gather %get3A_675[%gather3A_929] in [0] : vector<16xf32>, vector<16xi32> -> vector<16xf32>
          %get3A_931 = arith.index_cast %add3A_919 : i32 to index
          %get3A_932 = arith.constant 0 : index
          %get3A_933 = tpu.vector_load %arg37[%get3A_931, %get3A_932] {strides = array<i32>} : memref<800x16xf32, #tpu.memory_space<vmem>>, vector<16xf32>,
          %mul3A_934 = arith.mulf %gather3A_924, %get3A_933 : vector<16xf32>
          %get3A_935 = arith.index_cast %add3A_919 : i32 to index
          %get3A_936 = arith.constant 0 : index
          %get3A_937 = tpu.vector_load %arg38[%get3A_935, %get3A_936] {strides = array<i32>} : memref<800x16xf32, #tpu.memory_space<vmem>>, vector<16xf32>,
          %mul3A_938 = arith.mulf %gather3A_927, %get3A_937 : vector<16xf32>
          %add3A_939 = arith.addf %mul3A_934, %mul3A_938 : vector<16xf32>
          %get3A_940 = arith.index_cast %add3A_919 : i32 to index
          %get3A_941 = arith.constant 0 : index
          %get3A_942 = tpu.vector_load %arg39[%get3A_940, %get3A_941] {strides = array<i32>} : memref<800x16xf32, #tpu.memory_space<vmem>>, vector<16xf32>,
          %mul3A_943 = arith.mulf %gather3A_930, %get3A_942 : vector<16xf32>
          %add3A_944 = arith.addf %add3A_939, %mul3A_943 : vector<16xf32>
          %swap3A_945 = arith.index_cast %add3A_919 : i32 to index
          %swap3A_946 = arith.constant 0 : index
          %swap3A_947 = tpu.vector_load %arg40[%swap3A_945, %swap3A_946] {strides = array<i32>} : memref<800x19xf32, #tpu.memory_space<vmem>>, vector<16xf32>,
          tpu.vector_store %arg40[%swap3A_945, %swap3A_946], %add3A_944 {strides = array<i32>} : memref<800x19xf32, #tpu.memory_space<vmem>>, vector<16xf32>,
          %add3A_948 = arith.constant 9 : i32
          %add3A_949 = arith.addi %mul3A_677, %add3A_948 : i32
          %broadcast_in_dim3A_950 = arith.constant 9 : i32
          %broadcast_in_dim3A_951 = vector.broadcast %broadcast_in_dim3A_950 : i32 to vector<16xi32>
          %broadcast_in_dim3A_952 = vector.shape_cast %broadcast_in_dim3A_951 : vector<16xi32> to vector<16x1xi32>
          %gather3A_953 = vector.shape_cast %broadcast_in_dim3A_952 : vector<16x1xi32> to vector<16xi32>
          %gather3A_954 = tpu.dynamic_gather %get3A_671[%gather3A_953] in [0] : vector<16xf32>, vector<16xi32> -> vector<16xf32>
          %broadcast_in_dim3A_955 = vector.shape_cast %broadcast_in_dim3A_951 : vector<16xi32> to vector<16x1xi32>
          %gather3A_956 = vector.shape_cast %broadcast_in_dim3A_955 : vector<16x1xi32> to vector<16xi32>
          %gather3A_957 = tpu.dynamic_gather %get3A_673[%gather3A_956] in [0] : vector<16xf32>, vector<16xi32> -> vector<16xf32>
          %broadcast_in_dim3A_958 = vector.shape_cast %broadcast_in_dim3A_951 : vector<16xi32> to vector<16x1xi32>
          %gather3A_959 = vector.shape_cast %broadcast_in_dim3A_958 : vector<16x1xi32> to vector<16xi32>
          %gather3A_960 = tpu.dynamic_gather %get3A_675[%gather3A_959] in [0] : vector<16xf32>, vector<16xi32> -> vector<16xf32>
          %get3A_961 = arith.index_cast %add3A_949 : i32 to index
          %get3A_962 = arith.constant 0 : index
          %get3A_963 = tpu.vector_load %arg37[%get3A_961, %get3A_962] {strides = array<i32>} : memref<800x16xf32, #tpu.memory_space<vmem>>, vector<16xf32>,
          %mul3A_964 = arith.mulf %gather3A_954, %get3A_963 : vector<16xf32>
          %get3A_965 = arith.index_cast %add3A_949 : i32 to index
          %get3A_966 = arith.constant 0 : index
          %get3A_967 = tpu.vector_load %arg38[%get3A_965, %get3A_966] {strides = array<i32>} : memref<800x16xf32, #tpu.memory_space<vmem>>, vector<16xf32>,
          %mul3A_968 = arith.mulf %gather3A_957, %get3A_967 : vector<16xf32>
          %add3A_969 = arith.addf %mul3A_964, %mul3A_968 : vector<16xf32>
          %get3A_970 = arith.index_cast %add3A_949 : i32 to index
          %get3A_971 = arith.constant 0 : index
          %get3A_972 = tpu.vector_load %arg39[%get3A_970, %get3A_971] {strides = array<i32>} : memref<800x16xf32, #tpu.memory_space<vmem>>, vector<16xf32>,
          %mul3A_973 = arith.mulf %gather3A_960, %get3A_972 : vector<16xf32>
          %add3A_974 = arith.addf %add3A_969, %mul3A_973 : vector<16xf32>
          %swap3A_975 = arith.index_cast %add3A_949 : i32 to index
          %swap3A_976 = arith.constant 0 : index
          %swap3A_977 = tpu.vector_load %arg40[%swap3A_975, %swap3A_976] {strides = array<i32>} : memref<800x19xf32, #tpu.memory_space<vmem>>, vector<16xf32>,
          tpu.vector_store %arg40[%swap3A_975, %swap3A_976], %add3A_974 {strides = array<i32>} : memref<800x19xf32, #tpu.memory_space<vmem>>, vector<16xf32>,
          %add3A_978 = arith.constant 10 : i32
          %add3A_979 = arith.addi %mul3A_677, %add3A_978 : i32
          %broadcast_in_dim3A_980 = arith.constant 10 : i32
          %broadcast_in_dim3A_981 = vector.broadcast %broadcast_in_dim3A_980 : i32 to vector<16xi32>
          %broadcast_in_dim3A_982 = vector.shape_cast %broadcast_in_dim3A_981 : vector<16xi32> to vector<16x1xi32>
          %gather3A_983 = vector.shape_cast %broadcast_in_dim3A_982 : vector<16x1xi32> to vector<16xi32>
          %gather3A_984 = tpu.dynamic_gather %get3A_671[%gather3A_983] in [0] : vector<16xf32>, vector<16xi32> -> vector<16xf32>
          %broadcast_in_dim3A_985 = vector.shape_cast %broadcast_in_dim3A_981 : vector<16xi32> to vector<16x1xi32>
          %gather3A_986 = vector.shape_cast %broadcast_in_dim3A_985 : vector<16x1xi32> to vector<16xi32>
          %gather3A_987 = tpu.dynamic_gather %get3A_673[%gather3A_986] in [0] : vector<16xf32>, vector<16xi32> -> vector<16xf32>
          %broadcast_in_dim3A_988 = vector.shape_cast %broadcast_in_dim3A_981 : vector<16xi32> to vector<16x1xi32>
          %gather3A_989 = vector.shape_cast %broadcast_in_dim3A_988 : vector<16x1xi32> to vector<16xi32>
          %gather3A_990 = tpu.dynamic_gather %get3A_675[%gather3A_989] in [0] : vector<16xf32>, vector<16xi32> -> vector<16xf32>
          %get3A_991 = arith.index_cast %add3A_979 : i32 to index
          %get3A_992 = arith.constant 0 : index
          %get3A_993 = tpu.vector_load %arg37[%get3A_991, %get3A_992] {strides = array<i32>} : memref<800x16xf32, #tpu.memory_space<vmem>>, vector<16xf32>,
          %mul3A_994 = arith.mulf %gather3A_984, %get3A_993 : vector<16xf32>
          %get3A_995 = arith.index_cast %add3A_979 : i32 to index
          %get3A_996 = arith.constant 0 : index
          %get3A_997 = tpu.vector_load %arg38[%get3A_995, %get3A_996] {strides = array<i32>} : memref<800x16xf32, #tpu.memory_space<vmem>>, vector<16xf32>,
          %mul3A_998 = arith.mulf %gather3A_987, %get3A_997 : vector<16xf32>
          %add3A_999 = arith.addf %mul3A_994, %mul3A_998 : vector<16xf32>
          %get3A_1000 = arith.index_cast %add3A_979 : i32 to index
          %get3A_1001 = arith.constant 0 : index
          %get3A_1002 = tpu.vector_load %arg39[%get3A_1000, %get3A_1001] {strides = array<i32>} : memref<800x16xf32, #tpu.memory_space<vmem>>, vector<16xf32>,
          %mul3A_1003 = arith.mulf %gather3A_990, %get3A_1002 : vector<16xf32>
          %add3A_1004 = arith.addf %add3A_999, %mul3A_1003 : vector<16xf32>
          %swap3A_1005 = arith.index_cast %add3A_979 : i32 to index
          %swap3A_1006 = arith.constant 0 : index
          %swap3A_1007 = tpu.vector_load %arg40[%swap3A_1005, %swap3A_1006] {strides = array<i32>} : memref<800x19xf32, #tpu.memory_space<vmem>>, vector<16xf32>,
          tpu.vector_store %arg40[%swap3A_1005, %swap3A_1006], %add3A_1004 {strides = array<i32>} : memref<800x19xf32, #tpu.memory_space<vmem>>, vector<16xf32>,
          %add3A_1008 = arith.constant 11 : i32
          %add3A_1009 = arith.addi %mul3A_677, %add3A_1008 : i32
          %broadcast_in_dim3A_1010 = arith.constant 11 : i32
          %broadcast_in_dim3A_1011 = vector.broadcast %broadcast_in_dim3A_1010 : i32 to vector<16xi32>
          %broadcast_in_dim3A_1012 = vector.shape_cast %broadcast_in_dim3A_1011 : vector<16xi32> to vector<16x1xi32>
          %gather3A_1013 = vector.shape_cast %broadcast_in_dim3A_1012 : vector<16x1xi32> to vector<16xi32>
          %gather3A_1014 = tpu.dynamic_gather %get3A_671[%gather3A_1013] in [0] : vector<16xf32>, vector<16xi32> -> vector<16xf32>
          %broadcast_in_dim3A_1015 = vector.shape_cast %broadcast_in_dim3A_1011 : vector<16xi32> to vector<16x1xi32>
          %gather3A_1016 = vector.shape_cast %broadcast_in_dim3A_1015 : vector<16x1xi32> to vector<16xi32>
          %gather3A_1017 = tpu.dynamic_gather %get3A_673[%gather3A_1016] in [0] : vector<16xf32>, vector<16xi32> -> vector<16xf32>
          %broadcast_in_dim3A_1018 = vector.shape_cast %broadcast_in_dim3A_1011 : vector<16xi32> to vector<16x1xi32>
          %gather3A_1019 = vector.shape_cast %broadcast_in_dim3A_1018 : vector<16x1xi32> to vector<16xi32>
          %gather3A_1020 = tpu.dynamic_gather %get3A_675[%gather3A_1019] in [0] : vector<16xf32>, vector<16xi32> -> vector<16xf32>
          %get3A_1021 = arith.index_cast %add3A_1009 : i32 to index
          %get3A_1022 = arith.constant 0 : index
          %get3A_1023 = tpu.vector_load %arg37[%get3A_1021, %get3A_1022] {strides = array<i32>} : memref<800x16xf32, #tpu.memory_space<vmem>>, vector<16xf32>,
          %mul3A_1024 = arith.mulf %gather3A_1014, %get3A_1023 : vector<16xf32>
          %get3A_1025 = arith.index_cast %add3A_1009 : i32 to index
          %get3A_1026 = arith.constant 0 : index
          %get3A_1027 = tpu.vector_load %arg38[%get3A_1025, %get3A_1026] {strides = array<i32>} : memref<800x16xf32, #tpu.memory_space<vmem>>, vector<16xf32>,
          %mul3A_1028 = arith.mulf %gather3A_1017, %get3A_1027 : vector<16xf32>
          %add3A_1029 = arith.addf %mul3A_1024, %mul3A_1028 : vector<16xf32>
          %get3A_1030 = arith.index_cast %add3A_1009 : i32 to index
          %get3A_1031 = arith.constant 0 : index
          %get3A_1032 = tpu.vector_load %arg39[%get3A_1030, %get3A_1031] {strides = array<i32>} : memref<800x16xf32, #tpu.memory_space<vmem>>, vector<16xf32>,
          %mul3A_1033 = arith.mulf %gather3A_1020, %get3A_1032 : vector<16xf32>
          %add3A_1034 = arith.addf %add3A_1029, %mul3A_1033 : vector<16xf32>
          %swap3A_1035 = arith.index_cast %add3A_1009 : i32 to index
          %swap3A_1036 = arith.constant 0 : index
          %swap3A_1037 = tpu.vector_load %arg40[%swap3A_1035, %swap3A_1036] {strides = array<i32>} : memref<800x19xf32, #tpu.memory_space<vmem>>, vector<16xf32>,
          tpu.vector_store %arg40[%swap3A_1035, %swap3A_1036], %add3A_1034 {strides = array<i32>} : memref<800x19xf32, #tpu.memory_space<vmem>>, vector<16xf32>,
          %add3A_1038 = arith.constant 12 : i32
          %add3A_1039 = arith.addi %mul3A_677, %add3A_1038 : i32
          %broadcast_in_dim3A_1040 = arith.constant 12 : i32
          %broadcast_in_dim3A_1041 = vector.broadcast %broadcast_in_dim3A_1040 : i32 to vector<16xi32>
          %broadcast_in_dim3A_1042 = vector.shape_cast %broadcast_in_dim3A_1041 : vector<16xi32> to vector<16x1xi32>
          %gather3A_1043 = vector.shape_cast %broadcast_in_dim3A_1042 : vector<16x1xi32> to vector<16xi32>
          %gather3A_1044 = tpu.dynamic_gather %get3A_671[%gather3A_1043] in [0] : vector<16xf32>, vector<16xi32> -> vector<16xf32>
          %broadcast_in_dim3A_1045 = vector.shape_cast %broadcast_in_dim3A_1041 : vector<16xi32> to vector<16x1xi32>
          %gather3A_1046 = vector.shape_cast %broadcast_in_dim3A_1045 : vector<16x1xi32> to vector<16xi32>
          %gather3A_1047 = tpu.dynamic_gather %get3A_673[%gather3A_1046] in [0] : vector<16xf32>, vector<16xi32> -> vector<16xf32>
          %broadcast_in_dim3A_1048 = vector.shape_cast %broadcast_in_dim3A_1041 : vector<16xi32> to vector<16x1xi32>
          %gather3A_1049 = vector.shape_cast %broadcast_in_dim3A_1048 : vector<16x1xi32> to vector<16xi32>
          %gather3A_1050 = tpu.dynamic_gather %get3A_675[%gather3A_1049] in [0] : vector<16xf32>, vector<16xi32> -> vector<16xf32>
          %get3A_1051 = arith.index_cast %add3A_1039 : i32 to index
          %get3A_1052 = arith.constant 0 : index
          %get3A_1053 = tpu.vector_load %arg37[%get3A_1051, %get3A_1052] {strides = array<i32>} : memref<800x16xf32, #tpu.memory_space<vmem>>, vector<16xf32>,
          %mul3A_1054 = arith.mulf %gather3A_1044, %get3A_1053 : vector<16xf32>
          %get3A_1055 = arith.index_cast %add3A_1039 : i32 to index
          %get3A_1056 = arith.constant 0 : index
          %get3A_1057 = tpu.vector_load %arg38[%get3A_1055, %get3A_1056] {strides = array<i32>} : memref<800x16xf32, #tpu.memory_space<vmem>>, vector<16xf32>,
          %mul3A_1058 = arith.mulf %gather3A_1047, %get3A_1057 : vector<16xf32>
          %add3A_1059 = arith.addf %mul3A_1054, %mul3A_1058 : vector<16xf32>
          %get3A_1060 = arith.index_cast %add3A_1039 : i32 to index
          %get3A_1061 = arith.constant 0 : index
          %get3A_1062 = tpu.vector_load %arg39[%get3A_1060, %get3A_1061] {strides = array<i32>} : memref<800x16xf32, #tpu.memory_space<vmem>>, vector<16xf32>,
          %mul3A_1063 = arith.mulf %gather3A_1050, %get3A_1062 : vector<16xf32>
          %add3A_1064 = arith.addf %add3A_1059, %mul3A_1063 : vector<16xf32>
          %swap3A_1065 = arith.index_cast %add3A_1039 : i32 to index
          %swap3A_1066 = arith.constant 0 : index
          %swap3A_1067 = tpu.vector_load %arg40[%swap3A_1065, %swap3A_1066] {strides = array<i32>} : memref<800x19xf32, #tpu.memory_space<vmem>>, vector<16xf32>,
          tpu.vector_store %arg40[%swap3A_1065, %swap3A_1066], %add3A_1064 {strides = array<i32>} : memref<800x19xf32, #tpu.memory_space<vmem>>, vector<16xf32>,
          %add3A_1068 = arith.constant 13 : i32
          %add3A_1069 = arith.addi %mul3A_677, %add3A_1068 : i32
          %broadcast_in_dim3A_1070 = arith.constant 13 : i32
          %broadcast_in_dim3A_1071 = vector.broadcast %broadcast_in_dim3A_1070 : i32 to vector<16xi32>
          %broadcast_in_dim3A_1072 = vector.shape_cast %broadcast_in_dim3A_1071 : vector<16xi32> to vector<16x1xi32>
          %gather3A_1073 = vector.shape_cast %broadcast_in_dim3A_1072 : vector<16x1xi32> to vector<16xi32>
          %gather3A_1074 = tpu.dynamic_gather %get3A_671[%gather3A_1073] in [0] : vector<16xf32>, vector<16xi32> -> vector<16xf32>
          %broadcast_in_dim3A_1075 = vector.shape_cast %broadcast_in_dim3A_1071 : vector<16xi32> to vector<16x1xi32>
          %gather3A_1076 = vector.shape_cast %broadcast_in_dim3A_1075 : vector<16x1xi32> to vector<16xi32>
          %gather3A_1077 = tpu.dynamic_gather %get3A_673[%gather3A_1076] in [0] : vector<16xf32>, vector<16xi32> -> vector<16xf32>
          %broadcast_in_dim3A_1078 = vector.shape_cast %broadcast_in_dim3A_1071 : vector<16xi32> to vector<16x1xi32>
          %gather3A_1079 = vector.shape_cast %broadcast_in_dim3A_1078 : vector<16x1xi32> to vector<16xi32>
          %gather3A_1080 = tpu.dynamic_gather %get3A_675[%gather3A_1079] in [0] : vector<16xf32>, vector<16xi32> -> vector<16xf32>
          %get3A_1081 = arith.index_cast %add3A_1069 : i32 to index
          %get3A_1082 = arith.constant 0 : index
          %get3A_1083 = tpu.vector_load %arg37[%get3A_1081, %get3A_1082] {strides = array<i32>} : memref<800x16xf32, #tpu.memory_space<vmem>>, vector<16xf32>,
          %mul3A_1084 = arith.mulf %gather3A_1074, %get3A_1083 : vector<16xf32>
          %get3A_1085 = arith.index_cast %add3A_1069 : i32 to index
          %get3A_1086 = arith.constant 0 : index
          %get3A_1087 = tpu.vector_load %arg38[%get3A_1085, %get3A_1086] {strides = array<i32>} : memref<800x16xf32, #tpu.memory_space<vmem>>, vector<16xf32>,
          %mul3A_1088 = arith.mulf %gather3A_1077, %get3A_1087 : vector<16xf32>
          %add3A_1089 = arith.addf %mul3A_1084, %mul3A_1088 : vector<16xf32>
          %get3A_1090 = arith.index_cast %add3A_1069 : i32 to index
          %get3A_1091 = arith.constant 0 : index
          %get3A_1092 = tpu.vector_load %arg39[%get3A_1090, %get3A_1091] {strides = array<i32>} : memref<800x16xf32, #tpu.memory_space<vmem>>, vector<16xf32>,
          %mul3A_1093 = arith.mulf %gather3A_1080, %get3A_1092 : vector<16xf32>
          %add3A_1094 = arith.addf %add3A_1089, %mul3A_1093 : vector<16xf32>
          %swap3A_1095 = arith.index_cast %add3A_1069 : i32 to index
          %swap3A_1096 = arith.constant 0 : index
          %swap3A_1097 = tpu.vector_load %arg40[%swap3A_1095, %swap3A_1096] {strides = array<i32>} : memref<800x19xf32, #tpu.memory_space<vmem>>, vector<16xf32>,
          tpu.vector_store %arg40[%swap3A_1095, %swap3A_1096], %add3A_1094 {strides = array<i32>} : memref<800x19xf32, #tpu.memory_space<vmem>>, vector<16xf32>,
          %add3A_1098 = arith.constant 14 : i32
          %add3A_1099 = arith.addi %mul3A_677, %add3A_1098 : i32
          %broadcast_in_dim3A_1100 = arith.constant 14 : i32
          %broadcast_in_dim3A_1101 = vector.broadcast %broadcast_in_dim3A_1100 : i32 to vector<16xi32>
          %broadcast_in_dim3A_1102 = vector.shape_cast %broadcast_in_dim3A_1101 : vector<16xi32> to vector<16x1xi32>
          %gather3A_1103 = vector.shape_cast %broadcast_in_dim3A_1102 : vector<16x1xi32> to vector<16xi32>
          %gather3A_1104 = tpu.dynamic_gather %get3A_671[%gather3A_1103] in [0] : vector<16xf32>, vector<16xi32> -> vector<16xf32>
          %broadcast_in_dim3A_1105 = vector.shape_cast %broadcast_in_dim3A_1101 : vector<16xi32> to vector<16x1xi32>
          %gather3A_1106 = vector.shape_cast %broadcast_in_dim3A_1105 : vector<16x1xi32> to vector<16xi32>
          %gather3A_1107 = tpu.dynamic_gather %get3A_673[%gather3A_1106] in [0] : vector<16xf32>, vector<16xi32> -> vector<16xf32>
          %broadcast_in_dim3A_1108 = vector.shape_cast %broadcast_in_dim3A_1101 : vector<16xi32> to vector<16x1xi32>
          %gather3A_1109 = vector.shape_cast %broadcast_in_dim3A_1108 : vector<16x1xi32> to vector<16xi32>
          %gather3A_1110 = tpu.dynamic_gather %get3A_675[%gather3A_1109] in [0] : vector<16xf32>, vector<16xi32> -> vector<16xf32>
          %get3A_1111 = arith.index_cast %add3A_1099 : i32 to index
          %get3A_1112 = arith.constant 0 : index
          %get3A_1113 = tpu.vector_load %arg37[%get3A_1111, %get3A_1112] {strides = array<i32>} : memref<800x16xf32, #tpu.memory_space<vmem>>, vector<16xf32>,
          %mul3A_1114 = arith.mulf %gather3A_1104, %get3A_1113 : vector<16xf32>
          %get3A_1115 = arith.index_cast %add3A_1099 : i32 to index
          %get3A_1116 = arith.constant 0 : index
          %get3A_1117 = tpu.vector_load %arg38[%get3A_1115, %get3A_1116] {strides = array<i32>} : memref<800x16xf32, #tpu.memory_space<vmem>>, vector<16xf32>,
          %mul3A_1118 = arith.mulf %gather3A_1107, %get3A_1117 : vector<16xf32>
          %add3A_1119 = arith.addf %mul3A_1114, %mul3A_1118 : vector<16xf32>
          %get3A_1120 = arith.index_cast %add3A_1099 : i32 to index
          %get3A_1121 = arith.constant 0 : index
          %get3A_1122 = tpu.vector_load %arg39[%get3A_1120, %get3A_1121] {strides = array<i32>} : memref<800x16xf32, #tpu.memory_space<vmem>>, vector<16xf32>,
          %mul3A_1123 = arith.mulf %gather3A_1110, %get3A_1122 : vector<16xf32>
          %add3A_1124 = arith.addf %add3A_1119, %mul3A_1123 : vector<16xf32>
          %swap3A_1125 = arith.index_cast %add3A_1099 : i32 to index
          %swap3A_1126 = arith.constant 0 : index
          %swap3A_1127 = tpu.vector_load %arg40[%swap3A_1125, %swap3A_1126] {strides = array<i32>} : memref<800x19xf32, #tpu.memory_space<vmem>>, vector<16xf32>,
          tpu.vector_store %arg40[%swap3A_1125, %swap3A_1126], %add3A_1124 {strides = array<i32>} : memref<800x19xf32, #tpu.memory_space<vmem>>, vector<16xf32>,
          %add3A_1128 = arith.constant 15 : i32
          %add3A_1129 = arith.addi %mul3A_677, %add3A_1128 : i32
          %broadcast_in_dim3A_1130 = arith.constant 15 : i32
          %broadcast_in_dim3A_1131 = vector.broadcast %broadcast_in_dim3A_1130 : i32 to vector<16xi32>
          %broadcast_in_dim3A_1132 = vector.shape_cast %broadcast_in_dim3A_1131 : vector<16xi32> to vector<16x1xi32>
          %gather3A_1133 = vector.shape_cast %broadcast_in_dim3A_1132 : vector<16x1xi32> to vector<16xi32>
          %gather3A_1134 = tpu.dynamic_gather %get3A_671[%gather3A_1133] in [0] : vector<16xf32>, vector<16xi32> -> vector<16xf32>
          %broadcast_in_dim3A_1135 = vector.shape_cast %broadcast_in_dim3A_1131 : vector<16xi32> to vector<16x1xi32>
          %gather3A_1136 = vector.shape_cast %broadcast_in_dim3A_1135 : vector<16x1xi32> to vector<16xi32>
          %gather3A_1137 = tpu.dynamic_gather %get3A_673[%gather3A_1136] in [0] : vector<16xf32>, vector<16xi32> -> vector<16xf32>
          %broadcast_in_dim3A_1138 = vector.shape_cast %broadcast_in_dim3A_1131 : vector<16xi32> to vector<16x1xi32>
          %gather3A_1139 = vector.shape_cast %broadcast_in_dim3A_1138 : vector<16x1xi32> to vector<16xi32>
          %gather3A_1140 = tpu.dynamic_gather %get3A_675[%gather3A_1139] in [0] : vector<16xf32>, vector<16xi32> -> vector<16xf32>
          %get3A_1141 = arith.index_cast %add3A_1129 : i32 to index
          %get3A_1142 = arith.constant 0 : index
          %get3A_1143 = tpu.vector_load %arg37[%get3A_1141, %get3A_1142] {strides = array<i32>} : memref<800x16xf32, #tpu.memory_space<vmem>>, vector<16xf32>,
          %mul3A_1144 = arith.mulf %gather3A_1134, %get3A_1143 : vector<16xf32>
          %get3A_1145 = arith.index_cast %add3A_1129 : i32 to index
          %get3A_1146 = arith.constant 0 : index
          %get3A_1147 = tpu.vector_load %arg38[%get3A_1145, %get3A_1146] {strides = array<i32>} : memref<800x16xf32, #tpu.memory_space<vmem>>, vector<16xf32>,
          %mul3A_1148 = arith.mulf %gather3A_1137, %get3A_1147 : vector<16xf32>
          %add3A_1149 = arith.addf %mul3A_1144, %mul3A_1148 : vector<16xf32>
          %get3A_1150 = arith.index_cast %add3A_1129 : i32 to index
          %get3A_1151 = arith.constant 0 : index
          %get3A_1152 = tpu.vector_load %arg39[%get3A_1150, %get3A_1151] {strides = array<i32>} : memref<800x16xf32, #tpu.memory_space<vmem>>, vector<16xf32>,
          %mul3A_1153 = arith.mulf %gather3A_1140, %get3A_1152 : vector<16xf32>
          %add3A_1154 = arith.addf %add3A_1149, %mul3A_1153 : vector<16xf32>
          %swap3A_1155 = arith.index_cast %add3A_1129 : i32 to index
          %swap3A_1156 = arith.constant 0 : index
          %swap3A_1157 = tpu.vector_load %arg40[%swap3A_1155, %swap3A_1156] {strides = array<i32>} : memref<800x19xf32, #tpu.memory_space<vmem>>, vector<16xf32>,
          tpu.vector_store %arg40[%swap3A_1155, %swap3A_1156], %add3A_1154 {strides = array<i32>} : memref<800x19xf32, #tpu.memory_space<vmem>>, vector<16xf32>,
          %iota3A_1158 = tpu.iota {dimensions = array<i32: 0>} : vector<16xi32>
          %add3A_1159 = vector.broadcast %mul3A_677 : i32 to vector<16xi32>
          %add3A_1160 = arith.addi %iota3A_1158, %add3A_1159 : vector<16xi32>
          %broadcast_in_dim3A_1161 = arith.constant 16 : i32
          %broadcast_in_dim3A_1162 = vector.broadcast %broadcast_in_dim3A_1161 : i32 to vector<16xi32>
          %get3A_1163 = arith.index_cast %mul3A_669 : i32 to index
          %get3A_1164 = tpu.vector_load %arg25[%get3A_1163] {strides = array<i32>} : memref<800xf32, #tpu.memory_space<vmem>>, vector<16xf32>,
          tpu.vector_store_idx %arg40[%add3A_1160, %broadcast_in_dim3A_1162], %get3A_1164 : memref<800x19xf32, #tpu.memory_space<vmem>>[vector<16xi32>, vector<16xi32>], vector<16xf32>,
          %broadcast_in_dim3A_1165 = arith.constant 17 : i32
          %broadcast_in_dim3A_1166 = vector.broadcast %broadcast_in_dim3A_1165 : i32 to vector<16xi32>
          %get3A_1167 = arith.index_cast %mul3A_669 : i32 to index
          %get3A_1168 = tpu.vector_load %arg26[%get3A_1167] {strides = array<i32>} : memref<800xf32, #tpu.memory_space<vmem>>, vector<16xf32>,
          tpu.vector_store_idx %arg40[%add3A_1160, %broadcast_in_dim3A_1166], %get3A_1168 : memref<800x19xf32, #tpu.memory_space<vmem>>[vector<16xi32>, vector<16xi32>], vector<16xf32>,
          %broadcast_in_dim3A_1169 = arith.constant 18 : i32
          %broadcast_in_dim3A_1170 = vector.broadcast %broadcast_in_dim3A_1169 : i32 to vector<16xi32>
          %get3A_1171 = arith.index_cast %mul3A_669 : i32 to index
          %get3A_1172 = tpu.vector_load %arg27[%get3A_1171] {strides = array<i32>} : memref<800xf32, #tpu.memory_space<vmem>>, vector<16xf32>,
          tpu.vector_store_idx %arg40[%add3A_1160, %broadcast_in_dim3A_1170], %get3A_1172 : memref<800x19xf32, #tpu.memory_space<vmem>>[vector<16xi32>, vector<16xi32>], vector<16xf32>,
        }
        %scan3A_155 = arith.constant 50 : i32
        %mul3A_156 = arith.constant 32 : i32
        %mul3A_157 = arith.muli %add3A_99, %mul3A_156 : i32
        %add3A_158 = arith.addi %mul3A_157, %add3A : i32
        %mul3A_159 = arith.constant 800 : i32
        %mul3A_160 = arith.muli %add3A_158, %mul3A_159 : i32
        %dma_start3A_161 = arith.constant 0 : i32
        %dma_start3A_162 = tpu.memref_slice %arg13[%mul3A_160, %dma_start3A_161] : memref<1000000x19xf32, #tpu.memory_space<hbm>> -> memref<800x19xf32, #tpu.memory_space<hbm>>
        %dma_start3A_163 = arith.constant 0 : i32
        %dma_start3A_164 = tpu.memref_slice %arg13[%mul3A_160, %dma_start3A_163] : memref<1000000x19xf32, #tpu.memory_space<hbm>> -> memref<800x19xf32, #tpu.memory_space<hbm>>
        tpu.enqueue_dma source(%arg40 : memref<800x19xf32, #tpu.memory_space<vmem>>) target(%dma_start3A_164 : memref<800x19xf32, #tpu.memory_space<hbm>>) target_semaphore(%arg45 : memref<!tpu.dma_semaphore, #tpu.memory_space<semaphore_mem>>)
      } else {
      }
    }
    %scan3A_82 = arith.constant 20 : i32
    %dma_wait3A_83 = arith.constant 0 : i32
    %dma_wait3A_84 = arith.constant 0 : i32
    %dma_wait3A_85 = tpu.memref_slice %arg13[%dma_wait3A_83, %dma_wait3A_84] : memref<1000000x19xf32, #tpu.memory_space<hbm>> -> memref<800x19xf32, #tpu.memory_space<hbm>>
    %dma_wait3A_86 = arith.constant 0 : i32
    %dma_wait3A_87 = arith.constant 0 : i32
    %dma_wait3A_88 = tpu.memref_slice %arg13[%dma_wait3A_86, %dma_wait3A_87] : memref<1000000x19xf32, #tpu.memory_space<hbm>> -> memref<800x19xf32, #tpu.memory_space<hbm>>
    tpu.wait_dma2 semaphore(%arg45 : memref<!tpu.dma_semaphore, #tpu.memory_space<semaphore_mem>>) src(%arg40 : memref<800x19xf32, #tpu.memory_space<vmem>>) dst(%dma_wait3A_88 : memref<800x19xf32, #tpu.memory_space<hbm>>)
    return
  }
}

</mosaic_0001>

<sc_bundles>
// kernel: kernel.3.cloned.1.call-start
scs
__scs_entry_jumppad:
0x0: {  	(pc) =	sbr.rel $0x88, $3  }
0x1: {  	(tag) =	ssettag $0x0;
	lr =	simm.s32 $0x1  }
0x2: {  	[smem:$0x3F9C] =	sst lr;
	_ =	strace $0xD0000000  }
0x3: {  	_ = 	snop  }
0x4: {  	_ = 	snop  }
0x5: {  	_ = 	snop  }
0x6: {  	_ = 	snop  }
0x7: {  	_ = 	snop  }
__scs_overlays_trampoline_lowered:
0x8: {  	[smem:$0x3FAB] =	sst s0  }
0x9: {  	[smem:$0x3FAC] =	sst s1  }
0xa: {  	[smem:$0x3FAD] =	sst s2  }
0xb: {  	[smem:$0x3FAE] =	sst s3  }
0xc: {  	[smem:$0x3FAF] =	sst s4  }
0xd: {  	[smem:$0x3FB0] =	sst s5  }
0xe: {  	[smem:$0x3FB1] =	sst s6  }
0xf: {  	[smem:$0x3FB2] =	sst s7  }
0x10: {  	[smem:$0x3FB3] =	sst s8  }
0x11: {  	[smem:$0x3FB4] =	sst s9;
	s0 =	simm.s32 @!p0 $0x0  }
0x12: {  	s1 =	sld [smem:$0x3F9A];
	s0 =	simm.s32 @p0 $0x1  }
0x13: {  	[smem:$0x3FB5] =	sst s0;
	s0 =	simm.s32 @!p1 $0x0  }
0x14: {  	s2 =	sld [smem:$0x3F99];
	s0 =	simm.s32 @p1 $0x1  }
0x15: {  	[smem:$0x3FB6] =	sst s0;
	s0 =	simm.s32 @!p2 $0x0  }
0x16: {  	s3 =	sld [smem:$0x3FDB];
	s0 =	simm.s32 @p2 $0x1  }
0x17: {  	s4 =	simm.s32 $0x1BF5;
	[smem:$0x3FB8] =	sst s0  }
0x18: {  	s0 =	sld [smem:$0x3F9B];
	_ =	swait.ge [sflag:s4], $0x0  }
0x19: {  	s7 =	sld [smem:$0x3F9C]  }
0x1a: {  	s8 =	sadd.s32 $0xFFFFE003, lr  }
0x1b: {  	s9 =	sadd.s32 $0xFFFFFEF7, lr;
	s5 =	simm.s32 $0xFFFFFFFF;
	p2 =	slt.u32 s8, $0xFFFFF086  }
0x1c: {  	p1 =	slt.u32 s9, $0xF7A;
	s5 =	simm.s32 @!p2 $0x0  }
0x1d: {  	s5 =	simm.s32 @p1 $0x1;
	p0 =	seq.s32 s7, s2  }
0x1e: {  	s7 =	smul.u32 @!p0 $0xF7A, s2;
	p2 =	seq.s32 @!p0 s5, $0x0  }
0x1f: {  	s9 =	smul.u32 $0xF7A, s1;
	s8 =	simm.s32 @!p0 $0x1BF5;
	p2 =	por !p2, p0  }
0x20: {  	[sflag:s8] =	ssyncset.s32 @!p0 $0xFFFFF086;
	s6 =	sadd.s32 @!p0 s3, s7;
	s7 =	simm.s32 @!p0 $0x108  }
0x21: {  	s3 =	sadd.s32 s3, s9;
	s6 =	sadd.s32 @!p0 $0x88, s6;
	s7 =	simm.s32 @p2 $0x1082  }
0x22: {  	[simem:s7], [sflag:s8] =	dma.local @!p0 [hbm:s6], $0xF7A  }
0x23: {  	s9 =	sor.u32 $0xD0000000, s2;
	s6 =	simm.s32 $0x108;
	_ =	swait.ge @!p0 [sflag:s8], $0x0  }
0x24: {  	s3 =	sadd.s32 $0x88, s3;
	s6 =	simm.s32 @!p1 $0x1082;
	[sflag:s4] =	ssyncset.s32 $0xFFFFF086  }
0x25: {  	[simem:s6], [sflag:s4] =	dma.local [hbm:s3], $0xF7A  }
0x26: {  	[smem:$0x3F9C] =	sst s1;
	(tag) =	ssettag s2;
	_ =	strace s9  }
0x27: {  	s1 =	sld [smem:$0x3FAC]  }
0x28: {  	s2 =	sld [smem:$0x3FAD]  }
0x29: {  	s4 =	sld [smem:$0x3FAF]  }
0x2a: {  	p0 =	seq.s32 s5, $0x0;
	s5 =	sld [smem:$0x3FB0]  }
0x2b: {  	s6 =	sld [smem:$0x3FB1]  }
0x2c: {  	s7 =	sld [smem:$0x3FB2]  }
0x2d: {  	s3 =	simm.s32 $0x108;
	s8 =	sld [smem:$0x3FB3]  }
0x2e: {  	s3 =	simm.s32 @!p0 $0x1082;
	s9 =	sld [smem:$0x3FB4]  }
0x2f: {  	lr =	sadd.s32 s0, s3;
	s0 =	sld [smem:$0x3FAB]  }
0x30: {  	s3 =	sld [smem:$0x3FAE]  }
0x31: {  	[smem:$0x3FB7] =	sst s10  }
0x32: {  	s10 =	sld [smem:$0x3FB5];
	_ =	sdelay $0x3  }
0x33: {  	p0 =	seq.s32 s10, $0x1;
	s10 =	sld [smem:$0x3FB7];
	_ =	sdelay $0x3  }
0x34: {  	[smem:$0x3FB7] =	sst s10  }
0x35: {  	s10 =	sld [smem:$0x3FB6];
	_ =	sdelay $0x3  }
0x36: {  	p1 =	seq.s32 s10, $0x1;
	s10 =	sld [smem:$0x3FB7];
	_ =	sdelay $0x3  }
0x37: {  	[smem:$0x3FB7] =	sst s10  }
0x38: {  	s10 =	sld [smem:$0x3FB8]  }
0x39: {  	_ = 	snop;
	(pc) =	sbr.ind lr, $3  }
0x3a: {  	_ = 	snop  }
0x3b: {  	_ = 	snop  }
0x3c: {  	p2 =	seq.s32 s10, $0x1;
	s10 =	sld [smem:$0x3FB7]  }
0x3d: {  	_ =	shalt  }
0x3e: {  	_ =	shalt  }
0x3f: {  	_ =	shalt  }
0x40: {  	_ =	shalt  }
0x41: {  	_ =	shalt  }
0x42: {  	_ =	shalt  }
0x43: {  	_ =	shalt  }
0x44: {  	_ =	shalt  }
0x45: {  	_ =	shalt  }
0x46: {  	_ =	shalt  }
0x47: {  	_ =	shalt  }
0x48: {  	_ =	shalt  }
0x49: {  	_ =	shalt  }
0x4a: {  	_ =	shalt  }
0x4b: {  	_ =	shalt  }
0x4c: {  	_ =	shalt  }
0x4d: {  	_ =	shalt  }
0x4e: {  	_ =	shalt  }
0x4f: {  	_ =	shalt  }
0x50: {  	_ =	shalt  }
0x51: {  	_ =	shalt  }
0x52: {  	_ =	shalt  }
0x53: {  	_ =	shalt  }
0x54: {  	_ =	shalt  }
0x55: {  	_ =	shalt  }
0x56: {  	_ =	shalt  }
0x57: {  	_ =	shalt  }
0x58: {  	_ =	shalt  }
0x59: {  	_ =	shalt  }
0x5a: {  	_ =	shalt  }
0x5b: {  	_ =	shalt  }
0x5c: {  	_ =	shalt  }
0x5d: {  	_ =	shalt  }
0x5e: {  	_ =	shalt  }
0x5f: {  	_ =	shalt  }
0x60: {  	_ =	shalt  }
0x61: {  	_ =	shalt  }
0x62: {  	_ =	shalt  }
0x63: {  	_ =	shalt  }
0x64: {  	_ =	shalt  }
0x65: {  	_ =	shalt  }
0x66: {  	_ =	shalt  }
0x67: {  	_ =	shalt  }
0x68: {  	_ =	shalt  }
0x69: {  	_ =	shalt  }
0x6a: {  	_ =	shalt  }
0x6b: {  	_ =	shalt  }
0x6c: {  	_ =	shalt  }
0x6d: {  	_ =	shalt  }
0x6e: {  	_ =	shalt  }
0x6f: {  	_ =	shalt  }
0x70: {  	_ =	shalt  }
0x71: {  	_ =	shalt  }
0x72: {  	_ =	shalt  }
0x73: {  	_ =	shalt  }
0x74: {  	_ =	shalt  }
0x75: {  	_ =	shalt  }
0x76: {  	_ =	shalt  }
0x77: {  	_ =	shalt  }
0x78: {  	_ =	shalt  }
0x79: {  	_ =	shalt  }
0x7a: {  	_ =	shalt  }
0x7b: {  	_ =	shalt  }
0x7c: {  	_ =	shalt  }
0x7d: {  	_ =	shalt  }
0x7e: {  	_ =	shalt  }
0x7f: {  	_ =	shalt  }
0x80: {  	_ =	shalt  }
0x81: {  	_ =	shalt  }
0x82: {  	_ =	shalt  }
0x83: {  	_ =	shalt  }
0x84: {  	_ =	shalt  }
0x85: {  	_ =	shalt  }
0x86: {  	_ =	shalt  }
0x87: {  	_ =	shalt  }
.Lfunc_end0:
.L_simem_size_0:
called_computation.1_lowered:
.L_overlay_start_0:
0x88: {  	s2 =	sld [smem:$0x3FD9]  }
0x89: {  	s3 =	sld [smem:$0x3FFE];
	_ =	sdelay $0x1  }
0x8a: {  	s1 =	srdreg.scid  }
0x8b: {  	s0 =	sand.u32 $0x1, s1  }
0x8c: {  	s17 =	sshll.u32 s0, $0xA;
	s2 =	sadd.s32 s3, s2  }
0x8d: {  	s2 =	sadd.s32 s2, s17  }
0x8e: {  	[smem:$0x3FC3] =	sst s2  }
0x8f: {  	_ = 	snop  }
0x90: {  	s2 =	sld [smem:$0x3FC8]  }
0x91: {  	s18 =	sld [smem:$0x3FD0];
	(tm) =	ssettm $0x1  }
0x92: {  	s4 =	sld [smem:$0x3FFB];
	_ =	sdelay $0x3  }
0x93: {  	_ =	strace s4  }
0x94: {  	s4 =	sld [smem:$0x3FFC];
	_ =	sdelay $0x3  }
0x95: {  	_ =	strace s4  }
0x96: {  	s4 =	sld [smem:$0x3FFD];
	_ =	sdelay $0x3  }
0x97: {  	_ =	strace s4  }
0x98: {  	_ =	strace $0x8FFFFFFF  }
0x99: {  	s19 =	sld [smem:$0x3FDB];
	_ =	sdelay $0x1  }
0x9a: {  	s5 =	simm.s32 $_scs_section_size  }
0x9b: {  	s6 =	simm.s32 $_size__tile_overlayer_lowered;
	s7 =	simm.s32 $_tile_overlayer_lowered  }
0x9c: {  	s22 =	simm.s32 $0x1BFF;
	s21 =	sshll.u32 s7, $0x1;
	s4 =	sadd.s32 s5, s19  }
0x9d: {  	s8 =	simm.s32 $0x0;
	s20 =	sshll.u32 s6, $0x1;
	s6 =	sadd.s32 s21, s4  }
0x9e: {  	[timem:s8], [sflag:s22] =	dma.local [hbm:s6], s20  }
0x9f: {  	_ =	swait.ge [sflag:s22], s20  }
0xa0: {  	s5 =	ssub.s32 $0x0, s20;
	[sflag:s22] =	ssyncset.done $0x0  }
0xa1: {  	[sflag:s22] =	ssyncadd.s32 s5;
	_ =	sdelay $0x1  }
0xa2: {  	s23 =	simm.s32 $0x1B8B  }
0xa3: {  	_ =	swait.ge [sflag:s23], $0x1  }
0xa4: {  	[sflag:s23] =	ssyncset.done $0x0  }
0xa5: {  	s25 =	simm.s32 $0x1B8E;
	s24 =	sld [smem:$0x3FFE];
	[sflag:s23] =	ssyncadd.s32 $0xFFFFFFFF  }
0xa6: {  	s26 =	simm.s32 $execute0_lowered;
	[smem:$0x3FD2] =	sst s25  }
0xa7: {  	s6 =	sshll.u32 s26, $0x1;
	_ =	strace $0x80000046;
	[dreg:$0x1] =	wrdreg $0xFFFFFFFF  }
0xa8: {  	s28 =	simm.s32 $_size_execute0_lowered;
	s4 =	sadd.s32 s4, s6;
	[dreg:$0x0] =	wrdreg $0x0  }
0xa9: {  	s6 =	sshll.u32 s28, $0x1;
	[dreg:$0x2] =	wrdreg s4  }
0xaa: {  	[dreg:$0x3] =	wrdreg s6  }
0xab: {  	[dreg:$0x4] =	wrdreg $0xC0  }
0xac: {  	_ =	task [dreg:s8], $0x5FFFF  }
0xad: {  	[dreg:$0x1] =	wrdreg $0xFFFFFFFF  }
0xae: {  	[dreg:$0x0] =	wrdreg $0x60  }
0xaf: {  	[dreg:$0x2] =	wrdreg s2  }
0xb0: {  	[dreg:$0x3] =	wrdreg s24  }
0xb1: {  	[dreg:$0x4] =	wrdreg s18  }
0xb2: {  	[dreg:$0x5] =	wrdreg $0x9  }
0xb3: {  	_ =	task.clear_ibuf [dreg:s8], $0x6FFFF;
	_ =	strace $0x90000046  }
0xb4: {  	s29 =	simm.s32 $0x9;
	_ =	strace $0x80000048  }
0xb5: {  	_ =	swait.ge [sflag:s29], $0x1  }
0xb6: {  	[sflag:s29] =	ssyncadd.s32 $0xFFFFFFFF  }
0xb7: {  	_ =	strace $0x90000048  }
0xb8: {  	_ =	sfence  }
0xb9: {  	s30 =	sld [smem:$0x0];
	_ =	sdelay $0x2  }
0xba: {  	s31 =	sshll.u32 s1, $0xD;
	s1 =	sshrl.u32 s1, $0x2  }
0xbb: {  	s3 =	sand.u32 $0x4000, s31;
	s1 =	sadd.s32 s1, s30  }
0xbc: {  	s0 =	sor.u32 s3, s0;
	s1 =	sshll.u32 s1, $0x11  }
0xbd: {  	s0 =	sor.u32 s1, s0  }
0xbe: {  	s0 =	sadd.s32 $0x8F2B, s0  }
0xbf: {  	[sflag:s0] =	ssyncadd.remote.s32 $0x1  }
0xc0: {  	_ =	sfence.sel $0xFFFF  }
0xc1: {  	[dreg:$0x0] =	wrdreg $0xFFFFFFFF;
	(pc) =	sbr.abs _section_cstart, $3  }
0xc2: {  	[dreg:$0x1] =	wrdreg $0xFFFFFFFF  }
0xc3: {  	_ =	task.clear_ibuf [dreg:s8], $0x2FFFF;
	_ =	strace $0x9FFFFFFF  }
0xc4: {  	(tm) =	ssettm $0x7FFFFFFF  }
0xc5: {  	_ =	shalt  }
tec
execute0_lowered:
.L_overlay_start_1:
0x0: {  	(tag) =	ssettag $0x1  }
0x1: {  	s31 =	rddreg [dreg:$0x0]  }
0x2: {  	s1 =	rddreg [dreg:$0x1]  }
0x3: {  	s4 =	simm.s32 $0x0;
	s0 =	srdreg.scid;
	s2 =	stileid.u32  }
0x4: {  	s15 =	simm.s32 $0x28;
	s17 =	simm.s32 $0x4;
	[smem:$0x7FF] =	sst s4  }
0x5: {  	s5 =	sadd.s32 $0x132000, s1;
	s7 =	sadd.s32 $0xF4E00, s1;
	s8 =	sadd.s32 $0xB7C00, s1  }
0x6: {  	s9 =	sadd.s32 $0x99200, s1;
	s0 =	sand.u32 $0x1, s0;
	s3 =	sshll.u32 s2, $0x1  }
0x7: {  	s10 =	sadd.s32 $0x7A800, s1;
	s11 =	sadd.s32 $0x5BE00, s1;
	s13 =	sadd.s32 $0x3D400, s1  }
0x8: {  	s14 =	sadd.s32 $0x1EA00, s1;
	p0 =	seq.s32 s2, $0x0;
	s12 =	sor.u32 s0, s3  }
0x9: {  	s28 =	smov.u32 s1;
	s15 =	simm.s32 @!p0 $0x27;
	s16 =	smul.u32 $0x64, s12  }
0xa: {  	s2 =	simm.s32 $0x0;
	_ =	strace $0x80000047;
	s30 =	sadd.s32 $0xFFFFFFFE, s15  }
0xb: {  	s0 =	ssub.s32 $0x2, s0;
	[dreg:$0xe] =	wrdreg s30;
	s18 =	sadd.s32 s31, s16  }
0xc: {  	s3 =	smul.u32 $0x320, s12;
	s20 =	sadd.s32 s9, s16;
	[dreg:$0x4] =	wrdreg s18  }
0xd: {  	s6 =	sshrl.u32 s0, $0x1;
	s21 =	sadd.s32 s10, s16;
	[dreg:$0x6] =	wrdreg s20  }
0xe: {  	s29 =	sadd.s32 $0xFFFFFFFD, s15;
	s22 =	sadd.s32 s11, s16;
	[dreg:$0x7] =	wrdreg s21  }
0xf: {  	v0 =	vimm.s32 $0x0;
	v1 =	vimm.s32 $0x1;
	v2 =	vimm.s32 $0x2;
	s0 =	ssub.s32 s0, s6;
	s23 =	sadd.s32 s13, s16;
	[dreg:$0x8] =	wrdreg s22  }
0x10: {  	v3 =	vimm.s32 $0x3;
	v4 =	vimm.s32 $0x4;
	v5 =	vimm.s32 $0x5;
	s3 =	sshrl.u32 s3, $0x3;
	s24 =	sadd.s32 s14, s16;
	[dreg:$0x9] =	wrdreg s23  }
.Ltmp0:
0x11: {  	v6 =	vimm.s32 $0x6;
	v7 =	vimm.s32 $0x7;
	v8 =	vimm.s32 $0x8;
	s25 =	sadd.s32 s1, s16;
	[dreg:$0xa] =	wrdreg s24;
	(pc) =	sbr.rel .LBB2_1-.Ltmp0, $4  }
0x12: {  	v9 =	vimm.s32 $0x9;
	v10 =	vimm.s32 $0xA;
	v13 =	vlaneseq.u32;
	s0 =	smax.u32 s0, $0x1;
	s3 =	sadd.s32 s31, s3;
	[dreg:$0xb] =	wrdreg s25  }
0x13: {  	v11 =	vimm.s32 $0xB;
	v12 =	vimm.s32 $0xC;
	v18 =	vmul.u32 $0x18, v13;
	s6 =	simm.s32 $0x2;
	[dreg:$0xd] =	wrdreg s0;
	s19 =	sadd.s32 $0xC80, s3  }
0x14: {  	v14 =	vimm.s32 $0xE;
	v15 =	vimm.s32 $0xF;
	v13 =	vimm.s32 $0xD;
	s0 =	simm.s32 $0x16A80;
	s26 =	sadd.s32 $0x1900, s3;
	[dreg:$0x5] =	wrdreg s19  }
0x15: {  	v16 =	vadd.s32 $0x10, v18;
	v17 =	vadd.s32 $0x11, v18;
	v18 =	vadd.s32 $0x12, v18;
	s18 =	simm.s32 $0x5;
	[dreg:$0xc] =	wrdreg s26;
	s26 =	sadd.s32 $0x10B1600, s1  }
.LBB2_12:
0x16: {  	_ =	swait.ge [sflag:s18], $0x4B00  }
0x17: {  	s2 =	rddreg [dreg:$0xf]  }
0x18: {  	s1 =	rddreg [dreg:$0xd];
	s2 =	sadd.s32 $0x1, s2  }
0x19: {  	p0 =	sne.s32 s2, s1  }
.Ltmp1:
0x1a: {  	_ = 	snop;
	(pc) =	sbr.rel @!p0 .LBB2_13-.Ltmp1, $3  }
0x1b: {  	_ =	sdelay $0x1  }
0x1c: {  	[sflag:s18] =	ssyncset.done $0x0  }
0x1d: {  	[sflag:s18] =	ssyncadd.s32 $0xFFFFB500  }
.LBB2_1:
0x1e: {  	[dreg:$0xf] =	wrdreg s2  }
0x1f: {  	s1 =	rddreg [dreg:$0x4];
	s23 =	simm.s32 $0x1  }
0x20: {  	[tilespmem:s4], [sflag:$0x1] =	stream.linear.gather [hbm4b:s1+s4], $0x320, $0x38;
	[tilespmem:$0x1B580] =	vst v63  }
0x21: {  	_ =	swait.ge [sflag:s23], $0x320  }
0x22: {  	[sflag:s23] =	ssyncset.done $0x0  }
0x23: {  	s3 =	simm.s32 $0x320;
	s24 =	simm.s32 $0x2BC0;
	[sflag:s23] =	ssyncadd.s32 $0xFFFFFCE0  }
0x24: {  	[tilespmem:s24], [sflag:$0x3] =	stream.indirect.gather [hbm4b:s5+s3], $0x1, s4, s3, $0xb8;
	[tilespmem:$0x1B580] =	vst v63  }
0x25: {  	s16 =	simm.s32 $0x2EE0  }
0x26: {  	[tilespmem:s16], [sflag:$0x3] =	stream.indirect.gather [hbm4b:s7+s3], $0x1, s4, s3, $0xb8;
	[tilespmem:$0x1B580] =	vst v63  }
0x27: {  	s19 =	simm.s32 $0x3200;
	s20 =	simm.s32 $0x3  }
0x28: {  	[tilespmem:s19], [sflag:$0x3] =	stream.indirect.gather [hbm4b:s8+s3], $0x1, s4, s3, $0xb8;
	[tilespmem:$0x1B580] =	vst v63  }
0x29: {  	_ =	swait.ge [sflag:s20], $0x320  }
0x2a: {  	[sflag:s20] =	ssyncset.done $0x0  }
0x2b: {  	[sflag:s20] =	ssyncadd.s32 $0xFFFFFCE0  }
0x2c: {  	_ =	swait.ge [sflag:s20], $0x320  }
0x2d: {  	[sflag:s20] =	ssyncset.done $0x0  }
0x2e: {  	[sflag:s20] =	ssyncadd.s32 $0xFFFFFCE0  }
0x2f: {  	_ =	swait.ge [sflag:s20], $0x320  }
0x30: {  	[sflag:s20] =	ssyncset.done $0x0  }
0x31: {  	s25 =	simm.s32 $0x3E80;
	[sflag:s20] =	ssyncadd.s32 $0xFFFFFCE0  }
0x32: {  	[tilespmem:s25], [sflag:$0x4] =	stream.indirect.gather [hbm4b:s26+s3], $0x10, s24, s3, $0xb8;
	[tilespmem:$0x1B580] =	vst v63  }
0x33: {  	s30 =	simm.s32 $0x7080  }
0x34: {  	[tilespmem:s30], [sflag:$0x4] =	stream.indirect.gather [hbm4b:s26+s3], $0x10, s16, s3, $0xb8;
	[tilespmem:$0x1B580] =	vst v63  }
0x35: {  	s20 =	simm.s32 $0xA280  }
0x36: {  	[tilespmem:s20], [sflag:$0x4] =	stream.indirect.gather [hbm4b:s26+s3], $0x10, s19, s3, $0xb8;
	[tilespmem:$0x1B580] =	vst v63  }
0x37: {  	s21 =	rddreg [dreg:$0x5]  }
0x38: {  	[tilespmem:s3], [sflag:$0x1] =	stream.linear.gather [hbm4b:s21+s4], $0x320, $0x38;
	[tilespmem:$0x1B580] =	vst v63  }
0x39: {  	_ =	swait.ge [sflag:s23], $0x320  }
0x3a: {  	[sflag:s23] =	ssyncset.done $0x0  }
0x3b: {  	s22 =	simm.s32 $0x3520;
	[sflag:s23] =	ssyncadd.s32 $0xFFFFFCE0  }
0x3c: {  	[tilespmem:s22], [sflag:$0x3] =	stream.indirect.gather [hbm4b:s5+s3], $0x1, s3, s3, $0xb8;
	[tilespmem:$0x1B580] =	vst v63  }
0x3d: {  	s23 =	simm.s32 $0x3840  }
0x3e: {  	[tilespmem:s23], [sflag:$0x3] =	stream.indirect.gather [hbm4b:s7+s3], $0x1, s3, s3, $0xb8;
	[tilespmem:$0x1B580] =	vst v63  }
0x3f: {  	s24 =	simm.s32 $0x3B60  }
0x40: {  	[tilespmem:s24], [sflag:$0x3] =	stream.indirect.gather [hbm4b:s8+s3], $0x1, s3, s3, $0xb8;
	[tilespmem:$0x1B580] =	vst v63  }
0x41: {  	s30 =	simm.s32 $0x640;
	s25 =	rddreg [dreg:$0x6]  }
0x42: {  	[tilespmem:s30], [sflag:$0x2] =	stream.linear.gather [hbm4b:s25+s4], $0x320, $0x38;
	[tilespmem:$0x1B580] =	vst v63  }
0x43: {  	s2 =	rddreg [dreg:$0x7];
	s3 =	simm.s32 $0x960  }
0x44: {  	[tilespmem:s3], [sflag:$0x2] =	stream.linear.gather [hbm4b:s2+s4], $0x320, $0x38;
	[tilespmem:$0x1B580] =	vst v63  }
0x45: {  	s19 =	simm.s32 $0xC80;
	s16 =	rddreg [dreg:$0x8]  }
0x46: {  	[tilespmem:s19], [sflag:$0x2] =	stream.linear.gather [hbm4b:s16+s4], $0x320, $0x38;
	[tilespmem:$0x1B580] =	vst v63  }
0x47: {  	s21 =	simm.s32 $0xFA0;
	s20 =	rddreg [dreg:$0x9]  }
0x48: {  	[tilespmem:s21], [sflag:$0x2] =	stream.linear.gather [hbm4b:s20+s4], $0x320, $0x38;
	[tilespmem:$0x1B580] =	vst v63  }
0x49: {  	s22 =	rddreg [dreg:$0xa];
	s23 =	simm.s32 $0x12C0  }
0x4a: {  	[tilespmem:s23], [sflag:$0x2] =	stream.linear.gather [hbm4b:s22+s4], $0x320, $0x38;
	[tilespmem:$0x1B580] =	vst v63  }
0x4b: {  	s24 =	rddreg [dreg:$0xb];
	s25 =	simm.s32 $0x15E0  }
0x4c: {  	[tilespmem:s25], [sflag:$0x2] =	stream.linear.gather [hbm4b:s24+s4], $0x320, $0x38;
	[tilespmem:$0x1B580] =	vst v63  }
0x4d: {  	_ =	swait.ge [sflag:s6], $0x320  }
0x4e: {  	[sflag:s6] =	ssyncset.done $0x0  }
0x4f: {  	[sflag:s6] =	ssyncadd.s32 $0xFFFFFCE0  }
0x50: {  	_ =	swait.ge [sflag:s6], $0x320  }
0x51: {  	[sflag:s6] =	ssyncset.done $0x0  }
0x52: {  	[sflag:s6] =	ssyncadd.s32 $0xFFFFFCE0  }
0x53: {  	_ =	swait.ge [sflag:s6], $0x320  }
0x54: {  	[sflag:s6] =	ssyncset.done $0x0  }
0x55: {  	[sflag:s6] =	ssyncadd.s32 $0xFFFFFCE0  }
0x56: {  	_ =	swait.ge [sflag:s6], $0x320  }
0x57: {  	[sflag:s6] =	ssyncset.done $0x0  }
0x58: {  	[sflag:s6] =	ssyncadd.s32 $0xFFFFFCE0  }
0x59: {  	_ =	swait.ge [sflag:s6], $0x320  }
0x5a: {  	[sflag:s6] =	ssyncset.done $0x0  }
.Ltmp2:
0x5b: {  	[sflag:s6] =	ssyncadd.s32 $0xFFFFFCE0;
	(pc) =	sbr.rel .LBB2_2-.Ltmp2, $4  }
0x5c: {  	_ =	swait.ge [sflag:s6], $0x320  }
0x5d: {  	[sflag:s6] =	ssyncset.done $0x0  }
0x5e: {  	s20 =	simm.s32 $0x0;
	s30 =	rddreg [dreg:$0xc];
	[sflag:s6] =	ssyncadd.s32 $0xFFFFFCE0  }
0x5f: {  	[tilespmem:s4], [sflag:$0x1] =	stream.linear.gather [hbm4b:s30+s4], $0x320, $0x38;
	[tilespmem:$0x1B580] =	vst v63  }
.LBB2_10:
0x60: {  	s1 =	sshll.u32 s21, $0x5  }
0x61: {  	s1 =	sor.u32 s12, s1  }
0x62: {  	s1 =	smul.u32 $0x960, s1  }
0x63: {  	s2 =	rddreg [dreg:$0x2]  }
0x64: {  	s1 =	sadd.s32 s2, s1  }
0x65: {  	[hbm4b:s1+s4] =	stream.linear.scatter [tilespmem:s0], [sflag:$0x5], $0x4B00, $0x38;
	[tilespmem:$0x1B580] =	vst v63  }
.LBB2_11:
0x66: {  	s20 =	sadd.s32 $0x1, s20  }
0x67: {  	p0 =	sne.s32 s20, $0x14  }
.Ltmp3:
0x68: {  	_ = 	snop;
	(pc) =	sbr.rel @!p0 .LBB2_12-.Ltmp3, $1  }
0x69: {  	_ =	sdelay $0x3  }
.LBB2_2:
0x6a: {  	s22 =	sshll.u32 s20, $0x1  }
0x6b: {  	p0 =	slt.u32 s22, s15  }
.Ltmp4:
0x6c: {  	_ = 	snop;
	(pc) =	sbr.rel @!p0 .LBB2_3-.Ltmp4, $1  }
0x6d: {  	_ =	sdelay $0x3  }
0x6e: {  	_ =	swait.ge [sflag:s17], $0x3200  }
0x6f: {  	[sflag:s17] =	ssyncset.done $0x0  }
0x70: {  	[sflag:s17] =	ssyncadd.s32 $0xFFFFCE00  }
0x71: {  	_ =	swait.ge [sflag:s17], $0x3200  }
0x72: {  	[sflag:s17] =	ssyncset.done $0x0  }
0x73: {  	[sflag:s17] =	ssyncadd.s32 $0xFFFFCE00  }
0x74: {  	s21 =	sor.u32 $0x1, s22;
	_ =	swait.ge [sflag:s17], $0x3200  }
0x75: {  	p0 =	sge.u32 s21, s15;
	[sflag:s17] =	ssyncset.done $0x0  }
0x76: {  	s3 =	simm.s32 @!p0 $0x3;
	[sflag:s17] =	ssyncadd.s32 $0xFFFFCE00  }
0x77: {  	_ =	swait.ge @!p0 [sflag:s3], $0x320  }
0x78: {  	[sflag:s3] =	ssyncset.done @!p0 $0x0  }
0x79: {  	[sflag:s3] =	ssyncadd.s32 @!p0 $0xFFFFFCE0  }
0x7a: {  	_ =	swait.ge @!p0 [sflag:s3], $0x320  }
0x7b: {  	[sflag:s3] =	ssyncset.done @!p0 $0x0  }
0x7c: {  	[sflag:s3] =	ssyncadd.s32 @!p0 $0xFFFFFCE0  }
0x7d: {  	_ =	swait.ge @!p0 [sflag:s3], $0x320  }
0x7e: {  	s16 =	simm.s32 @!p0 $0x3520;
	[sflag:s3] =	ssyncset.done @!p0 $0x0  }
0x7f: {  	s19 =	simm.s32 @!p0 $0xD480;
	[sflag:s3] =	ssyncadd.s32 @!p0 $0xFFFFFCE0;
	s3 =	simm.s32 @!p0 $0x320  }
0x80: {  	[tilespmem:s19], [sflag:$0x4] =	stream.indirect.gather @!p0 [hbm4b:s26+s3], $0x10, s16, s3, $0xb8;
	[tilespmem:$0x1B580] =	vst v63  }
0x81: {  	s1 =	rddreg [dreg:$0xe];
	s16 =	simm.s32 @!p0 $0x3840;
	s19 =	simm.s32 @!p0 $0x10680  }
0x82: {  	[tilespmem:s19], [sflag:$0x4] =	stream.indirect.gather @!p0 [hbm4b:s26+s3], $0x10, s16, s3, $0xb8;
	[tilespmem:$0x1B580] =	vst v63  }
0x83: {  	p1 =	sge.u32 s22, s1;
	s16 =	simm.s32 @!p0 $0x3B60;
	s19 =	simm.s32 @!p0 $0x13880  }
0x84: {  	[tilespmem:s19], [sflag:$0x4] =	stream.indirect.gather @!p0 [hbm4b:s26+s3], $0x10, s16, s3, $0xb8;
	[tilespmem:$0x1B580] =	vst v63  }
0x85: {  	s3 =	simm.s32 @!p1 $0x1  }
0x86: {  	_ =	swait.ge @!p1 [sflag:s3], $0x320  }
0x87: {  	s16 =	simm.s32 @!p1 $0x0;
	[sflag:s3] =	ssyncset.done @!p1 $0x0  }
0x88: {  	s19 =	simm.s32 @!p1 $0x2BC0;
	[sflag:s3] =	ssyncadd.s32 @!p1 $0xFFFFFCE0;
	s3 =	simm.s32 @!p1 $0x320  }
0x89: {  	[tilespmem:s19], [sflag:$0x3] =	stream.indirect.gather @!p1 [hbm4b:s5+s3], $0x1, s16, s3, $0xb8;
	[tilespmem:$0x1B580] =	vst v63  }
0x8a: {  	s19 =	simm.s32 @!p1 $0x2EE0  }
0x8b: {  	[tilespmem:s19], [sflag:$0x3] =	stream.indirect.gather @!p1 [hbm4b:s7+s3], $0x1, s16, s3, $0xb8;
	[tilespmem:$0x1B580] =	vst v63  }
0x8c: {  	s19 =	simm.s32 @!p1 $0x3200  }
0x8d: {  	[tilespmem:s19], [sflag:$0x3] =	stream.indirect.gather @!p1 [hbm4b:s8+s3], $0x1, s16, s3, $0xb8;
	[tilespmem:$0x1B580] =	vst v63  }
0x8e: {  	s3 =	sadd.s32 $0x3, s22  }
0x8f: {  	p1 =	sge.u32 s3, s15  }
0x90: {  	s3 =	sshll.u32 @!p1 s3, $0x5  }
0x91: {  	s3 =	sor.u32 @!p1 s12, s3  }
0x92: {  	s16 =	sshll.u32 @!p0 s21, $0x5;
	s3 =	smul.u32 @!p1 $0x64, s3  }
0x93: {  	s16 =	sor.u32 @!p0 s12, s16;
	s19 =	simm.s32 @!p1 $0x0  }
0x94: {  	s23 =	simm.s32 @!p1 $0x320;
	s16 =	smul.u32 @!p0 $0x64, s16;
	s3 =	sadd.s32 @!p1 s31, s3  }
0x95: {  	[tilespmem:s23], [sflag:$0x1] =	stream.linear.gather @!p1 [hbm4b:s3+s19], $0x320, $0x38;
	[tilespmem:$0x1B580] =	vst v63  }
0x96: {  	s3 =	sadd.s32 @!p0 s9, s16;
	s19 =	simm.s32 @!p0 $0x0;
	s23 =	simm.s32 @!p0 $0x1900  }
0x97: {  	[tilespmem:s23], [sflag:$0x2] =	stream.linear.gather @!p0 [hbm4b:s3+s19], $0x320, $0x38;
	[tilespmem:$0x1B580] =	vst v63  }
0x98: {  	s3 =	sadd.s32 @!p0 s10, s16;
	s23 =	simm.s32 @!p0 $0x1C20  }
0x99: {  	[tilespmem:s23], [sflag:$0x2] =	stream.linear.gather @!p0 [hbm4b:s3+s19], $0x320, $0x38;
	[tilespmem:$0x1B580] =	vst v63  }
0x9a: {  	s3 =	sadd.s32 @!p0 s11, s16;
	s23 =	simm.s32 @!p0 $0x1F40  }
0x9b: {  	[tilespmem:s23], [sflag:$0x2] =	stream.linear.gather @!p0 [hbm4b:s3+s19], $0x320, $0x38;
	[tilespmem:$0x1B580] =	vst v63  }
0x9c: {  	s3 =	sadd.s32 @!p0 s13, s16;
	s23 =	simm.s32 @!p0 $0x2260  }
0x9d: {  	[tilespmem:s23], [sflag:$0x2] =	stream.linear.gather @!p0 [hbm4b:s3+s19], $0x320, $0x38;
	[tilespmem:$0x1B580] =	vst v63  }
0x9e: {  	s3 =	sadd.s32 @!p0 s14, s16;
	s23 =	simm.s32 @!p0 $0x2580  }
0x9f: {  	[tilespmem:s23], [sflag:$0x2] =	stream.linear.gather @!p0 [hbm4b:s3+s19], $0x320, $0x38;
	[tilespmem:$0x1B580] =	vst v63  }
0xa0: {  	s3 =	sadd.s32 @!p0 s28, s16;
	s16 =	simm.s32 @!p0 $0x28A0  }
0xa1: {  	[tilespmem:s16], [sflag:$0x2] =	stream.linear.gather @!p0 [hbm4b:s3+s19], $0x320, $0x38;
	[tilespmem:$0x1B580] =	vst v63  }
0xa2: {  	p0 =	seq.s32 s20, $0x0  }
0xa3: {  	s3 =	simm.s32 @!p0 $0x2  }
0xa4: {  	_ =	swait.ge @!p0 [sflag:s3], $0x320  }
0xa5: {  	[sflag:s3] =	ssyncset.done @!p0 $0x0  }
0xa6: {  	[sflag:s3] =	ssyncadd.s32 @!p0 $0xFFFFFCE0  }
0xa7: {  	_ =	swait.ge @!p0 [sflag:s3], $0x320  }
0xa8: {  	[sflag:s3] =	ssyncset.done @!p0 $0x0  }
0xa9: {  	[sflag:s3] =	ssyncadd.s32 @!p0 $0xFFFFFCE0  }
0xaa: {  	_ =	swait.ge @!p0 [sflag:s3], $0x320  }
0xab: {  	[sflag:s3] =	ssyncset.done @!p0 $0x0  }
0xac: {  	[sflag:s3] =	ssyncadd.s32 @!p0 $0xFFFFFCE0  }
0xad: {  	_ =	swait.ge @!p0 [sflag:s3], $0x320  }
0xae: {  	[sflag:s3] =	ssyncset.done @!p0 $0x0  }
0xaf: {  	[sflag:s3] =	ssyncadd.s32 @!p0 $0xFFFFFCE0  }
0xb0: {  	_ =	swait.ge @!p0 [sflag:s3], $0x320  }
0xb1: {  	[sflag:s3] =	ssyncset.done @!p0 $0x0  }
0xb2: {  	[sflag:s3] =	ssyncadd.s32 @!p0 $0xFFFFFCE0  }
0xb3: {  	_ =	swait.ge @!p0 [sflag:s3], $0x320  }
0xb4: {  	s2 =	smov.u32 s31;
	[sflag:s3] =	ssyncset.done @!p0 $0x0  }
0xb5: {  	s24 =	simm.s32 $0x0;
	[sflag:s3] =	ssyncadd.s32 @!p0 $0xFFFFFCE0;
	s3 =	simm.s32 @!p0 $0x5  }
0xb6: {  	s25 =	simm.s32 $0x40;
	s30 =	simm.s32 $0x16C00;
	_ =	swait.ge @!p0 [sflag:s3], $0x4B00  }
0xb7: {  	s31 =	simm.s32 $0x7180;
	s23 =	simm.s32 $0xFFFFFFFE;
	[sflag:s3] =	ssyncset.done @!p0 $0x0  }
0xb8: {  	s16 =	simm.s32 $0x3F80;
	s19 =	simm.s32 $0xA380;
	[sflag:s3] =	ssyncadd.s32 @!p0 $0xFFFFB500  }
.LBB2_5:
0xb9: {  	s3 =	sshra.s32 s25, $0x2;
	v22 =	vld [tilespmem:s16+$0xFFFFFF00]  }
0xba: {  	v19 =	vld [tilespmem:s3+$0x630]  }
0xbb: {  	v20 =	vld [tilespmem:s3+$0x950]  }
0xbc: {  	v21 =	vld [tilespmem:s3+$0xC70]  }
0xbd: {  	v23 =	vld [tilespmem:s31+$0xFFFFFF00];
	_ =	sdelay $0x1  }
0xbe: {  	v25 =	vld [tilespmem:s19+$0xFFFFFF00]  }
0xbf: {  	v24 =	vperm.xlane v19, v0;
	v26 =	vperm.xlane v20, v0  }
0xc0: {  	v59 =	vperm.xlane v21, v0  }
0xc1: {  	v22 =	vmul.f32 v22, v24;
	v23 =	vmul.f32 v23, v26;
	_ =	sdelay $0x1  }
0xc2: {  	v60 =	vmul.f32 v25, v59;
	v22 =	vadd.f32 v23, v22;
	_ =	sdelay $0x1  }
0xc3: {  	v22 =	vadd.f32 v60, v22;
	_ =	sdelay $0x1  }
0xc4: {  	[tilespmem:s30+$0xFFFFFE80] =	vst v22  }
0xc5: {  	v22 =	vld [tilespmem:s16+$0xFFFFFF10]  }
0xc6: {  	v61 =	vld [tilespmem:s31+$0xFFFFFF10];
	_ =	sdelay $0x1  }
0xc7: {  	v63 =	vld [tilespmem:s19+$0xFFFFFF10]  }
0xc8: {  	v62 =	vperm.xlane v19, v1;
	v28 =	vperm.xlane v20, v1  }
0xc9: {  	v29 =	vperm.xlane v21, v1  }
0xca: {  	v22 =	vmul.f32 v22, v62;
	v23 =	vmul.f32 v61, v28;
	_ =	sdelay $0x1  }
0xcb: {  	v30 =	vmul.f32 v63, v29;
	v22 =	vadd.f32 v23, v22;
	_ =	sdelay $0x1  }
0xcc: {  	v22 =	vadd.f32 v30, v22;
	_ =	sdelay $0x1  }
0xcd: {  	[tilespmem:s30+$0xFFFFFE98] =	vst v22  }
0xce: {  	v22 =	vld [tilespmem:s16+$0xFFFFFF20]  }
0xcf: {  	v31 =	vld [tilespmem:s31+$0xFFFFFF20];
	_ =	sdelay $0x1  }
0xd0: {  	v33 =	vld [tilespmem:s19+$0xFFFFFF20]  }
0xd1: {  	v32 =	vperm.xlane v19, v2;
	v34 =	vperm.xlane v20, v2  }
0xd2: {  	v35 =	vperm.xlane v21, v2  }
0xd3: {  	v22 =	vmul.f32 v22, v32;
	v23 =	vmul.f32 v31, v34;
	_ =	sdelay $0x1  }
0xd4: {  	v36 =	vmul.f32 v33, v35;
	v22 =	vadd.f32 v23, v22;
	_ =	sdelay $0x1  }
0xd5: {  	v22 =	vadd.f32 v36, v22;
	_ =	sdelay $0x1  }
0xd6: {  	[tilespmem:s30+$0xFFFFFEB0] =	vst v22  }
0xd7: {  	v22 =	vld [tilespmem:s16+$0xFFFFFF30]  }
0xd8: {  	v37 =	vld [tilespmem:s31+$0xFFFFFF30];
	_ =	sdelay $0x1  }
0xd9: {  	v39 =	vld [tilespmem:s19+$0xFFFFFF30]  }
0xda: {  	v38 =	vperm.xlane v19, v3;
	v40 =	vperm.xlane v20, v3  }
0xdb: {  	v41 =	vperm.xlane v21, v3  }
0xdc: {  	v22 =	vmul.f32 v22, v38;
	v23 =	vmul.f32 v37, v40;
	_ =	sdelay $0x1  }
0xdd: {  	v42 =	vmul.f32 v39, v41;
	v22 =	vadd.f32 v23, v22;
	_ =	sdelay $0x1  }
0xde: {  	v22 =	vadd.f32 v42, v22;
	_ =	sdelay $0x1  }
0xdf: {  	[tilespmem:s30+$0xFFFFFEC8] =	vst v22  }
0xe0: {  	v22 =	vld [tilespmem:s16+$0xFFFFFF40]  }
0xe1: {  	v43 =	vld [tilespmem:s31+$0xFFFFFF40];
	_ =	sdelay $0x1  }
0xe2: {  	v45 =	vld [tilespmem:s19+$0xFFFFFF40]  }
0xe3: {  	v44 =	vperm.xlane v19, v4;
	v46 =	vperm.xlane v20, v4  }
0xe4: {  	v47 =	vperm.xlane v21, v4  }
0xe5: {  	v22 =	vmul.f32 v22, v44;
	v23 =	vmul.f32 v43, v46;
	_ =	sdelay $0x1  }
0xe6: {  	v48 =	vmul.f32 v45, v47;
	v22 =	vadd.f32 v23, v22;
	_ =	sdelay $0x1  }
0xe7: {  	v22 =	vadd.f32 v48, v22;
	_ =	sdelay $0x1  }
0xe8: {  	[tilespmem:s30+$0xFFFFFEE0] =	vst v22  }
0xe9: {  	v22 =	vld [tilespmem:s16+$0xFFFFFF50]  }
0xea: {  	v49 =	vld [tilespmem:s31+$0xFFFFFF50];
	_ =	sdelay $0x1  }
0xeb: {  	v51 =	vld [tilespmem:s19+$0xFFFFFF50]  }
0xec: {  	v50 =	vperm.xlane v19, v5;
	v52 =	vperm.xlane v20, v5  }
0xed: {  	v53 =	vperm.xlane v21, v5  }
0xee: {  	v22 =	vmul.f32 v22, v50;
	v23 =	vmul.f32 v49, v52;
	_ =	sdelay $0x1  }
0xef: {  	v54 =	vmul.f32 v51, v53;
	v22 =	vadd.f32 v23, v22;
	_ =	sdelay $0x1  }
0xf0: {  	v22 =	vadd.f32 v54, v22;
	_ =	sdelay $0x1  }
0xf1: {  	[tilespmem:s30+$0xFFFFFEF8] =	vst v22  }
0xf2: {  	v22 =	vld [tilespmem:s16+$0xFFFFFF60]  }
0xf3: {  	v55 =	vld [tilespmem:s31+$0xFFFFFF60];
	_ =	sdelay $0x1  }
0xf4: {  	v57 =	vld [tilespmem:s19+$0xFFFFFF60]  }
0xf5: {  	v56 =	vperm.xlane v19, v6;
	v58 =	vperm.xlane v20, v6  }
0xf6: {  	v59 =	vperm.xlane v21, v6  }
0xf7: {  	v22 =	vmul.f32 v22, v56;
	v23 =	vmul.f32 v55, v58;
	_ =	sdelay $0x1  }
0xf8: {  	v60 =	vmul.f32 v57, v59;
	v22 =	vadd.f32 v23, v22;
	_ =	sdelay $0x1  }
0xf9: {  	v22 =	vadd.f32 v60, v22;
	_ =	sdelay $0x1  }
0xfa: {  	[tilespmem:s30+$0xFFFFFF10] =	vst v22  }
0xfb: {  	v22 =	vld [tilespmem:s16+$0xFFFFFF70]  }
0xfc: {  	v61 =	vld [tilespmem:s31+$0xFFFFFF70];
	_ =	sdelay $0x1  }
0xfd: {  	v63 =	vld [tilespmem:s19+$0xFFFFFF70]  }
0xfe: {  	v62 =	vperm.xlane v19, v7;
	v28 =	vperm.xlane v20, v7  }
0xff: {  	v29 =	vperm.xlane v21, v7  }
0x100: {  	v22 =	vmul.f32 v22, v62;
	v23 =	vmul.f32 v61, v28;
	_ =	sdelay $0x1  }
0x101: {  	v30 =	vmul.f32 v63, v29;
	v22 =	vadd.f32 v23, v22;
	_ =	sdelay $0x1  }
0x102: {  	v22 =	vadd.f32 v30, v22;
	_ =	sdelay $0x1  }
0x103: {  	[tilespmem:s30+$0xFFFFFF28] =	vst v22  }
0x104: {  	v22 =	vld [tilespmem:s16+$0xFFFFFF80]  }
0x105: {  	v31 =	vld [tilespmem:s31+$0xFFFFFF80];
	_ =	sdelay $0x1  }
0x106: {  	v33 =	vld [tilespmem:s19+$0xFFFFFF80]  }
0x107: {  	v32 =	vperm.xlane v19, v8;
	v34 =	vperm.xlane v20, v8  }
0x108: {  	v35 =	vperm.xlane v21, v8  }
0x109: {  	v22 =	vmul.f32 v22, v32;
	v23 =	vmul.f32 v31, v34;
	_ =	sdelay $0x1  }
0x10a: {  	v36 =	vmul.f32 v33, v35;
	v22 =	vadd.f32 v23, v22;
	_ =	sdelay $0x1  }
0x10b: {  	v22 =	vadd.f32 v36, v22;
	_ =	sdelay $0x1  }
0x10c: {  	[tilespmem:s30+$0xFFFFFF40] =	vst v22  }
0x10d: {  	v22 =	vld [tilespmem:s16+$0xFFFFFF90]  }
0x10e: {  	v37 =	vld [tilespmem:s31+$0xFFFFFF90];
	_ =	sdelay $0x1  }
0x10f: {  	v39 =	vld [tilespmem:s19+$0xFFFFFF90]  }
0x110: {  	v38 =	vperm.xlane v19, v9;
	v40 =	vperm.xlane v20, v9  }
0x111: {  	v41 =	vperm.xlane v21, v9  }
0x112: {  	v22 =	vmul.f32 v22, v38;
	v23 =	vmul.f32 v37, v40;
	_ =	sdelay $0x1  }
0x113: {  	v42 =	vmul.f32 v39, v41;
	v22 =	vadd.f32 v23, v22;
	_ =	sdelay $0x1  }
0x114: {  	v22 =	vadd.f32 v42, v22;
	_ =	sdelay $0x1  }
0x115: {  	[tilespmem:s30+$0xFFFFFF58] =	vst v22  }
0x116: {  	v22 =	vld [tilespmem:s16+$0xFFFFFFA0]  }
0x117: {  	v43 =	vld [tilespmem:s31+$0xFFFFFFA0];
	_ =	sdelay $0x1  }
0x118: {  	v45 =	vld [tilespmem:s19+$0xFFFFFFA0]  }
0x119: {  	v44 =	vperm.xlane v19, v10;
	v46 =	vperm.xlane v20, v10  }
0x11a: {  	v47 =	vperm.xlane v21, v10  }
0x11b: {  	v22 =	vmul.f32 v22, v44;
	v23 =	vmul.f32 v43, v46;
	_ =	sdelay $0x1  }
0x11c: {  	v48 =	vmul.f32 v45, v47;
	v22 =	vadd.f32 v23, v22;
	_ =	sdelay $0x1  }
0x11d: {  	v22 =	vadd.f32 v48, v22;
	_ =	sdelay $0x1  }
0x11e: {  	[tilespmem:s30+$0xFFFFFF70] =	vst v22  }
0x11f: {  	v22 =	vld [tilespmem:s16+$0xFFFFFFB0]  }
0x120: {  	v49 =	vld [tilespmem:s31+$0xFFFFFFB0];
	_ =	sdelay $0x1  }
0x121: {  	v51 =	vld [tilespmem:s19+$0xFFFFFFB0]  }
0x122: {  	v50 =	vperm.xlane v19, v11;
	v52 =	vperm.xlane v20, v11  }
0x123: {  	v53 =	vperm.xlane v21, v11  }
0x124: {  	v22 =	vmul.f32 v22, v50;
	v23 =	vmul.f32 v49, v52;
	_ =	sdelay $0x1  }
0x125: {  	v54 =	vmul.f32 v51, v53;
	v22 =	vadd.f32 v23, v22;
	_ =	sdelay $0x1  }
0x126: {  	v22 =	vadd.f32 v54, v22;
	_ =	sdelay $0x1  }
0x127: {  	[tilespmem:s30+$0xFFFFFF88] =	vst v22  }
0x128: {  	v22 =	vld [tilespmem:s16+$0xFFFFFFC0]  }
0x129: {  	v55 =	vld [tilespmem:s31+$0xFFFFFFC0];
	_ =	sdelay $0x1  }
0x12a: {  	v57 =	vld [tilespmem:s19+$0xFFFFFFC0]  }
0x12b: {  	v56 =	vperm.xlane v19, v12;
	v58 =	vperm.xlane v20, v12  }
0x12c: {  	v59 =	vperm.xlane v21, v12  }
0x12d: {  	v22 =	vmul.f32 v22, v56;
	v23 =	vmul.f32 v55, v58;
	_ =	sdelay $0x1  }
0x12e: {  	v60 =	vmul.f32 v57, v59;
	v22 =	vadd.f32 v23, v22;
	_ =	sdelay $0x1  }
0x12f: {  	v22 =	vadd.f32 v60, v22;
	_ =	sdelay $0x1  }
0x130: {  	[tilespmem:s30+$0xFFFFFFA0] =	vst v22  }
0x131: {  	v22 =	vld [tilespmem:s16+$0xFFFFFFD0]  }
0x132: {  	v61 =	vld [tilespmem:s31+$0xFFFFFFD0];
	_ =	sdelay $0x1  }
0x133: {  	v63 =	vld [tilespmem:s19+$0xFFFFFFD0]  }
0x134: {  	v62 =	vperm.xlane v19, v13;
	v28 =	vperm.xlane v20, v13  }
0x135: {  	v29 =	vperm.xlane v21, v13  }
0x136: {  	v22 =	vmul.f32 v22, v62;
	v23 =	vmul.f32 v61, v28;
	_ =	sdelay $0x1  }
0x137: {  	v30 =	vmul.f32 v63, v29;
	v22 =	vadd.f32 v23, v22;
	_ =	sdelay $0x1  }
0x138: {  	v22 =	vadd.f32 v30, v22;
	_ =	sdelay $0x1  }
0x139: {  	[tilespmem:s30+$0xFFFFFFB8] =	vst v22  }
0x13a: {  	v22 =	vld [tilespmem:s16+$0xFFFFFFE0]  }
0x13b: {  	v31 =	vld [tilespmem:s31+$0xFFFFFFE0];
	_ =	sdelay $0x1  }
0x13c: {  	v33 =	vld [tilespmem:s19+$0xFFFFFFE0]  }
0x13d: {  	v32 =	vperm.xlane v19, v14;
	v34 =	vperm.xlane v20, v14  }
0x13e: {  	v35 =	vperm.xlane v21, v14  }
0x13f: {  	v22 =	vmul.f32 v22, v32;
	v23 =	vmul.f32 v31, v34;
	_ =	sdelay $0x1  }
0x140: {  	v36 =	vmul.f32 v33, v35;
	v22 =	vadd.f32 v23, v22;
	_ =	sdelay $0x1  }
0x141: {  	v22 =	vadd.f32 v36, v22;
	_ =	sdelay $0x1  }
0x142: {  	[tilespmem:s30+$0xFFFFFFD0] =	vst v22  }
0x143: {  	v22 =	vld [tilespmem:s16+$0xFFFFFFF0]  }
0x144: {  	v37 =	vld [tilespmem:s31+$0xFFFFFFF0];
	_ =	sdelay $0x1  }
0x145: {  	v38 =	vld [tilespmem:s19+$0xFFFFFFF0]  }
0x146: {  	v19 =	vperm.xlane v19, v15;
	v20 =	vperm.xlane v20, v15  }
0x147: {  	v21 =	vperm.xlane v21, v15  }
0x148: {  	v19 =	vmul.f32 v22, v19;
	v20 =	vmul.f32 v37, v20;
	_ =	sdelay $0x1  }
0x149: {  	v39 =	vmov s24;
	v19 =	vadd.f32 v20, v19;
	v20 =	vmul.f32 v38, v21  }
0x14a: {  	v21 =	vmul.u32 $0x18, v39  }
0x14b: {  	v19 =	vadd.f32 v20, v19  }
0x14c: {  	v20 =	vbroadcast v21, $0x0  }
0x14d: {  	[tilespmem:s30+$0xFFFFFFE8] =	vst v19  }
0x14e: {  	v21 =	vadd.s32 v16, v20;
	v19 =	vld [tilespmem:s3+$0xF90];
	_ =	sdelay $0x4  }
0x14f: {  	[tilespmem:v21+s0+$0x0] =	vst.idx.msk $0xffff, v19  }
0x150: {  	v40 =	vadd.s32 v17, v20;
	v19 =	vld [tilespmem:s3+$0x12B0];
	_ =	sdelay $0x4  }
0x151: {  	[tilespmem:v40+s0+$0x0] =	vst.idx.msk $0xffff, v19  }
0x152: {  	v20 =	vadd.s32 v18, v20;
	v19 =	vld [tilespmem:s3+$0x15D0];
	_ =	sdelay $0x4  }
0x153: {  	[tilespmem:v20+s0+$0x0] =	vst.idx.msk $0xffff, v19  }
0x154: {  	v19 =	vld [tilespmem:s3+$0x640]  }
0x155: {  	v20 =	vld [tilespmem:s3+$0x960]  }
0x156: {  	v21 =	vld [tilespmem:s3+$0xC80]  }
0x157: {  	v41 =	vld [tilespmem:s16+$0x0]  }
0x158: {  	v42 =	vld [tilespmem:s31+$0x0];
	_ =	sdelay $0x1  }
0x159: {  	v44 =	vld [tilespmem:s19+$0x0]  }
0x15a: {  	v43 =	vperm.xlane v19, v0;
	v45 =	vperm.xlane v20, v0  }
0x15b: {  	v46 =	vperm.xlane v21, v0  }
0x15c: {  	v22 =	vmul.f32 v41, v43;
	v23 =	vmul.f32 v42, v45;
	_ =	sdelay $0x1  }
0x15d: {  	v47 =	vmul.f32 v44, v46;
	v22 =	vadd.f32 v23, v22;
	_ =	sdelay $0x1  }
0x15e: {  	v22 =	vadd.f32 v47, v22;
	_ =	sdelay $0x1  }
0x15f: {  	[tilespmem:s30+$0x0] =	vst v22  }
0x160: {  	v22 =	vld [tilespmem:s16+$0x10]  }
0x161: {  	v48 =	vld [tilespmem:s31+$0x10];
	_ =	sdelay $0x1  }
0x162: {  	v50 =	vld [tilespmem:s19+$0x10]  }
0x163: {  	v49 =	vperm.xlane v19, v1;
	v51 =	vperm.xlane v20, v1  }
0x164: {  	v52 =	vperm.xlane v21, v1  }
0x165: {  	v22 =	vmul.f32 v22, v49;
	v23 =	vmul.f32 v48, v51;
	_ =	sdelay $0x1  }
0x166: {  	v53 =	vmul.f32 v50, v52;
	v22 =	vadd.f32 v23, v22;
	_ =	sdelay $0x1  }
0x167: {  	v22 =	vadd.f32 v53, v22;
	_ =	sdelay $0x1  }
0x168: {  	[tilespmem:s30+$0x18] =	vst v22  }
0x169: {  	v22 =	vld [tilespmem:s16+$0x20]  }
0x16a: {  	v54 =	vld [tilespmem:s31+$0x20];
	_ =	sdelay $0x1  }
0x16b: {  	v56 =	vld [tilespmem:s19+$0x20]  }
0x16c: {  	v55 =	vperm.xlane v19, v2;
	v57 =	vperm.xlane v20, v2  }
0x16d: {  	v58 =	vperm.xlane v21, v2  }
0x16e: {  	v22 =	vmul.f32 v22, v55;
	v23 =	vmul.f32 v54, v57;
	_ =	sdelay $0x1  }
0x16f: {  	v59 =	vmul.f32 v56, v58;
	v22 =	vadd.f32 v23, v22;
	_ =	sdelay $0x1  }
0x170: {  	v22 =	vadd.f32 v59, v22;
	_ =	sdelay $0x1  }
0x171: {  	[tilespmem:s30+$0x30] =	vst v22  }
0x172: {  	v22 =	vld [tilespmem:s16+$0x30]  }
0x173: {  	v60 =	vld [tilespmem:s31+$0x30];
	_ =	sdelay $0x1  }
0x174: {  	v62 =	vld [tilespmem:s19+$0x30]  }
0x175: {  	v61 =	vperm.xlane v19, v3;
	v63 =	vperm.xlane v20, v3  }
0x176: {  	v28 =	vperm.xlane v21, v3  }
0x177: {  	v22 =	vmul.f32 v22, v61;
	v23 =	vmul.f32 v60, v63;
	_ =	sdelay $0x1  }
0x178: {  	v29 =	vmul.f32 v62, v28;
	v22 =	vadd.f32 v23, v22;
	_ =	sdelay $0x1  }
0x179: {  	v22 =	vadd.f32 v29, v22;
	_ =	sdelay $0x1  }
0x17a: {  	[tilespmem:s30+$0x48] =	vst v22  }
0x17b: {  	v22 =	vld [tilespmem:s16+$0x40]  }
0x17c: {  	v30 =	vld [tilespmem:s31+$0x40];
	_ =	sdelay $0x1  }
0x17d: {  	v32 =	vld [tilespmem:s19+$0x40]  }
0x17e: {  	v31 =	vperm.xlane v19, v4;
	v33 =	vperm.xlane v20, v4  }
0x17f: {  	v34 =	vperm.xlane v21, v4  }
0x180: {  	v22 =	vmul.f32 v22, v31;
	v23 =	vmul.f32 v30, v33;
	_ =	sdelay $0x1  }
0x181: {  	v35 =	vmul.f32 v32, v34;
	v22 =	vadd.f32 v23, v22;
	_ =	sdelay $0x1  }
0x182: {  	v22 =	vadd.f32 v35, v22;
	_ =	sdelay $0x1  }
0x183: {  	[tilespmem:s30+$0x60] =	vst v22  }
0x184: {  	v22 =	vld [tilespmem:s16+$0x50]  }
0x185: {  	v36 =	vld [tilespmem:s31+$0x50];
	_ =	sdelay $0x1  }
0x186: {  	v38 =	vld [tilespmem:s19+$0x50]  }
0x187: {  	v37 =	vperm.xlane v19, v5;
	v39 =	vperm.xlane v20, v5  }
0x188: {  	v40 =	vperm.xlane v21, v5  }
0x189: {  	v22 =	vmul.f32 v22, v37;
	v23 =	vmul.f32 v36, v39;
	_ =	sdelay $0x1  }
0x18a: {  	v41 =	vmul.f32 v38, v40;
	v22 =	vadd.f32 v23, v22;
	_ =	sdelay $0x1  }
0x18b: {  	v22 =	vadd.f32 v41, v22;
	_ =	sdelay $0x1  }
0x18c: {  	[tilespmem:s30+$0x78] =	vst v22  }
0x18d: {  	v22 =	vld [tilespmem:s16+$0x60]  }
0x18e: {  	v42 =	vld [tilespmem:s31+$0x60];
	_ =	sdelay $0x1  }
0x18f: {  	v44 =	vld [tilespmem:s19+$0x60]  }
0x190: {  	v43 =	vperm.xlane v19, v6;
	v45 =	vperm.xlane v20, v6  }
0x191: {  	v46 =	vperm.xlane v21, v6  }
0x192: {  	v22 =	vmul.f32 v22, v43;
	v23 =	vmul.f32 v42, v45;
	_ =	sdelay $0x1  }
0x193: {  	v47 =	vmul.f32 v44, v46;
	v22 =	vadd.f32 v23, v22;
	_ =	sdelay $0x1  }
0x194: {  	v22 =	vadd.f32 v47, v22;
	_ =	sdelay $0x1  }
0x195: {  	[tilespmem:s30+$0x90] =	vst v22  }
0x196: {  	v22 =	vld [tilespmem:s16+$0x70]  }
0x197: {  	v48 =	vld [tilespmem:s31+$0x70];
	_ =	sdelay $0x1  }
0x198: {  	v50 =	vld [tilespmem:s19+$0x70]  }
0x199: {  	v49 =	vperm.xlane v19, v7;
	v51 =	vperm.xlane v20, v7  }
0x19a: {  	v52 =	vperm.xlane v21, v7  }
0x19b: {  	v22 =	vmul.f32 v22, v49;
	v23 =	vmul.f32 v48, v51;
	_ =	sdelay $0x1  }
0x19c: {  	v53 =	vmul.f32 v50, v52;
	v22 =	vadd.f32 v23, v22;
	_ =	sdelay $0x1  }
0x19d: {  	v22 =	vadd.f32 v53, v22;
	_ =	sdelay $0x1  }
0x19e: {  	[tilespmem:s30+$0xA8] =	vst v22  }
0x19f: {  	v22 =	vld [tilespmem:s16+$0x80]  }
0x1a0: {  	v54 =	vld [tilespmem:s31+$0x80];
	_ =	sdelay $0x1  }
0x1a1: {  	v56 =	vld [tilespmem:s19+$0x80]  }
0x1a2: {  	v55 =	vperm.xlane v19, v8;
	v57 =	vperm.xlane v20, v8  }
0x1a3: {  	v58 =	vperm.xlane v21, v8  }
0x1a4: {  	v22 =	vmul.f32 v22, v55;
	v23 =	vmul.f32 v54, v57;
	_ =	sdelay $0x1  }
0x1a5: {  	v59 =	vmul.f32 v56, v58;
	v22 =	vadd.f32 v23, v22;
	_ =	sdelay $0x1  }
0x1a6: {  	v22 =	vadd.f32 v59, v22;
	_ =	sdelay $0x1  }
0x1a7: {  	[tilespmem:s30+$0xC0] =	vst v22  }
0x1a8: {  	v22 =	vld [tilespmem:s16+$0x90]  }
0x1a9: {  	v60 =	vld [tilespmem:s31+$0x90];
	_ =	sdelay $0x1  }
0x1aa: {  	v62 =	vld [tilespmem:s19+$0x90]  }
0x1ab: {  	v61 =	vperm.xlane v19, v9;
	v63 =	vperm.xlane v20, v9  }
0x1ac: {  	v28 =	vperm.xlane v21, v9  }
0x1ad: {  	v22 =	vmul.f32 v22, v61;
	v23 =	vmul.f32 v60, v63;
	_ =	sdelay $0x1  }
0x1ae: {  	v29 =	vmul.f32 v62, v28;
	v22 =	vadd.f32 v23, v22;
	_ =	sdelay $0x1  }
0x1af: {  	v22 =	vadd.f32 v29, v22;
	_ =	sdelay $0x1  }
0x1b0: {  	[tilespmem:s30+$0xD8] =	vst v22  }
0x1b1: {  	v22 =	vld [tilespmem:s16+$0xA0]  }
0x1b2: {  	v30 =	vld [tilespmem:s31+$0xA0];
	_ =	sdelay $0x1  }
0x1b3: {  	v32 =	vld [tilespmem:s19+$0xA0]  }
0x1b4: {  	v31 =	vperm.xlane v19, v10;
	v33 =	vperm.xlane v20, v10  }
0x1b5: {  	v34 =	vperm.xlane v21, v10  }
0x1b6: {  	v22 =	vmul.f32 v22, v31;
	v23 =	vmul.f32 v30, v33;
	_ =	sdelay $0x1  }
0x1b7: {  	v35 =	vmul.f32 v32, v34;
	v22 =	vadd.f32 v23, v22;
	_ =	sdelay $0x1  }
0x1b8: {  	v22 =	vadd.f32 v35, v22;
	_ =	sdelay $0x1  }
0x1b9: {  	[tilespmem:s30+$0xF0] =	vst v22  }
0x1ba: {  	v22 =	vld [tilespmem:s16+$0xB0]  }
0x1bb: {  	v36 =	vld [tilespmem:s31+$0xB0];
	_ =	sdelay $0x1  }
0x1bc: {  	v38 =	vld [tilespmem:s19+$0xB0]  }
0x1bd: {  	v37 =	vperm.xlane v19, v11;
	v39 =	vperm.xlane v20, v11  }
0x1be: {  	v40 =	vperm.xlane v21, v11  }
0x1bf: {  	v22 =	vmul.f32 v22, v37;
	v23 =	vmul.f32 v36, v39;
	_ =	sdelay $0x1  }
0x1c0: {  	v41 =	vmul.f32 v38, v40;
	v22 =	vadd.f32 v23, v22;
	_ =	sdelay $0x1  }
0x1c1: {  	v22 =	vadd.f32 v41, v22;
	_ =	sdelay $0x1  }
0x1c2: {  	[tilespmem:s30+$0x108] =	vst v22  }
0x1c3: {  	v22 =	vld [tilespmem:s16+$0xC0]  }
0x1c4: {  	v42 =	vld [tilespmem:s31+$0xC0];
	_ =	sdelay $0x1  }
0x1c5: {  	v44 =	vld [tilespmem:s19+$0xC0]  }
0x1c6: {  	v43 =	vperm.xlane v19, v12;
	v45 =	vperm.xlane v20, v12  }
0x1c7: {  	v46 =	vperm.xlane v21, v12  }
0x1c8: {  	v22 =	vmul.f32 v22, v43;
	v23 =	vmul.f32 v42, v45;
	_ =	sdelay $0x1  }
0x1c9: {  	v47 =	vmul.f32 v44, v46;
	v22 =	vadd.f32 v23, v22;
	_ =	sdelay $0x1  }
0x1ca: {  	v22 =	vadd.f32 v47, v22;
	_ =	sdelay $0x1  }
0x1cb: {  	[tilespmem:s30+$0x120] =	vst v22  }
0x1cc: {  	v22 =	vld [tilespmem:s16+$0xD0]  }
0x1cd: {  	v48 =	vld [tilespmem:s31+$0xD0];
	_ =	sdelay $0x1  }
0x1ce: {  	v50 =	vld [tilespmem:s19+$0xD0]  }
0x1cf: {  	v49 =	vperm.xlane v19, v13;
	v51 =	vperm.xlane v20, v13  }
0x1d0: {  	v52 =	vperm.xlane v21, v13  }
0x1d1: {  	v22 =	vmul.f32 v22, v49;
	v23 =	vmul.f32 v48, v51;
	_ =	sdelay $0x1  }
0x1d2: {  	v53 =	vmul.f32 v50, v52;
	v22 =	vadd.f32 v23, v22;
	_ =	sdelay $0x1  }
0x1d3: {  	v22 =	vadd.f32 v53, v22;
	_ =	sdelay $0x1  }
0x1d4: {  	[tilespmem:s30+$0x138] =	vst v22  }
0x1d5: {  	v22 =	vld [tilespmem:s16+$0xE0]  }
0x1d6: {  	v54 =	vld [tilespmem:s31+$0xE0];
	_ =	sdelay $0x1  }
0x1d7: {  	v56 =	vld [tilespmem:s19+$0xE0]  }
0x1d8: {  	v55 =	vperm.xlane v19, v14;
	v57 =	vperm.xlane v20, v14  }
0x1d9: {  	v58 =	vperm.xlane v21, v14  }
0x1da: {  	v22 =	vmul.f32 v22, v55;
	v23 =	vmul.f32 v54, v57;
	_ =	sdelay $0x1  }
0x1db: {  	v59 =	vmul.f32 v56, v58;
	v22 =	vadd.f32 v23, v22;
	_ =	sdelay $0x1  }
0x1dc: {  	v22 =	vadd.f32 v59, v22;
	_ =	sdelay $0x1  }
0x1dd: {  	[tilespmem:s30+$0x150] =	vst v22  }
0x1de: {  	v22 =	vld [tilespmem:s16+$0xF0]  }
0x1df: {  	v60 =	vld [tilespmem:s31+$0xF0];
	_ =	sdelay $0x1  }
0x1e0: {  	v61 =	vld [tilespmem:s19+$0xF0]  }
0x1e1: {  	v19 =	vperm.xlane v19, v15;
	v20 =	vperm.xlane v20, v15  }
0x1e2: {  	v21 =	vperm.xlane v21, v15  }
0x1e3: {  	v19 =	vmul.f32 v22, v19;
	v20 =	vmul.f32 v60, v20  }
0x1e4: {  	s1 =	sadd.s32 $0x10, s24  }
0x1e5: {  	v62 =	vmov s1;
	v19 =	vadd.f32 v20, v19;
	v20 =	vmul.f32 v61, v21  }
0x1e6: {  	v21 =	vmul.u32 $0x18, v62  }
0x1e7: {  	v19 =	vadd.f32 v20, v19  }
0x1e8: {  	v20 =	vbroadcast v21, $0x0  }
0x1e9: {  	[tilespmem:s30+$0x168] =	vst v19  }
0x1ea: {  	v21 =	vadd.s32 v16, v20;
	v19 =	vld [tilespmem:s3+$0xFA0];
	_ =	sdelay $0x4  }
0x1eb: {  	[tilespmem:v21+s0+$0x0] =	vst.idx.msk $0xffff, v19  }
0x1ec: {  	v63 =	vadd.s32 v17, v20;
	v19 =	vld [tilespmem:s3+$0x12C0];
	_ =	sdelay $0x4  }
0x1ed: {  	s23 =	sadd.s32 $0x2, s23;
	[tilespmem:v63+s0+$0x0] =	vst.idx.msk $0xffff, v19  }
0x1ee: {  	p0 =	slt.u32 s23, $0x30;
	v20 =	vadd.s32 v18, v20;
	v19 =	vld [tilespmem:s3+$0x15E0]  }
.Ltmp5:
0x1ef: {  	_ = 	snop;
	(pc) =	sbr.rel @p0 .LBB2_5-.Ltmp5, $3  }
0x1f0: {  	_ =	sdelay $0x1  }
0x1f1: {  	s25 =	sadd.s32 $0x80, s25;
	s24 =	sadd.s32 $0x20, s24;
	s16 =	sadd.s32 $0x200, s16  }
0x1f2: {  	s31 =	sadd.s32 $0x200, s31;
	s19 =	sadd.s32 $0x200, s19;
	s30 =	sadd.s32 $0x300, s30;
	[tilespmem:v20+s0+$0x0] =	vst.idx.msk $0xffff, v19  }
0x1f3: {  	s1 =	sshll.u32 s20, $0x6  }
.Ltmp6:
0x1f4: {  	s1 =	sor.u32 s12, s1;
	(pc) =	sbr.rel .LBB2_7-.Ltmp6, $4  }
0x1f5: {  	s1 =	smul.u32 $0x960, s1  }
0x1f6: {  	s3 =	rddreg [dreg:$0x2]  }
0x1f7: {  	s31 =	smov.u32 s2;
	s1 =	sadd.s32 s3, s1  }
0x1f8: {  	[hbm4b:s1+s4] =	stream.linear.scatter [tilespmem:s0], [sflag:$0x5], $0x4B00, $0x38;
	[tilespmem:$0x1B580] =	vst v63  }
.LBB2_3:
0x1f9: {  	s21 =	sor.u32 $0x1, s22  }
.LBB2_7:
0x1fa: {  	p0 =	sge.u32 s21, s15  }
.Ltmp7:
0x1fb: {  	_ = 	snop;
	(pc) =	sbr.rel @p0 .LBB2_11-.Ltmp7, $1  }
0x1fc: {  	_ =	sdelay $0x3  }
0x1fd: {  	_ =	swait.ge [sflag:s17], $0x3200  }
0x1fe: {  	[sflag:s17] =	ssyncset.done $0x0  }
0x1ff: {  	[sflag:s17] =	ssyncadd.s32 $0xFFFFCE00  }
0x200: {  	_ =	swait.ge [sflag:s17], $0x3200  }
0x201: {  	[sflag:s17] =	ssyncset.done $0x0  }
0x202: {  	[sflag:s17] =	ssyncadd.s32 $0xFFFFCE00  }
0x203: {  	s1 =	sadd.s32 $0x2, s22;
	_ =	swait.ge [sflag:s17], $0x3200  }
0x204: {  	p0 =	sge.u32 s1, s15;
	[sflag:s17] =	ssyncset.done $0x0  }
0x205: {  	s3 =	simm.s32 @!p0 $0x3;
	[sflag:s17] =	ssyncadd.s32 $0xFFFFCE00  }
0x206: {  	_ =	swait.ge @!p0 [sflag:s3], $0x320  }
0x207: {  	[sflag:s3] =	ssyncset.done @!p0 $0x0  }
0x208: {  	[sflag:s3] =	ssyncadd.s32 @!p0 $0xFFFFFCE0  }
0x209: {  	_ =	swait.ge @!p0 [sflag:s3], $0x320  }
0x20a: {  	[sflag:s3] =	ssyncset.done @!p0 $0x0  }
0x20b: {  	[sflag:s3] =	ssyncadd.s32 @!p0 $0xFFFFFCE0  }
0x20c: {  	_ =	swait.ge @!p0 [sflag:s3], $0x320  }
0x20d: {  	s16 =	simm.s32 @!p0 $0x2BC0;
	[sflag:s3] =	ssyncset.done @!p0 $0x0  }
0x20e: {  	s19 =	simm.s32 @!p0 $0x3E80;
	[sflag:s3] =	ssyncadd.s32 @!p0 $0xFFFFFCE0;
	s3 =	simm.s32 @!p0 $0x320  }
0x20f: {  	[tilespmem:s19], [sflag:$0x4] =	stream.indirect.gather @!p0 [hbm4b:s26+s3], $0x10, s16, s3, $0xb8;
	[tilespmem:$0x1B580] =	vst v63  }
0x210: {  	s16 =	simm.s32 @!p0 $0x2EE0;
	s19 =	simm.s32 @!p0 $0x7080  }
0x211: {  	[tilespmem:s19], [sflag:$0x4] =	stream.indirect.gather @!p0 [hbm4b:s26+s3], $0x10, s16, s3, $0xb8;
	[tilespmem:$0x1B580] =	vst v63  }
0x212: {  	p1 =	sge.u32 s22, s29;
	s16 =	simm.s32 @!p0 $0x3200;
	s19 =	simm.s32 @!p0 $0xA280  }
0x213: {  	[tilespmem:s19], [sflag:$0x4] =	stream.indirect.gather @!p0 [hbm4b:s26+s3], $0x10, s16, s3, $0xb8;
	[tilespmem:$0x1B580] =	vst v63  }
0x214: {  	s3 =	simm.s32 @!p1 $0x1  }
0x215: {  	_ =	swait.ge @!p1 [sflag:s3], $0x320  }
0x216: {  	[sflag:s3] =	ssyncset.done @!p1 $0x0  }
0x217: {  	s16 =	simm.s32 @!p1 $0x3520;
	[sflag:s3] =	ssyncadd.s32 @!p1 $0xFFFFFCE0;
	s3 =	simm.s32 @!p1 $0x320  }
0x218: {  	[tilespmem:s16], [sflag:$0x3] =	stream.indirect.gather @!p1 [hbm4b:s5+s3], $0x1, s3, s3, $0xb8;
	[tilespmem:$0x1B580] =	vst v63  }
0x219: {  	s16 =	simm.s32 @!p1 $0x3840  }
0x21a: {  	[tilespmem:s16], [sflag:$0x3] =	stream.indirect.gather @!p1 [hbm4b:s7+s3], $0x1, s3, s3, $0xb8;
	[tilespmem:$0x1B580] =	vst v63  }
0x21b: {  	s16 =	simm.s32 @!p1 $0x3B60  }
0x21c: {  	[tilespmem:s16], [sflag:$0x3] =	stream.indirect.gather @!p1 [hbm4b:s8+s3], $0x1, s3, s3, $0xb8;
	[tilespmem:$0x1B580] =	vst v63  }
0x21d: {  	s3 =	sadd.s32 $0x4, s22  }
0x21e: {  	p1 =	sge.u32 s3, s15  }
0x21f: {  	s3 =	sshll.u32 @!p1 s3, $0x5  }
0x220: {  	s3 =	sor.u32 @!p1 s12, s3  }
0x221: {  	s1 =	sshll.u32 @!p0 s1, $0x5;
	s3 =	smul.u32 @!p1 $0x64, s3  }
0x222: {  	s1 =	sor.u32 @!p0 s12, s1  }
0x223: {  	s1 =	smul.u32 @!p0 $0x64, s1;
	s16 =	simm.s32 @!p1 $0x0;
	s3 =	sadd.s32 @!p1 s31, s3  }
0x224: {  	[tilespmem:s16], [sflag:$0x1] =	stream.linear.gather @!p1 [hbm4b:s3+s16], $0x320, $0x38;
	[tilespmem:$0x1B580] =	vst v63  }
0x225: {  	s19 =	simm.s32 @!p0 $0x640;
	s3 =	sadd.s32 @!p0 s9, s1;
	s16 =	simm.s32 @!p0 $0x0  }
0x226: {  	[tilespmem:s19], [sflag:$0x2] =	stream.linear.gather @!p0 [hbm4b:s3+s16], $0x320, $0x38;
	[tilespmem:$0x1B580] =	vst v63  }
0x227: {  	s3 =	sadd.s32 @!p0 s10, s1;
	s19 =	simm.s32 @!p0 $0x960  }
0x228: {  	[tilespmem:s19], [sflag:$0x2] =	stream.linear.gather @!p0 [hbm4b:s3+s16], $0x320, $0x38;
	[tilespmem:$0x1B580] =	vst v63  }
0x229: {  	s3 =	sadd.s32 @!p0 s11, s1;
	s19 =	simm.s32 @!p0 $0xC80  }
0x22a: {  	[tilespmem:s19], [sflag:$0x2] =	stream.linear.gather @!p0 [hbm4b:s3+s16], $0x320, $0x38;
	[tilespmem:$0x1B580] =	vst v63  }
0x22b: {  	s3 =	sadd.s32 @!p0 s13, s1;
	s19 =	simm.s32 @!p0 $0xFA0  }
0x22c: {  	[tilespmem:s19], [sflag:$0x2] =	stream.linear.gather @!p0 [hbm4b:s3+s16], $0x320, $0x38;
	[tilespmem:$0x1B580] =	vst v63  }
0x22d: {  	s3 =	sadd.s32 @!p0 s14, s1;
	s19 =	simm.s32 @!p0 $0x12C0  }
0x22e: {  	[tilespmem:s19], [sflag:$0x2] =	stream.linear.gather @!p0 [hbm4b:s3+s16], $0x320, $0x38;
	[tilespmem:$0x1B580] =	vst v63  }
0x22f: {  	s1 =	sadd.s32 @!p0 s28, s1;
	s3 =	simm.s32 @!p0 $0x15E0  }
0x230: {  	[tilespmem:s3], [sflag:$0x2] =	stream.linear.gather @!p0 [hbm4b:s1+s16], $0x320, $0x38;
	[tilespmem:$0x1B580] =	vst v63  }
0x231: {  	_ =	swait.ge [sflag:s6], $0x320  }
0x232: {  	[sflag:s6] =	ssyncset.done $0x0  }
0x233: {  	[sflag:s6] =	ssyncadd.s32 $0xFFFFFCE0  }
0x234: {  	_ =	swait.ge [sflag:s6], $0x320  }
0x235: {  	[sflag:s6] =	ssyncset.done $0x0  }
0x236: {  	[sflag:s6] =	ssyncadd.s32 $0xFFFFFCE0  }
0x237: {  	_ =	swait.ge [sflag:s6], $0x320  }
0x238: {  	[sflag:s6] =	ssyncset.done $0x0  }
0x239: {  	[sflag:s6] =	ssyncadd.s32 $0xFFFFFCE0  }
0x23a: {  	_ =	swait.ge [sflag:s6], $0x320  }
0x23b: {  	[sflag:s6] =	ssyncset.done $0x0  }
0x23c: {  	[sflag:s6] =	ssyncadd.s32 $0xFFFFFCE0  }
0x23d: {  	_ =	swait.ge [sflag:s6], $0x320  }
0x23e: {  	[sflag:s6] =	ssyncset.done $0x0  }
0x23f: {  	[sflag:s6] =	ssyncadd.s32 $0xFFFFFCE0  }
0x240: {  	_ =	swait.ge [sflag:s6], $0x320  }
0x241: {  	[sflag:s6] =	ssyncset.done $0x0  }
0x242: {  	s23 =	simm.s32 $0x0;
	[sflag:s6] =	ssyncadd.s32 $0xFFFFFCE0  }
0x243: {  	s24 =	simm.s32 $0x40;
	s25 =	simm.s32 $0x16C00;
	_ =	swait.ge [sflag:s18], $0x4B00  }
0x244: {  	s30 =	simm.s32 $0x10780;
	s22 =	simm.s32 $0xFFFFFFFE;
	[sflag:s18] =	ssyncset.done $0x0  }
0x245: {  	s19 =	simm.s32 $0x13980;
	s16 =	simm.s32 $0xD580;
	[sflag:s18] =	ssyncadd.s32 $0xFFFFB500  }
.LBB2_9:
0x246: {  	s3 =	sshra.s32 s24, $0x2;
	v22 =	vld [tilespmem:s16+$0xFFFFFF00]  }
0x247: {  	v19 =	vld [tilespmem:s3+$0x18F0]  }
0x248: {  	v20 =	vld [tilespmem:s3+$0x1C10]  }
0x249: {  	v21 =	vld [tilespmem:s3+$0x1F30]  }
0x24a: {  	v23 =	vld [tilespmem:s30+$0xFFFFFF00];
	_ =	sdelay $0x1  }
0x24b: {  	v25 =	vld [tilespmem:s19+$0xFFFFFF00]  }
0x24c: {  	v24 =	vperm.xlane v19, v0;
	v26 =	vperm.xlane v20, v0  }
0x24d: {  	v59 =	vperm.xlane v21, v0  }
0x24e: {  	v22 =	vmul.f32 v22, v24;
	v23 =	vmul.f32 v23, v26;
	_ =	sdelay $0x1  }
0x24f: {  	v60 =	vmul.f32 v25, v59;
	v22 =	vadd.f32 v23, v22;
	_ =	sdelay $0x1  }
0x250: {  	v22 =	vadd.f32 v60, v22;
	_ =	sdelay $0x1  }
0x251: {  	[tilespmem:s25+$0xFFFFFE80] =	vst v22  }
0x252: {  	v22 =	vld [tilespmem:s16+$0xFFFFFF10]  }
0x253: {  	v61 =	vld [tilespmem:s30+$0xFFFFFF10];
	_ =	sdelay $0x1  }
0x254: {  	v63 =	vld [tilespmem:s19+$0xFFFFFF10]  }
0x255: {  	v62 =	vperm.xlane v19, v1;
	v28 =	vperm.xlane v20, v1  }
0x256: {  	v29 =	vperm.xlane v21, v1  }
0x257: {  	v22 =	vmul.f32 v22, v62;
	v23 =	vmul.f32 v61, v28;
	_ =	sdelay $0x1  }
0x258: {  	v30 =	vmul.f32 v63, v29;
	v22 =	vadd.f32 v23, v22;
	_ =	sdelay $0x1  }
0x259: {  	v22 =	vadd.f32 v30, v22;
	_ =	sdelay $0x1  }
0x25a: {  	[tilespmem:s25+$0xFFFFFE98] =	vst v22  }
0x25b: {  	v22 =	vld [tilespmem:s16+$0xFFFFFF20]  }
0x25c: {  	v31 =	vld [tilespmem:s30+$0xFFFFFF20];
	_ =	sdelay $0x1  }
0x25d: {  	v33 =	vld [tilespmem:s19+$0xFFFFFF20]  }
0x25e: {  	v32 =	vperm.xlane v19, v2;
	v34 =	vperm.xlane v20, v2  }
0x25f: {  	v35 =	vperm.xlane v21, v2  }
0x260: {  	v22 =	vmul.f32 v22, v32;
	v23 =	vmul.f32 v31, v34;
	_ =	sdelay $0x1  }
0x261: {  	v36 =	vmul.f32 v33, v35;
	v22 =	vadd.f32 v23, v22;
	_ =	sdelay $0x1  }
0x262: {  	v22 =	vadd.f32 v36, v22;
	_ =	sdelay $0x1  }
0x263: {  	[tilespmem:s25+$0xFFFFFEB0] =	vst v22  }
0x264: {  	v22 =	vld [tilespmem:s16+$0xFFFFFF30]  }
0x265: {  	v37 =	vld [tilespmem:s30+$0xFFFFFF30];
	_ =	sdelay $0x1  }
0x266: {  	v39 =	vld [tilespmem:s19+$0xFFFFFF30]  }
0x267: {  	v38 =	vperm.xlane v19, v3;
	v40 =	vperm.xlane v20, v3  }
0x268: {  	v41 =	vperm.xlane v21, v3  }
0x269: {  	v22 =	vmul.f32 v22, v38;
	v23 =	vmul.f32 v37, v40;
	_ =	sdelay $0x1  }
0x26a: {  	v42 =	vmul.f32 v39, v41;
	v22 =	vadd.f32 v23, v22;
	_ =	sdelay $0x1  }
0x26b: {  	v22 =	vadd.f32 v42, v22;
	_ =	sdelay $0x1  }
0x26c: {  	[tilespmem:s25+$0xFFFFFEC8] =	vst v22  }
0x26d: {  	v22 =	vld [tilespmem:s16+$0xFFFFFF40]  }
0x26e: {  	v43 =	vld [tilespmem:s30+$0xFFFFFF40];
	_ =	sdelay $0x1  }
0x26f: {  	v45 =	vld [tilespmem:s19+$0xFFFFFF40]  }
0x270: {  	v44 =	vperm.xlane v19, v4;
	v46 =	vperm.xlane v20, v4  }
0x271: {  	v47 =	vperm.xlane v21, v4  }
0x272: {  	v22 =	vmul.f32 v22, v44;
	v23 =	vmul.f32 v43, v46;
	_ =	sdelay $0x1  }
0x273: {  	v48 =	vmul.f32 v45, v47;
	v22 =	vadd.f32 v23, v22;
	_ =	sdelay $0x1  }
0x274: {  	v22 =	vadd.f32 v48, v22;
	_ =	sdelay $0x1  }
0x275: {  	[tilespmem:s25+$0xFFFFFEE0] =	vst v22  }
0x276: {  	v22 =	vld [tilespmem:s16+$0xFFFFFF50]  }
0x277: {  	v49 =	vld [tilespmem:s30+$0xFFFFFF50];
	_ =	sdelay $0x1  }
0x278: {  	v51 =	vld [tilespmem:s19+$0xFFFFFF50]  }
0x279: {  	v50 =	vperm.xlane v19, v5;
	v52 =	vperm.xlane v20, v5  }
0x27a: {  	v53 =	vperm.xlane v21, v5  }
0x27b: {  	v22 =	vmul.f32 v22, v50;
	v23 =	vmul.f32 v49, v52;
	_ =	sdelay $0x1  }
0x27c: {  	v54 =	vmul.f32 v51, v53;
	v22 =	vadd.f32 v23, v22;
	_ =	sdelay $0x1  }
0x27d: {  	v22 =	vadd.f32 v54, v22;
	_ =	sdelay $0x1  }
0x27e: {  	[tilespmem:s25+$0xFFFFFEF8] =	vst v22  }
0x27f: {  	v22 =	vld [tilespmem:s16+$0xFFFFFF60]  }
0x280: {  	v55 =	vld [tilespmem:s30+$0xFFFFFF60];
	_ =	sdelay $0x1  }
0x281: {  	v57 =	vld [tilespmem:s19+$0xFFFFFF60]  }
0x282: {  	v56 =	vperm.xlane v19, v6;
	v58 =	vperm.xlane v20, v6  }
0x283: {  	v59 =	vperm.xlane v21, v6  }
0x284: {  	v22 =	vmul.f32 v22, v56;
	v23 =	vmul.f32 v55, v58;
	_ =	sdelay $0x1  }
0x285: {  	v60 =	vmul.f32 v57, v59;
	v22 =	vadd.f32 v23, v22;
	_ =	sdelay $0x1  }
0x286: {  	v22 =	vadd.f32 v60, v22;
	_ =	sdelay $0x1  }
0x287: {  	[tilespmem:s25+$0xFFFFFF10] =	vst v22  }
0x288: {  	v22 =	vld [tilespmem:s16+$0xFFFFFF70]  }
0x289: {  	v61 =	vld [tilespmem:s30+$0xFFFFFF70];
	_ =	sdelay $0x1  }
0x28a: {  	v63 =	vld [tilespmem:s19+$0xFFFFFF70]  }
0x28b: {  	v62 =	vperm.xlane v19, v7;
	v28 =	vperm.xlane v20, v7  }
0x28c: {  	v29 =	vperm.xlane v21, v7  }
0x28d: {  	v22 =	vmul.f32 v22, v62;
	v23 =	vmul.f32 v61, v28;
	_ =	sdelay $0x1  }
0x28e: {  	v30 =	vmul.f32 v63, v29;
	v22 =	vadd.f32 v23, v22;
	_ =	sdelay $0x1  }
0x28f: {  	v22 =	vadd.f32 v30, v22;
	_ =	sdelay $0x1  }
0x290: {  	[tilespmem:s25+$0xFFFFFF28] =	vst v22  }
0x291: {  	v22 =	vld [tilespmem:s16+$0xFFFFFF80]  }
0x292: {  	v31 =	vld [tilespmem:s30+$0xFFFFFF80];
	_ =	sdelay $0x1  }
0x293: {  	v33 =	vld [tilespmem:s19+$0xFFFFFF80]  }
0x294: {  	v32 =	vperm.xlane v19, v8;
	v34 =	vperm.xlane v20, v8  }
0x295: {  	v35 =	vperm.xlane v21, v8  }
0x296: {  	v22 =	vmul.f32 v22, v32;
	v23 =	vmul.f32 v31, v34;
	_ =	sdelay $0x1  }
0x297: {  	v36 =	vmul.f32 v33, v35;
	v22 =	vadd.f32 v23, v22;
	_ =	sdelay $0x1  }
0x298: {  	v22 =	vadd.f32 v36, v22;
	_ =	sdelay $0x1  }
0x299: {  	[tilespmem:s25+$0xFFFFFF40] =	vst v22  }
0x29a: {  	v22 =	vld [tilespmem:s16+$0xFFFFFF90]  }
0x29b: {  	v37 =	vld [tilespmem:s30+$0xFFFFFF90];
	_ =	sdelay $0x1  }
0x29c: {  	v39 =	vld [tilespmem:s19+$0xFFFFFF90]  }
0x29d: {  	v38 =	vperm.xlane v19, v9;
	v40 =	vperm.xlane v20, v9  }
0x29e: {  	v41 =	vperm.xlane v21, v9  }
0x29f: {  	v22 =	vmul.f32 v22, v38;
	v23 =	vmul.f32 v37, v40;
	_ =	sdelay $0x1  }
0x2a0: {  	v42 =	vmul.f32 v39, v41;
	v22 =	vadd.f32 v23, v22;
	_ =	sdelay $0x1  }
0x2a1: {  	v22 =	vadd.f32 v42, v22;
	_ =	sdelay $0x1  }
0x2a2: {  	[tilespmem:s25+$0xFFFFFF58] =	vst v22  }
0x2a3: {  	v22 =	vld [tilespmem:s16+$0xFFFFFFA0]  }
0x2a4: {  	v43 =	vld [tilespmem:s30+$0xFFFFFFA0];
	_ =	sdelay $0x1  }
0x2a5: {  	v45 =	vld [tilespmem:s19+$0xFFFFFFA0]  }
0x2a6: {  	v44 =	vperm.xlane v19, v10;
	v46 =	vperm.xlane v20, v10  }
0x2a7: {  	v47 =	vperm.xlane v21, v10  }
0x2a8: {  	v22 =	vmul.f32 v22, v44;
	v23 =	vmul.f32 v43, v46;
	_ =	sdelay $0x1  }
0x2a9: {  	v48 =	vmul.f32 v45, v47;
	v22 =	vadd.f32 v23, v22;
	_ =	sdelay $0x1  }
0x2aa: {  	v22 =	vadd.f32 v48, v22;
	_ =	sdelay $0x1  }
0x2ab: {  	[tilespmem:s25+$0xFFFFFF70] =	vst v22  }
0x2ac: {  	v22 =	vld [tilespmem:s16+$0xFFFFFFB0]  }
0x2ad: {  	v49 =	vld [tilespmem:s30+$0xFFFFFFB0];
	_ =	sdelay $0x1  }
0x2ae: {  	v51 =	vld [tilespmem:s19+$0xFFFFFFB0]  }
0x2af: {  	v50 =	vperm.xlane v19, v11;
	v52 =	vperm.xlane v20, v11  }
0x2b0: {  	v53 =	vperm.xlane v21, v11  }
0x2b1: {  	v22 =	vmul.f32 v22, v50;
	v23 =	vmul.f32 v49, v52;
	_ =	sdelay $0x1  }
0x2b2: {  	v54 =	vmul.f32 v51, v53;
	v22 =	vadd.f32 v23, v22;
	_ =	sdelay $0x1  }
0x2b3: {  	v22 =	vadd.f32 v54, v22;
	_ =	sdelay $0x1  }
0x2b4: {  	[tilespmem:s25+$0xFFFFFF88] =	vst v22  }
0x2b5: {  	v22 =	vld [tilespmem:s16+$0xFFFFFFC0]  }
0x2b6: {  	v55 =	vld [tilespmem:s30+$0xFFFFFFC0];
	_ =	sdelay $0x1  }
0x2b7: {  	v57 =	vld [tilespmem:s19+$0xFFFFFFC0]  }
0x2b8: {  	v56 =	vperm.xlane v19, v12;
	v58 =	vperm.xlane v20, v12  }
0x2b9: {  	v59 =	vperm.xlane v21, v12  }
0x2ba: {  	v22 =	vmul.f32 v22, v56;
	v23 =	vmul.f32 v55, v58;
	_ =	sdelay $0x1  }
0x2bb: {  	v60 =	vmul.f32 v57, v59;
	v22 =	vadd.f32 v23, v22;
	_ =	sdelay $0x1  }
0x2bc: {  	v22 =	vadd.f32 v60, v22;
	_ =	sdelay $0x1  }
0x2bd: {  	[tilespmem:s25+$0xFFFFFFA0] =	vst v22  }
0x2be: {  	v22 =	vld [tilespmem:s16+$0xFFFFFFD0]  }
0x2bf: {  	v61 =	vld [tilespmem:s30+$0xFFFFFFD0];
	_ =	sdelay $0x1  }
0x2c0: {  	v63 =	vld [tilespmem:s19+$0xFFFFFFD0]  }
0x2c1: {  	v62 =	vperm.xlane v19, v13;
	v28 =	vperm.xlane v20, v13  }
0x2c2: {  	v29 =	vperm.xlane v21, v13  }
0x2c3: {  	v22 =	vmul.f32 v22, v62;
	v23 =	vmul.f32 v61, v28;
	_ =	sdelay $0x1  }
0x2c4: {  	v30 =	vmul.f32 v63, v29;
	v22 =	vadd.f32 v23, v22;
	_ =	sdelay $0x1  }
0x2c5: {  	v22 =	vadd.f32 v30, v22;
	_ =	sdelay $0x1  }
0x2c6: {  	[tilespmem:s25+$0xFFFFFFB8] =	vst v22  }
0x2c7: {  	v22 =	vld [tilespmem:s16+$0xFFFFFFE0]  }
0x2c8: {  	v31 =	vld [tilespmem:s30+$0xFFFFFFE0];
	_ =	sdelay $0x1  }
0x2c9: {  	v33 =	vld [tilespmem:s19+$0xFFFFFFE0]  }
0x2ca: {  	v32 =	vperm.xlane v19, v14;
	v34 =	vperm.xlane v20, v14  }
0x2cb: {  	v35 =	vperm.xlane v21, v14  }
0x2cc: {  	v22 =	vmul.f32 v22, v32;
	v23 =	vmul.f32 v31, v34;
	_ =	sdelay $0x1  }
0x2cd: {  	v36 =	vmul.f32 v33, v35;
	v22 =	vadd.f32 v23, v22;
	_ =	sdelay $0x1  }
0x2ce: {  	v22 =	vadd.f32 v36, v22;
	_ =	sdelay $0x1  }
0x2cf: {  	[tilespmem:s25+$0xFFFFFFD0] =	vst v22  }
0x2d0: {  	v22 =	vld [tilespmem:s16+$0xFFFFFFF0]  }
0x2d1: {  	v37 =	vld [tilespmem:s30+$0xFFFFFFF0];
	_ =	sdelay $0x1  }
0x2d2: {  	v38 =	vld [tilespmem:s19+$0xFFFFFFF0]  }
0x2d3: {  	v19 =	vperm.xlane v19, v15;
	v20 =	vperm.xlane v20, v15  }
0x2d4: {  	v21 =	vperm.xlane v21, v15  }
0x2d5: {  	v19 =	vmul.f32 v22, v19;
	v20 =	vmul.f32 v37, v20;
	_ =	sdelay $0x1  }
0x2d6: {  	v39 =	vmov s23;
	v19 =	vadd.f32 v20, v19;
	v20 =	vmul.f32 v38, v21  }
0x2d7: {  	v21 =	vmul.u32 $0x18, v39  }
0x2d8: {  	v19 =	vadd.f32 v20, v19  }
0x2d9: {  	v20 =	vbroadcast v21, $0x0  }
0x2da: {  	[tilespmem:s25+$0xFFFFFFE8] =	vst v19  }
0x2db: {  	v21 =	vadd.s32 v16, v20;
	v19 =	vld [tilespmem:s3+$0x2250];
	_ =	sdelay $0x4  }
0x2dc: {  	[tilespmem:v21+s0+$0x0] =	vst.idx.msk $0xffff, v19  }
0x2dd: {  	v40 =	vadd.s32 v17, v20;
	v19 =	vld [tilespmem:s3+$0x2570];
	_ =	sdelay $0x4  }
0x2de: {  	[tilespmem:v40+s0+$0x0] =	vst.idx.msk $0xffff, v19  }
0x2df: {  	v20 =	vadd.s32 v18, v20;
	v19 =	vld [tilespmem:s3+$0x2890];
	_ =	sdelay $0x4  }
0x2e0: {  	[tilespmem:v20+s0+$0x0] =	vst.idx.msk $0xffff, v19  }
0x2e1: {  	v19 =	vld [tilespmem:s3+$0x1900]  }
0x2e2: {  	v20 =	vld [tilespmem:s3+$0x1C20]  }
0x2e3: {  	v21 =	vld [tilespmem:s3+$0x1F40]  }
0x2e4: {  	v41 =	vld [tilespmem:s16+$0x0]  }
0x2e5: {  	v42 =	vld [tilespmem:s30+$0x0];
	_ =	sdelay $0x1  }
0x2e6: {  	v44 =	vld [tilespmem:s19+$0x0]  }
0x2e7: {  	v43 =	vperm.xlane v19, v0;
	v45 =	vperm.xlane v20, v0  }
0x2e8: {  	v46 =	vperm.xlane v21, v0  }
0x2e9: {  	v22 =	vmul.f32 v41, v43;
	v23 =	vmul.f32 v42, v45;
	_ =	sdelay $0x1  }
0x2ea: {  	v47 =	vmul.f32 v44, v46;
	v22 =	vadd.f32 v23, v22;
	_ =	sdelay $0x1  }
0x2eb: {  	v22 =	vadd.f32 v47, v22;
	_ =	sdelay $0x1  }
0x2ec: {  	[tilespmem:s25+$0x0] =	vst v22  }
0x2ed: {  	v22 =	vld [tilespmem:s16+$0x10]  }
0x2ee: {  	v48 =	vld [tilespmem:s30+$0x10];
	_ =	sdelay $0x1  }
0x2ef: {  	v50 =	vld [tilespmem:s19+$0x10]  }
0x2f0: {  	v49 =	vperm.xlane v19, v1;
	v51 =	vperm.xlane v20, v1  }
0x2f1: {  	v52 =	vperm.xlane v21, v1  }
0x2f2: {  	v22 =	vmul.f32 v22, v49;
	v23 =	vmul.f32 v48, v51;
	_ =	sdelay $0x1  }
0x2f3: {  	v53 =	vmul.f32 v50, v52;
	v22 =	vadd.f32 v23, v22;
	_ =	sdelay $0x1  }
0x2f4: {  	v22 =	vadd.f32 v53, v22;
	_ =	sdelay $0x1  }
0x2f5: {  	[tilespmem:s25+$0x18] =	vst v22  }
0x2f6: {  	v22 =	vld [tilespmem:s16+$0x20]  }
0x2f7: {  	v54 =	vld [tilespmem:s30+$0x20];
	_ =	sdelay $0x1  }
0x2f8: {  	v56 =	vld [tilespmem:s19+$0x20]  }
0x2f9: {  	v55 =	vperm.xlane v19, v2;
	v57 =	vperm.xlane v20, v2  }
0x2fa: {  	v58 =	vperm.xlane v21, v2  }
0x2fb: {  	v22 =	vmul.f32 v22, v55;
	v23 =	vmul.f32 v54, v57;
	_ =	sdelay $0x1  }
0x2fc: {  	v59 =	vmul.f32 v56, v58;
	v22 =	vadd.f32 v23, v22;
	_ =	sdelay $0x1  }
0x2fd: {  	v22 =	vadd.f32 v59, v22;
	_ =	sdelay $0x1  }
0x2fe: {  	[tilespmem:s25+$0x30] =	vst v22  }
0x2ff: {  	v22 =	vld [tilespmem:s16+$0x30]  }
0x300: {  	v60 =	vld [tilespmem:s30+$0x30];
	_ =	sdelay $0x1  }
0x301: {  	v62 =	vld [tilespmem:s19+$0x30]  }
0x302: {  	v61 =	vperm.xlane v19, v3;
	v63 =	vperm.xlane v20, v3  }
0x303: {  	v28 =	vperm.xlane v21, v3  }
0x304: {  	v22 =	vmul.f32 v22, v61;
	v23 =	vmul.f32 v60, v63;
	_ =	sdelay $0x1  }
0x305: {  	v29 =	vmul.f32 v62, v28;
	v22 =	vadd.f32 v23, v22;
	_ =	sdelay $0x1  }
0x306: {  	v22 =	vadd.f32 v29, v22;
	_ =	sdelay $0x1  }
0x307: {  	[tilespmem:s25+$0x48] =	vst v22  }
0x308: {  	v22 =	vld [tilespmem:s16+$0x40]  }
0x309: {  	v30 =	vld [tilespmem:s30+$0x40];
	_ =	sdelay $0x1  }
0x30a: {  	v32 =	vld [tilespmem:s19+$0x40]  }
0x30b: {  	v31 =	vperm.xlane v19, v4;
	v33 =	vperm.xlane v20, v4  }
0x30c: {  	v34 =	vperm.xlane v21, v4  }
0x30d: {  	v22 =	vmul.f32 v22, v31;
	v23 =	vmul.f32 v30, v33;
	_ =	sdelay $0x1  }
0x30e: {  	v35 =	vmul.f32 v32, v34;
	v22 =	vadd.f32 v23, v22;
	_ =	sdelay $0x1  }
0x30f: {  	v22 =	vadd.f32 v35, v22;
	_ =	sdelay $0x1  }
0x310: {  	[tilespmem:s25+$0x60] =	vst v22  }
0x311: {  	v22 =	vld [tilespmem:s16+$0x50]  }
0x312: {  	v36 =	vld [tilespmem:s30+$0x50];
	_ =	sdelay $0x1  }
0x313: {  	v38 =	vld [tilespmem:s19+$0x50]  }
0x314: {  	v37 =	vperm.xlane v19, v5;
	v39 =	vperm.xlane v20, v5  }
0x315: {  	v40 =	vperm.xlane v21, v5  }
0x316: {  	v22 =	vmul.f32 v22, v37;
	v23 =	vmul.f32 v36, v39;
	_ =	sdelay $0x1  }
0x317: {  	v41 =	vmul.f32 v38, v40;
	v22 =	vadd.f32 v23, v22;
	_ =	sdelay $0x1  }
0x318: {  	v22 =	vadd.f32 v41, v22;
	_ =	sdelay $0x1  }
0x319: {  	[tilespmem:s25+$0x78] =	vst v22  }
0x31a: {  	v22 =	vld [tilespmem:s16+$0x60]  }
0x31b: {  	v42 =	vld [tilespmem:s30+$0x60];
	_ =	sdelay $0x1  }
0x31c: {  	v44 =	vld [tilespmem:s19+$0x60]  }
0x31d: {  	v43 =	vperm.xlane v19, v6;
	v45 =	vperm.xlane v20, v6  }
0x31e: {  	v46 =	vperm.xlane v21, v6  }
0x31f: {  	v22 =	vmul.f32 v22, v43;
	v23 =	vmul.f32 v42, v45;
	_ =	sdelay $0x1  }
0x320: {  	v47 =	vmul.f32 v44, v46;
	v22 =	vadd.f32 v23, v22;
	_ =	sdelay $0x1  }
0x321: {  	v22 =	vadd.f32 v47, v22;
	_ =	sdelay $0x1  }
0x322: {  	[tilespmem:s25+$0x90] =	vst v22  }
0x323: {  	v22 =	vld [tilespmem:s16+$0x70]  }
0x324: {  	v48 =	vld [tilespmem:s30+$0x70];
	_ =	sdelay $0x1  }
0x325: {  	v50 =	vld [tilespmem:s19+$0x70]  }
0x326: {  	v49 =	vperm.xlane v19, v7;
	v51 =	vperm.xlane v20, v7  }
0x327: {  	v52 =	vperm.xlane v21, v7  }
0x328: {  	v22 =	vmul.f32 v22, v49;
	v23 =	vmul.f32 v48, v51;
	_ =	sdelay $0x1  }
0x329: {  	v53 =	vmul.f32 v50, v52;
	v22 =	vadd.f32 v23, v22;
	_ =	sdelay $0x1  }
0x32a: {  	v22 =	vadd.f32 v53, v22;
	_ =	sdelay $0x1  }
0x32b: {  	[tilespmem:s25+$0xA8] =	vst v22  }
0x32c: {  	v22 =	vld [tilespmem:s16+$0x80]  }
0x32d: {  	v54 =	vld [tilespmem:s30+$0x80];
	_ =	sdelay $0x1  }
0x32e: {  	v56 =	vld [tilespmem:s19+$0x80]  }
0x32f: {  	v55 =	vperm.xlane v19, v8;
	v57 =	vperm.xlane v20, v8  }
0x330: {  	v58 =	vperm.xlane v21, v8  }
0x331: {  	v22 =	vmul.f32 v22, v55;
	v23 =	vmul.f32 v54, v57;
	_ =	sdelay $0x1  }
0x332: {  	v59 =	vmul.f32 v56, v58;
	v22 =	vadd.f32 v23, v22;
	_ =	sdelay $0x1  }
0x333: {  	v22 =	vadd.f32 v59, v22;
	_ =	sdelay $0x1  }
0x334: {  	[tilespmem:s25+$0xC0] =	vst v22  }
0x335: {  	v22 =	vld [tilespmem:s16+$0x90]  }
0x336: {  	v60 =	vld [tilespmem:s30+$0x90];
	_ =	sdelay $0x1  }
0x337: {  	v62 =	vld [tilespmem:s19+$0x90]  }
0x338: {  	v61 =	vperm.xlane v19, v9;
	v63 =	vperm.xlane v20, v9  }
0x339: {  	v28 =	vperm.xlane v21, v9  }
0x33a: {  	v22 =	vmul.f32 v22, v61;
	v23 =	vmul.f32 v60, v63;
	_ =	sdelay $0x1  }
0x33b: {  	v29 =	vmul.f32 v62, v28;
	v22 =	vadd.f32 v23, v22;
	_ =	sdelay $0x1  }
0x33c: {  	v22 =	vadd.f32 v29, v22;
	_ =	sdelay $0x1  }
0x33d: {  	[tilespmem:s25+$0xD8] =	vst v22  }
0x33e: {  	v22 =	vld [tilespmem:s16+$0xA0]  }
0x33f: {  	v30 =	vld [tilespmem:s30+$0xA0];
	_ =	sdelay $0x1  }
0x340: {  	v32 =	vld [tilespmem:s19+$0xA0]  }
0x341: {  	v31 =	vperm.xlane v19, v10;
	v33 =	vperm.xlane v20, v10  }
0x342: {  	v34 =	vperm.xlane v21, v10  }
0x343: {  	v22 =	vmul.f32 v22, v31;
	v23 =	vmul.f32 v30, v33;
	_ =	sdelay $0x1  }
0x344: {  	v35 =	vmul.f32 v32, v34;
	v22 =	vadd.f32 v23, v22;
	_ =	sdelay $0x1  }
0x345: {  	v22 =	vadd.f32 v35, v22;
	_ =	sdelay $0x1  }
0x346: {  	[tilespmem:s25+$0xF0] =	vst v22  }
0x347: {  	v22 =	vld [tilespmem:s16+$0xB0]  }
0x348: {  	v36 =	vld [tilespmem:s30+$0xB0];
	_ =	sdelay $0x1  }
0x349: {  	v38 =	vld [tilespmem:s19+$0xB0]  }
0x34a: {  	v37 =	vperm.xlane v19, v11;
	v39 =	vperm.xlane v20, v11  }
0x34b: {  	v40 =	vperm.xlane v21, v11  }
0x34c: {  	v22 =	vmul.f32 v22, v37;
	v23 =	vmul.f32 v36, v39;
	_ =	sdelay $0x1  }
0x34d: {  	v41 =	vmul.f32 v38, v40;
	v22 =	vadd.f32 v23, v22;
	_ =	sdelay $0x1  }
0x34e: {  	v22 =	vadd.f32 v41, v22;
	_ =	sdelay $0x1  }
0x34f: {  	[tilespmem:s25+$0x108] =	vst v22  }
0x350: {  	v22 =	vld [tilespmem:s16+$0xC0]  }
0x351: {  	v42 =	vld [tilespmem:s30+$0xC0];
	_ =	sdelay $0x1  }
0x352: {  	v44 =	vld [tilespmem:s19+$0xC0]  }
0x353: {  	v43 =	vperm.xlane v19, v12;
	v45 =	vperm.xlane v20, v12  }
0x354: {  	v46 =	vperm.xlane v21, v12  }
0x355: {  	v22 =	vmul.f32 v22, v43;
	v23 =	vmul.f32 v42, v45;
	_ =	sdelay $0x1  }
0x356: {  	v47 =	vmul.f32 v44, v46;
	v22 =	vadd.f32 v23, v22;
	_ =	sdelay $0x1  }
0x357: {  	v22 =	vadd.f32 v47, v22;
	_ =	sdelay $0x1  }
0x358: {  	[tilespmem:s25+$0x120] =	vst v22  }
0x359: {  	v22 =	vld [tilespmem:s16+$0xD0]  }
0x35a: {  	v48 =	vld [tilespmem:s30+$0xD0];
	_ =	sdelay $0x1  }
0x35b: {  	v50 =	vld [tilespmem:s19+$0xD0]  }
0x35c: {  	v49 =	vperm.xlane v19, v13;
	v51 =	vperm.xlane v20, v13  }
0x35d: {  	v52 =	vperm.xlane v21, v13  }
0x35e: {  	v22 =	vmul.f32 v22, v49;
	v23 =	vmul.f32 v48, v51;
	_ =	sdelay $0x1  }
0x35f: {  	v53 =	vmul.f32 v50, v52;
	v22 =	vadd.f32 v23, v22;
	_ =	sdelay $0x1  }
0x360: {  	v22 =	vadd.f32 v53, v22;
	_ =	sdelay $0x1  }
0x361: {  	[tilespmem:s25+$0x138] =	vst v22  }
0x362: {  	v22 =	vld [tilespmem:s16+$0xE0]  }
0x363: {  	v54 =	vld [tilespmem:s30+$0xE0];
	_ =	sdelay $0x1  }
0x364: {  	v56 =	vld [tilespmem:s19+$0xE0]  }
0x365: {  	v55 =	vperm.xlane v19, v14;
	v57 =	vperm.xlane v20, v14  }
0x366: {  	v58 =	vperm.xlane v21, v14  }
0x367: {  	v22 =	vmul.f32 v22, v55;
	v23 =	vmul.f32 v54, v57;
	_ =	sdelay $0x1  }
0x368: {  	v59 =	vmul.f32 v56, v58;
	v22 =	vadd.f32 v23, v22;
	_ =	sdelay $0x1  }
0x369: {  	v22 =	vadd.f32 v59, v22;
	_ =	sdelay $0x1  }
0x36a: {  	[tilespmem:s25+$0x150] =	vst v22  }
0x36b: {  	v22 =	vld [tilespmem:s16+$0xF0]  }
0x36c: {  	v60 =	vld [tilespmem:s30+$0xF0];
	_ =	sdelay $0x1  }
0x36d: {  	v61 =	vld [tilespmem:s19+$0xF0]  }
0x36e: {  	v19 =	vperm.xlane v19, v15;
	v20 =	vperm.xlane v20, v15  }
0x36f: {  	v21 =	vperm.xlane v21, v15  }
0x370: {  	v19 =	vmul.f32 v22, v19;
	v20 =	vmul.f32 v60, v20  }
0x371: {  	s1 =	sadd.s32 $0x10, s23  }
0x372: {  	v62 =	vmov s1;
	v19 =	vadd.f32 v20, v19;
	v20 =	vmul.f32 v61, v21  }
0x373: {  	v21 =	vmul.u32 $0x18, v62  }
0x374: {  	v19 =	vadd.f32 v20, v19  }
0x375: {  	v20 =	vbroadcast v21, $0x0  }
0x376: {  	[tilespmem:s25+$0x168] =	vst v19  }
0x377: {  	v21 =	vadd.s32 v16, v20;
	v19 =	vld [tilespmem:s3+$0x2260];
	_ =	sdelay $0x4  }
0x378: {  	[tilespmem:v21+s0+$0x0] =	vst.idx.msk $0xffff, v19  }
0x379: {  	v63 =	vadd.s32 v17, v20;
	v19 =	vld [tilespmem:s3+$0x2580];
	_ =	sdelay $0x4  }
0x37a: {  	s22 =	sadd.s32 $0x2, s22;
	[tilespmem:v63+s0+$0x0] =	vst.idx.msk $0xffff, v19  }
0x37b: {  	p0 =	slt.u32 s22, $0x30;
	v20 =	vadd.s32 v18, v20;
	v19 =	vld [tilespmem:s3+$0x28A0]  }
.Ltmp8:
0x37c: {  	_ = 	snop;
	(pc) =	sbr.rel @p0 .LBB2_9-.Ltmp8, $3  }
0x37d: {  	_ =	sdelay $0x1  }
0x37e: {  	s24 =	sadd.s32 $0x80, s24;
	s23 =	sadd.s32 $0x20, s23;
	s16 =	sadd.s32 $0x200, s16  }
0x37f: {  	s30 =	sadd.s32 $0x200, s30;
	s19 =	sadd.s32 $0x200, s19;
	s25 =	sadd.s32 $0x300, s25;
	[tilespmem:v20+s0+$0x0] =	vst.idx.msk $0xffff, v19  }
.Ltmp9:
0x380: {  	_ = 	snop;
	(pc) =	sbr.rel .LBB2_10-.Ltmp9, $1  }
0x381: {  	_ =	sdelay $0x3  }
.LBB2_13:
0x382: {  	_ =	sfence.sel $0x180000  }
0x383: {  	[bflag:$0x0] =	sbarrier.arrive $0xFFFF  }
0x384: {  	_ =	strace $0x90000047  }
0x385: {  	s0 =	stileid.u32;
	[bflag:$0x2] =	sbarrier.arrive $0xFFFF  }
0x386: {  	p0 =	sne.s32 s0, $0x0;
	s0 =	rddreg [dreg:$0x3]  }
0x387: {  	s0 =	sadd.s32 @!p0 $0x100000, s0  }
0x388: {  	[sflag:s0] =	ssyncadd.tile.s32 @!p0 $0x1;
	_ =	shalt  }
.Lfunc_end2:
_tile_overlayer_lowered:
.L_overlay_start_2:
0x389: {  	(tag) =	ssettag $0x2  }
0x38a: {  	s0 =	rddreg [dreg:$0x0];
	s2 =	stileid.u32  }
0x38b: {  	s1 =	rddreg [dreg:$0x1];
	p0 =	sne.s32 s2, $0x0  }
0x38c: {  	s3 =	rddreg [dreg:$0x2];
	[bflag:$0x3] =	sbarrier.arrive $0xFFFF;
	s2 =	simm.s32 @!p0 $0x1C06  }
0x38d: {  	[timem:s3], [sflag:s2] =	dma.local @!p0 [hbm:s0], s1  }
0x38e: {  	s0 =	simm.s32 @!p0 $0x6  }
0x38f: {  	_ =	swait.ge @!p0 [sflag:s0], s1  }
0x390: {  	s1 =	ssub.s32 @!p0 $0x0, s1;
	[sflag:s0] =	ssyncset.done @!p0 $0x0  }
0x391: {  	[sflag:s0] =	ssyncadd.s32 @!p0 s1  }
0x392: {  	[bflag:$0x3] =	sbarrier.arrive $0xFFFF  }
0x393: {  	_ =	shalt  }

// kernel: sparse-core-data-format-call.cloned.1.call-start
scs
called_computation_lowered:
.L_overlay_start_0:
0x0: {  	s2 =	sld [smem:$0x3FD9]  }
0x1: {  	s3 =	sld [smem:$0x3FFE];
	_ =	sdelay $0x1  }
0x2: {  	s1 =	srdreg.scid  }
0x3: {  	s0 =	sand.u32 $0x1, s1  }
0x4: {  	s18 =	sshll.u32 s0, $0xA;
	s2 =	sadd.s32 s3, s2  }
0x5: {  	s2 =	sadd.s32 s2, s18  }
0x6: {  	[smem:$0x3FC3] =	sst s2  }
0x7: {  	_ = 	snop  }
0x8: {  	s2 =	sld [smem:$0x3FD0];
	(tm) =	ssettm $0x1  }
0x9: {  	s19 =	sld [smem:$0x3FFB];
	_ =	sdelay $0x3  }
0xa: {  	_ =	strace s19  }
0xb: {  	s3 =	sld [smem:$0x3FFC];
	_ =	sdelay $0x3  }
0xc: {  	_ =	strace s3  }
0xd: {  	s3 =	sld [smem:$0x3FFD];
	_ =	sdelay $0x3  }
0xe: {  	_ =	strace s3  }
0xf: {  	_ =	strace $0x8FFFFFFF  }
0x10: {  	s20 =	sld [smem:$0x3FDB];
	_ =	sdelay $0x1  }
0x11: {  	s4 =	simm.s32 $_scs_section_size  }
0x12: {  	s5 =	simm.s32 $_size__tile_overlayer_lowered;
	s6 =	simm.s32 $_tile_overlayer_lowered  }
0x13: {  	s23 =	simm.s32 $0x1BFF;
	s22 =	sshll.u32 s6, $0x1;
	s3 =	sadd.s32 s4, s20  }
0x14: {  	s7 =	simm.s32 $0x0;
	s21 =	sshll.u32 s5, $0x1;
	s5 =	sadd.s32 s22, s3  }
0x15: {  	[timem:s7], [sflag:s23] =	dma.local [hbm:s5], s21  }
0x16: {  	_ =	swait.ge [sflag:s23], s21  }
0x17: {  	s4 =	ssub.s32 $0x0, s21;
	[sflag:s23] =	ssyncset.done $0x0  }
0x18: {  	[sflag:s23] =	ssyncadd.s32 s4;
	_ =	sdelay $0x1  }
0x19: {  	s24 =	simm.s32 $0x1B8B  }
0x1a: {  	_ =	swait.ge [sflag:s24], $0x1  }
0x1b: {  	[sflag:s24] =	ssyncset.done $0x0  }
0x1c: {  	s26 =	simm.s32 $0x1B8E;
	s25 =	sld [smem:$0x3FFE];
	[sflag:s24] =	ssyncadd.s32 $0xFFFFFFFF  }
0x1d: {  	s27 =	simm.s32 $execute0_lowered;
	[smem:$0x3FD2] =	sst s26  }
0x1e: {  	s5 =	sshll.u32 s27, $0x1;
	_ =	strace $0x80000049;
	[dreg:$0x1] =	wrdreg $0xFFFFFFFF  }
0x1f: {  	s28 =	simm.s32 $_size_execute0_lowered;
	s3 =	sadd.s32 s3, s5;
	[dreg:$0x0] =	wrdreg $0x0  }
0x20: {  	s5 =	sshll.u32 s28, $0x1;
	[dreg:$0x2] =	wrdreg s3  }
0x21: {  	[dreg:$0x3] =	wrdreg s5  }
0x22: {  	[dreg:$0x4] =	wrdreg $0xC0  }
0x23: {  	_ =	task [dreg:s7], $0x5FFFF  }
0x24: {  	[dreg:$0x1] =	wrdreg $0xFFFFFFFF  }
0x25: {  	[dreg:$0x0] =	wrdreg $0x60  }
0x26: {  	[dreg:$0x2] =	wrdreg s25  }
0x27: {  	[dreg:$0x3] =	wrdreg s2  }
0x28: {  	[dreg:$0x4] =	wrdreg $0x9  }
0x29: {  	_ =	task.clear_ibuf [dreg:s7], $0x5FFFF;
	_ =	strace $0x90000049  }
0x2a: {  	s29 =	simm.s32 $0x9;
	_ =	strace $0x8000004B  }
0x2b: {  	_ =	swait.ge [sflag:s29], $0x1  }
0x2c: {  	[sflag:s29] =	ssyncadd.s32 $0xFFFFFFFF  }
0x2d: {  	_ =	strace $0x9000004B  }
0x2e: {  	_ =	sfence  }
0x2f: {  	s30 =	sld [smem:$0x0];
	_ =	sdelay $0x2  }
0x30: {  	s31 =	sshll.u32 s1, $0xD;
	s1 =	sshrl.u32 s1, $0x2  }
0x31: {  	s3 =	sand.u32 $0x4000, s31;
	s1 =	sadd.s32 s1, s30  }
0x32: {  	s0 =	sor.u32 s3, s0;
	s1 =	sshll.u32 s1, $0x11  }
0x33: {  	s0 =	sor.u32 s1, s0  }
0x34: {  	s0 =	sadd.s32 $0x8F2B, s0  }
0x35: {  	[sflag:s0] =	ssyncadd.remote.s32 $0x1  }
0x36: {  	_ =	sfence.sel $0xFFFF  }
0x37: {  	[dreg:$0x0] =	wrdreg $0xFFFFFFFF;
	(pc) =	sbr.abs _section_cstart, $3  }
0x38: {  	[dreg:$0x1] =	wrdreg $0xFFFFFFFF  }
0x39: {  	_ =	task.clear_ibuf [dreg:s7], $0x2FFFF;
	_ =	strace $0x9FFFFFFF  }
0x3a: {  	(tm) =	ssettm $0x7FFFFFFF  }
0x3b: {  	_ =	shalt  }
tec
execute0_lowered:
.L_overlay_start_1:
0x0: {  	(tag) =	ssettag $0x1  }
0x1: {  	s0 =	srdreg.scid  }
0x2: {  	s1 =	sshll.u32 s0, $0x4  }
0x3: {  	s2 =	rddreg [dreg:$0x0];
	s0 =	stileid.u32;
	s1 =	sand.u32 $0x10, s1  }
0x4: {  	s4 =	rddreg [dreg:$0x1];
	s31 =	simm.s32 $0x2;
	s1 =	sor.u32 s0, s1  }
0x5: {  	s12 =	simm.s32 $0x0;
	p0 =	por $0x0, $0x0;
	s3 =	sshll.u32 s1, $0x7  }
.Ltmp0:
0x6: {  	s11 =	simm.s32 $0x0;
	s5 =	ssub.s32 $0xF4200, s3;
	(pc) =	sbr.rel .LBB1_1-.Ltmp0, $4  }
0x7: {  	s8 =	simm.s32 $0x0;
	s1 =	rddreg [dreg:$0x2];
	s6 =	sshrl.u32 s5, $0xC  }
0x8: {  	_ =	strace $0x8000004A;
	s5 =	simm.s32 $0x1;
	s7 =	smul.u32 $0x3, s6  }
0x9: {  	s10 =	simm.s32 $0x0;
	s9 =	smov.u32 s3;
	[sflag:s5] =	ssyncpa.u1 $0x0  }
0xa: {  	[sflag:s31] =	ssyncpa.u1 $0x0;
	s6 =	sadd.s32 $0x3, s7;
	s7 =	sadd.s32 $0x4, s7  }
.LBB1_5:
0xb: {  	s13 =	sadd.s32 $0x8, s8  }
0xc: {  	s11 =	sadd.s32 $0x1000, s9;
	s15 =	smov.u32 s9;
	p2 =	sgt.s32 s13, $0x12  }
0xd: {  	s15 =	smov.u32 @p2 s11  }
0xe: {  	s13 =	simm.s32 @p2 $0x0;
	p2 =	sgt.s32 s15, $0xF423F  }
0xf: {  	s15 =	smov.u32 @p2 s3;
	p2 =	sne.s32 s10, s7  }
.Ltmp1:
0x10: {  	p1 =	slt.u32 s10, $0x2;
	(pc) =	sbr.rel @!p2 .LBB1_6-.Ltmp1, $4  }
0x11: {  	s14 =	simm.s32 @!p1 $0x2  }
0x12: {  	s12 =	smov.u32 s8;
	p0 =	por !p0, !p0;
	_ =	swait.ge @!p1 [sflag:s14], $0x400  }
0x13: {  	s11 =	smov.u32 s9;
	[sflag:s14] =	ssyncset.done @!p1 $0x0;
	s8 =	smov.u32 s13  }
0x14: {  	s10 =	sadd.s32 $0x1, s10;
	[sflag:s14] =	ssyncadd.s32 @!p1 $0xFFFFFC00;
	s9 =	smov.u32 s15  }
.LBB1_1:
0x15: {  	p1 =	sge.u32 s10, s6  }
0x16: {  	s13 =	sshll.u32 @!p1 s9, $0x7  }
0x17: {  	s14 =	sshll.u32 @!p1 s8, $0x3;
	p2 =	sgt.s32 @!p1 s9, $0xF41C0;
	s16 =	sshra.s32 @!p1 s8, $0x1F  }
0x18: {  	s15 =	sand.u32 @!p1 $0xFFFFFC00, s13;
	s14 =	sand.u32 @!p1 $0xFFFFFC00, s14;
	s13 =	sand.u32 @!p1 $0x380, s13  }
0x19: {  	p2 =	por !p2, p1;
	s16 =	sand.u32 @!p1 s16, s8;
	s14 =	sadd.s32 @!p1 s15, s14  }
0x1a: {  	s15 =	sshra.s32 @!p1 s9, $0x1F;
	s13 =	sor.u32 @!p1 s13, s14;
	s14 =	smov.u32 s9  }
0x1b: {  	s15 =	sand.u32 @!p1 s15, s9;
	s14 =	simm.s32 @p2 $0xF41C0;
	p2 =	sgt.s32 @!p1 s8, $0x78  }
0x1c: {  	s14 =	ssub.s32 @!p1 s14, s15;
	p2 =	por !p2, p1;
	s15 =	smov.u32 s8  }
0x1d: {  	s13 =	sshrl.u32 @!p1 s13, $0x7;
	s17 =	sadd.s32 @!p1 $0xFFF0BE40, s14;
	s15 =	simm.s32 @p2 $0x78  }
0x1e: {  	s14 =	ssub.s32 @!p1 $0xF4240, s14;
	p2 =	sgt.s32 @!p1 s17, $0x7F;
	s15 =	ssub.s32 @!p1 s15, s16  }
0x1f: {  	s17 =	smulhi.u32 @!p1 $0x218DEF5, s13;
	p2 =	por !p2, p1;
	s16 =	sadd.s32 @!p1 $0xFFFFFF88, s15  }
0x20: {  	s14 =	simm.s32 @!p2 $0x0;
	p2 =	sgt.s32 @!p1 s16, $0x7  }
0x21: {  	s15 =	ssub.s32 @!p1 $0x80, s15;
	s16 =	sshrl.u32 @!p1 s17, $0xD;
	p2 =	por !p2, p1  }
0x22: {  	s17 =	sxor.u32 @!p1 $0xFFFFFFFF, s10;
	s16 =	smul.u32 @!p1 $0xF4240, s16;
	s15 =	simm.s32 @!p2 $0x0  }
0x23: {  	s17 =	sshll.u32 @!p1 s17, $0xA;
	s14 =	smul.u32 @!p1 s14, s15  }
0x24: {  	s15 =	sand.u32 @!p1 $0x400, s17;
	s13 =	ssub.s32 @!p1 s13, s16;
	s16 =	sshrl.u32 @!p1 s8, $0x3  }
0x25: {  	s17 =	sand.u32 @!p1 $0x7, s8;
	s16 =	sand.u32 @!p1 $0xF, s16;
	s13 =	sshll.u32 @!p1 s13, $0x4  }
0x26: {  	s17 =	sshll.u32 @!p1 s17, $0x12;
	s14 =	sand.u32 @!p1 $0x3FFFFFFF, s14;
	s16 =	sadd.s32 @!p1 s2, s16  }
0x27: {  	s13 =	sadd.s32 @!p1 s13, s16;
	s16 =	sor.u32 @!p1 $0x8, s17;
	s17 =	simm.s32 @!p1 $0x80  }
0x28: {  	[tilespmem:s15], [sflag:$0x1] =	stream.strided.gather @!p1 [hbm4b:s13+s16], s14, s17, s16, $0x38;
	[tilespmem:$0x1010] =	vst v63  }
0x29: {  	p1 =	seq.s32 s10, $0x0  }
0x2a: {  	p2 =	sge.u32 @!p1 s10, s7  }
0x2b: {  	p1 =	por p1, p2  }
.Ltmp2:
0x2c: {  	_ = 	snop;
	(pc) =	sbr.rel @p1 .LBB1_5-.Ltmp2, $1  }
0x2d: {  	_ =	sdelay $0x3  }
0x2e: {  	p1 =	sgt.s32 s11, $0xF41C0  }
0x2f: {  	s13 =	smov.u32 s11;
	s14 =	sshra.s32 s11, $0x1F;
	s15 =	smov.u32 s12  }
0x30: {  	s16 =	sshra.s32 s12, $0x1F;
	s13 =	simm.s32 @!p1 $0xF41C0;
	p1 =	sgt.s32 s12, $0x78  }
0x31: {  	s14 =	sand.u32 s14, s11;
	s28 =	sand.u32 s16, s12;
	s15 =	simm.s32 @!p1 $0x78  }
0x32: {  	s13 =	ssub.s32 s13, s14;
	s14 =	ssub.s32 s15, s28  }
0x33: {  	s29 =	sadd.s32 $0xFFF0BE40, s13;
	s13 =	ssub.s32 $0xF4240, s13;
	s15 =	sadd.s32 $0xFFFFFF88, s14  }
0x34: {  	p1 =	sgt.s32 s29, $0x7F;
	s14 =	ssub.s32 $0x80, s14;
	p2 =	sgt.s32 s15, $0x7  }
0x35: {  	s13 =	simm.s32 @p1 $0x0;
	s14 =	simm.s32 @p2 $0x0  }
0x36: {  	s13 =	smul.u32 s13, s14;
	_ =	sdelay $0x1  }
0x37: {  	s14 =	simm.s32 $0x1;
	s13 =	sand.u32 $0x3FFFFFFF, s13  }
0x38: {  	s14 =	simm.s32 @!p0 $0x0;
	_ =	swait.ge [sflag:s5], s13  }
0x39: {  	s30 =	sshll.u32 s14, $0xA;
	s13 =	ssub.s32 $0x0, s13;
	[sflag:s5] =	ssyncset.done $0x0  }
0x3a: {  	s22 =	sor.u32 $0x20, s30;
	[sflag:s5] =	ssyncadd.s32 s13  }
0x3b: {  	v0 =	vld.msk [tilespmem:s22+$0xFFFFFFE0], $0xff  }
0x3c: {  	s31 =	smul.u32 $0x1020, s14;
	_ =	sdelay $0x1  }
0x3d: {  	s13 =	sshrl.u32 s31, $0x2  }
0x3e: {  	s13 =	sor.u32 $0x807, s13  }
0x3f: {  	[tilespmem:s13+$0xFFFFFFF9 ss:$0x81] =	vst.msk $0xff, v0  }
0x40: {  	v0 =	vld.msk [tilespmem:s22+$0xFFFFFFE8], $0xff  }
0x41: {  	s16 =	sadd.s32 $0x40, s22  }
0x42: {  	v1 =	vld.msk [tilespmem:s16+$0xFFFFFFE0], $0xff;
	_ =	sdelay $0x2  }
0x43: {  	[tilespmem:s13+$0xFFFFFFFA ss:$0x81] =	vst.msk $0xff, v0  }
0x44: {  	s14 =	sadd.s32 $0x8, s13;
	v0 =	vld.msk [tilespmem:s22+$0xFFFFFFF0], $0xff  }
0x45: {  	[tilespmem:s14+$0xFFFFFFF9 ss:$0x81] =	vst.msk $0xff, v1  }
0x46: {  	v1 =	vld.msk [tilespmem:s16+$0xFFFFFFE8], $0xff  }
0x47: {  	s17 =	sadd.s32 $0x40, s16  }
0x48: {  	v2 =	vld.msk [tilespmem:s17+$0xFFFFFFE0], $0xff  }
0x49: {  	[tilespmem:s13+$0xFFFFFFFB ss:$0x81] =	vst.msk $0xff, v0  }
0x4a: {  	v0 =	vld.msk [tilespmem:s22+$0xFFFFFFF8], $0xff  }
0x4b: {  	[tilespmem:s14+$0xFFFFFFFA ss:$0x81] =	vst.msk $0xff, v1  }
0x4c: {  	s15 =	sadd.s32 $0x8, s14;
	v1 =	vld.msk [tilespmem:s16+$0xFFFFFFF0], $0xff  }
0x4d: {  	[tilespmem:s15+$0xFFFFFFF9 ss:$0x81] =	vst.msk $0xff, v2  }
0x4e: {  	s20 =	sadd.s32 $0x40, s17;
	v2 =	vld.msk [tilespmem:s17+$0xFFFFFFE8], $0xff  }
0x4f: {  	[tilespmem:s13+$0xFFFFFFFC ss:$0x81] =	vst.msk $0xff, v0;
	v0 =	vld.msk [tilespmem:s20+$0xFFFFFFE0], $0xff  }
0x50: {  	v3 =	vld.msk [tilespmem:s22+$0x0], $0xff  }
0x51: {  	[tilespmem:s14+$0xFFFFFFFB ss:$0x81] =	vst.msk $0xff, v1  }
0x52: {  	v1 =	vld.msk [tilespmem:s16+$0xFFFFFFF8], $0xff  }
0x53: {  	s18 =	sadd.s32 $0x8, s15;
	[tilespmem:s15+$0xFFFFFFFA ss:$0x81] =	vst.msk $0xff, v2  }
0x54: {  	v2 =	vld.msk [tilespmem:s17+$0xFFFFFFF0], $0xff;
	[tilespmem:s18+$0xFFFFFFF9 ss:$0x81] =	vst.msk $0xff, v0  }
0x55: {  	v0 =	vld.msk [tilespmem:s20+$0xFFFFFFE8], $0xff;
	[tilespmem:s13+$0xFFFFFFFD ss:$0x81] =	vst.msk $0xff, v3  }
0x56: {  	s21 =	sadd.s32 $0x40, s20;
	v3 =	vld.msk [tilespmem:s22+$0x8], $0xff  }
0x57: {  	[tilespmem:s14+$0xFFFFFFFC ss:$0x81] =	vst.msk $0xff, v1;
	v1 =	vld.msk [tilespmem:s21+$0xFFFFFFE0], $0xff  }
0x58: {  	v4 =	vld.msk [tilespmem:s16+$0x0], $0xff  }
0x59: {  	[tilespmem:s15+$0xFFFFFFFB ss:$0x81] =	vst.msk $0xff, v2  }
0x5a: {  	v2 =	vld.msk [tilespmem:s17+$0xFFFFFFF8], $0xff;
	[tilespmem:s18+$0xFFFFFFFA ss:$0x81] =	vst.msk $0xff, v0  }
0x5b: {  	s19 =	sadd.s32 $0x8, s18;
	v0 =	vld.msk [tilespmem:s20+$0xFFFFFFF0], $0xff;
	[tilespmem:s13+$0xFFFFFFFE ss:$0x81] =	vst.msk $0xff, v3  }
0x5c: {  	[tilespmem:s19+$0xFFFFFFF9 ss:$0x81] =	vst.msk $0xff, v1;
	v1 =	vld.msk [tilespmem:s22+$0x10], $0xff  }
0x5d: {  	[tilespmem:s14+$0xFFFFFFFD ss:$0x81] =	vst.msk $0xff, v4;
	v3 =	vld.msk [tilespmem:s21+$0xFFFFFFE8], $0xff  }
0x5e: {  	s23 =	sadd.s32 $0x40, s21;
	v4 =	vld.msk [tilespmem:s16+$0x8], $0xff  }
0x5f: {  	[tilespmem:s15+$0xFFFFFFFC ss:$0x81] =	vst.msk $0xff, v2;
	v2 =	vld.msk [tilespmem:s23+$0xFFFFFFE0], $0xff  }
0x60: {  	v5 =	vld.msk [tilespmem:s17+$0x0], $0xff;
	[tilespmem:s18+$0xFFFFFFFB ss:$0x81] =	vst.msk $0xff, v0  }
0x61: {  	v6 =	vld.msk [tilespmem:s20+$0xFFFFFFF8], $0xff;
	[tilespmem:s13+$0xFFFFFFFF ss:$0x81] =	vst.msk $0xff, v1  }
0x62: {  	s24 =	sand.u32 $0x1, s10;
	[tilespmem:s19+$0xFFFFFFFA ss:$0x81] =	vst.msk $0xff, v3;
	v0 =	vld.msk [tilespmem:s22+$0x18], $0xff  }
0x63: {  	s24 =	smul.u32 $0x1020, s24;
	[tilespmem:s14+$0xFFFFFFFE ss:$0x81] =	vst.msk $0xff, v4;
	v3 =	vld.msk [tilespmem:s21+$0xFFFFFFF0], $0xff;
	s22 =	sadd.s32 $0x8, s19  }
0x64: {  	v1 =	vld.msk [tilespmem:s16+$0x10], $0xff;
	[tilespmem:s22+$0xFFFFFFF9 ss:$0x81] =	vst.msk $0xff, v2  }
0x65: {  	s24 =	sshrl.u32 s24, $0x2;
	[tilespmem:s15+$0xFFFFFFFD ss:$0x81] =	vst.msk $0xff, v5;
	v4 =	vld.msk [tilespmem:s23+$0xFFFFFFE8], $0xff  }
0x66: {  	s25 =	simm.s32 $0x28;
	s24 =	sor.u32 $0x800, s24;
	s26 =	sadd.s32 $0x40, s23;
	v2 =	vld.msk [tilespmem:s17+$0x8], $0xff;
	[tilespmem:s18+$0xFFFFFFFC ss:$0x81] =	vst.msk $0xff, v6  }
.LBB1_3:
0x67: {  	v5 =	vld.msk [tilespmem:s26+$0xFFFFFFE0], $0xff;
	[tilespmem:s13+$0x0 ss:$0x81] =	vst.msk $0xff, v0;
	s13 =	smov.u32 s14;
	s14 =	smov.u32 s15;
	s15 =	smov.u32 s18  }
0x68: {  	s25 =	sadd.s32 $0x8, s25;
	s18 =	smov.u32 s19;
	[tilespmem:s19+$0xFFFFFFFB ss:$0x81] =	vst.msk $0xff, v3;
	v6 =	vld.msk [tilespmem:s20+$0x0], $0xff;
	s19 =	smov.u32 s22  }
0x69: {  	p1 =	slt.u32 s25, $0x78;
	v7 =	vld.msk [tilespmem:s21+$0xFFFFFFF8], $0xff;
	[tilespmem:s13+$0xFFFFFFFF ss:$0x81] =	vst.msk $0xff, v1  }
.Ltmp3:
0x6a: {  	[tilespmem:s22+$0xFFFFFFFA ss:$0x81] =	vst.msk $0xff, v4;
	v0 =	vld.msk [tilespmem:s16+$0x18], $0xff;
	s16 =	smov.u32 s17;
	s17 =	smov.u32 s20;
	(pc) =	sbr.rel @p1 .LBB1_3-.Ltmp3, $4  }
0x6b: {  	s22 =	sadd.s32 $0x8, s22;
	s20 =	smov.u32 s21;
	s21 =	smov.u32 s23;
	v3 =	vld.msk [tilespmem:s23+$0xFFFFFFF0], $0xff;
	[tilespmem:s14+$0xFFFFFFFE ss:$0x81] =	vst.msk $0xff, v2  }
0x6c: {  	s23 =	smov.u32 s26;
	[tilespmem:s22+$0xFFFFFFF9 ss:$0x81] =	vst.msk $0xff, v5;
	v1 =	vld.msk [tilespmem:s16+$0x10], $0xff  }
0x6d: {  	v4 =	vld.msk [tilespmem:s26+$0xFFFFFFE8], $0xff;
	[tilespmem:s15+$0xFFFFFFFD ss:$0x81] =	vst.msk $0xff, v6  }
0x6e: {  	s26 =	sadd.s32 $0x40, s26;
	[tilespmem:s18+$0xFFFFFFFC ss:$0x81] =	vst.msk $0xff, v7;
	v2 =	vld.msk [tilespmem:s17+$0x8], $0xff  }
0x6f: {  	_ =	sdelay $0x2  }
0x70: {  	[tilespmem:s22+$0xFFFFFFFA ss:$0x81] =	vst.msk $0xff, v4  }
0x71: {  	v4 =	vld.msk [tilespmem:s23+$0xFFFFFFF0], $0xff;
	_ =	sdelay $0x3  }
0x72: {  	[tilespmem:s19+$0xFFFFFFFB ss:$0x81] =	vst.msk $0xff, v3  }
0x73: {  	v3 =	vld.msk [tilespmem:s21+$0xFFFFFFF8], $0xff;
	[tilespmem:s22+$0xFFFFFFFB ss:$0x81] =	vst.msk $0xff, v4  }
0x74: {  	v4 =	vld.msk [tilespmem:s23+$0xFFFFFFF8], $0xff;
	_ =	sdelay $0x3  }
0x75: {  	v5 =	vld.msk [tilespmem:s20+$0x0], $0xff;
	[tilespmem:s19+$0xFFFFFFFC ss:$0x81] =	vst.msk $0xff, v3  }
0x76: {  	v3 =	vld.msk [tilespmem:s21+$0x0], $0xff;
	[tilespmem:s22+$0xFFFFFFFC ss:$0x81] =	vst.msk $0xff, v4  }
0x77: {  	v4 =	vld.msk [tilespmem:s23+$0x0], $0xff;
	_ =	sdelay $0x2  }
0x78: {  	[tilespmem:s18+$0xFFFFFFFD ss:$0x81] =	vst.msk $0xff, v5  }
0x79: {  	v5 =	vld.msk [tilespmem:s20+$0x8], $0xff;
	[tilespmem:s19+$0xFFFFFFFD ss:$0x81] =	vst.msk $0xff, v3  }
0x7a: {  	v3 =	vld.msk [tilespmem:s21+$0x8], $0xff;
	[tilespmem:s22+$0xFFFFFFFD ss:$0x81] =	vst.msk $0xff, v4  }
0x7b: {  	s25 =	sshrl.u32 s12, $0x3;
	v4 =	vld.msk [tilespmem:s23+$0x8], $0xff  }
0x7c: {  	s26 =	sshll.u32 s11, $0x3;
	s25 =	smul.u32 $0x7A1400, s25  }
0x7d: {  	s27 =	sshll.u32 s12, $0x7;
	s26 =	sand.u32 $0xFFFFFC00, s26;
	[tilespmem:s15+$0xFFFFFFFE ss:$0x81] =	vst.msk $0xff, v2  }
0x7e: {  	s12 =	sand.u32 $0x380, s27;
	s25 =	sadd.s32 s26, s25;
	v2 =	vld.msk [tilespmem:s17+$0x10], $0xff;
	[tilespmem:s18+$0xFFFFFFFE ss:$0x81] =	vst.msk $0xff, v5  }
0x7f: {  	s12 =	sor.u32 s12, s25;
	v5 =	vld.msk [tilespmem:s20+$0x10], $0xff;
	[tilespmem:s19+$0xFFFFFFFE ss:$0x81] =	vst.msk $0xff, v3  }
0x80: {  	s25 =	smulhi.u32 $0x218D6287, s12;
	v3 =	vld.msk [tilespmem:s21+$0x10], $0xff;
	[tilespmem:s22+$0xFFFFFFFE ss:$0x81] =	vst.msk $0xff, v4  }
0x81: {  	v4 =	vld.msk [tilespmem:s23+$0x10], $0xff  }
0x82: {  	s28 =	sand.u32 $0x7F, s11;
	[tilespmem:s14+$0xFFFFFFFF ss:$0x81] =	vst.msk $0xff, v1;
	s25 =	sshrl.u32 s25, $0x11  }
0x83: {  	v1 =	vld.msk [tilespmem:s16+$0x18], $0xff;
	s11 =	sor.u32 s28, s12;
	s29 =	smul.u32 $0xAAB, s25;
	[tilespmem:s15+$0xFFFFFFFF ss:$0x81] =	vst.msk $0xff, v2  }
0x84: {  	s30 =	smulhi.u32 $0x218D6287, s11;
	v2 =	vld.msk [tilespmem:s17+$0x18], $0xff;
	[tilespmem:s18+$0xFFFFFFFF ss:$0x81] =	vst.msk $0xff, v5  }
0x85: {  	s12 =	sshrl.u32 s29, $0x10;
	v61 =	vld.msk [tilespmem:s20+$0x18], $0xff;
	[tilespmem:s19+$0xFFFFFFFF ss:$0x81] =	vst.msk $0xff, v3  }
0x86: {  	s16 =	sshrl.u32 s30, $0x11;
	s12 =	smul.u32 $0x18, s12;
	v62 =	vld.msk [tilespmem:s21+$0x18], $0xff;
	[tilespmem:s22+$0xFFFFFFFF ss:$0x81] =	vst.msk $0xff, v4  }
0x87: {  	[tilespmem:s13+$0x0 ss:$0x81] =	vst.msk $0xff, v0;
	s31 =	smul.u32 $0xF4280, s16;
	v63 =	vld.msk [tilespmem:s23+$0x18], $0xff  }
0x88: {  	[tilespmem:s14+$0x0 ss:$0x81] =	vst.msk $0xff, v1;
	s12 =	ssub.s32 s25, s12  }
.Ltmp4:
0x89: {  	s11 =	ssub.s32 s11, s31;
	s12 =	sand.u32 $0xFFFF, s12;
	[tilespmem:s15+$0x0 ss:$0x81] =	vst.msk $0xff, v2;
	(pc) =	sbr.rel .LBB1_5-.Ltmp4, $4  }
0x8a: {  	s13 =	sshrl.u32 s11, $0x3;
	s12 =	smul.u32 $0x1E850, s12;
	[tilespmem:s18+$0x0 ss:$0x81] =	vst.msk $0xff, v61  }
0x8b: {  	s13 =	sadd.s32 s4, s13;
	[tilespmem:s19+$0x0 ss:$0x81] =	vst.msk $0xff, v62  }
0x8c: {  	s11 =	sand.u32 $0x7, s11;
	s12 =	sadd.s32 s12, s13;
	[tilespmem:s22+$0x0 ss:$0x81] =	vst.msk $0xff, v63  }
0x8d: {  	[hbm4b:s12+s11] =	stream.linear.scatter [tilespmem:s24], [sflag:$0x2], $0x400, $0x20;
	[tilespmem:$0x1010] =	vst v63  }
.LBB1_6:
0x8e: {  	_ =	sfence.sel $0x180000  }
0x8f: {  	s2 =	simm.s32 $0x1;
	[bflag:$0x0] =	sbarrier.arrive $0xFFFF  }
0x90: {  	s31 =	simm.s32 $0x2;
	[sflag:s2] =	ssyncpa.u1 $0x1  }
0x91: {  	[sflag:s31] =	ssyncpa.u1 $0x1  }
0x92: {  	p0 =	sne.s32 s0, $0x0;
	_ =	strace $0x9000004A  }
0x93: {  	s0 =	sadd.s32 @!p0 $0x100000, s1;
	[bflag:$0x2] =	sbarrier.arrive $0xFFFF  }
0x94: {  	[sflag:s0] =	ssyncadd.tile.s32 @!p0 $0x1;
	_ =	shalt  }
.Lfunc_end1:
_tile_overlayer_lowered:
.L_overlay_start_2:
0x95: {  	(tag) =	ssettag $0x2  }
0x96: {  	s0 =	rddreg [dreg:$0x0];
	s2 =	stileid.u32  }
0x97: {  	s1 =	rddreg [dreg:$0x1];
	p0 =	sne.s32 s2, $0x0  }
0x98: {  	s3 =	rddreg [dreg:$0x2];
	[bflag:$0x3] =	sbarrier.arrive $0xFFFF;
	s2 =	simm.s32 @!p0 $0x1C01  }
0x99: {  	[timem:s3], [sflag:s2] =	dma.local @!p0 [hbm:s0], s1  }
0x9a: {  	s0 =	simm.s32 @!p0 $0x1  }
0x9b: {  	_ =	swait.ge @!p0 [sflag:s0], s1  }
0x9c: {  	s1 =	ssub.s32 @!p0 $0x0, s1;
	[sflag:s0] =	ssyncset.done @!p0 $0x0  }
0x9d: {  	[sflag:s0] =	ssyncadd.s32 @!p0 s1  }
0x9e: {  	[bflag:$0x3] =	sbarrier.arrive $0xFFFF  }
0x9f: {  	_ =	shalt  }

</sc_bundles>
